<compile_context>
chip_gen: v7x
topology: tpu7x:2x2x1
jax: 0.10.2.dev20260603
libtpu: 0.0.44.dev20260713+nightly
codegen_flags: <defaults>
</compile_context>

<pallas_src>
import functools
import math

import jax
import jax.numpy as jnp
from jax import lax
from jax.experimental import pallas as pl
from jax.experimental.pallas import tpu as pltpu
from jax.experimental.pallas import tpu_sc as plsc


def kernel(token_ids, embedding, pe):
    B, T = token_ids.shape
    V, D = embedding.shape
    pe_t = pe[0, :T, :]
    scale = math.sqrt(D)

    info = plsc.get_sparse_core_info()
    NC = info.num_cores
    NW = NC * info.num_subcores
    G = 40
    NTC = T // G
    BPW = B // NW
    NSLOT = NTC * BPW
    NB = 5

    tok_arr = (token_ids.astype(jnp.int32)
               .reshape(NW, BPW, NTC, G)
               .transpose(0, 2, 1, 3)
               .reshape(NW * NSLOT * G))

    mesh = plsc.VectorSubcoreMesh(core_axis_name="c", subcore_axis_name="s")

    @functools.partial(
        pl.kernel,
        mesh=mesh,
        out_type=jax.ShapeDtypeStruct((B * T, D), jnp.float32),
        scratch_types=[
            pltpu.VMEM((G, D), jnp.float32),
        ] + [pltpu.VMEM((G, D), jnp.float32) for _ in range(NB)]
          + [pltpu.VMEM((G,), jnp.int32) for _ in range(NB)]
          + [pltpu.SemaphoreType.DMA for _ in range(3 * NB)],
    )
    def emb_kernel(tok_hbm, emb_hbm, pe_hbm, out_hbm, pe_v, *rest):
        buf = rest[:NB]
        idx = rest[NB:2 * NB]
        sg = rest[2 * NB:3 * NB]
        ss = rest[3 * NB:4 * NB]
        si = rest[4 * NB:5 * NB]
        wid = lax.axis_index("s") * NC + lax.axis_index("c")
        b0 = wid * BPW

        def out_row0(s):
            return (b0 + s % BPW) * T + (s // BPW) * G

        def idx_copy(p, s):
            return pltpu.make_async_copy(
                tok_hbm.at[pl.ds((wid * NSLOT + s) * G, G)], idx[p], si[p])

        def gather_copy(p, s):
            return pltpu.make_async_copy(emb_hbm.at[idx[p]], buf[p], sg[p])

        def store_copy(p, s):
            return pltpu.make_async_copy(buf[p],
                                         out_hbm.at[pl.ds(out_row0(s), G)],
                                         ss[p])

        def compute(p):
            def row_body(r, _):
                for j in range(D // 16):
                    sl = pl.ds(j * 16, 16)
                    buf[p][r, sl] = buf[p][r, sl] * scale + pe_v[r, sl]
                return 0
            lax.fori_loop(0, G, row_body, 0)

        pltpu.sync_copy(pe_hbm.at[pl.ds(0, G)], pe_v)
        for p in range(4):
            idx_copy(p, p).start()
        for p in range(3):
            idx_copy(p, p).wait()
            gather_copy(p, p).start()

        def body(k, _):
            for u in range(NB):
                s = k * NB + u
                p = u

                @pl.when(jnp.logical_and(s % BPW == 0, s > 0))
                def _():
                    pltpu.sync_copy(
                        pe_hbm.at[pl.ds((s // BPW) * G, G)], pe_v)

                gather_copy(p, s).wait()
                compute(p)
                store_copy(p, s).start()

                q = (u + 3) % NB

                @pl.when(s >= 2)
                def _():
                    store_copy(q, s - 2).wait()

                @pl.when(s + 3 < NSLOT)
                def _():
                    idx_copy(q, s + 3).wait()
                    gather_copy(q, s + 3).start()

                r = (u + 4) % NB

                @pl.when(s + 4 < NSLOT)
                def _():
                    idx_copy(r, s + 4).start()
            return 0

        lax.fori_loop(0, NSLOT // NB, body, 0)
        store_copy((NSLOT - 2) % NB, NSLOT - 2).wait()
        store_copy((NSLOT - 1) % NB, NSLOT - 1).wait()

    out = emb_kernel(tok_arr, embedding, pe_t)
    return out.reshape(B, T, D)

# --- scband reference (transcript-rebuilt; emitter-appended) ---
"""Pipeline reference for scband-token-embedding-64467459113315 (READ-ONLY COPY).

The authoritative reference and input builder live on the scoring server;
editing this copy changes nothing except your own understanding.
"""

import math
import jax, jax.numpy as jnp
import numpy as np

VOCAB = 100000
D_MODEL = 512
MAX_LEN = 512


def _build_pe(d_model, max_len):
    position = jnp.arange(0, max_len, dtype=jnp.float32)[:, None]
    div_term = jnp.exp(jnp.arange(0, d_model, 2).astype(jnp.float32) * (-math.log(10000.0) / d_model))
    pe = jnp.zeros((max_len, d_model), dtype=jnp.float32)
    pe = pe.at[:, 0::2].set(jnp.sin(position * div_term))
    pe = pe.at[:, 1::2].set(jnp.cos(position * div_term))
    return pe[None, :, :]  # [1, max_len, d_model]


def setup_inputs(seed: int = 0) -> dict:
    key = jax.random.key(seed)
    k_idx, k_emb = jax.random.split(key)
    token_ids = jax.random.randint(k_idx, (1024, 200), 0, VOCAB, dtype=jnp.int64 if jax.config.jax_enable_x64 else jnp.int32)
    embedding = jax.random.normal(k_emb, (VOCAB, D_MODEL), dtype=jnp.float32) * (D_MODEL ** -0.5)
    pe = _build_pe(D_MODEL, MAX_LEN)
    return {"token_ids": token_ids, "embedding": embedding, "pe": pe}


def reference(token_ids, embedding, pe):
    # x = self.embedding(token_ids) * sqrt(d_model)
    x = jnp.take(embedding, token_ids, axis=0) * math.sqrt(D_MODEL)
    # x + pe[:, :x.size(1)]
    return x + pe[:, : x.shape[1]]

if __name__ == "__main__":
    import jax
    _d = setup_inputs()
    print(jax.jit(kernel)(*tuple(_d.values())))

</pallas_src>

<mosaic_0001>
#map = affine_map<(d0, d1) -> (0)>
#map1 = affine_map<(d0, d1) -> (0, 0)>
module attributes {stable_mosaic.version = 14 : i64} {
  func.func @emb_kernel(%arg0: i32, %arg1: i32, %arg2: memref<204800xi32, #tpu.memory_space<hbm>>, %arg3: memref<100000x512xf32, #tpu.memory_space<hbm>>, %arg4: memref<200x512xf32, #tpu.memory_space<hbm>>, %arg5: memref<204800x512xf32, #tpu.memory_space<hbm>>, %arg6: memref<40x512xf32, #tpu.memory_space<vmem>>, %arg7: memref<40x512xf32, #tpu.memory_space<vmem>>, %arg8: memref<40x512xf32, #tpu.memory_space<vmem>>, %arg9: memref<40x512xf32, #tpu.memory_space<vmem>>, %arg10: memref<40x512xf32, #tpu.memory_space<vmem>>, %arg11: memref<40x512xf32, #tpu.memory_space<vmem>>, %arg12: memref<40xi32, #tpu.memory_space<vmem>>, %arg13: memref<40xi32, #tpu.memory_space<vmem>>, %arg14: memref<40xi32, #tpu.memory_space<vmem>>, %arg15: memref<40xi32, #tpu.memory_space<vmem>>, %arg16: memref<40xi32, #tpu.memory_space<vmem>>, %arg17: memref<!tpu.dma_semaphore, #tpu.memory_space<semaphore_mem>>, %arg18: memref<!tpu.dma_semaphore, #tpu.memory_space<semaphore_mem>>, %arg19: memref<!tpu.dma_semaphore, #tpu.memory_space<semaphore_mem>>, %arg20: memref<!tpu.dma_semaphore, #tpu.memory_space<semaphore_mem>>, %arg21: memref<!tpu.dma_semaphore, #tpu.memory_space<semaphore_mem>>, %arg22: memref<!tpu.dma_semaphore, #tpu.memory_space<semaphore_mem>>, %arg23: memref<!tpu.dma_semaphore, #tpu.memory_space<semaphore_mem>>, %arg24: memref<!tpu.dma_semaphore, #tpu.memory_space<semaphore_mem>>, %arg25: memref<!tpu.dma_semaphore, #tpu.memory_space<semaphore_mem>>, %arg26: memref<!tpu.dma_semaphore, #tpu.memory_space<semaphore_mem>>, %arg27: memref<!tpu.dma_semaphore, #tpu.memory_space<semaphore_mem>>, %arg28: memref<!tpu.dma_semaphore, #tpu.memory_space<semaphore_mem>>, %arg29: memref<!tpu.dma_semaphore, #tpu.memory_space<semaphore_mem>>, %arg30: memref<!tpu.dma_semaphore, #tpu.memory_space<semaphore_mem>>, %arg31: memref<!tpu.dma_semaphore, #tpu.memory_space<semaphore_mem>>) attributes {dimension_semantics = [#tpu.dimension_semantics<core_parallel>, #tpu.dimension_semantics<subcore_parallel>], iteration_bounds = array<i64: 2, 16>, scalar_prefetch = 0 : i64, scratch_operands = 26 : i64, tpu.core_type = #tpu.core_type<sc_vector_subcore>, window_params = [{transform_indices = #map}, {transform_indices = #map1}, {transform_indices = #map1}, {transform_indices = #map1}]} {
    %mul3A = arith.constant 2 : i32
    %mul3A_0 = arith.muli %arg1, %mul3A : i32
    %add3A = arith.addi %mul3A_0, %arg0 : i32
    %mul3A_1 = arith.constant 32 : i32
    %mul3A_2 = arith.muli %add3A, %mul3A_1 : i32
    "tpu.region"() ({
      %run_scoped3A = tpu.sem_alloc : memref<!tpu.dma_semaphore, #tpu.memory_space<semaphore_mem>>
      %dma_start3A_92 = arith.constant 0 : i32
      %dma_start3A_93 = arith.constant 0 : i32
      %dma_start3A_94 = tpu.memref_slice %arg4[%dma_start3A_92, %dma_start3A_93] : memref<200x512xf32, #tpu.memory_space<hbm>> -> memref<40x512xf32, #tpu.memory_space<hbm>>
      %dma_start3A_95 = arith.constant 0 : i32
      %dma_start3A_96 = arith.constant 0 : i32
      %dma_start3A_97 = tpu.memref_slice %arg4[%dma_start3A_95, %dma_start3A_96] : memref<200x512xf32, #tpu.memory_space<hbm>> -> memref<40x512xf32, #tpu.memory_space<hbm>>
      tpu.enqueue_dma source(%dma_start3A_97 : memref<40x512xf32, #tpu.memory_space<hbm>>) target(%arg6 : memref<40x512xf32, #tpu.memory_space<vmem>>) target_semaphore(%run_scoped3A : memref<!tpu.dma_semaphore, #tpu.memory_space<semaphore_mem>>)
      %dma_wait3A_98 = arith.constant 0 : i32
      %dma_wait3A_99 = arith.constant 0 : i32
      %dma_wait3A_100 = tpu.memref_slice %arg4[%dma_wait3A_98, %dma_wait3A_99] : memref<200x512xf32, #tpu.memory_space<hbm>> -> memref<40x512xf32, #tpu.memory_space<hbm>>
      %dma_wait3A_101 = arith.constant 0 : i32
      %dma_wait3A_102 = arith.constant 0 : i32
      %dma_wait3A_103 = tpu.memref_slice %arg4[%dma_wait3A_101, %dma_wait3A_102] : memref<200x512xf32, #tpu.memory_space<hbm>> -> memref<40x512xf32, #tpu.memory_space<hbm>>
      tpu.wait_dma2 semaphore(%run_scoped3A : memref<!tpu.dma_semaphore, #tpu.memory_space<semaphore_mem>>) src(%dma_wait3A_103 : memref<40x512xf32, #tpu.memory_space<hbm>>) dst(%arg6 : memref<40x512xf32, #tpu.memory_space<vmem>>)
      tpu.yield
    }) : () -> ()
    %mul3A_3 = arith.constant 160 : i32
    %mul3A_4 = arith.muli %add3A, %mul3A_3 : i32
    %add3A_5 = arith.constant 0 : i32
    %add3A_6 = arith.addi %mul3A_4, %add3A_5 : i32
    %mul3A_7 = arith.constant 40 : i32
    %mul3A_8 = arith.muli %add3A_6, %mul3A_7 : i32
    %dma_start3A = tpu.memref_slice %arg2[%mul3A_8] : memref<204800xi32, #tpu.memory_space<hbm>> -> memref<40xi32, #tpu.memory_space<hbm>>
    %dma_start3A_9 = tpu.memref_slice %arg2[%mul3A_8] : memref<204800xi32, #tpu.memory_space<hbm>> -> memref<40xi32, #tpu.memory_space<hbm>>
    tpu.enqueue_dma source(%dma_start3A_9 : memref<40xi32, #tpu.memory_space<hbm>>) target(%arg12 : memref<40xi32, #tpu.memory_space<vmem>>) target_semaphore(%arg27 : memref<!tpu.dma_semaphore, #tpu.memory_space<semaphore_mem>>)
    %mul3A_10 = arith.constant 160 : i32
    %mul3A_11 = arith.muli %add3A, %mul3A_10 : i32
    %add3A_12 = arith.constant 1 : i32
    %add3A_13 = arith.addi %mul3A_11, %add3A_12 : i32
    %mul3A_14 = arith.constant 40 : i32
    %mul3A_15 = arith.muli %add3A_13, %mul3A_14 : i32
    %dma_start3A_16 = tpu.memref_slice %arg2[%mul3A_15] : memref<204800xi32, #tpu.memory_space<hbm>> -> memref<40xi32, #tpu.memory_space<hbm>>
    %dma_start3A_17 = tpu.memref_slice %arg2[%mul3A_15] : memref<204800xi32, #tpu.memory_space<hbm>> -> memref<40xi32, #tpu.memory_space<hbm>>
    tpu.enqueue_dma source(%dma_start3A_17 : memref<40xi32, #tpu.memory_space<hbm>>) target(%arg13 : memref<40xi32, #tpu.memory_space<vmem>>) target_semaphore(%arg28 : memref<!tpu.dma_semaphore, #tpu.memory_space<semaphore_mem>>)
    %mul3A_18 = arith.constant 160 : i32
    %mul3A_19 = arith.muli %add3A, %mul3A_18 : i32
    %add3A_20 = arith.constant 2 : i32
    %add3A_21 = arith.addi %mul3A_19, %add3A_20 : i32
    %mul3A_22 = arith.constant 40 : i32
    %mul3A_23 = arith.muli %add3A_21, %mul3A_22 : i32
    %dma_start3A_24 = tpu.memref_slice %arg2[%mul3A_23] : memref<204800xi32, #tpu.memory_space<hbm>> -> memref<40xi32, #tpu.memory_space<hbm>>
    %dma_start3A_25 = tpu.memref_slice %arg2[%mul3A_23] : memref<204800xi32, #tpu.memory_space<hbm>> -> memref<40xi32, #tpu.memory_space<hbm>>
    tpu.enqueue_dma source(%dma_start3A_25 : memref<40xi32, #tpu.memory_space<hbm>>) target(%arg14 : memref<40xi32, #tpu.memory_space<vmem>>) target_semaphore(%arg29 : memref<!tpu.dma_semaphore, #tpu.memory_space<semaphore_mem>>)
    %mul3A_26 = arith.constant 160 : i32
    %mul3A_27 = arith.muli %add3A, %mul3A_26 : i32
    %add3A_28 = arith.constant 3 : i32
    %add3A_29 = arith.addi %mul3A_27, %add3A_28 : i32
    %mul3A_30 = arith.constant 40 : i32
    %mul3A_31 = arith.muli %add3A_29, %mul3A_30 : i32
    %dma_start3A_32 = tpu.memref_slice %arg2[%mul3A_31] : memref<204800xi32, #tpu.memory_space<hbm>> -> memref<40xi32, #tpu.memory_space<hbm>>
    %dma_start3A_33 = tpu.memref_slice %arg2[%mul3A_31] : memref<204800xi32, #tpu.memory_space<hbm>> -> memref<40xi32, #tpu.memory_space<hbm>>
    tpu.enqueue_dma source(%dma_start3A_33 : memref<40xi32, #tpu.memory_space<hbm>>) target(%arg15 : memref<40xi32, #tpu.memory_space<vmem>>) target_semaphore(%arg30 : memref<!tpu.dma_semaphore, #tpu.memory_space<semaphore_mem>>)
    %mul3A_34 = arith.constant 160 : i32
    %mul3A_35 = arith.muli %add3A, %mul3A_34 : i32
    %add3A_36 = arith.constant 0 : i32
    %add3A_37 = arith.addi %mul3A_35, %add3A_36 : i32
    %mul3A_38 = arith.constant 40 : i32
    %mul3A_39 = arith.muli %add3A_37, %mul3A_38 : i32
    %dma_wait3A = tpu.memref_slice %arg2[%mul3A_39] : memref<204800xi32, #tpu.memory_space<hbm>> -> memref<40xi32, #tpu.memory_space<hbm>>
    %dma_wait3A_40 = tpu.memref_slice %arg2[%mul3A_39] : memref<204800xi32, #tpu.memory_space<hbm>> -> memref<40xi32, #tpu.memory_space<hbm>>
    tpu.wait_dma2 semaphore(%arg27 : memref<!tpu.dma_semaphore, #tpu.memory_space<semaphore_mem>>) src(%dma_wait3A_40 : memref<40xi32, #tpu.memory_space<hbm>>) dst(%arg12 : memref<40xi32, #tpu.memory_space<vmem>>)
    %dma_start3A_41 = arith.constant 0 : i32
    %dma_start3A_42 = arith.constant 0 : i32
    %dma_start3A_43 = tpu.memref_slice %arg3[%dma_start3A_41, %dma_start3A_42] : memref<100000x512xf32, #tpu.memory_space<hbm>> -> memref<100000x512xf32, #tpu.memory_space<hbm>>
    tpu.enqueue_indirect_dma source(%dma_start3A_43 : memref<100000x512xf32, #tpu.memory_space<hbm>>) target(%arg7 : memref<40x512xf32, #tpu.memory_space<vmem>>) offsets(%arg12 : memref<40xi32, #tpu.memory_space<vmem>>) semaphore(%arg17 : memref<!tpu.dma_semaphore, #tpu.memory_space<semaphore_mem>>)
    %mul3A_44 = arith.constant 160 : i32
    %mul3A_45 = arith.muli %add3A, %mul3A_44 : i32
    %add3A_46 = arith.constant 1 : i32
    %add3A_47 = arith.addi %mul3A_45, %add3A_46 : i32
    %mul3A_48 = arith.constant 40 : i32
    %mul3A_49 = arith.muli %add3A_47, %mul3A_48 : i32
    %dma_wait3A_50 = tpu.memref_slice %arg2[%mul3A_49] : memref<204800xi32, #tpu.memory_space<hbm>> -> memref<40xi32, #tpu.memory_space<hbm>>
    %dma_wait3A_51 = tpu.memref_slice %arg2[%mul3A_49] : memref<204800xi32, #tpu.memory_space<hbm>> -> memref<40xi32, #tpu.memory_space<hbm>>
    tpu.wait_dma2 semaphore(%arg28 : memref<!tpu.dma_semaphore, #tpu.memory_space<semaphore_mem>>) src(%dma_wait3A_51 : memref<40xi32, #tpu.memory_space<hbm>>) dst(%arg13 : memref<40xi32, #tpu.memory_space<vmem>>)
    %dma_start3A_52 = arith.constant 0 : i32
    %dma_start3A_53 = arith.constant 0 : i32
    %dma_start3A_54 = tpu.memref_slice %arg3[%dma_start3A_52, %dma_start3A_53] : memref<100000x512xf32, #tpu.memory_space<hbm>> -> memref<100000x512xf32, #tpu.memory_space<hbm>>
    tpu.enqueue_indirect_dma source(%dma_start3A_54 : memref<100000x512xf32, #tpu.memory_space<hbm>>) target(%arg8 : memref<40x512xf32, #tpu.memory_space<vmem>>) offsets(%arg13 : memref<40xi32, #tpu.memory_space<vmem>>) semaphore(%arg18 : memref<!tpu.dma_semaphore, #tpu.memory_space<semaphore_mem>>)
    %mul3A_55 = arith.constant 160 : i32
    %mul3A_56 = arith.muli %add3A, %mul3A_55 : i32
    %add3A_57 = arith.constant 2 : i32
    %add3A_58 = arith.addi %mul3A_56, %add3A_57 : i32
    %mul3A_59 = arith.constant 40 : i32
    %mul3A_60 = arith.muli %add3A_58, %mul3A_59 : i32
    %dma_wait3A_61 = tpu.memref_slice %arg2[%mul3A_60] : memref<204800xi32, #tpu.memory_space<hbm>> -> memref<40xi32, #tpu.memory_space<hbm>>
    %dma_wait3A_62 = tpu.memref_slice %arg2[%mul3A_60] : memref<204800xi32, #tpu.memory_space<hbm>> -> memref<40xi32, #tpu.memory_space<hbm>>
    tpu.wait_dma2 semaphore(%arg29 : memref<!tpu.dma_semaphore, #tpu.memory_space<semaphore_mem>>) src(%dma_wait3A_62 : memref<40xi32, #tpu.memory_space<hbm>>) dst(%arg14 : memref<40xi32, #tpu.memory_space<vmem>>)
    %dma_start3A_63 = arith.constant 0 : i32
    %dma_start3A_64 = arith.constant 0 : i32
    %dma_start3A_65 = tpu.memref_slice %arg3[%dma_start3A_63, %dma_start3A_64] : memref<100000x512xf32, #tpu.memory_space<hbm>> -> memref<100000x512xf32, #tpu.memory_space<hbm>>
    tpu.enqueue_indirect_dma source(%dma_start3A_65 : memref<100000x512xf32, #tpu.memory_space<hbm>>) target(%arg9 : memref<40x512xf32, #tpu.memory_space<vmem>>) offsets(%arg14 : memref<40xi32, #tpu.memory_space<vmem>>) semaphore(%arg19 : memref<!tpu.dma_semaphore, #tpu.memory_space<semaphore_mem>>)
    %scan3A = arith.constant 0 : i32
    %scan3A_66 = arith.constant 0 : i32
    %scan3A_67 = arith.constant 32 : i32
    %scan3A_68 = arith.addi %scan3A_66, %scan3A_67 : i32
    %scan3A_69 = arith.constant 1 : i32
    %scan3A_70 = scf.for %scan3A_92 = %scan3A_66 to %scan3A_68 step %scan3A_69 iter_args(%scan3A_93 = %scan3A) -> (i32)  : i32 {
      %mul3A_94 = arith.constant 5 : i32
      %mul3A_95 = arith.muli %scan3A_92, %mul3A_94 : i32
      %add3A_96 = arith.constant 0 : i32
      %add3A_97 = arith.addi %mul3A_95, %add3A_96 : i32
      %jit3A = arith.constant 32 : i32
      %eq3A = arith.constant 0 : i32
      %eq3A_98 = arith.cmpi eq, %jit3A, %eq3A : i32
      %jit3A_99 = arith.constant 1 : i32
      %select_n3A = arith.select %eq3A_98, %jit3A_99, %jit3A : i32
      %rem3A = arith.remsi %add3A_97, %select_n3A : i32
      %ne3A = arith.constant 0 : i32
      %ne3A_100 = arith.cmpi ne, %rem3A, %ne3A : i32
      %lt3A = arith.constant 0 : i32
      %lt3A_101 = arith.cmpi slt, %rem3A, %lt3A : i32
      %lt3A_102 = arith.constant 0 : i32
      %lt3A_103 = arith.cmpi slt, %select_n3A, %lt3A_102 : i32
      %ne3A_104 = arith.xori %lt3A_101, %lt3A_103 : i1
      %and3A = arith.andi %ne3A_104, %ne3A_100 : i1
      %add3A_105 = arith.addi %rem3A, %select_n3A : i32
      %select_n3A_106 = arith.select %and3A, %add3A_105, %rem3A : i32
      %eq3A_107 = arith.constant 0 : i32
      %eq3A_108 = arith.cmpi eq, %select_n3A_106, %eq3A_107 : i32
      %gt3A = arith.constant 0 : i32
      %gt3A_109 = arith.cmpi sgt, %add3A_97, %gt3A : i32
      %and3A_110 = arith.andi %eq3A_108, %gt3A_109 : i1
      %convert_element_type3A = arith.extui %and3A_110 : i1 to i32
      %cond3A = arith.constant 0 : i32
      %cond3A_111 = arith.cmpi ne, %convert_element_type3A, %cond3A : i32
      scf.if %cond3A_111 {
        %jit3A_616 = arith.constant 32 : i32
        %div3A_617 = arith.divsi %add3A_97, %jit3A_616 : i32
        %sign3A_618 = arith.constant 0 : i32
        %sign3A_619 = arith.cmpi sgt, %add3A_97, %sign3A_618 : i32
        %sign3A_620 = arith.extui %sign3A_619 : i1 to i32
        %sign3A_621 = arith.constant 0 : i32
        %sign3A_622 = arith.cmpi slt, %add3A_97, %sign3A_621 : i32
        %sign3A_623 = arith.extui %sign3A_622 : i1 to i32
        %sign3A_624 = arith.subi %sign3A_620, %sign3A_623 : i32
        %sign3A_625 = arith.constant 0 : i32
        %sign3A_626 = arith.cmpi sgt, %jit3A_616, %sign3A_625 : i32
        %sign3A_627 = arith.extui %sign3A_626 : i1 to i32
        %sign3A_628 = arith.constant 0 : i32
        %sign3A_629 = arith.cmpi slt, %jit3A_616, %sign3A_628 : i32
        %sign3A_630 = arith.extui %sign3A_629 : i1 to i32
        %sign3A_631 = arith.subi %sign3A_627, %sign3A_630 : i32
        %ne3A_632 = arith.cmpi ne, %sign3A_624, %sign3A_631 : i32
        %rem3A_633 = arith.remsi %add3A_97, %jit3A_616 : i32
        %ne3A_634 = arith.constant 0 : i32
        %ne3A_635 = arith.cmpi ne, %rem3A_633, %ne3A_634 : i32
        %and3A_636 = arith.andi %ne3A_632, %ne3A_635 : i1
        %sub3A_637 = arith.constant 1 : i32
        %sub3A_638 = arith.subi %div3A_617, %sub3A_637 : i32
        %select_n3A_639 = arith.select %and3A_636, %sub3A_638, %div3A_617 : i32
        %mul3A_640 = arith.constant 40 : i32
        %mul3A_641 = arith.muli %select_n3A_639, %mul3A_640 : i32
        "tpu.region"() ({
          %run_scoped3A = tpu.sem_alloc : memref<!tpu.dma_semaphore, #tpu.memory_space<semaphore_mem>>
          %dma_start3A_642 = arith.constant 0 : i32
          %dma_start3A_643 = tpu.memref_slice %arg4[%mul3A_641, %dma_start3A_642] : memref<200x512xf32, #tpu.memory_space<hbm>> -> memref<40x512xf32, #tpu.memory_space<hbm>>
          %dma_start3A_644 = arith.constant 0 : i32
          %dma_start3A_645 = tpu.memref_slice %arg4[%mul3A_641, %dma_start3A_644] : memref<200x512xf32, #tpu.memory_space<hbm>> -> memref<40x512xf32, #tpu.memory_space<hbm>>
          tpu.enqueue_dma source(%dma_start3A_645 : memref<40x512xf32, #tpu.memory_space<hbm>>) target(%arg6 : memref<40x512xf32, #tpu.memory_space<vmem>>) target_semaphore(%run_scoped3A : memref<!tpu.dma_semaphore, #tpu.memory_space<semaphore_mem>>)
          %dma_wait3A_646 = arith.constant 0 : i32
          %dma_wait3A_647 = tpu.memref_slice %arg4[%mul3A_641, %dma_wait3A_646] : memref<200x512xf32, #tpu.memory_space<hbm>> -> memref<40x512xf32, #tpu.memory_space<hbm>>
          %dma_wait3A_648 = arith.constant 0 : i32
          %dma_wait3A_649 = tpu.memref_slice %arg4[%mul3A_641, %dma_wait3A_648] : memref<200x512xf32, #tpu.memory_space<hbm>> -> memref<40x512xf32, #tpu.memory_space<hbm>>
          tpu.wait_dma2 semaphore(%run_scoped3A : memref<!tpu.dma_semaphore, #tpu.memory_space<semaphore_mem>>) src(%dma_wait3A_649 : memref<40x512xf32, #tpu.memory_space<hbm>>) dst(%arg6 : memref<40x512xf32, #tpu.memory_space<vmem>>)
          tpu.yield
        }) : () -> ()
      } else {
      }
      %dma_wait3A_112 = arith.constant 0 : i32
      %dma_wait3A_113 = arith.constant 0 : i32
      %dma_wait3A_114 = tpu.memref_slice %arg3[%dma_wait3A_112, %dma_wait3A_113] : memref<100000x512xf32, #tpu.memory_space<hbm>> -> memref<100000x512xf32, #tpu.memory_space<hbm>>
      tpu.wait_indirect_dma semaphore(%arg17 : memref<!tpu.dma_semaphore, #tpu.memory_space<semaphore_mem>>) src(%dma_wait3A_114 : memref<100000x512xf32, #tpu.memory_space<hbm>>) dst(%arg7 : memref<40x512xf32, #tpu.memory_space<vmem>>)
      %scan3A_115 = arith.constant 0 : i32
      %scan3A_116 = arith.constant 0 : i32
      %scan3A_117 = arith.constant 40 : i32
      %scan3A_118 = arith.addi %scan3A_116, %scan3A_117 : i32
      %scan3A_119 = arith.constant 1 : i32
      %scan3A_120 = scf.for %scan3A_616 = %scan3A_116 to %scan3A_118 step %scan3A_119 iter_args(%scan3A_617 = %scan3A_115) -> (i32)  : i32 {
        %get3A = arith.index_cast %scan3A_616 : i32 to index
        %get3A_618 = arith.constant 0 : index
        %get3A_619 = tpu.vector_load %arg7[%get3A, %get3A_618] {strides = array<i32>} : memref<40x512xf32, #tpu.memory_space<vmem>>, vector<1x16xf32>,
        %get3A_620 = vector.shape_cast %get3A_619 : vector<1x16xf32> to vector<16xf32>
        %mul3A_621 = arith.constant 22.6274166 : f32
        %mul3A_622 = vector.broadcast %mul3A_621 : f32 to vector<16xf32>
        %mul3A_623 = arith.mulf %get3A_620, %mul3A_622 : vector<16xf32>
        %get3A_624 = arith.index_cast %scan3A_616 : i32 to index
        %get3A_625 = arith.constant 0 : index
        %get3A_626 = tpu.vector_load %arg6[%get3A_624, %get3A_625] {strides = array<i32>} : memref<40x512xf32, #tpu.memory_space<vmem>>, vector<1x16xf32>,
        %get3A_627 = vector.shape_cast %get3A_626 : vector<1x16xf32> to vector<16xf32>
        %add3A_628 = arith.addf %mul3A_623, %get3A_627 : vector<16xf32>
        %swap3A = arith.index_cast %scan3A_616 : i32 to index
        %swap3A_629 = arith.constant 0 : index
        %swap3A_630 = tpu.vector_load %arg7[%swap3A, %swap3A_629] {strides = array<i32>} : memref<40x512xf32, #tpu.memory_space<vmem>>, vector<1x16xf32>,
        %swap3A_631 = vector.shape_cast %swap3A_630 : vector<1x16xf32> to vector<16xf32>
        %swap3A_632 = vector.shape_cast %add3A_628 : vector<16xf32> to vector<1x16xf32>
        tpu.vector_store %arg7[%swap3A, %swap3A_629], %swap3A_632 {strides = array<i32>} : memref<40x512xf32, #tpu.memory_space<vmem>>, vector<1x16xf32>,
        %get3A_633 = arith.index_cast %scan3A_616 : i32 to index
        %get3A_634 = arith.constant 16 : index
        %get3A_635 = tpu.vector_load %arg7[%get3A_633, %get3A_634] {strides = array<i32>} : memref<40x512xf32, #tpu.memory_space<vmem>>, vector<1x16xf32>,
        %get3A_636 = vector.shape_cast %get3A_635 : vector<1x16xf32> to vector<16xf32>
        %mul3A_637 = arith.constant 22.6274166 : f32
        %mul3A_638 = vector.broadcast %mul3A_637 : f32 to vector<16xf32>
        %mul3A_639 = arith.mulf %get3A_636, %mul3A_638 : vector<16xf32>
        %get3A_640 = arith.index_cast %scan3A_616 : i32 to index
        %get3A_641 = arith.constant 16 : index
        %get3A_642 = tpu.vector_load %arg6[%get3A_640, %get3A_641] {strides = array<i32>} : memref<40x512xf32, #tpu.memory_space<vmem>>, vector<1x16xf32>,
        %get3A_643 = vector.shape_cast %get3A_642 : vector<1x16xf32> to vector<16xf32>
        %add3A_644 = arith.addf %mul3A_639, %get3A_643 : vector<16xf32>
        %swap3A_645 = arith.index_cast %scan3A_616 : i32 to index
        %swap3A_646 = arith.constant 16 : index
        %swap3A_647 = tpu.vector_load %arg7[%swap3A_645, %swap3A_646] {strides = array<i32>} : memref<40x512xf32, #tpu.memory_space<vmem>>, vector<1x16xf32>,
        %swap3A_648 = vector.shape_cast %swap3A_647 : vector<1x16xf32> to vector<16xf32>
        %swap3A_649 = vector.shape_cast %add3A_644 : vector<16xf32> to vector<1x16xf32>
        tpu.vector_store %arg7[%swap3A_645, %swap3A_646], %swap3A_649 {strides = array<i32>} : memref<40x512xf32, #tpu.memory_space<vmem>>, vector<1x16xf32>,
        %get3A_650 = arith.index_cast %scan3A_616 : i32 to index
        %get3A_651 = arith.constant 32 : index
        %get3A_652 = tpu.vector_load %arg7[%get3A_650, %get3A_651] {strides = array<i32>} : memref<40x512xf32, #tpu.memory_space<vmem>>, vector<1x16xf32>,
        %get3A_653 = vector.shape_cast %get3A_652 : vector<1x16xf32> to vector<16xf32>
        %mul3A_654 = arith.constant 22.6274166 : f32
        %mul3A_655 = vector.broadcast %mul3A_654 : f32 to vector<16xf32>
        %mul3A_656 = arith.mulf %get3A_653, %mul3A_655 : vector<16xf32>
        %get3A_657 = arith.index_cast %scan3A_616 : i32 to index
        %get3A_658 = arith.constant 32 : index
        %get3A_659 = tpu.vector_load %arg6[%get3A_657, %get3A_658] {strides = array<i32>} : memref<40x512xf32, #tpu.memory_space<vmem>>, vector<1x16xf32>,
        %get3A_660 = vector.shape_cast %get3A_659 : vector<1x16xf32> to vector<16xf32>
        %add3A_661 = arith.addf %mul3A_656, %get3A_660 : vector<16xf32>
        %swap3A_662 = arith.index_cast %scan3A_616 : i32 to index
        %swap3A_663 = arith.constant 32 : index
        %swap3A_664 = tpu.vector_load %arg7[%swap3A_662, %swap3A_663] {strides = array<i32>} : memref<40x512xf32, #tpu.memory_space<vmem>>, vector<1x16xf32>,
        %swap3A_665 = vector.shape_cast %swap3A_664 : vector<1x16xf32> to vector<16xf32>
        %swap3A_666 = vector.shape_cast %add3A_661 : vector<16xf32> to vector<1x16xf32>
        tpu.vector_store %arg7[%swap3A_662, %swap3A_663], %swap3A_666 {strides = array<i32>} : memref<40x512xf32, #tpu.memory_space<vmem>>, vector<1x16xf32>,
        %get3A_667 = arith.index_cast %scan3A_616 : i32 to index
        %get3A_668 = arith.constant 48 : index
        %get3A_669 = tpu.vector_load %arg7[%get3A_667, %get3A_668] {strides = array<i32>} : memref<40x512xf32, #tpu.memory_space<vmem>>, vector<1x16xf32>,
        %get3A_670 = vector.shape_cast %get3A_669 : vector<1x16xf32> to vector<16xf32>
        %mul3A_671 = arith.constant 22.6274166 : f32
        %mul3A_672 = vector.broadcast %mul3A_671 : f32 to vector<16xf32>
        %mul3A_673 = arith.mulf %get3A_670, %mul3A_672 : vector<16xf32>
        %get3A_674 = arith.index_cast %scan3A_616 : i32 to index
        %get3A_675 = arith.constant 48 : index
        %get3A_676 = tpu.vector_load %arg6[%get3A_674, %get3A_675] {strides = array<i32>} : memref<40x512xf32, #tpu.memory_space<vmem>>, vector<1x16xf32>,
        %get3A_677 = vector.shape_cast %get3A_676 : vector<1x16xf32> to vector<16xf32>
        %add3A_678 = arith.addf %mul3A_673, %get3A_677 : vector<16xf32>
        %swap3A_679 = arith.index_cast %scan3A_616 : i32 to index
        %swap3A_680 = arith.constant 48 : index
        %swap3A_681 = tpu.vector_load %arg7[%swap3A_679, %swap3A_680] {strides = array<i32>} : memref<40x512xf32, #tpu.memory_space<vmem>>, vector<1x16xf32>,
        %swap3A_682 = vector.shape_cast %swap3A_681 : vector<1x16xf32> to vector<16xf32>
        %swap3A_683 = vector.shape_cast %add3A_678 : vector<16xf32> to vector<1x16xf32>
        tpu.vector_store %arg7[%swap3A_679, %swap3A_680], %swap3A_683 {strides = array<i32>} : memref<40x512xf32, #tpu.memory_space<vmem>>, vector<1x16xf32>,
        %get3A_684 = arith.index_cast %scan3A_616 : i32 to index
        %get3A_685 = arith.constant 64 : index
        %get3A_686 = tpu.vector_load %arg7[%get3A_684, %get3A_685] {strides = array<i32>} : memref<40x512xf32, #tpu.memory_space<vmem>>, vector<1x16xf32>,
        %get3A_687 = vector.shape_cast %get3A_686 : vector<1x16xf32> to vector<16xf32>
        %mul3A_688 = arith.constant 22.6274166 : f32
        %mul3A_689 = vector.broadcast %mul3A_688 : f32 to vector<16xf32>
        %mul3A_690 = arith.mulf %get3A_687, %mul3A_689 : vector<16xf32>
        %get3A_691 = arith.index_cast %scan3A_616 : i32 to index
        %get3A_692 = arith.constant 64 : index
        %get3A_693 = tpu.vector_load %arg6[%get3A_691, %get3A_692] {strides = array<i32>} : memref<40x512xf32, #tpu.memory_space<vmem>>, vector<1x16xf32>,
        %get3A_694 = vector.shape_cast %get3A_693 : vector<1x16xf32> to vector<16xf32>
        %add3A_695 = arith.addf %mul3A_690, %get3A_694 : vector<16xf32>
        %swap3A_696 = arith.index_cast %scan3A_616 : i32 to index
        %swap3A_697 = arith.constant 64 : index
        %swap3A_698 = tpu.vector_load %arg7[%swap3A_696, %swap3A_697] {strides = array<i32>} : memref<40x512xf32, #tpu.memory_space<vmem>>, vector<1x16xf32>,
        %swap3A_699 = vector.shape_cast %swap3A_698 : vector<1x16xf32> to vector<16xf32>
        %swap3A_700 = vector.shape_cast %add3A_695 : vector<16xf32> to vector<1x16xf32>
        tpu.vector_store %arg7[%swap3A_696, %swap3A_697], %swap3A_700 {strides = array<i32>} : memref<40x512xf32, #tpu.memory_space<vmem>>, vector<1x16xf32>,
        %get3A_701 = arith.index_cast %scan3A_616 : i32 to index
        %get3A_702 = arith.constant 80 : index
        %get3A_703 = tpu.vector_load %arg7[%get3A_701, %get3A_702] {strides = array<i32>} : memref<40x512xf32, #tpu.memory_space<vmem>>, vector<1x16xf32>,
        %get3A_704 = vector.shape_cast %get3A_703 : vector<1x16xf32> to vector<16xf32>
        %mul3A_705 = arith.constant 22.6274166 : f32
        %mul3A_706 = vector.broadcast %mul3A_705 : f32 to vector<16xf32>
        %mul3A_707 = arith.mulf %get3A_704, %mul3A_706 : vector<16xf32>
        %get3A_708 = arith.index_cast %scan3A_616 : i32 to index
        %get3A_709 = arith.constant 80 : index
        %get3A_710 = tpu.vector_load %arg6[%get3A_708, %get3A_709] {strides = array<i32>} : memref<40x512xf32, #tpu.memory_space<vmem>>, vector<1x16xf32>,
        %get3A_711 = vector.shape_cast %get3A_710 : vector<1x16xf32> to vector<16xf32>
        %add3A_712 = arith.addf %mul3A_707, %get3A_711 : vector<16xf32>
        %swap3A_713 = arith.index_cast %scan3A_616 : i32 to index
        %swap3A_714 = arith.constant 80 : index
        %swap3A_715 = tpu.vector_load %arg7[%swap3A_713, %swap3A_714] {strides = array<i32>} : memref<40x512xf32, #tpu.memory_space<vmem>>, vector<1x16xf32>,
        %swap3A_716 = vector.shape_cast %swap3A_715 : vector<1x16xf32> to vector<16xf32>
        %swap3A_717 = vector.shape_cast %add3A_712 : vector<16xf32> to vector<1x16xf32>
        tpu.vector_store %arg7[%swap3A_713, %swap3A_714], %swap3A_717 {strides = array<i32>} : memref<40x512xf32, #tpu.memory_space<vmem>>, vector<1x16xf32>,
        %get3A_718 = arith.index_cast %scan3A_616 : i32 to index
        %get3A_719 = arith.constant 96 : index
        %get3A_720 = tpu.vector_load %arg7[%get3A_718, %get3A_719] {strides = array<i32>} : memref<40x512xf32, #tpu.memory_space<vmem>>, vector<1x16xf32>,
        %get3A_721 = vector.shape_cast %get3A_720 : vector<1x16xf32> to vector<16xf32>
        %mul3A_722 = arith.constant 22.6274166 : f32
        %mul3A_723 = vector.broadcast %mul3A_722 : f32 to vector<16xf32>
        %mul3A_724 = arith.mulf %get3A_721, %mul3A_723 : vector<16xf32>
        %get3A_725 = arith.index_cast %scan3A_616 : i32 to index
        %get3A_726 = arith.constant 96 : index
        %get3A_727 = tpu.vector_load %arg6[%get3A_725, %get3A_726] {strides = array<i32>} : memref<40x512xf32, #tpu.memory_space<vmem>>, vector<1x16xf32>,
        %get3A_728 = vector.shape_cast %get3A_727 : vector<1x16xf32> to vector<16xf32>
        %add3A_729 = arith.addf %mul3A_724, %get3A_728 : vector<16xf32>
        %swap3A_730 = arith.index_cast %scan3A_616 : i32 to index
        %swap3A_731 = arith.constant 96 : index
        %swap3A_732 = tpu.vector_load %arg7[%swap3A_730, %swap3A_731] {strides = array<i32>} : memref<40x512xf32, #tpu.memory_space<vmem>>, vector<1x16xf32>,
        %swap3A_733 = vector.shape_cast %swap3A_732 : vector<1x16xf32> to vector<16xf32>
        %swap3A_734 = vector.shape_cast %add3A_729 : vector<16xf32> to vector<1x16xf32>
        tpu.vector_store %arg7[%swap3A_730, %swap3A_731], %swap3A_734 {strides = array<i32>} : memref<40x512xf32, #tpu.memory_space<vmem>>, vector<1x16xf32>,
        %get3A_735 = arith.index_cast %scan3A_616 : i32 to index
        %get3A_736 = arith.constant 112 : index
        %get3A_737 = tpu.vector_load %arg7[%get3A_735, %get3A_736] {strides = array<i32>} : memref<40x512xf32, #tpu.memory_space<vmem>>, vector<1x16xf32>,
        %get3A_738 = vector.shape_cast %get3A_737 : vector<1x16xf32> to vector<16xf32>
        %mul3A_739 = arith.constant 22.6274166 : f32
        %mul3A_740 = vector.broadcast %mul3A_739 : f32 to vector<16xf32>
        %mul3A_741 = arith.mulf %get3A_738, %mul3A_740 : vector<16xf32>
        %get3A_742 = arith.index_cast %scan3A_616 : i32 to index
        %get3A_743 = arith.constant 112 : index
        %get3A_744 = tpu.vector_load %arg6[%get3A_742, %get3A_743] {strides = array<i32>} : memref<40x512xf32, #tpu.memory_space<vmem>>, vector<1x16xf32>,
        %get3A_745 = vector.shape_cast %get3A_744 : vector<1x16xf32> to vector<16xf32>
        %add3A_746 = arith.addf %mul3A_741, %get3A_745 : vector<16xf32>
        %swap3A_747 = arith.index_cast %scan3A_616 : i32 to index
        %swap3A_748 = arith.constant 112 : index
        %swap3A_749 = tpu.vector_load %arg7[%swap3A_747, %swap3A_748] {strides = array<i32>} : memref<40x512xf32, #tpu.memory_space<vmem>>, vector<1x16xf32>,
        %swap3A_750 = vector.shape_cast %swap3A_749 : vector<1x16xf32> to vector<16xf32>
        %swap3A_751 = vector.shape_cast %add3A_746 : vector<16xf32> to vector<1x16xf32>
        tpu.vector_store %arg7[%swap3A_747, %swap3A_748], %swap3A_751 {strides = array<i32>} : memref<40x512xf32, #tpu.memory_space<vmem>>, vector<1x16xf32>,
        %get3A_752 = arith.index_cast %scan3A_616 : i32 to index
        %get3A_753 = arith.constant 128 : index
        %get3A_754 = tpu.vector_load %arg7[%get3A_752, %get3A_753] {strides = array<i32>} : memref<40x512xf32, #tpu.memory_space<vmem>>, vector<1x16xf32>,
        %get3A_755 = vector.shape_cast %get3A_754 : vector<1x16xf32> to vector<16xf32>
        %mul3A_756 = arith.constant 22.6274166 : f32
        %mul3A_757 = vector.broadcast %mul3A_756 : f32 to vector<16xf32>
        %mul3A_758 = arith.mulf %get3A_755, %mul3A_757 : vector<16xf32>
        %get3A_759 = arith.index_cast %scan3A_616 : i32 to index
        %get3A_760 = arith.constant 128 : index
        %get3A_761 = tpu.vector_load %arg6[%get3A_759, %get3A_760] {strides = array<i32>} : memref<40x512xf32, #tpu.memory_space<vmem>>, vector<1x16xf32>,
        %get3A_762 = vector.shape_cast %get3A_761 : vector<1x16xf32> to vector<16xf32>
        %add3A_763 = arith.addf %mul3A_758, %get3A_762 : vector<16xf32>
        %swap3A_764 = arith.index_cast %scan3A_616 : i32 to index
        %swap3A_765 = arith.constant 128 : index
        %swap3A_766 = tpu.vector_load %arg7[%swap3A_764, %swap3A_765] {strides = array<i32>} : memref<40x512xf32, #tpu.memory_space<vmem>>, vector<1x16xf32>,
        %swap3A_767 = vector.shape_cast %swap3A_766 : vector<1x16xf32> to vector<16xf32>
        %swap3A_768 = vector.shape_cast %add3A_763 : vector<16xf32> to vector<1x16xf32>
        tpu.vector_store %arg7[%swap3A_764, %swap3A_765], %swap3A_768 {strides = array<i32>} : memref<40x512xf32, #tpu.memory_space<vmem>>, vector<1x16xf32>,
        %get3A_769 = arith.index_cast %scan3A_616 : i32 to index
        %get3A_770 = arith.constant 144 : index
        %get3A_771 = tpu.vector_load %arg7[%get3A_769, %get3A_770] {strides = array<i32>} : memref<40x512xf32, #tpu.memory_space<vmem>>, vector<1x16xf32>,
        %get3A_772 = vector.shape_cast %get3A_771 : vector<1x16xf32> to vector<16xf32>
        %mul3A_773 = arith.constant 22.6274166 : f32
        %mul3A_774 = vector.broadcast %mul3A_773 : f32 to vector<16xf32>
        %mul3A_775 = arith.mulf %get3A_772, %mul3A_774 : vector<16xf32>
        %get3A_776 = arith.index_cast %scan3A_616 : i32 to index
        %get3A_777 = arith.constant 144 : index
        %get3A_778 = tpu.vector_load %arg6[%get3A_776, %get3A_777] {strides = array<i32>} : memref<40x512xf32, #tpu.memory_space<vmem>>, vector<1x16xf32>,
        %get3A_779 = vector.shape_cast %get3A_778 : vector<1x16xf32> to vector<16xf32>
        %add3A_780 = arith.addf %mul3A_775, %get3A_779 : vector<16xf32>
        %swap3A_781 = arith.index_cast %scan3A_616 : i32 to index
        %swap3A_782 = arith.constant 144 : index
        %swap3A_783 = tpu.vector_load %arg7[%swap3A_781, %swap3A_782] {strides = array<i32>} : memref<40x512xf32, #tpu.memory_space<vmem>>, vector<1x16xf32>,
        %swap3A_784 = vector.shape_cast %swap3A_783 : vector<1x16xf32> to vector<16xf32>
        %swap3A_785 = vector.shape_cast %add3A_780 : vector<16xf32> to vector<1x16xf32>
        tpu.vector_store %arg7[%swap3A_781, %swap3A_782], %swap3A_785 {strides = array<i32>} : memref<40x512xf32, #tpu.memory_space<vmem>>, vector<1x16xf32>,
        %get3A_786 = arith.index_cast %scan3A_616 : i32 to index
        %get3A_787 = arith.constant 160 : index
        %get3A_788 = tpu.vector_load %arg7[%get3A_786, %get3A_787] {strides = array<i32>} : memref<40x512xf32, #tpu.memory_space<vmem>>, vector<1x16xf32>,
        %get3A_789 = vector.shape_cast %get3A_788 : vector<1x16xf32> to vector<16xf32>
        %mul3A_790 = arith.constant 22.6274166 : f32
        %mul3A_791 = vector.broadcast %mul3A_790 : f32 to vector<16xf32>
        %mul3A_792 = arith.mulf %get3A_789, %mul3A_791 : vector<16xf32>
        %get3A_793 = arith.index_cast %scan3A_616 : i32 to index
        %get3A_794 = arith.constant 160 : index
        %get3A_795 = tpu.vector_load %arg6[%get3A_793, %get3A_794] {strides = array<i32>} : memref<40x512xf32, #tpu.memory_space<vmem>>, vector<1x16xf32>,
        %get3A_796 = vector.shape_cast %get3A_795 : vector<1x16xf32> to vector<16xf32>
        %add3A_797 = arith.addf %mul3A_792, %get3A_796 : vector<16xf32>
        %swap3A_798 = arith.index_cast %scan3A_616 : i32 to index
        %swap3A_799 = arith.constant 160 : index
        %swap3A_800 = tpu.vector_load %arg7[%swap3A_798, %swap3A_799] {strides = array<i32>} : memref<40x512xf32, #tpu.memory_space<vmem>>, vector<1x16xf32>,
        %swap3A_801 = vector.shape_cast %swap3A_800 : vector<1x16xf32> to vector<16xf32>
        %swap3A_802 = vector.shape_cast %add3A_797 : vector<16xf32> to vector<1x16xf32>
        tpu.vector_store %arg7[%swap3A_798, %swap3A_799], %swap3A_802 {strides = array<i32>} : memref<40x512xf32, #tpu.memory_space<vmem>>, vector<1x16xf32>,
        %get3A_803 = arith.index_cast %scan3A_616 : i32 to index
        %get3A_804 = arith.constant 176 : index
        %get3A_805 = tpu.vector_load %arg7[%get3A_803, %get3A_804] {strides = array<i32>} : memref<40x512xf32, #tpu.memory_space<vmem>>, vector<1x16xf32>,
        %get3A_806 = vector.shape_cast %get3A_805 : vector<1x16xf32> to vector<16xf32>
        %mul3A_807 = arith.constant 22.6274166 : f32
        %mul3A_808 = vector.broadcast %mul3A_807 : f32 to vector<16xf32>
        %mul3A_809 = arith.mulf %get3A_806, %mul3A_808 : vector<16xf32>
        %get3A_810 = arith.index_cast %scan3A_616 : i32 to index
        %get3A_811 = arith.constant 176 : index
        %get3A_812 = tpu.vector_load %arg6[%get3A_810, %get3A_811] {strides = array<i32>} : memref<40x512xf32, #tpu.memory_space<vmem>>, vector<1x16xf32>,
        %get3A_813 = vector.shape_cast %get3A_812 : vector<1x16xf32> to vector<16xf32>
        %add3A_814 = arith.addf %mul3A_809, %get3A_813 : vector<16xf32>
        %swap3A_815 = arith.index_cast %scan3A_616 : i32 to index
        %swap3A_816 = arith.constant 176 : index
        %swap3A_817 = tpu.vector_load %arg7[%swap3A_815, %swap3A_816] {strides = array<i32>} : memref<40x512xf32, #tpu.memory_space<vmem>>, vector<1x16xf32>,
        %swap3A_818 = vector.shape_cast %swap3A_817 : vector<1x16xf32> to vector<16xf32>
        %swap3A_819 = vector.shape_cast %add3A_814 : vector<16xf32> to vector<1x16xf32>
        tpu.vector_store %arg7[%swap3A_815, %swap3A_816], %swap3A_819 {strides = array<i32>} : memref<40x512xf32, #tpu.memory_space<vmem>>, vector<1x16xf32>,
        %get3A_820 = arith.index_cast %scan3A_616 : i32 to index
        %get3A_821 = arith.constant 192 : index
        %get3A_822 = tpu.vector_load %arg7[%get3A_820, %get3A_821] {strides = array<i32>} : memref<40x512xf32, #tpu.memory_space<vmem>>, vector<1x16xf32>,
        %get3A_823 = vector.shape_cast %get3A_822 : vector<1x16xf32> to vector<16xf32>
        %mul3A_824 = arith.constant 22.6274166 : f32
        %mul3A_825 = vector.broadcast %mul3A_824 : f32 to vector<16xf32>
        %mul3A_826 = arith.mulf %get3A_823, %mul3A_825 : vector<16xf32>
        %get3A_827 = arith.index_cast %scan3A_616 : i32 to index
        %get3A_828 = arith.constant 192 : index
        %get3A_829 = tpu.vector_load %arg6[%get3A_827, %get3A_828] {strides = array<i32>} : memref<40x512xf32, #tpu.memory_space<vmem>>, vector<1x16xf32>,
        %get3A_830 = vector.shape_cast %get3A_829 : vector<1x16xf32> to vector<16xf32>
        %add3A_831 = arith.addf %mul3A_826, %get3A_830 : vector<16xf32>
        %swap3A_832 = arith.index_cast %scan3A_616 : i32 to index
        %swap3A_833 = arith.constant 192 : index
        %swap3A_834 = tpu.vector_load %arg7[%swap3A_832, %swap3A_833] {strides = array<i32>} : memref<40x512xf32, #tpu.memory_space<vmem>>, vector<1x16xf32>,
        %swap3A_835 = vector.shape_cast %swap3A_834 : vector<1x16xf32> to vector<16xf32>
        %swap3A_836 = vector.shape_cast %add3A_831 : vector<16xf32> to vector<1x16xf32>
        tpu.vector_store %arg7[%swap3A_832, %swap3A_833], %swap3A_836 {strides = array<i32>} : memref<40x512xf32, #tpu.memory_space<vmem>>, vector<1x16xf32>,
        %get3A_837 = arith.index_cast %scan3A_616 : i32 to index
        %get3A_838 = arith.constant 208 : index
        %get3A_839 = tpu.vector_load %arg7[%get3A_837, %get3A_838] {strides = array<i32>} : memref<40x512xf32, #tpu.memory_space<vmem>>, vector<1x16xf32>,
        %get3A_840 = vector.shape_cast %get3A_839 : vector<1x16xf32> to vector<16xf32>
        %mul3A_841 = arith.constant 22.6274166 : f32
        %mul3A_842 = vector.broadcast %mul3A_841 : f32 to vector<16xf32>
        %mul3A_843 = arith.mulf %get3A_840, %mul3A_842 : vector<16xf32>
        %get3A_844 = arith.index_cast %scan3A_616 : i32 to index
        %get3A_845 = arith.constant 208 : index
        %get3A_846 = tpu.vector_load %arg6[%get3A_844, %get3A_845] {strides = array<i32>} : memref<40x512xf32, #tpu.memory_space<vmem>>, vector<1x16xf32>,
        %get3A_847 = vector.shape_cast %get3A_846 : vector<1x16xf32> to vector<16xf32>
        %add3A_848 = arith.addf %mul3A_843, %get3A_847 : vector<16xf32>
        %swap3A_849 = arith.index_cast %scan3A_616 : i32 to index
        %swap3A_850 = arith.constant 208 : index
        %swap3A_851 = tpu.vector_load %arg7[%swap3A_849, %swap3A_850] {strides = array<i32>} : memref<40x512xf32, #tpu.memory_space<vmem>>, vector<1x16xf32>,
        %swap3A_852 = vector.shape_cast %swap3A_851 : vector<1x16xf32> to vector<16xf32>
        %swap3A_853 = vector.shape_cast %add3A_848 : vector<16xf32> to vector<1x16xf32>
        tpu.vector_store %arg7[%swap3A_849, %swap3A_850], %swap3A_853 {strides = array<i32>} : memref<40x512xf32, #tpu.memory_space<vmem>>, vector<1x16xf32>,
        %get3A_854 = arith.index_cast %scan3A_616 : i32 to index
        %get3A_855 = arith.constant 224 : index
        %get3A_856 = tpu.vector_load %arg7[%get3A_854, %get3A_855] {strides = array<i32>} : memref<40x512xf32, #tpu.memory_space<vmem>>, vector<1x16xf32>,
        %get3A_857 = vector.shape_cast %get3A_856 : vector<1x16xf32> to vector<16xf32>
        %mul3A_858 = arith.constant 22.6274166 : f32
        %mul3A_859 = vector.broadcast %mul3A_858 : f32 to vector<16xf32>
        %mul3A_860 = arith.mulf %get3A_857, %mul3A_859 : vector<16xf32>
        %get3A_861 = arith.index_cast %scan3A_616 : i32 to index
        %get3A_862 = arith.constant 224 : index
        %get3A_863 = tpu.vector_load %arg6[%get3A_861, %get3A_862] {strides = array<i32>} : memref<40x512xf32, #tpu.memory_space<vmem>>, vector<1x16xf32>,
        %get3A_864 = vector.shape_cast %get3A_863 : vector<1x16xf32> to vector<16xf32>
        %add3A_865 = arith.addf %mul3A_860, %get3A_864 : vector<16xf32>
        %swap3A_866 = arith.index_cast %scan3A_616 : i32 to index
        %swap3A_867 = arith.constant 224 : index
        %swap3A_868 = tpu.vector_load %arg7[%swap3A_866, %swap3A_867] {strides = array<i32>} : memref<40x512xf32, #tpu.memory_space<vmem>>, vector<1x16xf32>,
        %swap3A_869 = vector.shape_cast %swap3A_868 : vector<1x16xf32> to vector<16xf32>
        %swap3A_870 = vector.shape_cast %add3A_865 : vector<16xf32> to vector<1x16xf32>
        tpu.vector_store %arg7[%swap3A_866, %swap3A_867], %swap3A_870 {strides = array<i32>} : memref<40x512xf32, #tpu.memory_space<vmem>>, vector<1x16xf32>,
        %get3A_871 = arith.index_cast %scan3A_616 : i32 to index
        %get3A_872 = arith.constant 240 : index
        %get3A_873 = tpu.vector_load %arg7[%get3A_871, %get3A_872] {strides = array<i32>} : memref<40x512xf32, #tpu.memory_space<vmem>>, vector<1x16xf32>,
        %get3A_874 = vector.shape_cast %get3A_873 : vector<1x16xf32> to vector<16xf32>
        %mul3A_875 = arith.constant 22.6274166 : f32
        %mul3A_876 = vector.broadcast %mul3A_875 : f32 to vector<16xf32>
        %mul3A_877 = arith.mulf %get3A_874, %mul3A_876 : vector<16xf32>
        %get3A_878 = arith.index_cast %scan3A_616 : i32 to index
        %get3A_879 = arith.constant 240 : index
        %get3A_880 = tpu.vector_load %arg6[%get3A_878, %get3A_879] {strides = array<i32>} : memref<40x512xf32, #tpu.memory_space<vmem>>, vector<1x16xf32>,
        %get3A_881 = vector.shape_cast %get3A_880 : vector<1x16xf32> to vector<16xf32>
        %add3A_882 = arith.addf %mul3A_877, %get3A_881 : vector<16xf32>
        %swap3A_883 = arith.index_cast %scan3A_616 : i32 to index
        %swap3A_884 = arith.constant 240 : index
        %swap3A_885 = tpu.vector_load %arg7[%swap3A_883, %swap3A_884] {strides = array<i32>} : memref<40x512xf32, #tpu.memory_space<vmem>>, vector<1x16xf32>,
        %swap3A_886 = vector.shape_cast %swap3A_885 : vector<1x16xf32> to vector<16xf32>
        %swap3A_887 = vector.shape_cast %add3A_882 : vector<16xf32> to vector<1x16xf32>
        tpu.vector_store %arg7[%swap3A_883, %swap3A_884], %swap3A_887 {strides = array<i32>} : memref<40x512xf32, #tpu.memory_space<vmem>>, vector<1x16xf32>,
        %get3A_888 = arith.index_cast %scan3A_616 : i32 to index
        %get3A_889 = arith.constant 256 : index
        %get3A_890 = tpu.vector_load %arg7[%get3A_888, %get3A_889] {strides = array<i32>} : memref<40x512xf32, #tpu.memory_space<vmem>>, vector<1x16xf32>,
        %get3A_891 = vector.shape_cast %get3A_890 : vector<1x16xf32> to vector<16xf32>
        %mul3A_892 = arith.constant 22.6274166 : f32
        %mul3A_893 = vector.broadcast %mul3A_892 : f32 to vector<16xf32>
        %mul3A_894 = arith.mulf %get3A_891, %mul3A_893 : vector<16xf32>
        %get3A_895 = arith.index_cast %scan3A_616 : i32 to index
        %get3A_896 = arith.constant 256 : index
        %get3A_897 = tpu.vector_load %arg6[%get3A_895, %get3A_896] {strides = array<i32>} : memref<40x512xf32, #tpu.memory_space<vmem>>, vector<1x16xf32>,
        %get3A_898 = vector.shape_cast %get3A_897 : vector<1x16xf32> to vector<16xf32>
        %add3A_899 = arith.addf %mul3A_894, %get3A_898 : vector<16xf32>
        %swap3A_900 = arith.index_cast %scan3A_616 : i32 to index
        %swap3A_901 = arith.constant 256 : index
        %swap3A_902 = tpu.vector_load %arg7[%swap3A_900, %swap3A_901] {strides = array<i32>} : memref<40x512xf32, #tpu.memory_space<vmem>>, vector<1x16xf32>,
        %swap3A_903 = vector.shape_cast %swap3A_902 : vector<1x16xf32> to vector<16xf32>
        %swap3A_904 = vector.shape_cast %add3A_899 : vector<16xf32> to vector<1x16xf32>
        tpu.vector_store %arg7[%swap3A_900, %swap3A_901], %swap3A_904 {strides = array<i32>} : memref<40x512xf32, #tpu.memory_space<vmem>>, vector<1x16xf32>,
        %get3A_905 = arith.index_cast %scan3A_616 : i32 to index
        %get3A_906 = arith.constant 272 : index
        %get3A_907 = tpu.vector_load %arg7[%get3A_905, %get3A_906] {strides = array<i32>} : memref<40x512xf32, #tpu.memory_space<vmem>>, vector<1x16xf32>,
        %get3A_908 = vector.shape_cast %get3A_907 : vector<1x16xf32> to vector<16xf32>
        %mul3A_909 = arith.constant 22.6274166 : f32
        %mul3A_910 = vector.broadcast %mul3A_909 : f32 to vector<16xf32>
        %mul3A_911 = arith.mulf %get3A_908, %mul3A_910 : vector<16xf32>
        %get3A_912 = arith.index_cast %scan3A_616 : i32 to index
        %get3A_913 = arith.constant 272 : index
        %get3A_914 = tpu.vector_load %arg6[%get3A_912, %get3A_913] {strides = array<i32>} : memref<40x512xf32, #tpu.memory_space<vmem>>, vector<1x16xf32>,
        %get3A_915 = vector.shape_cast %get3A_914 : vector<1x16xf32> to vector<16xf32>
        %add3A_916 = arith.addf %mul3A_911, %get3A_915 : vector<16xf32>
        %swap3A_917 = arith.index_cast %scan3A_616 : i32 to index
        %swap3A_918 = arith.constant 272 : index
        %swap3A_919 = tpu.vector_load %arg7[%swap3A_917, %swap3A_918] {strides = array<i32>} : memref<40x512xf32, #tpu.memory_space<vmem>>, vector<1x16xf32>,
        %swap3A_920 = vector.shape_cast %swap3A_919 : vector<1x16xf32> to vector<16xf32>
        %swap3A_921 = vector.shape_cast %add3A_916 : vector<16xf32> to vector<1x16xf32>
        tpu.vector_store %arg7[%swap3A_917, %swap3A_918], %swap3A_921 {strides = array<i32>} : memref<40x512xf32, #tpu.memory_space<vmem>>, vector<1x16xf32>,
        %get3A_922 = arith.index_cast %scan3A_616 : i32 to index
        %get3A_923 = arith.constant 288 : index
        %get3A_924 = tpu.vector_load %arg7[%get3A_922, %get3A_923] {strides = array<i32>} : memref<40x512xf32, #tpu.memory_space<vmem>>, vector<1x16xf32>,
        %get3A_925 = vector.shape_cast %get3A_924 : vector<1x16xf32> to vector<16xf32>
        %mul3A_926 = arith.constant 22.6274166 : f32
        %mul3A_927 = vector.broadcast %mul3A_926 : f32 to vector<16xf32>
        %mul3A_928 = arith.mulf %get3A_925, %mul3A_927 : vector<16xf32>
        %get3A_929 = arith.index_cast %scan3A_616 : i32 to index
        %get3A_930 = arith.constant 288 : index
        %get3A_931 = tpu.vector_load %arg6[%get3A_929, %get3A_930] {strides = array<i32>} : memref<40x512xf32, #tpu.memory_space<vmem>>, vector<1x16xf32>,
        %get3A_932 = vector.shape_cast %get3A_931 : vector<1x16xf32> to vector<16xf32>
        %add3A_933 = arith.addf %mul3A_928, %get3A_932 : vector<16xf32>
        %swap3A_934 = arith.index_cast %scan3A_616 : i32 to index
        %swap3A_935 = arith.constant 288 : index
        %swap3A_936 = tpu.vector_load %arg7[%swap3A_934, %swap3A_935] {strides = array<i32>} : memref<40x512xf32, #tpu.memory_space<vmem>>, vector<1x16xf32>,
        %swap3A_937 = vector.shape_cast %swap3A_936 : vector<1x16xf32> to vector<16xf32>
        %swap3A_938 = vector.shape_cast %add3A_933 : vector<16xf32> to vector<1x16xf32>
        tpu.vector_store %arg7[%swap3A_934, %swap3A_935], %swap3A_938 {strides = array<i32>} : memref<40x512xf32, #tpu.memory_space<vmem>>, vector<1x16xf32>,
        %get3A_939 = arith.index_cast %scan3A_616 : i32 to index
        %get3A_940 = arith.constant 304 : index
        %get3A_941 = tpu.vector_load %arg7[%get3A_939, %get3A_940] {strides = array<i32>} : memref<40x512xf32, #tpu.memory_space<vmem>>, vector<1x16xf32>,
        %get3A_942 = vector.shape_cast %get3A_941 : vector<1x16xf32> to vector<16xf32>
        %mul3A_943 = arith.constant 22.6274166 : f32
        %mul3A_944 = vector.broadcast %mul3A_943 : f32 to vector<16xf32>
        %mul3A_945 = arith.mulf %get3A_942, %mul3A_944 : vector<16xf32>
        %get3A_946 = arith.index_cast %scan3A_616 : i32 to index
        %get3A_947 = arith.constant 304 : index
        %get3A_948 = tpu.vector_load %arg6[%get3A_946, %get3A_947] {strides = array<i32>} : memref<40x512xf32, #tpu.memory_space<vmem>>, vector<1x16xf32>,
        %get3A_949 = vector.shape_cast %get3A_948 : vector<1x16xf32> to vector<16xf32>
        %add3A_950 = arith.addf %mul3A_945, %get3A_949 : vector<16xf32>
        %swap3A_951 = arith.index_cast %scan3A_616 : i32 to index
        %swap3A_952 = arith.constant 304 : index
        %swap3A_953 = tpu.vector_load %arg7[%swap3A_951, %swap3A_952] {strides = array<i32>} : memref<40x512xf32, #tpu.memory_space<vmem>>, vector<1x16xf32>,
        %swap3A_954 = vector.shape_cast %swap3A_953 : vector<1x16xf32> to vector<16xf32>
        %swap3A_955 = vector.shape_cast %add3A_950 : vector<16xf32> to vector<1x16xf32>
        tpu.vector_store %arg7[%swap3A_951, %swap3A_952], %swap3A_955 {strides = array<i32>} : memref<40x512xf32, #tpu.memory_space<vmem>>, vector<1x16xf32>,
        %get3A_956 = arith.index_cast %scan3A_616 : i32 to index
        %get3A_957 = arith.constant 320 : index
        %get3A_958 = tpu.vector_load %arg7[%get3A_956, %get3A_957] {strides = array<i32>} : memref<40x512xf32, #tpu.memory_space<vmem>>, vector<1x16xf32>,
        %get3A_959 = vector.shape_cast %get3A_958 : vector<1x16xf32> to vector<16xf32>
        %mul3A_960 = arith.constant 22.6274166 : f32
        %mul3A_961 = vector.broadcast %mul3A_960 : f32 to vector<16xf32>
        %mul3A_962 = arith.mulf %get3A_959, %mul3A_961 : vector<16xf32>
        %get3A_963 = arith.index_cast %scan3A_616 : i32 to index
        %get3A_964 = arith.constant 320 : index
        %get3A_965 = tpu.vector_load %arg6[%get3A_963, %get3A_964] {strides = array<i32>} : memref<40x512xf32, #tpu.memory_space<vmem>>, vector<1x16xf32>,
        %get3A_966 = vector.shape_cast %get3A_965 : vector<1x16xf32> to vector<16xf32>
        %add3A_967 = arith.addf %mul3A_962, %get3A_966 : vector<16xf32>
        %swap3A_968 = arith.index_cast %scan3A_616 : i32 to index
        %swap3A_969 = arith.constant 320 : index
        %swap3A_970 = tpu.vector_load %arg7[%swap3A_968, %swap3A_969] {strides = array<i32>} : memref<40x512xf32, #tpu.memory_space<vmem>>, vector<1x16xf32>,
        %swap3A_971 = vector.shape_cast %swap3A_970 : vector<1x16xf32> to vector<16xf32>
        %swap3A_972 = vector.shape_cast %add3A_967 : vector<16xf32> to vector<1x16xf32>
        tpu.vector_store %arg7[%swap3A_968, %swap3A_969], %swap3A_972 {strides = array<i32>} : memref<40x512xf32, #tpu.memory_space<vmem>>, vector<1x16xf32>,
        %get3A_973 = arith.index_cast %scan3A_616 : i32 to index
        %get3A_974 = arith.constant 336 : index
        %get3A_975 = tpu.vector_load %arg7[%get3A_973, %get3A_974] {strides = array<i32>} : memref<40x512xf32, #tpu.memory_space<vmem>>, vector<1x16xf32>,
        %get3A_976 = vector.shape_cast %get3A_975 : vector<1x16xf32> to vector<16xf32>
        %mul3A_977 = arith.constant 22.6274166 : f32
        %mul3A_978 = vector.broadcast %mul3A_977 : f32 to vector<16xf32>
        %mul3A_979 = arith.mulf %get3A_976, %mul3A_978 : vector<16xf32>
        %get3A_980 = arith.index_cast %scan3A_616 : i32 to index
        %get3A_981 = arith.constant 336 : index
        %get3A_982 = tpu.vector_load %arg6[%get3A_980, %get3A_981] {strides = array<i32>} : memref<40x512xf32, #tpu.memory_space<vmem>>, vector<1x16xf32>,
        %get3A_983 = vector.shape_cast %get3A_982 : vector<1x16xf32> to vector<16xf32>
        %add3A_984 = arith.addf %mul3A_979, %get3A_983 : vector<16xf32>
        %swap3A_985 = arith.index_cast %scan3A_616 : i32 to index
        %swap3A_986 = arith.constant 336 : index
        %swap3A_987 = tpu.vector_load %arg7[%swap3A_985, %swap3A_986] {strides = array<i32>} : memref<40x512xf32, #tpu.memory_space<vmem>>, vector<1x16xf32>,
        %swap3A_988 = vector.shape_cast %swap3A_987 : vector<1x16xf32> to vector<16xf32>
        %swap3A_989 = vector.shape_cast %add3A_984 : vector<16xf32> to vector<1x16xf32>
        tpu.vector_store %arg7[%swap3A_985, %swap3A_986], %swap3A_989 {strides = array<i32>} : memref<40x512xf32, #tpu.memory_space<vmem>>, vector<1x16xf32>,
        %get3A_990 = arith.index_cast %scan3A_616 : i32 to index
        %get3A_991 = arith.constant 352 : index
        %get3A_992 = tpu.vector_load %arg7[%get3A_990, %get3A_991] {strides = array<i32>} : memref<40x512xf32, #tpu.memory_space<vmem>>, vector<1x16xf32>,
        %get3A_993 = vector.shape_cast %get3A_992 : vector<1x16xf32> to vector<16xf32>
        %mul3A_994 = arith.constant 22.6274166 : f32
        %mul3A_995 = vector.broadcast %mul3A_994 : f32 to vector<16xf32>
        %mul3A_996 = arith.mulf %get3A_993, %mul3A_995 : vector<16xf32>
        %get3A_997 = arith.index_cast %scan3A_616 : i32 to index
        %get3A_998 = arith.constant 352 : index
        %get3A_999 = tpu.vector_load %arg6[%get3A_997, %get3A_998] {strides = array<i32>} : memref<40x512xf32, #tpu.memory_space<vmem>>, vector<1x16xf32>,
        %get3A_1000 = vector.shape_cast %get3A_999 : vector<1x16xf32> to vector<16xf32>
        %add3A_1001 = arith.addf %mul3A_996, %get3A_1000 : vector<16xf32>
        %swap3A_1002 = arith.index_cast %scan3A_616 : i32 to index
        %swap3A_1003 = arith.constant 352 : index
        %swap3A_1004 = tpu.vector_load %arg7[%swap3A_1002, %swap3A_1003] {strides = array<i32>} : memref<40x512xf32, #tpu.memory_space<vmem>>, vector<1x16xf32>,
        %swap3A_1005 = vector.shape_cast %swap3A_1004 : vector<1x16xf32> to vector<16xf32>
        %swap3A_1006 = vector.shape_cast %add3A_1001 : vector<16xf32> to vector<1x16xf32>
        tpu.vector_store %arg7[%swap3A_1002, %swap3A_1003], %swap3A_1006 {strides = array<i32>} : memref<40x512xf32, #tpu.memory_space<vmem>>, vector<1x16xf32>,
        %get3A_1007 = arith.index_cast %scan3A_616 : i32 to index
        %get3A_1008 = arith.constant 368 : index
        %get3A_1009 = tpu.vector_load %arg7[%get3A_1007, %get3A_1008] {strides = array<i32>} : memref<40x512xf32, #tpu.memory_space<vmem>>, vector<1x16xf32>,
        %get3A_1010 = vector.shape_cast %get3A_1009 : vector<1x16xf32> to vector<16xf32>
        %mul3A_1011 = arith.constant 22.6274166 : f32
        %mul3A_1012 = vector.broadcast %mul3A_1011 : f32 to vector<16xf32>
        %mul3A_1013 = arith.mulf %get3A_1010, %mul3A_1012 : vector<16xf32>
        %get3A_1014 = arith.index_cast %scan3A_616 : i32 to index
        %get3A_1015 = arith.constant 368 : index
        %get3A_1016 = tpu.vector_load %arg6[%get3A_1014, %get3A_1015] {strides = array<i32>} : memref<40x512xf32, #tpu.memory_space<vmem>>, vector<1x16xf32>,
        %get3A_1017 = vector.shape_cast %get3A_1016 : vector<1x16xf32> to vector<16xf32>
        %add3A_1018 = arith.addf %mul3A_1013, %get3A_1017 : vector<16xf32>
        %swap3A_1019 = arith.index_cast %scan3A_616 : i32 to index
        %swap3A_1020 = arith.constant 368 : index
        %swap3A_1021 = tpu.vector_load %arg7[%swap3A_1019, %swap3A_1020] {strides = array<i32>} : memref<40x512xf32, #tpu.memory_space<vmem>>, vector<1x16xf32>,
        %swap3A_1022 = vector.shape_cast %swap3A_1021 : vector<1x16xf32> to vector<16xf32>
        %swap3A_1023 = vector.shape_cast %add3A_1018 : vector<16xf32> to vector<1x16xf32>
        tpu.vector_store %arg7[%swap3A_1019, %swap3A_1020], %swap3A_1023 {strides = array<i32>} : memref<40x512xf32, #tpu.memory_space<vmem>>, vector<1x16xf32>,
        %get3A_1024 = arith.index_cast %scan3A_616 : i32 to index
        %get3A_1025 = arith.constant 384 : index
        %get3A_1026 = tpu.vector_load %arg7[%get3A_1024, %get3A_1025] {strides = array<i32>} : memref<40x512xf32, #tpu.memory_space<vmem>>, vector<1x16xf32>,
        %get3A_1027 = vector.shape_cast %get3A_1026 : vector<1x16xf32> to vector<16xf32>
        %mul3A_1028 = arith.constant 22.6274166 : f32
        %mul3A_1029 = vector.broadcast %mul3A_1028 : f32 to vector<16xf32>
        %mul3A_1030 = arith.mulf %get3A_1027, %mul3A_1029 : vector<16xf32>
        %get3A_1031 = arith.index_cast %scan3A_616 : i32 to index
        %get3A_1032 = arith.constant 384 : index
        %get3A_1033 = tpu.vector_load %arg6[%get3A_1031, %get3A_1032] {strides = array<i32>} : memref<40x512xf32, #tpu.memory_space<vmem>>, vector<1x16xf32>,
        %get3A_1034 = vector.shape_cast %get3A_1033 : vector<1x16xf32> to vector<16xf32>
        %add3A_1035 = arith.addf %mul3A_1030, %get3A_1034 : vector<16xf32>
        %swap3A_1036 = arith.index_cast %scan3A_616 : i32 to index
        %swap3A_1037 = arith.constant 384 : index
        %swap3A_1038 = tpu.vector_load %arg7[%swap3A_1036, %swap3A_1037] {strides = array<i32>} : memref<40x512xf32, #tpu.memory_space<vmem>>, vector<1x16xf32>,
        %swap3A_1039 = vector.shape_cast %swap3A_1038 : vector<1x16xf32> to vector<16xf32>
        %swap3A_1040 = vector.shape_cast %add3A_1035 : vector<16xf32> to vector<1x16xf32>
        tpu.vector_store %arg7[%swap3A_1036, %swap3A_1037], %swap3A_1040 {strides = array<i32>} : memref<40x512xf32, #tpu.memory_space<vmem>>, vector<1x16xf32>,
        %get3A_1041 = arith.index_cast %scan3A_616 : i32 to index
        %get3A_1042 = arith.constant 400 : index
        %get3A_1043 = tpu.vector_load %arg7[%get3A_1041, %get3A_1042] {strides = array<i32>} : memref<40x512xf32, #tpu.memory_space<vmem>>, vector<1x16xf32>,
        %get3A_1044 = vector.shape_cast %get3A_1043 : vector<1x16xf32> to vector<16xf32>
        %mul3A_1045 = arith.constant 22.6274166 : f32
        %mul3A_1046 = vector.broadcast %mul3A_1045 : f32 to vector<16xf32>
        %mul3A_1047 = arith.mulf %get3A_1044, %mul3A_1046 : vector<16xf32>
        %get3A_1048 = arith.index_cast %scan3A_616 : i32 to index
        %get3A_1049 = arith.constant 400 : index
        %get3A_1050 = tpu.vector_load %arg6[%get3A_1048, %get3A_1049] {strides = array<i32>} : memref<40x512xf32, #tpu.memory_space<vmem>>, vector<1x16xf32>,
        %get3A_1051 = vector.shape_cast %get3A_1050 : vector<1x16xf32> to vector<16xf32>
        %add3A_1052 = arith.addf %mul3A_1047, %get3A_1051 : vector<16xf32>
        %swap3A_1053 = arith.index_cast %scan3A_616 : i32 to index
        %swap3A_1054 = arith.constant 400 : index
        %swap3A_1055 = tpu.vector_load %arg7[%swap3A_1053, %swap3A_1054] {strides = array<i32>} : memref<40x512xf32, #tpu.memory_space<vmem>>, vector<1x16xf32>,
        %swap3A_1056 = vector.shape_cast %swap3A_1055 : vector<1x16xf32> to vector<16xf32>
        %swap3A_1057 = vector.shape_cast %add3A_1052 : vector<16xf32> to vector<1x16xf32>
        tpu.vector_store %arg7[%swap3A_1053, %swap3A_1054], %swap3A_1057 {strides = array<i32>} : memref<40x512xf32, #tpu.memory_space<vmem>>, vector<1x16xf32>,
        %get3A_1058 = arith.index_cast %scan3A_616 : i32 to index
        %get3A_1059 = arith.constant 416 : index
        %get3A_1060 = tpu.vector_load %arg7[%get3A_1058, %get3A_1059] {strides = array<i32>} : memref<40x512xf32, #tpu.memory_space<vmem>>, vector<1x16xf32>,
        %get3A_1061 = vector.shape_cast %get3A_1060 : vector<1x16xf32> to vector<16xf32>
        %mul3A_1062 = arith.constant 22.6274166 : f32
        %mul3A_1063 = vector.broadcast %mul3A_1062 : f32 to vector<16xf32>
        %mul3A_1064 = arith.mulf %get3A_1061, %mul3A_1063 : vector<16xf32>
        %get3A_1065 = arith.index_cast %scan3A_616 : i32 to index
        %get3A_1066 = arith.constant 416 : index
        %get3A_1067 = tpu.vector_load %arg6[%get3A_1065, %get3A_1066] {strides = array<i32>} : memref<40x512xf32, #tpu.memory_space<vmem>>, vector<1x16xf32>,
        %get3A_1068 = vector.shape_cast %get3A_1067 : vector<1x16xf32> to vector<16xf32>
        %add3A_1069 = arith.addf %mul3A_1064, %get3A_1068 : vector<16xf32>
        %swap3A_1070 = arith.index_cast %scan3A_616 : i32 to index
        %swap3A_1071 = arith.constant 416 : index
        %swap3A_1072 = tpu.vector_load %arg7[%swap3A_1070, %swap3A_1071] {strides = array<i32>} : memref<40x512xf32, #tpu.memory_space<vmem>>, vector<1x16xf32>,
        %swap3A_1073 = vector.shape_cast %swap3A_1072 : vector<1x16xf32> to vector<16xf32>
        %swap3A_1074 = vector.shape_cast %add3A_1069 : vector<16xf32> to vector<1x16xf32>
        tpu.vector_store %arg7[%swap3A_1070, %swap3A_1071], %swap3A_1074 {strides = array<i32>} : memref<40x512xf32, #tpu.memory_space<vmem>>, vector<1x16xf32>,
        %get3A_1075 = arith.index_cast %scan3A_616 : i32 to index
        %get3A_1076 = arith.constant 432 : index
        %get3A_1077 = tpu.vector_load %arg7[%get3A_1075, %get3A_1076] {strides = array<i32>} : memref<40x512xf32, #tpu.memory_space<vmem>>, vector<1x16xf32>,
        %get3A_1078 = vector.shape_cast %get3A_1077 : vector<1x16xf32> to vector<16xf32>
        %mul3A_1079 = arith.constant 22.6274166 : f32
        %mul3A_1080 = vector.broadcast %mul3A_1079 : f32 to vector<16xf32>
        %mul3A_1081 = arith.mulf %get3A_1078, %mul3A_1080 : vector<16xf32>
        %get3A_1082 = arith.index_cast %scan3A_616 : i32 to index
        %get3A_1083 = arith.constant 432 : index
        %get3A_1084 = tpu.vector_load %arg6[%get3A_1082, %get3A_1083] {strides = array<i32>} : memref<40x512xf32, #tpu.memory_space<vmem>>, vector<1x16xf32>,
        %get3A_1085 = vector.shape_cast %get3A_1084 : vector<1x16xf32> to vector<16xf32>
        %add3A_1086 = arith.addf %mul3A_1081, %get3A_1085 : vector<16xf32>
        %swap3A_1087 = arith.index_cast %scan3A_616 : i32 to index
        %swap3A_1088 = arith.constant 432 : index
        %swap3A_1089 = tpu.vector_load %arg7[%swap3A_1087, %swap3A_1088] {strides = array<i32>} : memref<40x512xf32, #tpu.memory_space<vmem>>, vector<1x16xf32>,
        %swap3A_1090 = vector.shape_cast %swap3A_1089 : vector<1x16xf32> to vector<16xf32>
        %swap3A_1091 = vector.shape_cast %add3A_1086 : vector<16xf32> to vector<1x16xf32>
        tpu.vector_store %arg7[%swap3A_1087, %swap3A_1088], %swap3A_1091 {strides = array<i32>} : memref<40x512xf32, #tpu.memory_space<vmem>>, vector<1x16xf32>,
        %get3A_1092 = arith.index_cast %scan3A_616 : i32 to index
        %get3A_1093 = arith.constant 448 : index
        %get3A_1094 = tpu.vector_load %arg7[%get3A_1092, %get3A_1093] {strides = array<i32>} : memref<40x512xf32, #tpu.memory_space<vmem>>, vector<1x16xf32>,
        %get3A_1095 = vector.shape_cast %get3A_1094 : vector<1x16xf32> to vector<16xf32>
        %mul3A_1096 = arith.constant 22.6274166 : f32
        %mul3A_1097 = vector.broadcast %mul3A_1096 : f32 to vector<16xf32>
        %mul3A_1098 = arith.mulf %get3A_1095, %mul3A_1097 : vector<16xf32>
        %get3A_1099 = arith.index_cast %scan3A_616 : i32 to index
        %get3A_1100 = arith.constant 448 : index
        %get3A_1101 = tpu.vector_load %arg6[%get3A_1099, %get3A_1100] {strides = array<i32>} : memref<40x512xf32, #tpu.memory_space<vmem>>, vector<1x16xf32>,
        %get3A_1102 = vector.shape_cast %get3A_1101 : vector<1x16xf32> to vector<16xf32>
        %add3A_1103 = arith.addf %mul3A_1098, %get3A_1102 : vector<16xf32>
        %swap3A_1104 = arith.index_cast %scan3A_616 : i32 to index
        %swap3A_1105 = arith.constant 448 : index
        %swap3A_1106 = tpu.vector_load %arg7[%swap3A_1104, %swap3A_1105] {strides = array<i32>} : memref<40x512xf32, #tpu.memory_space<vmem>>, vector<1x16xf32>,
        %swap3A_1107 = vector.shape_cast %swap3A_1106 : vector<1x16xf32> to vector<16xf32>
        %swap3A_1108 = vector.shape_cast %add3A_1103 : vector<16xf32> to vector<1x16xf32>
        tpu.vector_store %arg7[%swap3A_1104, %swap3A_1105], %swap3A_1108 {strides = array<i32>} : memref<40x512xf32, #tpu.memory_space<vmem>>, vector<1x16xf32>,
        %get3A_1109 = arith.index_cast %scan3A_616 : i32 to index
        %get3A_1110 = arith.constant 464 : index
        %get3A_1111 = tpu.vector_load %arg7[%get3A_1109, %get3A_1110] {strides = array<i32>} : memref<40x512xf32, #tpu.memory_space<vmem>>, vector<1x16xf32>,
        %get3A_1112 = vector.shape_cast %get3A_1111 : vector<1x16xf32> to vector<16xf32>
        %mul3A_1113 = arith.constant 22.6274166 : f32
        %mul3A_1114 = vector.broadcast %mul3A_1113 : f32 to vector<16xf32>
        %mul3A_1115 = arith.mulf %get3A_1112, %mul3A_1114 : vector<16xf32>
        %get3A_1116 = arith.index_cast %scan3A_616 : i32 to index
        %get3A_1117 = arith.constant 464 : index
        %get3A_1118 = tpu.vector_load %arg6[%get3A_1116, %get3A_1117] {strides = array<i32>} : memref<40x512xf32, #tpu.memory_space<vmem>>, vector<1x16xf32>,
        %get3A_1119 = vector.shape_cast %get3A_1118 : vector<1x16xf32> to vector<16xf32>
        %add3A_1120 = arith.addf %mul3A_1115, %get3A_1119 : vector<16xf32>
        %swap3A_1121 = arith.index_cast %scan3A_616 : i32 to index
        %swap3A_1122 = arith.constant 464 : index
        %swap3A_1123 = tpu.vector_load %arg7[%swap3A_1121, %swap3A_1122] {strides = array<i32>} : memref<40x512xf32, #tpu.memory_space<vmem>>, vector<1x16xf32>,
        %swap3A_1124 = vector.shape_cast %swap3A_1123 : vector<1x16xf32> to vector<16xf32>
        %swap3A_1125 = vector.shape_cast %add3A_1120 : vector<16xf32> to vector<1x16xf32>
        tpu.vector_store %arg7[%swap3A_1121, %swap3A_1122], %swap3A_1125 {strides = array<i32>} : memref<40x512xf32, #tpu.memory_space<vmem>>, vector<1x16xf32>,
        %get3A_1126 = arith.index_cast %scan3A_616 : i32 to index
        %get3A_1127 = arith.constant 480 : index
        %get3A_1128 = tpu.vector_load %arg7[%get3A_1126, %get3A_1127] {strides = array<i32>} : memref<40x512xf32, #tpu.memory_space<vmem>>, vector<1x16xf32>,
        %get3A_1129 = vector.shape_cast %get3A_1128 : vector<1x16xf32> to vector<16xf32>
        %mul3A_1130 = arith.constant 22.6274166 : f32
        %mul3A_1131 = vector.broadcast %mul3A_1130 : f32 to vector<16xf32>
        %mul3A_1132 = arith.mulf %get3A_1129, %mul3A_1131 : vector<16xf32>
        %get3A_1133 = arith.index_cast %scan3A_616 : i32 to index
        %get3A_1134 = arith.constant 480 : index
        %get3A_1135 = tpu.vector_load %arg6[%get3A_1133, %get3A_1134] {strides = array<i32>} : memref<40x512xf32, #tpu.memory_space<vmem>>, vector<1x16xf32>,
        %get3A_1136 = vector.shape_cast %get3A_1135 : vector<1x16xf32> to vector<16xf32>
        %add3A_1137 = arith.addf %mul3A_1132, %get3A_1136 : vector<16xf32>
        %swap3A_1138 = arith.index_cast %scan3A_616 : i32 to index
        %swap3A_1139 = arith.constant 480 : index
        %swap3A_1140 = tpu.vector_load %arg7[%swap3A_1138, %swap3A_1139] {strides = array<i32>} : memref<40x512xf32, #tpu.memory_space<vmem>>, vector<1x16xf32>,
        %swap3A_1141 = vector.shape_cast %swap3A_1140 : vector<1x16xf32> to vector<16xf32>
        %swap3A_1142 = vector.shape_cast %add3A_1137 : vector<16xf32> to vector<1x16xf32>
        tpu.vector_store %arg7[%swap3A_1138, %swap3A_1139], %swap3A_1142 {strides = array<i32>} : memref<40x512xf32, #tpu.memory_space<vmem>>, vector<1x16xf32>,
        %get3A_1143 = arith.index_cast %scan3A_616 : i32 to index
        %get3A_1144 = arith.constant 496 : index
        %get3A_1145 = tpu.vector_load %arg7[%get3A_1143, %get3A_1144] {strides = array<i32>} : memref<40x512xf32, #tpu.memory_space<vmem>>, vector<1x16xf32>,
        %get3A_1146 = vector.shape_cast %get3A_1145 : vector<1x16xf32> to vector<16xf32>
        %mul3A_1147 = arith.constant 22.6274166 : f32
        %mul3A_1148 = vector.broadcast %mul3A_1147 : f32 to vector<16xf32>
        %mul3A_1149 = arith.mulf %get3A_1146, %mul3A_1148 : vector<16xf32>
        %get3A_1150 = arith.index_cast %scan3A_616 : i32 to index
        %get3A_1151 = arith.constant 496 : index
        %get3A_1152 = tpu.vector_load %arg6[%get3A_1150, %get3A_1151] {strides = array<i32>} : memref<40x512xf32, #tpu.memory_space<vmem>>, vector<1x16xf32>,
        %get3A_1153 = vector.shape_cast %get3A_1152 : vector<1x16xf32> to vector<16xf32>
        %add3A_1154 = arith.addf %mul3A_1149, %get3A_1153 : vector<16xf32>
        %swap3A_1155 = arith.index_cast %scan3A_616 : i32 to index
        %swap3A_1156 = arith.constant 496 : index
        %swap3A_1157 = tpu.vector_load %arg7[%swap3A_1155, %swap3A_1156] {strides = array<i32>} : memref<40x512xf32, #tpu.memory_space<vmem>>, vector<1x16xf32>,
        %swap3A_1158 = vector.shape_cast %swap3A_1157 : vector<1x16xf32> to vector<16xf32>
        %swap3A_1159 = vector.shape_cast %add3A_1154 : vector<16xf32> to vector<1x16xf32>
        tpu.vector_store %arg7[%swap3A_1155, %swap3A_1156], %swap3A_1159 {strides = array<i32>} : memref<40x512xf32, #tpu.memory_space<vmem>>, vector<1x16xf32>,
        %scan3A_1160 = arith.constant 0 : i32
        scf.yield %scan3A_1160 : i32
      }
      %scan3A_121 = arith.constant 40 : i32
      %jit3A_122 = arith.constant 32 : i32
      %eq3A_123 = arith.constant 0 : i32
      %eq3A_124 = arith.cmpi eq, %jit3A_122, %eq3A_123 : i32
      %jit3A_125 = arith.constant 1 : i32
      %select_n3A_126 = arith.select %eq3A_124, %jit3A_125, %jit3A_122 : i32
      %rem3A_127 = arith.remsi %add3A_97, %select_n3A_126 : i32
      %ne3A_128 = arith.constant 0 : i32
      %ne3A_129 = arith.cmpi ne, %rem3A_127, %ne3A_128 : i32
      %lt3A_130 = arith.constant 0 : i32
      %lt3A_131 = arith.cmpi slt, %rem3A_127, %lt3A_130 : i32
      %lt3A_132 = arith.constant 0 : i32
      %lt3A_133 = arith.cmpi slt, %select_n3A_126, %lt3A_132 : i32
      %ne3A_134 = arith.xori %lt3A_131, %lt3A_133 : i1
      %and3A_135 = arith.andi %ne3A_134, %ne3A_129 : i1
      %add3A_136 = arith.addi %rem3A_127, %select_n3A_126 : i32
      %select_n3A_137 = arith.select %and3A_135, %add3A_136, %rem3A_127 : i32
      %add3A_138 = arith.addi %mul3A_2, %select_n3A_137 : i32
      %mul3A_139 = arith.constant 200 : i32
      %mul3A_140 = arith.muli %add3A_138, %mul3A_139 : i32
      %jit3A_141 = arith.constant 32 : i32
      %div3A = arith.divsi %add3A_97, %jit3A_141 : i32
      %sign3A = arith.constant 0 : i32
      %sign3A_142 = arith.cmpi sgt, %add3A_97, %sign3A : i32
      %sign3A_143 = arith.extui %sign3A_142 : i1 to i32
      %sign3A_144 = arith.constant 0 : i32
      %sign3A_145 = arith.cmpi slt, %add3A_97, %sign3A_144 : i32
      %sign3A_146 = arith.extui %sign3A_145 : i1 to i32
      %sign3A_147 = arith.subi %sign3A_143, %sign3A_146 : i32
      %sign3A_148 = arith.constant 0 : i32
      %sign3A_149 = arith.cmpi sgt, %jit3A_141, %sign3A_148 : i32
      %sign3A_150 = arith.extui %sign3A_149 : i1 to i32
      %sign3A_151 = arith.constant 0 : i32
      %sign3A_152 = arith.cmpi slt, %jit3A_141, %sign3A_151 : i32
      %sign3A_153 = arith.extui %sign3A_152 : i1 to i32
      %sign3A_154 = arith.subi %sign3A_150, %sign3A_153 : i32
      %ne3A_155 = arith.cmpi ne, %sign3A_147, %sign3A_154 : i32
      %rem3A_156 = arith.remsi %add3A_97, %jit3A_141 : i32
      %ne3A_157 = arith.constant 0 : i32
      %ne3A_158 = arith.cmpi ne, %rem3A_156, %ne3A_157 : i32
      %and3A_159 = arith.andi %ne3A_155, %ne3A_158 : i1
      %sub3A = arith.constant 1 : i32
      %sub3A_160 = arith.subi %div3A, %sub3A : i32
      %select_n3A_161 = arith.select %and3A_159, %sub3A_160, %div3A : i32
      %mul3A_162 = arith.constant 40 : i32
      %mul3A_163 = arith.muli %select_n3A_161, %mul3A_162 : i32
      %add3A_164 = arith.addi %mul3A_140, %mul3A_163 : i32
      %dma_start3A_165 = arith.constant 0 : i32
      %dma_start3A_166 = tpu.memref_slice %arg5[%add3A_164, %dma_start3A_165] : memref<204800x512xf32, #tpu.memory_space<hbm>> -> memref<40x512xf32, #tpu.memory_space<hbm>>
      %dma_start3A_167 = arith.constant 0 : i32
      %dma_start3A_168 = tpu.memref_slice %arg5[%add3A_164, %dma_start3A_167] : memref<204800x512xf32, #tpu.memory_space<hbm>> -> memref<40x512xf32, #tpu.memory_space<hbm>>
      tpu.enqueue_dma source(%arg7 : memref<40x512xf32, #tpu.memory_space<vmem>>) target(%dma_start3A_168 : memref<40x512xf32, #tpu.memory_space<hbm>>) target_semaphore(%arg22 : memref<!tpu.dma_semaphore, #tpu.memory_space<semaphore_mem>>)
      %ge3A = arith.constant 2 : i32
      %ge3A_169 = arith.cmpi sge, %add3A_97, %ge3A : i32
      %convert_element_type3A_170 = arith.extui %ge3A_169 : i1 to i32
      %cond3A_171 = arith.constant 0 : i32
      %cond3A_172 = arith.cmpi ne, %convert_element_type3A_170, %cond3A_171 : i32
      scf.if %cond3A_172 {
        %sub3A_616 = arith.constant 2 : i32
        %sub3A_617 = arith.subi %add3A_97, %sub3A_616 : i32
        %jit3A_618 = arith.constant 32 : i32
        %eq3A_619 = arith.constant 0 : i32
        %eq3A_620 = arith.cmpi eq, %jit3A_618, %eq3A_619 : i32
        %jit3A_621 = arith.constant 1 : i32
        %select_n3A_622 = arith.select %eq3A_620, %jit3A_621, %jit3A_618 : i32
        %rem3A_623 = arith.remsi %sub3A_617, %select_n3A_622 : i32
        %ne3A_624 = arith.constant 0 : i32
        %ne3A_625 = arith.cmpi ne, %rem3A_623, %ne3A_624 : i32
        %lt3A_626 = arith.constant 0 : i32
        %lt3A_627 = arith.cmpi slt, %rem3A_623, %lt3A_626 : i32
        %lt3A_628 = arith.constant 0 : i32
        %lt3A_629 = arith.cmpi slt, %select_n3A_622, %lt3A_628 : i32
        %ne3A_630 = arith.xori %lt3A_627, %lt3A_629 : i1
        %and3A_631 = arith.andi %ne3A_630, %ne3A_625 : i1
        %add3A_632 = arith.addi %rem3A_623, %select_n3A_622 : i32
        %select_n3A_633 = arith.select %and3A_631, %add3A_632, %rem3A_623 : i32
        %add3A_634 = arith.addi %mul3A_2, %select_n3A_633 : i32
        %mul3A_635 = arith.constant 200 : i32
        %mul3A_636 = arith.muli %add3A_634, %mul3A_635 : i32
        %jit3A_637 = arith.constant 32 : i32
        %div3A_638 = arith.divsi %sub3A_617, %jit3A_637 : i32
        %sign3A_639 = arith.constant 0 : i32
        %sign3A_640 = arith.cmpi sgt, %sub3A_617, %sign3A_639 : i32
        %sign3A_641 = arith.extui %sign3A_640 : i1 to i32
        %sign3A_642 = arith.constant 0 : i32
        %sign3A_643 = arith.cmpi slt, %sub3A_617, %sign3A_642 : i32
        %sign3A_644 = arith.extui %sign3A_643 : i1 to i32
        %sign3A_645 = arith.subi %sign3A_641, %sign3A_644 : i32
        %sign3A_646 = arith.constant 0 : i32
        %sign3A_647 = arith.cmpi sgt, %jit3A_637, %sign3A_646 : i32
        %sign3A_648 = arith.extui %sign3A_647 : i1 to i32
        %sign3A_649 = arith.constant 0 : i32
        %sign3A_650 = arith.cmpi slt, %jit3A_637, %sign3A_649 : i32
        %sign3A_651 = arith.extui %sign3A_650 : i1 to i32
        %sign3A_652 = arith.subi %sign3A_648, %sign3A_651 : i32
        %ne3A_653 = arith.cmpi ne, %sign3A_645, %sign3A_652 : i32
        %rem3A_654 = arith.remsi %sub3A_617, %jit3A_637 : i32
        %ne3A_655 = arith.constant 0 : i32
        %ne3A_656 = arith.cmpi ne, %rem3A_654, %ne3A_655 : i32
        %and3A_657 = arith.andi %ne3A_653, %ne3A_656 : i1
        %sub3A_658 = arith.constant 1 : i32
        %sub3A_659 = arith.subi %div3A_638, %sub3A_658 : i32
        %select_n3A_660 = arith.select %and3A_657, %sub3A_659, %div3A_638 : i32
        %mul3A_661 = arith.constant 40 : i32
        %mul3A_662 = arith.muli %select_n3A_660, %mul3A_661 : i32
        %add3A_663 = arith.addi %mul3A_636, %mul3A_662 : i32
        %dma_wait3A_664 = arith.constant 0 : i32
        %dma_wait3A_665 = tpu.memref_slice %arg5[%add3A_663, %dma_wait3A_664] : memref<204800x512xf32, #tpu.memory_space<hbm>> -> memref<40x512xf32, #tpu.memory_space<hbm>>
        %dma_wait3A_666 = arith.constant 0 : i32
        %dma_wait3A_667 = tpu.memref_slice %arg5[%add3A_663, %dma_wait3A_666] : memref<204800x512xf32, #tpu.memory_space<hbm>> -> memref<40x512xf32, #tpu.memory_space<hbm>>
        tpu.wait_dma2 semaphore(%arg25 : memref<!tpu.dma_semaphore, #tpu.memory_space<semaphore_mem>>) src(%arg10 : memref<40x512xf32, #tpu.memory_space<vmem>>) dst(%dma_wait3A_667 : memref<40x512xf32, #tpu.memory_space<hbm>>)
      } else {
      }
      %add3A_173 = arith.constant 3 : i32
      %add3A_174 = arith.addi %add3A_97, %add3A_173 : i32
      %lt3A_175 = arith.constant 160 : i32
      %lt3A_176 = arith.cmpi slt, %add3A_174, %lt3A_175 : i32
      %convert_element_type3A_177 = arith.extui %lt3A_176 : i1 to i32
      %cond3A_178 = arith.constant 0 : i32
      %cond3A_179 = arith.cmpi ne, %convert_element_type3A_177, %cond3A_178 : i32
      scf.if %cond3A_179 {
        %add3A_616 = arith.constant 3 : i32
        %add3A_617 = arith.addi %add3A_97, %add3A_616 : i32
        %mul3A_618 = arith.constant 160 : i32
        %mul3A_619 = arith.muli %add3A, %mul3A_618 : i32
        %add3A_620 = arith.addi %mul3A_619, %add3A_617 : i32
        %mul3A_621 = arith.constant 40 : i32
        %mul3A_622 = arith.muli %add3A_620, %mul3A_621 : i32
        %dma_wait3A_623 = tpu.memref_slice %arg2[%mul3A_622] : memref<204800xi32, #tpu.memory_space<hbm>> -> memref<40xi32, #tpu.memory_space<hbm>>
        %dma_wait3A_624 = tpu.memref_slice %arg2[%mul3A_622] : memref<204800xi32, #tpu.memory_space<hbm>> -> memref<40xi32, #tpu.memory_space<hbm>>
        tpu.wait_dma2 semaphore(%arg30 : memref<!tpu.dma_semaphore, #tpu.memory_space<semaphore_mem>>) src(%dma_wait3A_624 : memref<40xi32, #tpu.memory_space<hbm>>) dst(%arg15 : memref<40xi32, #tpu.memory_space<vmem>>)
        %add3A_625 = arith.constant 3 : i32
        %add3A_626 = arith.addi %add3A_97, %add3A_625 : i32
        %dma_start3A_627 = arith.constant 0 : i32
        %dma_start3A_628 = arith.constant 0 : i32
        %dma_start3A_629 = tpu.memref_slice %arg3[%dma_start3A_627, %dma_start3A_628] : memref<100000x512xf32, #tpu.memory_space<hbm>> -> memref<100000x512xf32, #tpu.memory_space<hbm>>
        tpu.enqueue_indirect_dma source(%dma_start3A_629 : memref<100000x512xf32, #tpu.memory_space<hbm>>) target(%arg10 : memref<40x512xf32, #tpu.memory_space<vmem>>) offsets(%arg15 : memref<40xi32, #tpu.memory_space<vmem>>) semaphore(%arg20 : memref<!tpu.dma_semaphore, #tpu.memory_space<semaphore_mem>>)
      } else {
      }
      %add3A_180 = arith.constant 4 : i32
      %add3A_181 = arith.addi %add3A_97, %add3A_180 : i32
      %lt3A_182 = arith.constant 160 : i32
      %lt3A_183 = arith.cmpi slt, %add3A_181, %lt3A_182 : i32
      %convert_element_type3A_184 = arith.extui %lt3A_183 : i1 to i32
      %cond3A_185 = arith.constant 0 : i32
      %cond3A_186 = arith.cmpi ne, %convert_element_type3A_184, %cond3A_185 : i32
      scf.if %cond3A_186 {
        %add3A_616 = arith.constant 4 : i32
        %add3A_617 = arith.addi %add3A_97, %add3A_616 : i32
        %mul3A_618 = arith.constant 160 : i32
        %mul3A_619 = arith.muli %add3A, %mul3A_618 : i32
        %add3A_620 = arith.addi %mul3A_619, %add3A_617 : i32
        %mul3A_621 = arith.constant 40 : i32
        %mul3A_622 = arith.muli %add3A_620, %mul3A_621 : i32
        %dma_start3A_623 = tpu.memref_slice %arg2[%mul3A_622] : memref<204800xi32, #tpu.memory_space<hbm>> -> memref<40xi32, #tpu.memory_space<hbm>>
        %dma_start3A_624 = tpu.memref_slice %arg2[%mul3A_622] : memref<204800xi32, #tpu.memory_space<hbm>> -> memref<40xi32, #tpu.memory_space<hbm>>
        tpu.enqueue_dma source(%dma_start3A_624 : memref<40xi32, #tpu.memory_space<hbm>>) target(%arg16 : memref<40xi32, #tpu.memory_space<vmem>>) target_semaphore(%arg31 : memref<!tpu.dma_semaphore, #tpu.memory_space<semaphore_mem>>)
      } else {
      }
      %mul3A_187 = arith.constant 5 : i32
      %mul3A_188 = arith.muli %scan3A_92, %mul3A_187 : i32
      %add3A_189 = arith.constant 1 : i32
      %add3A_190 = arith.addi %mul3A_188, %add3A_189 : i32
      %jit3A_191 = arith.constant 32 : i32
      %eq3A_192 = arith.constant 0 : i32
      %eq3A_193 = arith.cmpi eq, %jit3A_191, %eq3A_192 : i32
      %jit3A_194 = arith.constant 1 : i32
      %select_n3A_195 = arith.select %eq3A_193, %jit3A_194, %jit3A_191 : i32
      %rem3A_196 = arith.remsi %add3A_190, %select_n3A_195 : i32
      %ne3A_197 = arith.constant 0 : i32
      %ne3A_198 = arith.cmpi ne, %rem3A_196, %ne3A_197 : i32
      %lt3A_199 = arith.constant 0 : i32
      %lt3A_200 = arith.cmpi slt, %rem3A_196, %lt3A_199 : i32
      %lt3A_201 = arith.constant 0 : i32
      %lt3A_202 = arith.cmpi slt, %select_n3A_195, %lt3A_201 : i32
      %ne3A_203 = arith.xori %lt3A_200, %lt3A_202 : i1
      %and3A_204 = arith.andi %ne3A_203, %ne3A_198 : i1
      %add3A_205 = arith.addi %rem3A_196, %select_n3A_195 : i32
      %select_n3A_206 = arith.select %and3A_204, %add3A_205, %rem3A_196 : i32
      %eq3A_207 = arith.constant 0 : i32
      %eq3A_208 = arith.cmpi eq, %select_n3A_206, %eq3A_207 : i32
      %gt3A_209 = arith.constant 0 : i32
      %gt3A_210 = arith.cmpi sgt, %add3A_190, %gt3A_209 : i32
      %and3A_211 = arith.andi %eq3A_208, %gt3A_210 : i1
      %convert_element_type3A_212 = arith.extui %and3A_211 : i1 to i32
      %cond3A_213 = arith.constant 0 : i32
      %cond3A_214 = arith.cmpi ne, %convert_element_type3A_212, %cond3A_213 : i32
      scf.if %cond3A_214 {
        %jit3A_616 = arith.constant 32 : i32
        %div3A_617 = arith.divsi %add3A_190, %jit3A_616 : i32
        %sign3A_618 = arith.constant 0 : i32
        %sign3A_619 = arith.cmpi sgt, %add3A_190, %sign3A_618 : i32
        %sign3A_620 = arith.extui %sign3A_619 : i1 to i32
        %sign3A_621 = arith.constant 0 : i32
        %sign3A_622 = arith.cmpi slt, %add3A_190, %sign3A_621 : i32
        %sign3A_623 = arith.extui %sign3A_622 : i1 to i32
        %sign3A_624 = arith.subi %sign3A_620, %sign3A_623 : i32
        %sign3A_625 = arith.constant 0 : i32
        %sign3A_626 = arith.cmpi sgt, %jit3A_616, %sign3A_625 : i32
        %sign3A_627 = arith.extui %sign3A_626 : i1 to i32
        %sign3A_628 = arith.constant 0 : i32
        %sign3A_629 = arith.cmpi slt, %jit3A_616, %sign3A_628 : i32
        %sign3A_630 = arith.extui %sign3A_629 : i1 to i32
        %sign3A_631 = arith.subi %sign3A_627, %sign3A_630 : i32
        %ne3A_632 = arith.cmpi ne, %sign3A_624, %sign3A_631 : i32
        %rem3A_633 = arith.remsi %add3A_190, %jit3A_616 : i32
        %ne3A_634 = arith.constant 0 : i32
        %ne3A_635 = arith.cmpi ne, %rem3A_633, %ne3A_634 : i32
        %and3A_636 = arith.andi %ne3A_632, %ne3A_635 : i1
        %sub3A_637 = arith.constant 1 : i32
        %sub3A_638 = arith.subi %div3A_617, %sub3A_637 : i32
        %select_n3A_639 = arith.select %and3A_636, %sub3A_638, %div3A_617 : i32
        %mul3A_640 = arith.constant 40 : i32
        %mul3A_641 = arith.muli %select_n3A_639, %mul3A_640 : i32
        "tpu.region"() ({
          %run_scoped3A = tpu.sem_alloc : memref<!tpu.dma_semaphore, #tpu.memory_space<semaphore_mem>>
          %dma_start3A_642 = arith.constant 0 : i32
          %dma_start3A_643 = tpu.memref_slice %arg4[%mul3A_641, %dma_start3A_642] : memref<200x512xf32, #tpu.memory_space<hbm>> -> memref<40x512xf32, #tpu.memory_space<hbm>>
          %dma_start3A_644 = arith.constant 0 : i32
          %dma_start3A_645 = tpu.memref_slice %arg4[%mul3A_641, %dma_start3A_644] : memref<200x512xf32, #tpu.memory_space<hbm>> -> memref<40x512xf32, #tpu.memory_space<hbm>>
          tpu.enqueue_dma source(%dma_start3A_645 : memref<40x512xf32, #tpu.memory_space<hbm>>) target(%arg6 : memref<40x512xf32, #tpu.memory_space<vmem>>) target_semaphore(%run_scoped3A : memref<!tpu.dma_semaphore, #tpu.memory_space<semaphore_mem>>)
          %dma_wait3A_646 = arith.constant 0 : i32
          %dma_wait3A_647 = tpu.memref_slice %arg4[%mul3A_641, %dma_wait3A_646] : memref<200x512xf32, #tpu.memory_space<hbm>> -> memref<40x512xf32, #tpu.memory_space<hbm>>
          %dma_wait3A_648 = arith.constant 0 : i32
          %dma_wait3A_649 = tpu.memref_slice %arg4[%mul3A_641, %dma_wait3A_648] : memref<200x512xf32, #tpu.memory_space<hbm>> -> memref<40x512xf32, #tpu.memory_space<hbm>>
          tpu.wait_dma2 semaphore(%run_scoped3A : memref<!tpu.dma_semaphore, #tpu.memory_space<semaphore_mem>>) src(%dma_wait3A_649 : memref<40x512xf32, #tpu.memory_space<hbm>>) dst(%arg6 : memref<40x512xf32, #tpu.memory_space<vmem>>)
          tpu.yield
        }) : () -> ()
      } else {
      }
      %dma_wait3A_215 = arith.constant 0 : i32
      %dma_wait3A_216 = arith.constant 0 : i32
      %dma_wait3A_217 = tpu.memref_slice %arg3[%dma_wait3A_215, %dma_wait3A_216] : memref<100000x512xf32, #tpu.memory_space<hbm>> -> memref<100000x512xf32, #tpu.memory_space<hbm>>
      tpu.wait_indirect_dma semaphore(%arg18 : memref<!tpu.dma_semaphore, #tpu.memory_space<semaphore_mem>>) src(%dma_wait3A_217 : memref<100000x512xf32, #tpu.memory_space<hbm>>) dst(%arg8 : memref<40x512xf32, #tpu.memory_space<vmem>>)
      %scan3A_218 = arith.constant 0 : i32
      %scan3A_219 = arith.constant 0 : i32
      %scan3A_220 = arith.constant 40 : i32
      %scan3A_221 = arith.addi %scan3A_219, %scan3A_220 : i32
      %scan3A_222 = arith.constant 1 : i32
      %scan3A_223 = scf.for %scan3A_616 = %scan3A_219 to %scan3A_221 step %scan3A_222 iter_args(%scan3A_617 = %scan3A_218) -> (i32)  : i32 {
        %get3A = arith.index_cast %scan3A_616 : i32 to index
        %get3A_618 = arith.constant 0 : index
        %get3A_619 = tpu.vector_load %arg8[%get3A, %get3A_618] {strides = array<i32>} : memref<40x512xf32, #tpu.memory_space<vmem>>, vector<1x16xf32>,
        %get3A_620 = vector.shape_cast %get3A_619 : vector<1x16xf32> to vector<16xf32>
        %mul3A_621 = arith.constant 22.6274166 : f32
        %mul3A_622 = vector.broadcast %mul3A_621 : f32 to vector<16xf32>
        %mul3A_623 = arith.mulf %get3A_620, %mul3A_622 : vector<16xf32>
        %get3A_624 = arith.index_cast %scan3A_616 : i32 to index
        %get3A_625 = arith.constant 0 : index
        %get3A_626 = tpu.vector_load %arg6[%get3A_624, %get3A_625] {strides = array<i32>} : memref<40x512xf32, #tpu.memory_space<vmem>>, vector<1x16xf32>,
        %get3A_627 = vector.shape_cast %get3A_626 : vector<1x16xf32> to vector<16xf32>
        %add3A_628 = arith.addf %mul3A_623, %get3A_627 : vector<16xf32>
        %swap3A = arith.index_cast %scan3A_616 : i32 to index
        %swap3A_629 = arith.constant 0 : index
        %swap3A_630 = tpu.vector_load %arg8[%swap3A, %swap3A_629] {strides = array<i32>} : memref<40x512xf32, #tpu.memory_space<vmem>>, vector<1x16xf32>,
        %swap3A_631 = vector.shape_cast %swap3A_630 : vector<1x16xf32> to vector<16xf32>
        %swap3A_632 = vector.shape_cast %add3A_628 : vector<16xf32> to vector<1x16xf32>
        tpu.vector_store %arg8[%swap3A, %swap3A_629], %swap3A_632 {strides = array<i32>} : memref<40x512xf32, #tpu.memory_space<vmem>>, vector<1x16xf32>,
        %get3A_633 = arith.index_cast %scan3A_616 : i32 to index
        %get3A_634 = arith.constant 16 : index
        %get3A_635 = tpu.vector_load %arg8[%get3A_633, %get3A_634] {strides = array<i32>} : memref<40x512xf32, #tpu.memory_space<vmem>>, vector<1x16xf32>,
        %get3A_636 = vector.shape_cast %get3A_635 : vector<1x16xf32> to vector<16xf32>
        %mul3A_637 = arith.constant 22.6274166 : f32
        %mul3A_638 = vector.broadcast %mul3A_637 : f32 to vector<16xf32>
        %mul3A_639 = arith.mulf %get3A_636, %mul3A_638 : vector<16xf32>
        %get3A_640 = arith.index_cast %scan3A_616 : i32 to index
        %get3A_641 = arith.constant 16 : index
        %get3A_642 = tpu.vector_load %arg6[%get3A_640, %get3A_641] {strides = array<i32>} : memref<40x512xf32, #tpu.memory_space<vmem>>, vector<1x16xf32>,
        %get3A_643 = vector.shape_cast %get3A_642 : vector<1x16xf32> to vector<16xf32>
        %add3A_644 = arith.addf %mul3A_639, %get3A_643 : vector<16xf32>
        %swap3A_645 = arith.index_cast %scan3A_616 : i32 to index
        %swap3A_646 = arith.constant 16 : index
        %swap3A_647 = tpu.vector_load %arg8[%swap3A_645, %swap3A_646] {strides = array<i32>} : memref<40x512xf32, #tpu.memory_space<vmem>>, vector<1x16xf32>,
        %swap3A_648 = vector.shape_cast %swap3A_647 : vector<1x16xf32> to vector<16xf32>
        %swap3A_649 = vector.shape_cast %add3A_644 : vector<16xf32> to vector<1x16xf32>
        tpu.vector_store %arg8[%swap3A_645, %swap3A_646], %swap3A_649 {strides = array<i32>} : memref<40x512xf32, #tpu.memory_space<vmem>>, vector<1x16xf32>,
        %get3A_650 = arith.index_cast %scan3A_616 : i32 to index
        %get3A_651 = arith.constant 32 : index
        %get3A_652 = tpu.vector_load %arg8[%get3A_650, %get3A_651] {strides = array<i32>} : memref<40x512xf32, #tpu.memory_space<vmem>>, vector<1x16xf32>,
        %get3A_653 = vector.shape_cast %get3A_652 : vector<1x16xf32> to vector<16xf32>
        %mul3A_654 = arith.constant 22.6274166 : f32
        %mul3A_655 = vector.broadcast %mul3A_654 : f32 to vector<16xf32>
        %mul3A_656 = arith.mulf %get3A_653, %mul3A_655 : vector<16xf32>
        %get3A_657 = arith.index_cast %scan3A_616 : i32 to index
        %get3A_658 = arith.constant 32 : index
        %get3A_659 = tpu.vector_load %arg6[%get3A_657, %get3A_658] {strides = array<i32>} : memref<40x512xf32, #tpu.memory_space<vmem>>, vector<1x16xf32>,
        %get3A_660 = vector.shape_cast %get3A_659 : vector<1x16xf32> to vector<16xf32>
        %add3A_661 = arith.addf %mul3A_656, %get3A_660 : vector<16xf32>
        %swap3A_662 = arith.index_cast %scan3A_616 : i32 to index
        %swap3A_663 = arith.constant 32 : index
        %swap3A_664 = tpu.vector_load %arg8[%swap3A_662, %swap3A_663] {strides = array<i32>} : memref<40x512xf32, #tpu.memory_space<vmem>>, vector<1x16xf32>,
        %swap3A_665 = vector.shape_cast %swap3A_664 : vector<1x16xf32> to vector<16xf32>
        %swap3A_666 = vector.shape_cast %add3A_661 : vector<16xf32> to vector<1x16xf32>
        tpu.vector_store %arg8[%swap3A_662, %swap3A_663], %swap3A_666 {strides = array<i32>} : memref<40x512xf32, #tpu.memory_space<vmem>>, vector<1x16xf32>,
        %get3A_667 = arith.index_cast %scan3A_616 : i32 to index
        %get3A_668 = arith.constant 48 : index
        %get3A_669 = tpu.vector_load %arg8[%get3A_667, %get3A_668] {strides = array<i32>} : memref<40x512xf32, #tpu.memory_space<vmem>>, vector<1x16xf32>,
        %get3A_670 = vector.shape_cast %get3A_669 : vector<1x16xf32> to vector<16xf32>
        %mul3A_671 = arith.constant 22.6274166 : f32
        %mul3A_672 = vector.broadcast %mul3A_671 : f32 to vector<16xf32>
        %mul3A_673 = arith.mulf %get3A_670, %mul3A_672 : vector<16xf32>
        %get3A_674 = arith.index_cast %scan3A_616 : i32 to index
        %get3A_675 = arith.constant 48 : index
        %get3A_676 = tpu.vector_load %arg6[%get3A_674, %get3A_675] {strides = array<i32>} : memref<40x512xf32, #tpu.memory_space<vmem>>, vector<1x16xf32>,
        %get3A_677 = vector.shape_cast %get3A_676 : vector<1x16xf32> to vector<16xf32>
        %add3A_678 = arith.addf %mul3A_673, %get3A_677 : vector<16xf32>
        %swap3A_679 = arith.index_cast %scan3A_616 : i32 to index
        %swap3A_680 = arith.constant 48 : index
        %swap3A_681 = tpu.vector_load %arg8[%swap3A_679, %swap3A_680] {strides = array<i32>} : memref<40x512xf32, #tpu.memory_space<vmem>>, vector<1x16xf32>,
        %swap3A_682 = vector.shape_cast %swap3A_681 : vector<1x16xf32> to vector<16xf32>
        %swap3A_683 = vector.shape_cast %add3A_678 : vector<16xf32> to vector<1x16xf32>
        tpu.vector_store %arg8[%swap3A_679, %swap3A_680], %swap3A_683 {strides = array<i32>} : memref<40x512xf32, #tpu.memory_space<vmem>>, vector<1x16xf32>,
        %get3A_684 = arith.index_cast %scan3A_616 : i32 to index
        %get3A_685 = arith.constant 64 : index
        %get3A_686 = tpu.vector_load %arg8[%get3A_684, %get3A_685] {strides = array<i32>} : memref<40x512xf32, #tpu.memory_space<vmem>>, vector<1x16xf32>,
        %get3A_687 = vector.shape_cast %get3A_686 : vector<1x16xf32> to vector<16xf32>
        %mul3A_688 = arith.constant 22.6274166 : f32
        %mul3A_689 = vector.broadcast %mul3A_688 : f32 to vector<16xf32>
        %mul3A_690 = arith.mulf %get3A_687, %mul3A_689 : vector<16xf32>
        %get3A_691 = arith.index_cast %scan3A_616 : i32 to index
        %get3A_692 = arith.constant 64 : index
        %get3A_693 = tpu.vector_load %arg6[%get3A_691, %get3A_692] {strides = array<i32>} : memref<40x512xf32, #tpu.memory_space<vmem>>, vector<1x16xf32>,
        %get3A_694 = vector.shape_cast %get3A_693 : vector<1x16xf32> to vector<16xf32>
        %add3A_695 = arith.addf %mul3A_690, %get3A_694 : vector<16xf32>
        %swap3A_696 = arith.index_cast %scan3A_616 : i32 to index
        %swap3A_697 = arith.constant 64 : index
        %swap3A_698 = tpu.vector_load %arg8[%swap3A_696, %swap3A_697] {strides = array<i32>} : memref<40x512xf32, #tpu.memory_space<vmem>>, vector<1x16xf32>,
        %swap3A_699 = vector.shape_cast %swap3A_698 : vector<1x16xf32> to vector<16xf32>
        %swap3A_700 = vector.shape_cast %add3A_695 : vector<16xf32> to vector<1x16xf32>
        tpu.vector_store %arg8[%swap3A_696, %swap3A_697], %swap3A_700 {strides = array<i32>} : memref<40x512xf32, #tpu.memory_space<vmem>>, vector<1x16xf32>,
        %get3A_701 = arith.index_cast %scan3A_616 : i32 to index
        %get3A_702 = arith.constant 80 : index
        %get3A_703 = tpu.vector_load %arg8[%get3A_701, %get3A_702] {strides = array<i32>} : memref<40x512xf32, #tpu.memory_space<vmem>>, vector<1x16xf32>,
        %get3A_704 = vector.shape_cast %get3A_703 : vector<1x16xf32> to vector<16xf32>
        %mul3A_705 = arith.constant 22.6274166 : f32
        %mul3A_706 = vector.broadcast %mul3A_705 : f32 to vector<16xf32>
        %mul3A_707 = arith.mulf %get3A_704, %mul3A_706 : vector<16xf32>
        %get3A_708 = arith.index_cast %scan3A_616 : i32 to index
        %get3A_709 = arith.constant 80 : index
        %get3A_710 = tpu.vector_load %arg6[%get3A_708, %get3A_709] {strides = array<i32>} : memref<40x512xf32, #tpu.memory_space<vmem>>, vector<1x16xf32>,
        %get3A_711 = vector.shape_cast %get3A_710 : vector<1x16xf32> to vector<16xf32>
        %add3A_712 = arith.addf %mul3A_707, %get3A_711 : vector<16xf32>
        %swap3A_713 = arith.index_cast %scan3A_616 : i32 to index
        %swap3A_714 = arith.constant 80 : index
        %swap3A_715 = tpu.vector_load %arg8[%swap3A_713, %swap3A_714] {strides = array<i32>} : memref<40x512xf32, #tpu.memory_space<vmem>>, vector<1x16xf32>,
        %swap3A_716 = vector.shape_cast %swap3A_715 : vector<1x16xf32> to vector<16xf32>
        %swap3A_717 = vector.shape_cast %add3A_712 : vector<16xf32> to vector<1x16xf32>
        tpu.vector_store %arg8[%swap3A_713, %swap3A_714], %swap3A_717 {strides = array<i32>} : memref<40x512xf32, #tpu.memory_space<vmem>>, vector<1x16xf32>,
        %get3A_718 = arith.index_cast %scan3A_616 : i32 to index
        %get3A_719 = arith.constant 96 : index
        %get3A_720 = tpu.vector_load %arg8[%get3A_718, %get3A_719] {strides = array<i32>} : memref<40x512xf32, #tpu.memory_space<vmem>>, vector<1x16xf32>,
        %get3A_721 = vector.shape_cast %get3A_720 : vector<1x16xf32> to vector<16xf32>
        %mul3A_722 = arith.constant 22.6274166 : f32
        %mul3A_723 = vector.broadcast %mul3A_722 : f32 to vector<16xf32>
        %mul3A_724 = arith.mulf %get3A_721, %mul3A_723 : vector<16xf32>
        %get3A_725 = arith.index_cast %scan3A_616 : i32 to index
        %get3A_726 = arith.constant 96 : index
        %get3A_727 = tpu.vector_load %arg6[%get3A_725, %get3A_726] {strides = array<i32>} : memref<40x512xf32, #tpu.memory_space<vmem>>, vector<1x16xf32>,
        %get3A_728 = vector.shape_cast %get3A_727 : vector<1x16xf32> to vector<16xf32>
        %add3A_729 = arith.addf %mul3A_724, %get3A_728 : vector<16xf32>
        %swap3A_730 = arith.index_cast %scan3A_616 : i32 to index
        %swap3A_731 = arith.constant 96 : index
        %swap3A_732 = tpu.vector_load %arg8[%swap3A_730, %swap3A_731] {strides = array<i32>} : memref<40x512xf32, #tpu.memory_space<vmem>>, vector<1x16xf32>,
        %swap3A_733 = vector.shape_cast %swap3A_732 : vector<1x16xf32> to vector<16xf32>
        %swap3A_734 = vector.shape_cast %add3A_729 : vector<16xf32> to vector<1x16xf32>
        tpu.vector_store %arg8[%swap3A_730, %swap3A_731], %swap3A_734 {strides = array<i32>} : memref<40x512xf32, #tpu.memory_space<vmem>>, vector<1x16xf32>,
        %get3A_735 = arith.index_cast %scan3A_616 : i32 to index
        %get3A_736 = arith.constant 112 : index
        %get3A_737 = tpu.vector_load %arg8[%get3A_735, %get3A_736] {strides = array<i32>} : memref<40x512xf32, #tpu.memory_space<vmem>>, vector<1x16xf32>,
        %get3A_738 = vector.shape_cast %get3A_737 : vector<1x16xf32> to vector<16xf32>
        %mul3A_739 = arith.constant 22.6274166 : f32
        %mul3A_740 = vector.broadcast %mul3A_739 : f32 to vector<16xf32>
        %mul3A_741 = arith.mulf %get3A_738, %mul3A_740 : vector<16xf32>
        %get3A_742 = arith.index_cast %scan3A_616 : i32 to index
        %get3A_743 = arith.constant 112 : index
        %get3A_744 = tpu.vector_load %arg6[%get3A_742, %get3A_743] {strides = array<i32>} : memref<40x512xf32, #tpu.memory_space<vmem>>, vector<1x16xf32>,
        %get3A_745 = vector.shape_cast %get3A_744 : vector<1x16xf32> to vector<16xf32>
        %add3A_746 = arith.addf %mul3A_741, %get3A_745 : vector<16xf32>
        %swap3A_747 = arith.index_cast %scan3A_616 : i32 to index
        %swap3A_748 = arith.constant 112 : index
        %swap3A_749 = tpu.vector_load %arg8[%swap3A_747, %swap3A_748] {strides = array<i32>} : memref<40x512xf32, #tpu.memory_space<vmem>>, vector<1x16xf32>,
        %swap3A_750 = vector.shape_cast %swap3A_749 : vector<1x16xf32> to vector<16xf32>
        %swap3A_751 = vector.shape_cast %add3A_746 : vector<16xf32> to vector<1x16xf32>
        tpu.vector_store %arg8[%swap3A_747, %swap3A_748], %swap3A_751 {strides = array<i32>} : memref<40x512xf32, #tpu.memory_space<vmem>>, vector<1x16xf32>,
        %get3A_752 = arith.index_cast %scan3A_616 : i32 to index
        %get3A_753 = arith.constant 128 : index
        %get3A_754 = tpu.vector_load %arg8[%get3A_752, %get3A_753] {strides = array<i32>} : memref<40x512xf32, #tpu.memory_space<vmem>>, vector<1x16xf32>,
        %get3A_755 = vector.shape_cast %get3A_754 : vector<1x16xf32> to vector<16xf32>
        %mul3A_756 = arith.constant 22.6274166 : f32
        %mul3A_757 = vector.broadcast %mul3A_756 : f32 to vector<16xf32>
        %mul3A_758 = arith.mulf %get3A_755, %mul3A_757 : vector<16xf32>
        %get3A_759 = arith.index_cast %scan3A_616 : i32 to index
        %get3A_760 = arith.constant 128 : index
        %get3A_761 = tpu.vector_load %arg6[%get3A_759, %get3A_760] {strides = array<i32>} : memref<40x512xf32, #tpu.memory_space<vmem>>, vector<1x16xf32>,
        %get3A_762 = vector.shape_cast %get3A_761 : vector<1x16xf32> to vector<16xf32>
        %add3A_763 = arith.addf %mul3A_758, %get3A_762 : vector<16xf32>
        %swap3A_764 = arith.index_cast %scan3A_616 : i32 to index
        %swap3A_765 = arith.constant 128 : index
        %swap3A_766 = tpu.vector_load %arg8[%swap3A_764, %swap3A_765] {strides = array<i32>} : memref<40x512xf32, #tpu.memory_space<vmem>>, vector<1x16xf32>,
        %swap3A_767 = vector.shape_cast %swap3A_766 : vector<1x16xf32> to vector<16xf32>
        %swap3A_768 = vector.shape_cast %add3A_763 : vector<16xf32> to vector<1x16xf32>
        tpu.vector_store %arg8[%swap3A_764, %swap3A_765], %swap3A_768 {strides = array<i32>} : memref<40x512xf32, #tpu.memory_space<vmem>>, vector<1x16xf32>,
        %get3A_769 = arith.index_cast %scan3A_616 : i32 to index
        %get3A_770 = arith.constant 144 : index
        %get3A_771 = tpu.vector_load %arg8[%get3A_769, %get3A_770] {strides = array<i32>} : memref<40x512xf32, #tpu.memory_space<vmem>>, vector<1x16xf32>,
        %get3A_772 = vector.shape_cast %get3A_771 : vector<1x16xf32> to vector<16xf32>
        %mul3A_773 = arith.constant 22.6274166 : f32
        %mul3A_774 = vector.broadcast %mul3A_773 : f32 to vector<16xf32>
        %mul3A_775 = arith.mulf %get3A_772, %mul3A_774 : vector<16xf32>
        %get3A_776 = arith.index_cast %scan3A_616 : i32 to index
        %get3A_777 = arith.constant 144 : index
        %get3A_778 = tpu.vector_load %arg6[%get3A_776, %get3A_777] {strides = array<i32>} : memref<40x512xf32, #tpu.memory_space<vmem>>, vector<1x16xf32>,
        %get3A_779 = vector.shape_cast %get3A_778 : vector<1x16xf32> to vector<16xf32>
        %add3A_780 = arith.addf %mul3A_775, %get3A_779 : vector<16xf32>
        %swap3A_781 = arith.index_cast %scan3A_616 : i32 to index
        %swap3A_782 = arith.constant 144 : index
        %swap3A_783 = tpu.vector_load %arg8[%swap3A_781, %swap3A_782] {strides = array<i32>} : memref<40x512xf32, #tpu.memory_space<vmem>>, vector<1x16xf32>,
        %swap3A_784 = vector.shape_cast %swap3A_783 : vector<1x16xf32> to vector<16xf32>
        %swap3A_785 = vector.shape_cast %add3A_780 : vector<16xf32> to vector<1x16xf32>
        tpu.vector_store %arg8[%swap3A_781, %swap3A_782], %swap3A_785 {strides = array<i32>} : memref<40x512xf32, #tpu.memory_space<vmem>>, vector<1x16xf32>,
        %get3A_786 = arith.index_cast %scan3A_616 : i32 to index
        %get3A_787 = arith.constant 160 : index
        %get3A_788 = tpu.vector_load %arg8[%get3A_786, %get3A_787] {strides = array<i32>} : memref<40x512xf32, #tpu.memory_space<vmem>>, vector<1x16xf32>,
        %get3A_789 = vector.shape_cast %get3A_788 : vector<1x16xf32> to vector<16xf32>
        %mul3A_790 = arith.constant 22.6274166 : f32
        %mul3A_791 = vector.broadcast %mul3A_790 : f32 to vector<16xf32>
        %mul3A_792 = arith.mulf %get3A_789, %mul3A_791 : vector<16xf32>
        %get3A_793 = arith.index_cast %scan3A_616 : i32 to index
        %get3A_794 = arith.constant 160 : index
        %get3A_795 = tpu.vector_load %arg6[%get3A_793, %get3A_794] {strides = array<i32>} : memref<40x512xf32, #tpu.memory_space<vmem>>, vector<1x16xf32>,
        %get3A_796 = vector.shape_cast %get3A_795 : vector<1x16xf32> to vector<16xf32>
        %add3A_797 = arith.addf %mul3A_792, %get3A_796 : vector<16xf32>
        %swap3A_798 = arith.index_cast %scan3A_616 : i32 to index
        %swap3A_799 = arith.constant 160 : index
        %swap3A_800 = tpu.vector_load %arg8[%swap3A_798, %swap3A_799] {strides = array<i32>} : memref<40x512xf32, #tpu.memory_space<vmem>>, vector<1x16xf32>,
        %swap3A_801 = vector.shape_cast %swap3A_800 : vector<1x16xf32> to vector<16xf32>
        %swap3A_802 = vector.shape_cast %add3A_797 : vector<16xf32> to vector<1x16xf32>
        tpu.vector_store %arg8[%swap3A_798, %swap3A_799], %swap3A_802 {strides = array<i32>} : memref<40x512xf32, #tpu.memory_space<vmem>>, vector<1x16xf32>,
        %get3A_803 = arith.index_cast %scan3A_616 : i32 to index
        %get3A_804 = arith.constant 176 : index
        %get3A_805 = tpu.vector_load %arg8[%get3A_803, %get3A_804] {strides = array<i32>} : memref<40x512xf32, #tpu.memory_space<vmem>>, vector<1x16xf32>,
        %get3A_806 = vector.shape_cast %get3A_805 : vector<1x16xf32> to vector<16xf32>
        %mul3A_807 = arith.constant 22.6274166 : f32
        %mul3A_808 = vector.broadcast %mul3A_807 : f32 to vector<16xf32>
        %mul3A_809 = arith.mulf %get3A_806, %mul3A_808 : vector<16xf32>
        %get3A_810 = arith.index_cast %scan3A_616 : i32 to index
        %get3A_811 = arith.constant 176 : index
        %get3A_812 = tpu.vector_load %arg6[%get3A_810, %get3A_811] {strides = array<i32>} : memref<40x512xf32, #tpu.memory_space<vmem>>, vector<1x16xf32>,
        %get3A_813 = vector.shape_cast %get3A_812 : vector<1x16xf32> to vector<16xf32>
        %add3A_814 = arith.addf %mul3A_809, %get3A_813 : vector<16xf32>
        %swap3A_815 = arith.index_cast %scan3A_616 : i32 to index
        %swap3A_816 = arith.constant 176 : index
        %swap3A_817 = tpu.vector_load %arg8[%swap3A_815, %swap3A_816] {strides = array<i32>} : memref<40x512xf32, #tpu.memory_space<vmem>>, vector<1x16xf32>,
        %swap3A_818 = vector.shape_cast %swap3A_817 : vector<1x16xf32> to vector<16xf32>
        %swap3A_819 = vector.shape_cast %add3A_814 : vector<16xf32> to vector<1x16xf32>
        tpu.vector_store %arg8[%swap3A_815, %swap3A_816], %swap3A_819 {strides = array<i32>} : memref<40x512xf32, #tpu.memory_space<vmem>>, vector<1x16xf32>,
        %get3A_820 = arith.index_cast %scan3A_616 : i32 to index
        %get3A_821 = arith.constant 192 : index
        %get3A_822 = tpu.vector_load %arg8[%get3A_820, %get3A_821] {strides = array<i32>} : memref<40x512xf32, #tpu.memory_space<vmem>>, vector<1x16xf32>,
        %get3A_823 = vector.shape_cast %get3A_822 : vector<1x16xf32> to vector<16xf32>
        %mul3A_824 = arith.constant 22.6274166 : f32
        %mul3A_825 = vector.broadcast %mul3A_824 : f32 to vector<16xf32>
        %mul3A_826 = arith.mulf %get3A_823, %mul3A_825 : vector<16xf32>
        %get3A_827 = arith.index_cast %scan3A_616 : i32 to index
        %get3A_828 = arith.constant 192 : index
        %get3A_829 = tpu.vector_load %arg6[%get3A_827, %get3A_828] {strides = array<i32>} : memref<40x512xf32, #tpu.memory_space<vmem>>, vector<1x16xf32>,
        %get3A_830 = vector.shape_cast %get3A_829 : vector<1x16xf32> to vector<16xf32>
        %add3A_831 = arith.addf %mul3A_826, %get3A_830 : vector<16xf32>
        %swap3A_832 = arith.index_cast %scan3A_616 : i32 to index
        %swap3A_833 = arith.constant 192 : index
        %swap3A_834 = tpu.vector_load %arg8[%swap3A_832, %swap3A_833] {strides = array<i32>} : memref<40x512xf32, #tpu.memory_space<vmem>>, vector<1x16xf32>,
        %swap3A_835 = vector.shape_cast %swap3A_834 : vector<1x16xf32> to vector<16xf32>
        %swap3A_836 = vector.shape_cast %add3A_831 : vector<16xf32> to vector<1x16xf32>
        tpu.vector_store %arg8[%swap3A_832, %swap3A_833], %swap3A_836 {strides = array<i32>} : memref<40x512xf32, #tpu.memory_space<vmem>>, vector<1x16xf32>,
        %get3A_837 = arith.index_cast %scan3A_616 : i32 to index
        %get3A_838 = arith.constant 208 : index
        %get3A_839 = tpu.vector_load %arg8[%get3A_837, %get3A_838] {strides = array<i32>} : memref<40x512xf32, #tpu.memory_space<vmem>>, vector<1x16xf32>,
        %get3A_840 = vector.shape_cast %get3A_839 : vector<1x16xf32> to vector<16xf32>
        %mul3A_841 = arith.constant 22.6274166 : f32
        %mul3A_842 = vector.broadcast %mul3A_841 : f32 to vector<16xf32>
        %mul3A_843 = arith.mulf %get3A_840, %mul3A_842 : vector<16xf32>
        %get3A_844 = arith.index_cast %scan3A_616 : i32 to index
        %get3A_845 = arith.constant 208 : index
        %get3A_846 = tpu.vector_load %arg6[%get3A_844, %get3A_845] {strides = array<i32>} : memref<40x512xf32, #tpu.memory_space<vmem>>, vector<1x16xf32>,
        %get3A_847 = vector.shape_cast %get3A_846 : vector<1x16xf32> to vector<16xf32>
        %add3A_848 = arith.addf %mul3A_843, %get3A_847 : vector<16xf32>
        %swap3A_849 = arith.index_cast %scan3A_616 : i32 to index
        %swap3A_850 = arith.constant 208 : index
        %swap3A_851 = tpu.vector_load %arg8[%swap3A_849, %swap3A_850] {strides = array<i32>} : memref<40x512xf32, #tpu.memory_space<vmem>>, vector<1x16xf32>,
        %swap3A_852 = vector.shape_cast %swap3A_851 : vector<1x16xf32> to vector<16xf32>
        %swap3A_853 = vector.shape_cast %add3A_848 : vector<16xf32> to vector<1x16xf32>
        tpu.vector_store %arg8[%swap3A_849, %swap3A_850], %swap3A_853 {strides = array<i32>} : memref<40x512xf32, #tpu.memory_space<vmem>>, vector<1x16xf32>,
        %get3A_854 = arith.index_cast %scan3A_616 : i32 to index
        %get3A_855 = arith.constant 224 : index
        %get3A_856 = tpu.vector_load %arg8[%get3A_854, %get3A_855] {strides = array<i32>} : memref<40x512xf32, #tpu.memory_space<vmem>>, vector<1x16xf32>,
        %get3A_857 = vector.shape_cast %get3A_856 : vector<1x16xf32> to vector<16xf32>
        %mul3A_858 = arith.constant 22.6274166 : f32
        %mul3A_859 = vector.broadcast %mul3A_858 : f32 to vector<16xf32>
        %mul3A_860 = arith.mulf %get3A_857, %mul3A_859 : vector<16xf32>
        %get3A_861 = arith.index_cast %scan3A_616 : i32 to index
        %get3A_862 = arith.constant 224 : index
        %get3A_863 = tpu.vector_load %arg6[%get3A_861, %get3A_862] {strides = array<i32>} : memref<40x512xf32, #tpu.memory_space<vmem>>, vector<1x16xf32>,
        %get3A_864 = vector.shape_cast %get3A_863 : vector<1x16xf32> to vector<16xf32>
        %add3A_865 = arith.addf %mul3A_860, %get3A_864 : vector<16xf32>
        %swap3A_866 = arith.index_cast %scan3A_616 : i32 to index
        %swap3A_867 = arith.constant 224 : index
        %swap3A_868 = tpu.vector_load %arg8[%swap3A_866, %swap3A_867] {strides = array<i32>} : memref<40x512xf32, #tpu.memory_space<vmem>>, vector<1x16xf32>,
        %swap3A_869 = vector.shape_cast %swap3A_868 : vector<1x16xf32> to vector<16xf32>
        %swap3A_870 = vector.shape_cast %add3A_865 : vector<16xf32> to vector<1x16xf32>
        tpu.vector_store %arg8[%swap3A_866, %swap3A_867], %swap3A_870 {strides = array<i32>} : memref<40x512xf32, #tpu.memory_space<vmem>>, vector<1x16xf32>,
        %get3A_871 = arith.index_cast %scan3A_616 : i32 to index
        %get3A_872 = arith.constant 240 : index
        %get3A_873 = tpu.vector_load %arg8[%get3A_871, %get3A_872] {strides = array<i32>} : memref<40x512xf32, #tpu.memory_space<vmem>>, vector<1x16xf32>,
        %get3A_874 = vector.shape_cast %get3A_873 : vector<1x16xf32> to vector<16xf32>
        %mul3A_875 = arith.constant 22.6274166 : f32
        %mul3A_876 = vector.broadcast %mul3A_875 : f32 to vector<16xf32>
        %mul3A_877 = arith.mulf %get3A_874, %mul3A_876 : vector<16xf32>
        %get3A_878 = arith.index_cast %scan3A_616 : i32 to index
        %get3A_879 = arith.constant 240 : index
        %get3A_880 = tpu.vector_load %arg6[%get3A_878, %get3A_879] {strides = array<i32>} : memref<40x512xf32, #tpu.memory_space<vmem>>, vector<1x16xf32>,
        %get3A_881 = vector.shape_cast %get3A_880 : vector<1x16xf32> to vector<16xf32>
        %add3A_882 = arith.addf %mul3A_877, %get3A_881 : vector<16xf32>
        %swap3A_883 = arith.index_cast %scan3A_616 : i32 to index
        %swap3A_884 = arith.constant 240 : index
        %swap3A_885 = tpu.vector_load %arg8[%swap3A_883, %swap3A_884] {strides = array<i32>} : memref<40x512xf32, #tpu.memory_space<vmem>>, vector<1x16xf32>,
        %swap3A_886 = vector.shape_cast %swap3A_885 : vector<1x16xf32> to vector<16xf32>
        %swap3A_887 = vector.shape_cast %add3A_882 : vector<16xf32> to vector<1x16xf32>
        tpu.vector_store %arg8[%swap3A_883, %swap3A_884], %swap3A_887 {strides = array<i32>} : memref<40x512xf32, #tpu.memory_space<vmem>>, vector<1x16xf32>,
        %get3A_888 = arith.index_cast %scan3A_616 : i32 to index
        %get3A_889 = arith.constant 256 : index
        %get3A_890 = tpu.vector_load %arg8[%get3A_888, %get3A_889] {strides = array<i32>} : memref<40x512xf32, #tpu.memory_space<vmem>>, vector<1x16xf32>,
        %get3A_891 = vector.shape_cast %get3A_890 : vector<1x16xf32> to vector<16xf32>
        %mul3A_892 = arith.constant 22.6274166 : f32
        %mul3A_893 = vector.broadcast %mul3A_892 : f32 to vector<16xf32>
        %mul3A_894 = arith.mulf %get3A_891, %mul3A_893 : vector<16xf32>
        %get3A_895 = arith.index_cast %scan3A_616 : i32 to index
        %get3A_896 = arith.constant 256 : index
        %get3A_897 = tpu.vector_load %arg6[%get3A_895, %get3A_896] {strides = array<i32>} : memref<40x512xf32, #tpu.memory_space<vmem>>, vector<1x16xf32>,
        %get3A_898 = vector.shape_cast %get3A_897 : vector<1x16xf32> to vector<16xf32>
        %add3A_899 = arith.addf %mul3A_894, %get3A_898 : vector<16xf32>
        %swap3A_900 = arith.index_cast %scan3A_616 : i32 to index
        %swap3A_901 = arith.constant 256 : index
        %swap3A_902 = tpu.vector_load %arg8[%swap3A_900, %swap3A_901] {strides = array<i32>} : memref<40x512xf32, #tpu.memory_space<vmem>>, vector<1x16xf32>,
        %swap3A_903 = vector.shape_cast %swap3A_902 : vector<1x16xf32> to vector<16xf32>
        %swap3A_904 = vector.shape_cast %add3A_899 : vector<16xf32> to vector<1x16xf32>
        tpu.vector_store %arg8[%swap3A_900, %swap3A_901], %swap3A_904 {strides = array<i32>} : memref<40x512xf32, #tpu.memory_space<vmem>>, vector<1x16xf32>,
        %get3A_905 = arith.index_cast %scan3A_616 : i32 to index
        %get3A_906 = arith.constant 272 : index
        %get3A_907 = tpu.vector_load %arg8[%get3A_905, %get3A_906] {strides = array<i32>} : memref<40x512xf32, #tpu.memory_space<vmem>>, vector<1x16xf32>,
        %get3A_908 = vector.shape_cast %get3A_907 : vector<1x16xf32> to vector<16xf32>
        %mul3A_909 = arith.constant 22.6274166 : f32
        %mul3A_910 = vector.broadcast %mul3A_909 : f32 to vector<16xf32>
        %mul3A_911 = arith.mulf %get3A_908, %mul3A_910 : vector<16xf32>
        %get3A_912 = arith.index_cast %scan3A_616 : i32 to index
        %get3A_913 = arith.constant 272 : index
        %get3A_914 = tpu.vector_load %arg6[%get3A_912, %get3A_913] {strides = array<i32>} : memref<40x512xf32, #tpu.memory_space<vmem>>, vector<1x16xf32>,
        %get3A_915 = vector.shape_cast %get3A_914 : vector<1x16xf32> to vector<16xf32>
        %add3A_916 = arith.addf %mul3A_911, %get3A_915 : vector<16xf32>
        %swap3A_917 = arith.index_cast %scan3A_616 : i32 to index
        %swap3A_918 = arith.constant 272 : index
        %swap3A_919 = tpu.vector_load %arg8[%swap3A_917, %swap3A_918] {strides = array<i32>} : memref<40x512xf32, #tpu.memory_space<vmem>>, vector<1x16xf32>,
        %swap3A_920 = vector.shape_cast %swap3A_919 : vector<1x16xf32> to vector<16xf32>
        %swap3A_921 = vector.shape_cast %add3A_916 : vector<16xf32> to vector<1x16xf32>
        tpu.vector_store %arg8[%swap3A_917, %swap3A_918], %swap3A_921 {strides = array<i32>} : memref<40x512xf32, #tpu.memory_space<vmem>>, vector<1x16xf32>,
        %get3A_922 = arith.index_cast %scan3A_616 : i32 to index
        %get3A_923 = arith.constant 288 : index
        %get3A_924 = tpu.vector_load %arg8[%get3A_922, %get3A_923] {strides = array<i32>} : memref<40x512xf32, #tpu.memory_space<vmem>>, vector<1x16xf32>,
        %get3A_925 = vector.shape_cast %get3A_924 : vector<1x16xf32> to vector<16xf32>
        %mul3A_926 = arith.constant 22.6274166 : f32
        %mul3A_927 = vector.broadcast %mul3A_926 : f32 to vector<16xf32>
        %mul3A_928 = arith.mulf %get3A_925, %mul3A_927 : vector<16xf32>
        %get3A_929 = arith.index_cast %scan3A_616 : i32 to index
        %get3A_930 = arith.constant 288 : index
        %get3A_931 = tpu.vector_load %arg6[%get3A_929, %get3A_930] {strides = array<i32>} : memref<40x512xf32, #tpu.memory_space<vmem>>, vector<1x16xf32>,
        %get3A_932 = vector.shape_cast %get3A_931 : vector<1x16xf32> to vector<16xf32>
        %add3A_933 = arith.addf %mul3A_928, %get3A_932 : vector<16xf32>
        %swap3A_934 = arith.index_cast %scan3A_616 : i32 to index
        %swap3A_935 = arith.constant 288 : index
        %swap3A_936 = tpu.vector_load %arg8[%swap3A_934, %swap3A_935] {strides = array<i32>} : memref<40x512xf32, #tpu.memory_space<vmem>>, vector<1x16xf32>,
        %swap3A_937 = vector.shape_cast %swap3A_936 : vector<1x16xf32> to vector<16xf32>
        %swap3A_938 = vector.shape_cast %add3A_933 : vector<16xf32> to vector<1x16xf32>
        tpu.vector_store %arg8[%swap3A_934, %swap3A_935], %swap3A_938 {strides = array<i32>} : memref<40x512xf32, #tpu.memory_space<vmem>>, vector<1x16xf32>,
        %get3A_939 = arith.index_cast %scan3A_616 : i32 to index
        %get3A_940 = arith.constant 304 : index
        %get3A_941 = tpu.vector_load %arg8[%get3A_939, %get3A_940] {strides = array<i32>} : memref<40x512xf32, #tpu.memory_space<vmem>>, vector<1x16xf32>,
        %get3A_942 = vector.shape_cast %get3A_941 : vector<1x16xf32> to vector<16xf32>
        %mul3A_943 = arith.constant 22.6274166 : f32
        %mul3A_944 = vector.broadcast %mul3A_943 : f32 to vector<16xf32>
        %mul3A_945 = arith.mulf %get3A_942, %mul3A_944 : vector<16xf32>
        %get3A_946 = arith.index_cast %scan3A_616 : i32 to index
        %get3A_947 = arith.constant 304 : index
        %get3A_948 = tpu.vector_load %arg6[%get3A_946, %get3A_947] {strides = array<i32>} : memref<40x512xf32, #tpu.memory_space<vmem>>, vector<1x16xf32>,
        %get3A_949 = vector.shape_cast %get3A_948 : vector<1x16xf32> to vector<16xf32>
        %add3A_950 = arith.addf %mul3A_945, %get3A_949 : vector<16xf32>
        %swap3A_951 = arith.index_cast %scan3A_616 : i32 to index
        %swap3A_952 = arith.constant 304 : index
        %swap3A_953 = tpu.vector_load %arg8[%swap3A_951, %swap3A_952] {strides = array<i32>} : memref<40x512xf32, #tpu.memory_space<vmem>>, vector<1x16xf32>,
        %swap3A_954 = vector.shape_cast %swap3A_953 : vector<1x16xf32> to vector<16xf32>
        %swap3A_955 = vector.shape_cast %add3A_950 : vector<16xf32> to vector<1x16xf32>
        tpu.vector_store %arg8[%swap3A_951, %swap3A_952], %swap3A_955 {strides = array<i32>} : memref<40x512xf32, #tpu.memory_space<vmem>>, vector<1x16xf32>,
        %get3A_956 = arith.index_cast %scan3A_616 : i32 to index
        %get3A_957 = arith.constant 320 : index
        %get3A_958 = tpu.vector_load %arg8[%get3A_956, %get3A_957] {strides = array<i32>} : memref<40x512xf32, #tpu.memory_space<vmem>>, vector<1x16xf32>,
        %get3A_959 = vector.shape_cast %get3A_958 : vector<1x16xf32> to vector<16xf32>
        %mul3A_960 = arith.constant 22.6274166 : f32
        %mul3A_961 = vector.broadcast %mul3A_960 : f32 to vector<16xf32>
        %mul3A_962 = arith.mulf %get3A_959, %mul3A_961 : vector<16xf32>
        %get3A_963 = arith.index_cast %scan3A_616 : i32 to index
        %get3A_964 = arith.constant 320 : index
        %get3A_965 = tpu.vector_load %arg6[%get3A_963, %get3A_964] {strides = array<i32>} : memref<40x512xf32, #tpu.memory_space<vmem>>, vector<1x16xf32>,
        %get3A_966 = vector.shape_cast %get3A_965 : vector<1x16xf32> to vector<16xf32>
        %add3A_967 = arith.addf %mul3A_962, %get3A_966 : vector<16xf32>
        %swap3A_968 = arith.index_cast %scan3A_616 : i32 to index
        %swap3A_969 = arith.constant 320 : index
        %swap3A_970 = tpu.vector_load %arg8[%swap3A_968, %swap3A_969] {strides = array<i32>} : memref<40x512xf32, #tpu.memory_space<vmem>>, vector<1x16xf32>,
        %swap3A_971 = vector.shape_cast %swap3A_970 : vector<1x16xf32> to vector<16xf32>
        %swap3A_972 = vector.shape_cast %add3A_967 : vector<16xf32> to vector<1x16xf32>
        tpu.vector_store %arg8[%swap3A_968, %swap3A_969], %swap3A_972 {strides = array<i32>} : memref<40x512xf32, #tpu.memory_space<vmem>>, vector<1x16xf32>,
        %get3A_973 = arith.index_cast %scan3A_616 : i32 to index
        %get3A_974 = arith.constant 336 : index
        %get3A_975 = tpu.vector_load %arg8[%get3A_973, %get3A_974] {strides = array<i32>} : memref<40x512xf32, #tpu.memory_space<vmem>>, vector<1x16xf32>,
        %get3A_976 = vector.shape_cast %get3A_975 : vector<1x16xf32> to vector<16xf32>
        %mul3A_977 = arith.constant 22.6274166 : f32
        %mul3A_978 = vector.broadcast %mul3A_977 : f32 to vector<16xf32>
        %mul3A_979 = arith.mulf %get3A_976, %mul3A_978 : vector<16xf32>
        %get3A_980 = arith.index_cast %scan3A_616 : i32 to index
        %get3A_981 = arith.constant 336 : index
        %get3A_982 = tpu.vector_load %arg6[%get3A_980, %get3A_981] {strides = array<i32>} : memref<40x512xf32, #tpu.memory_space<vmem>>, vector<1x16xf32>,
        %get3A_983 = vector.shape_cast %get3A_982 : vector<1x16xf32> to vector<16xf32>
        %add3A_984 = arith.addf %mul3A_979, %get3A_983 : vector<16xf32>
        %swap3A_985 = arith.index_cast %scan3A_616 : i32 to index
        %swap3A_986 = arith.constant 336 : index
        %swap3A_987 = tpu.vector_load %arg8[%swap3A_985, %swap3A_986] {strides = array<i32>} : memref<40x512xf32, #tpu.memory_space<vmem>>, vector<1x16xf32>,
        %swap3A_988 = vector.shape_cast %swap3A_987 : vector<1x16xf32> to vector<16xf32>
        %swap3A_989 = vector.shape_cast %add3A_984 : vector<16xf32> to vector<1x16xf32>
        tpu.vector_store %arg8[%swap3A_985, %swap3A_986], %swap3A_989 {strides = array<i32>} : memref<40x512xf32, #tpu.memory_space<vmem>>, vector<1x16xf32>,
        %get3A_990 = arith.index_cast %scan3A_616 : i32 to index
        %get3A_991 = arith.constant 352 : index
        %get3A_992 = tpu.vector_load %arg8[%get3A_990, %get3A_991] {strides = array<i32>} : memref<40x512xf32, #tpu.memory_space<vmem>>, vector<1x16xf32>,
        %get3A_993 = vector.shape_cast %get3A_992 : vector<1x16xf32> to vector<16xf32>
        %mul3A_994 = arith.constant 22.6274166 : f32
        %mul3A_995 = vector.broadcast %mul3A_994 : f32 to vector<16xf32>
        %mul3A_996 = arith.mulf %get3A_993, %mul3A_995 : vector<16xf32>
        %get3A_997 = arith.index_cast %scan3A_616 : i32 to index
        %get3A_998 = arith.constant 352 : index
        %get3A_999 = tpu.vector_load %arg6[%get3A_997, %get3A_998] {strides = array<i32>} : memref<40x512xf32, #tpu.memory_space<vmem>>, vector<1x16xf32>,
        %get3A_1000 = vector.shape_cast %get3A_999 : vector<1x16xf32> to vector<16xf32>
        %add3A_1001 = arith.addf %mul3A_996, %get3A_1000 : vector<16xf32>
        %swap3A_1002 = arith.index_cast %scan3A_616 : i32 to index
        %swap3A_1003 = arith.constant 352 : index
        %swap3A_1004 = tpu.vector_load %arg8[%swap3A_1002, %swap3A_1003] {strides = array<i32>} : memref<40x512xf32, #tpu.memory_space<vmem>>, vector<1x16xf32>,
        %swap3A_1005 = vector.shape_cast %swap3A_1004 : vector<1x16xf32> to vector<16xf32>
        %swap3A_1006 = vector.shape_cast %add3A_1001 : vector<16xf32> to vector<1x16xf32>
        tpu.vector_store %arg8[%swap3A_1002, %swap3A_1003], %swap3A_1006 {strides = array<i32>} : memref<40x512xf32, #tpu.memory_space<vmem>>, vector<1x16xf32>,
        %get3A_1007 = arith.index_cast %scan3A_616 : i32 to index
        %get3A_1008 = arith.constant 368 : index
        %get3A_1009 = tpu.vector_load %arg8[%get3A_1007, %get3A_1008] {strides = array<i32>} : memref<40x512xf32, #tpu.memory_space<vmem>>, vector<1x16xf32>,
        %get3A_1010 = vector.shape_cast %get3A_1009 : vector<1x16xf32> to vector<16xf32>
        %mul3A_1011 = arith.constant 22.6274166 : f32
        %mul3A_1012 = vector.broadcast %mul3A_1011 : f32 to vector<16xf32>
        %mul3A_1013 = arith.mulf %get3A_1010, %mul3A_1012 : vector<16xf32>
        %get3A_1014 = arith.index_cast %scan3A_616 : i32 to index
        %get3A_1015 = arith.constant 368 : index
        %get3A_1016 = tpu.vector_load %arg6[%get3A_1014, %get3A_1015] {strides = array<i32>} : memref<40x512xf32, #tpu.memory_space<vmem>>, vector<1x16xf32>,
        %get3A_1017 = vector.shape_cast %get3A_1016 : vector<1x16xf32> to vector<16xf32>
        %add3A_1018 = arith.addf %mul3A_1013, %get3A_1017 : vector<16xf32>
        %swap3A_1019 = arith.index_cast %scan3A_616 : i32 to index
        %swap3A_1020 = arith.constant 368 : index
        %swap3A_1021 = tpu.vector_load %arg8[%swap3A_1019, %swap3A_1020] {strides = array<i32>} : memref<40x512xf32, #tpu.memory_space<vmem>>, vector<1x16xf32>,
        %swap3A_1022 = vector.shape_cast %swap3A_1021 : vector<1x16xf32> to vector<16xf32>
        %swap3A_1023 = vector.shape_cast %add3A_1018 : vector<16xf32> to vector<1x16xf32>
        tpu.vector_store %arg8[%swap3A_1019, %swap3A_1020], %swap3A_1023 {strides = array<i32>} : memref<40x512xf32, #tpu.memory_space<vmem>>, vector<1x16xf32>,
        %get3A_1024 = arith.index_cast %scan3A_616 : i32 to index
        %get3A_1025 = arith.constant 384 : index
        %get3A_1026 = tpu.vector_load %arg8[%get3A_1024, %get3A_1025] {strides = array<i32>} : memref<40x512xf32, #tpu.memory_space<vmem>>, vector<1x16xf32>,
        %get3A_1027 = vector.shape_cast %get3A_1026 : vector<1x16xf32> to vector<16xf32>
        %mul3A_1028 = arith.constant 22.6274166 : f32
        %mul3A_1029 = vector.broadcast %mul3A_1028 : f32 to vector<16xf32>
        %mul3A_1030 = arith.mulf %get3A_1027, %mul3A_1029 : vector<16xf32>
        %get3A_1031 = arith.index_cast %scan3A_616 : i32 to index
        %get3A_1032 = arith.constant 384 : index
        %get3A_1033 = tpu.vector_load %arg6[%get3A_1031, %get3A_1032] {strides = array<i32>} : memref<40x512xf32, #tpu.memory_space<vmem>>, vector<1x16xf32>,
        %get3A_1034 = vector.shape_cast %get3A_1033 : vector<1x16xf32> to vector<16xf32>
        %add3A_1035 = arith.addf %mul3A_1030, %get3A_1034 : vector<16xf32>
        %swap3A_1036 = arith.index_cast %scan3A_616 : i32 to index
        %swap3A_1037 = arith.constant 384 : index
        %swap3A_1038 = tpu.vector_load %arg8[%swap3A_1036, %swap3A_1037] {strides = array<i32>} : memref<40x512xf32, #tpu.memory_space<vmem>>, vector<1x16xf32>,
        %swap3A_1039 = vector.shape_cast %swap3A_1038 : vector<1x16xf32> to vector<16xf32>
        %swap3A_1040 = vector.shape_cast %add3A_1035 : vector<16xf32> to vector<1x16xf32>
        tpu.vector_store %arg8[%swap3A_1036, %swap3A_1037], %swap3A_1040 {strides = array<i32>} : memref<40x512xf32, #tpu.memory_space<vmem>>, vector<1x16xf32>,
        %get3A_1041 = arith.index_cast %scan3A_616 : i32 to index
        %get3A_1042 = arith.constant 400 : index
        %get3A_1043 = tpu.vector_load %arg8[%get3A_1041, %get3A_1042] {strides = array<i32>} : memref<40x512xf32, #tpu.memory_space<vmem>>, vector<1x16xf32>,
        %get3A_1044 = vector.shape_cast %get3A_1043 : vector<1x16xf32> to vector<16xf32>
        %mul3A_1045 = arith.constant 22.6274166 : f32
        %mul3A_1046 = vector.broadcast %mul3A_1045 : f32 to vector<16xf32>
        %mul3A_1047 = arith.mulf %get3A_1044, %mul3A_1046 : vector<16xf32>
        %get3A_1048 = arith.index_cast %scan3A_616 : i32 to index
        %get3A_1049 = arith.constant 400 : index
        %get3A_1050 = tpu.vector_load %arg6[%get3A_1048, %get3A_1049] {strides = array<i32>} : memref<40x512xf32, #tpu.memory_space<vmem>>, vector<1x16xf32>,
        %get3A_1051 = vector.shape_cast %get3A_1050 : vector<1x16xf32> to vector<16xf32>
        %add3A_1052 = arith.addf %mul3A_1047, %get3A_1051 : vector<16xf32>
        %swap3A_1053 = arith.index_cast %scan3A_616 : i32 to index
        %swap3A_1054 = arith.constant 400 : index
        %swap3A_1055 = tpu.vector_load %arg8[%swap3A_1053, %swap3A_1054] {strides = array<i32>} : memref<40x512xf32, #tpu.memory_space<vmem>>, vector<1x16xf32>,
        %swap3A_1056 = vector.shape_cast %swap3A_1055 : vector<1x16xf32> to vector<16xf32>
        %swap3A_1057 = vector.shape_cast %add3A_1052 : vector<16xf32> to vector<1x16xf32>
        tpu.vector_store %arg8[%swap3A_1053, %swap3A_1054], %swap3A_1057 {strides = array<i32>} : memref<40x512xf32, #tpu.memory_space<vmem>>, vector<1x16xf32>,
        %get3A_1058 = arith.index_cast %scan3A_616 : i32 to index
        %get3A_1059 = arith.constant 416 : index
        %get3A_1060 = tpu.vector_load %arg8[%get3A_1058, %get3A_1059] {strides = array<i32>} : memref<40x512xf32, #tpu.memory_space<vmem>>, vector<1x16xf32>,
        %get3A_1061 = vector.shape_cast %get3A_1060 : vector<1x16xf32> to vector<16xf32>
        %mul3A_1062 = arith.constant 22.6274166 : f32
        %mul3A_1063 = vector.broadcast %mul3A_1062 : f32 to vector<16xf32>
        %mul3A_1064 = arith.mulf %get3A_1061, %mul3A_1063 : vector<16xf32>
        %get3A_1065 = arith.index_cast %scan3A_616 : i32 to index
        %get3A_1066 = arith.constant 416 : index
        %get3A_1067 = tpu.vector_load %arg6[%get3A_1065, %get3A_1066] {strides = array<i32>} : memref<40x512xf32, #tpu.memory_space<vmem>>, vector<1x16xf32>,
        %get3A_1068 = vector.shape_cast %get3A_1067 : vector<1x16xf32> to vector<16xf32>
        %add3A_1069 = arith.addf %mul3A_1064, %get3A_1068 : vector<16xf32>
        %swap3A_1070 = arith.index_cast %scan3A_616 : i32 to index
        %swap3A_1071 = arith.constant 416 : index
        %swap3A_1072 = tpu.vector_load %arg8[%swap3A_1070, %swap3A_1071] {strides = array<i32>} : memref<40x512xf32, #tpu.memory_space<vmem>>, vector<1x16xf32>,
        %swap3A_1073 = vector.shape_cast %swap3A_1072 : vector<1x16xf32> to vector<16xf32>
        %swap3A_1074 = vector.shape_cast %add3A_1069 : vector<16xf32> to vector<1x16xf32>
        tpu.vector_store %arg8[%swap3A_1070, %swap3A_1071], %swap3A_1074 {strides = array<i32>} : memref<40x512xf32, #tpu.memory_space<vmem>>, vector<1x16xf32>,
        %get3A_1075 = arith.index_cast %scan3A_616 : i32 to index
        %get3A_1076 = arith.constant 432 : index
        %get3A_1077 = tpu.vector_load %arg8[%get3A_1075, %get3A_1076] {strides = array<i32>} : memref<40x512xf32, #tpu.memory_space<vmem>>, vector<1x16xf32>,
        %get3A_1078 = vector.shape_cast %get3A_1077 : vector<1x16xf32> to vector<16xf32>
        %mul3A_1079 = arith.constant 22.6274166 : f32
        %mul3A_1080 = vector.broadcast %mul3A_1079 : f32 to vector<16xf32>
        %mul3A_1081 = arith.mulf %get3A_1078, %mul3A_1080 : vector<16xf32>
        %get3A_1082 = arith.index_cast %scan3A_616 : i32 to index
        %get3A_1083 = arith.constant 432 : index
        %get3A_1084 = tpu.vector_load %arg6[%get3A_1082, %get3A_1083] {strides = array<i32>} : memref<40x512xf32, #tpu.memory_space<vmem>>, vector<1x16xf32>,
        %get3A_1085 = vector.shape_cast %get3A_1084 : vector<1x16xf32> to vector<16xf32>
        %add3A_1086 = arith.addf %mul3A_1081, %get3A_1085 : vector<16xf32>
        %swap3A_1087 = arith.index_cast %scan3A_616 : i32 to index
        %swap3A_1088 = arith.constant 432 : index
        %swap3A_1089 = tpu.vector_load %arg8[%swap3A_1087, %swap3A_1088] {strides = array<i32>} : memref<40x512xf32, #tpu.memory_space<vmem>>, vector<1x16xf32>,
        %swap3A_1090 = vector.shape_cast %swap3A_1089 : vector<1x16xf32> to vector<16xf32>
        %swap3A_1091 = vector.shape_cast %add3A_1086 : vector<16xf32> to vector<1x16xf32>
        tpu.vector_store %arg8[%swap3A_1087, %swap3A_1088], %swap3A_1091 {strides = array<i32>} : memref<40x512xf32, #tpu.memory_space<vmem>>, vector<1x16xf32>,
        %get3A_1092 = arith.index_cast %scan3A_616 : i32 to index
        %get3A_1093 = arith.constant 448 : index
        %get3A_1094 = tpu.vector_load %arg8[%get3A_1092, %get3A_1093] {strides = array<i32>} : memref<40x512xf32, #tpu.memory_space<vmem>>, vector<1x16xf32>,
        %get3A_1095 = vector.shape_cast %get3A_1094 : vector<1x16xf32> to vector<16xf32>
        %mul3A_1096 = arith.constant 22.6274166 : f32
        %mul3A_1097 = vector.broadcast %mul3A_1096 : f32 to vector<16xf32>
        %mul3A_1098 = arith.mulf %get3A_1095, %mul3A_1097 : vector<16xf32>
        %get3A_1099 = arith.index_cast %scan3A_616 : i32 to index
        %get3A_1100 = arith.constant 448 : index
        %get3A_1101 = tpu.vector_load %arg6[%get3A_1099, %get3A_1100] {strides = array<i32>} : memref<40x512xf32, #tpu.memory_space<vmem>>, vector<1x16xf32>,
        %get3A_1102 = vector.shape_cast %get3A_1101 : vector<1x16xf32> to vector<16xf32>
        %add3A_1103 = arith.addf %mul3A_1098, %get3A_1102 : vector<16xf32>
        %swap3A_1104 = arith.index_cast %scan3A_616 : i32 to index
        %swap3A_1105 = arith.constant 448 : index
        %swap3A_1106 = tpu.vector_load %arg8[%swap3A_1104, %swap3A_1105] {strides = array<i32>} : memref<40x512xf32, #tpu.memory_space<vmem>>, vector<1x16xf32>,
        %swap3A_1107 = vector.shape_cast %swap3A_1106 : vector<1x16xf32> to vector<16xf32>
        %swap3A_1108 = vector.shape_cast %add3A_1103 : vector<16xf32> to vector<1x16xf32>
        tpu.vector_store %arg8[%swap3A_1104, %swap3A_1105], %swap3A_1108 {strides = array<i32>} : memref<40x512xf32, #tpu.memory_space<vmem>>, vector<1x16xf32>,
        %get3A_1109 = arith.index_cast %scan3A_616 : i32 to index
        %get3A_1110 = arith.constant 464 : index
        %get3A_1111 = tpu.vector_load %arg8[%get3A_1109, %get3A_1110] {strides = array<i32>} : memref<40x512xf32, #tpu.memory_space<vmem>>, vector<1x16xf32>,
        %get3A_1112 = vector.shape_cast %get3A_1111 : vector<1x16xf32> to vector<16xf32>
        %mul3A_1113 = arith.constant 22.6274166 : f32
        %mul3A_1114 = vector.broadcast %mul3A_1113 : f32 to vector<16xf32>
        %mul3A_1115 = arith.mulf %get3A_1112, %mul3A_1114 : vector<16xf32>
        %get3A_1116 = arith.index_cast %scan3A_616 : i32 to index
        %get3A_1117 = arith.constant 464 : index
        %get3A_1118 = tpu.vector_load %arg6[%get3A_1116, %get3A_1117] {strides = array<i32>} : memref<40x512xf32, #tpu.memory_space<vmem>>, vector<1x16xf32>,
        %get3A_1119 = vector.shape_cast %get3A_1118 : vector<1x16xf32> to vector<16xf32>
        %add3A_1120 = arith.addf %mul3A_1115, %get3A_1119 : vector<16xf32>
        %swap3A_1121 = arith.index_cast %scan3A_616 : i32 to index
        %swap3A_1122 = arith.constant 464 : index
        %swap3A_1123 = tpu.vector_load %arg8[%swap3A_1121, %swap3A_1122] {strides = array<i32>} : memref<40x512xf32, #tpu.memory_space<vmem>>, vector<1x16xf32>,
        %swap3A_1124 = vector.shape_cast %swap3A_1123 : vector<1x16xf32> to vector<16xf32>
        %swap3A_1125 = vector.shape_cast %add3A_1120 : vector<16xf32> to vector<1x16xf32>
        tpu.vector_store %arg8[%swap3A_1121, %swap3A_1122], %swap3A_1125 {strides = array<i32>} : memref<40x512xf32, #tpu.memory_space<vmem>>, vector<1x16xf32>,
        %get3A_1126 = arith.index_cast %scan3A_616 : i32 to index
        %get3A_1127 = arith.constant 480 : index
        %get3A_1128 = tpu.vector_load %arg8[%get3A_1126, %get3A_1127] {strides = array<i32>} : memref<40x512xf32, #tpu.memory_space<vmem>>, vector<1x16xf32>,
        %get3A_1129 = vector.shape_cast %get3A_1128 : vector<1x16xf32> to vector<16xf32>
        %mul3A_1130 = arith.constant 22.6274166 : f32
        %mul3A_1131 = vector.broadcast %mul3A_1130 : f32 to vector<16xf32>
        %mul3A_1132 = arith.mulf %get3A_1129, %mul3A_1131 : vector<16xf32>
        %get3A_1133 = arith.index_cast %scan3A_616 : i32 to index
        %get3A_1134 = arith.constant 480 : index
        %get3A_1135 = tpu.vector_load %arg6[%get3A_1133, %get3A_1134] {strides = array<i32>} : memref<40x512xf32, #tpu.memory_space<vmem>>, vector<1x16xf32>,
        %get3A_1136 = vector.shape_cast %get3A_1135 : vector<1x16xf32> to vector<16xf32>
        %add3A_1137 = arith.addf %mul3A_1132, %get3A_1136 : vector<16xf32>
        %swap3A_1138 = arith.index_cast %scan3A_616 : i32 to index
        %swap3A_1139 = arith.constant 480 : index
        %swap3A_1140 = tpu.vector_load %arg8[%swap3A_1138, %swap3A_1139] {strides = array<i32>} : memref<40x512xf32, #tpu.memory_space<vmem>>, vector<1x16xf32>,
        %swap3A_1141 = vector.shape_cast %swap3A_1140 : vector<1x16xf32> to vector<16xf32>
        %swap3A_1142 = vector.shape_cast %add3A_1137 : vector<16xf32> to vector<1x16xf32>
        tpu.vector_store %arg8[%swap3A_1138, %swap3A_1139], %swap3A_1142 {strides = array<i32>} : memref<40x512xf32, #tpu.memory_space<vmem>>, vector<1x16xf32>,
        %get3A_1143 = arith.index_cast %scan3A_616 : i32 to index
        %get3A_1144 = arith.constant 496 : index
        %get3A_1145 = tpu.vector_load %arg8[%get3A_1143, %get3A_1144] {strides = array<i32>} : memref<40x512xf32, #tpu.memory_space<vmem>>, vector<1x16xf32>,
        %get3A_1146 = vector.shape_cast %get3A_1145 : vector<1x16xf32> to vector<16xf32>
        %mul3A_1147 = arith.constant 22.6274166 : f32
        %mul3A_1148 = vector.broadcast %mul3A_1147 : f32 to vector<16xf32>
        %mul3A_1149 = arith.mulf %get3A_1146, %mul3A_1148 : vector<16xf32>
        %get3A_1150 = arith.index_cast %scan3A_616 : i32 to index
        %get3A_1151 = arith.constant 496 : index
        %get3A_1152 = tpu.vector_load %arg6[%get3A_1150, %get3A_1151] {strides = array<i32>} : memref<40x512xf32, #tpu.memory_space<vmem>>, vector<1x16xf32>,
        %get3A_1153 = vector.shape_cast %get3A_1152 : vector<1x16xf32> to vector<16xf32>
        %add3A_1154 = arith.addf %mul3A_1149, %get3A_1153 : vector<16xf32>
        %swap3A_1155 = arith.index_cast %scan3A_616 : i32 to index
        %swap3A_1156 = arith.constant 496 : index
        %swap3A_1157 = tpu.vector_load %arg8[%swap3A_1155, %swap3A_1156] {strides = array<i32>} : memref<40x512xf32, #tpu.memory_space<vmem>>, vector<1x16xf32>,
        %swap3A_1158 = vector.shape_cast %swap3A_1157 : vector<1x16xf32> to vector<16xf32>
        %swap3A_1159 = vector.shape_cast %add3A_1154 : vector<16xf32> to vector<1x16xf32>
        tpu.vector_store %arg8[%swap3A_1155, %swap3A_1156], %swap3A_1159 {strides = array<i32>} : memref<40x512xf32, #tpu.memory_space<vmem>>, vector<1x16xf32>,
        %scan3A_1160 = arith.constant 0 : i32
        scf.yield %scan3A_1160 : i32
      }
      %scan3A_224 = arith.constant 40 : i32
      %jit3A_225 = arith.constant 32 : i32
      %eq3A_226 = arith.constant 0 : i32
      %eq3A_227 = arith.cmpi eq, %jit3A_225, %eq3A_226 : i32
      %jit3A_228 = arith.constant 1 : i32
      %select_n3A_229 = arith.select %eq3A_227, %jit3A_228, %jit3A_225 : i32
      %rem3A_230 = arith.remsi %add3A_190, %select_n3A_229 : i32
      %ne3A_231 = arith.constant 0 : i32
      %ne3A_232 = arith.cmpi ne, %rem3A_230, %ne3A_231 : i32
      %lt3A_233 = arith.constant 0 : i32
      %lt3A_234 = arith.cmpi slt, %rem3A_230, %lt3A_233 : i32
      %lt3A_235 = arith.constant 0 : i32
      %lt3A_236 = arith.cmpi slt, %select_n3A_229, %lt3A_235 : i32
      %ne3A_237 = arith.xori %lt3A_234, %lt3A_236 : i1
      %and3A_238 = arith.andi %ne3A_237, %ne3A_232 : i1
      %add3A_239 = arith.addi %rem3A_230, %select_n3A_229 : i32
      %select_n3A_240 = arith.select %and3A_238, %add3A_239, %rem3A_230 : i32
      %add3A_241 = arith.addi %mul3A_2, %select_n3A_240 : i32
      %mul3A_242 = arith.constant 200 : i32
      %mul3A_243 = arith.muli %add3A_241, %mul3A_242 : i32
      %jit3A_244 = arith.constant 32 : i32
      %div3A_245 = arith.divsi %add3A_190, %jit3A_244 : i32
      %sign3A_246 = arith.constant 0 : i32
      %sign3A_247 = arith.cmpi sgt, %add3A_190, %sign3A_246 : i32
      %sign3A_248 = arith.extui %sign3A_247 : i1 to i32
      %sign3A_249 = arith.constant 0 : i32
      %sign3A_250 = arith.cmpi slt, %add3A_190, %sign3A_249 : i32
      %sign3A_251 = arith.extui %sign3A_250 : i1 to i32
      %sign3A_252 = arith.subi %sign3A_248, %sign3A_251 : i32
      %sign3A_253 = arith.constant 0 : i32
      %sign3A_254 = arith.cmpi sgt, %jit3A_244, %sign3A_253 : i32
      %sign3A_255 = arith.extui %sign3A_254 : i1 to i32
      %sign3A_256 = arith.constant 0 : i32
      %sign3A_257 = arith.cmpi slt, %jit3A_244, %sign3A_256 : i32
      %sign3A_258 = arith.extui %sign3A_257 : i1 to i32
      %sign3A_259 = arith.subi %sign3A_255, %sign3A_258 : i32
      %ne3A_260 = arith.cmpi ne, %sign3A_252, %sign3A_259 : i32
      %rem3A_261 = arith.remsi %add3A_190, %jit3A_244 : i32
      %ne3A_262 = arith.constant 0 : i32
      %ne3A_263 = arith.cmpi ne, %rem3A_261, %ne3A_262 : i32
      %and3A_264 = arith.andi %ne3A_260, %ne3A_263 : i1
      %sub3A_265 = arith.constant 1 : i32
      %sub3A_266 = arith.subi %div3A_245, %sub3A_265 : i32
      %select_n3A_267 = arith.select %and3A_264, %sub3A_266, %div3A_245 : i32
      %mul3A_268 = arith.constant 40 : i32
      %mul3A_269 = arith.muli %select_n3A_267, %mul3A_268 : i32
      %add3A_270 = arith.addi %mul3A_243, %mul3A_269 : i32
      %dma_start3A_271 = arith.constant 0 : i32
      %dma_start3A_272 = tpu.memref_slice %arg5[%add3A_270, %dma_start3A_271] : memref<204800x512xf32, #tpu.memory_space<hbm>> -> memref<40x512xf32, #tpu.memory_space<hbm>>
      %dma_start3A_273 = arith.constant 0 : i32
      %dma_start3A_274 = tpu.memref_slice %arg5[%add3A_270, %dma_start3A_273] : memref<204800x512xf32, #tpu.memory_space<hbm>> -> memref<40x512xf32, #tpu.memory_space<hbm>>
      tpu.enqueue_dma source(%arg8 : memref<40x512xf32, #tpu.memory_space<vmem>>) target(%dma_start3A_274 : memref<40x512xf32, #tpu.memory_space<hbm>>) target_semaphore(%arg23 : memref<!tpu.dma_semaphore, #tpu.memory_space<semaphore_mem>>)
      %ge3A_275 = arith.constant 2 : i32
      %ge3A_276 = arith.cmpi sge, %add3A_190, %ge3A_275 : i32
      %convert_element_type3A_277 = arith.extui %ge3A_276 : i1 to i32
      %cond3A_278 = arith.constant 0 : i32
      %cond3A_279 = arith.cmpi ne, %convert_element_type3A_277, %cond3A_278 : i32
      scf.if %cond3A_279 {
        %sub3A_616 = arith.constant 2 : i32
        %sub3A_617 = arith.subi %add3A_190, %sub3A_616 : i32
        %jit3A_618 = arith.constant 32 : i32
        %eq3A_619 = arith.constant 0 : i32
        %eq3A_620 = arith.cmpi eq, %jit3A_618, %eq3A_619 : i32
        %jit3A_621 = arith.constant 1 : i32
        %select_n3A_622 = arith.select %eq3A_620, %jit3A_621, %jit3A_618 : i32
        %rem3A_623 = arith.remsi %sub3A_617, %select_n3A_622 : i32
        %ne3A_624 = arith.constant 0 : i32
        %ne3A_625 = arith.cmpi ne, %rem3A_623, %ne3A_624 : i32
        %lt3A_626 = arith.constant 0 : i32
        %lt3A_627 = arith.cmpi slt, %rem3A_623, %lt3A_626 : i32
        %lt3A_628 = arith.constant 0 : i32
        %lt3A_629 = arith.cmpi slt, %select_n3A_622, %lt3A_628 : i32
        %ne3A_630 = arith.xori %lt3A_627, %lt3A_629 : i1
        %and3A_631 = arith.andi %ne3A_630, %ne3A_625 : i1
        %add3A_632 = arith.addi %rem3A_623, %select_n3A_622 : i32
        %select_n3A_633 = arith.select %and3A_631, %add3A_632, %rem3A_623 : i32
        %add3A_634 = arith.addi %mul3A_2, %select_n3A_633 : i32
        %mul3A_635 = arith.constant 200 : i32
        %mul3A_636 = arith.muli %add3A_634, %mul3A_635 : i32
        %jit3A_637 = arith.constant 32 : i32
        %div3A_638 = arith.divsi %sub3A_617, %jit3A_637 : i32
        %sign3A_639 = arith.constant 0 : i32
        %sign3A_640 = arith.cmpi sgt, %sub3A_617, %sign3A_639 : i32
        %sign3A_641 = arith.extui %sign3A_640 : i1 to i32
        %sign3A_642 = arith.constant 0 : i32
        %sign3A_643 = arith.cmpi slt, %sub3A_617, %sign3A_642 : i32
        %sign3A_644 = arith.extui %sign3A_643 : i1 to i32
        %sign3A_645 = arith.subi %sign3A_641, %sign3A_644 : i32
        %sign3A_646 = arith.constant 0 : i32
        %sign3A_647 = arith.cmpi sgt, %jit3A_637, %sign3A_646 : i32
        %sign3A_648 = arith.extui %sign3A_647 : i1 to i32
        %sign3A_649 = arith.constant 0 : i32
        %sign3A_650 = arith.cmpi slt, %jit3A_637, %sign3A_649 : i32
        %sign3A_651 = arith.extui %sign3A_650 : i1 to i32
        %sign3A_652 = arith.subi %sign3A_648, %sign3A_651 : i32
        %ne3A_653 = arith.cmpi ne, %sign3A_645, %sign3A_652 : i32
        %rem3A_654 = arith.remsi %sub3A_617, %jit3A_637 : i32
        %ne3A_655 = arith.constant 0 : i32
        %ne3A_656 = arith.cmpi ne, %rem3A_654, %ne3A_655 : i32
        %and3A_657 = arith.andi %ne3A_653, %ne3A_656 : i1
        %sub3A_658 = arith.constant 1 : i32
        %sub3A_659 = arith.subi %div3A_638, %sub3A_658 : i32
        %select_n3A_660 = arith.select %and3A_657, %sub3A_659, %div3A_638 : i32
        %mul3A_661 = arith.constant 40 : i32
        %mul3A_662 = arith.muli %select_n3A_660, %mul3A_661 : i32
        %add3A_663 = arith.addi %mul3A_636, %mul3A_662 : i32
        %dma_wait3A_664 = arith.constant 0 : i32
        %dma_wait3A_665 = tpu.memref_slice %arg5[%add3A_663, %dma_wait3A_664] : memref<204800x512xf32, #tpu.memory_space<hbm>> -> memref<40x512xf32, #tpu.memory_space<hbm>>
        %dma_wait3A_666 = arith.constant 0 : i32
        %dma_wait3A_667 = tpu.memref_slice %arg5[%add3A_663, %dma_wait3A_666] : memref<204800x512xf32, #tpu.memory_space<hbm>> -> memref<40x512xf32, #tpu.memory_space<hbm>>
        tpu.wait_dma2 semaphore(%arg26 : memref<!tpu.dma_semaphore, #tpu.memory_space<semaphore_mem>>) src(%arg11 : memref<40x512xf32, #tpu.memory_space<vmem>>) dst(%dma_wait3A_667 : memref<40x512xf32, #tpu.memory_space<hbm>>)
      } else {
      }
      %add3A_280 = arith.constant 3 : i32
      %add3A_281 = arith.addi %add3A_190, %add3A_280 : i32
      %lt3A_282 = arith.constant 160 : i32
      %lt3A_283 = arith.cmpi slt, %add3A_281, %lt3A_282 : i32
      %convert_element_type3A_284 = arith.extui %lt3A_283 : i1 to i32
      %cond3A_285 = arith.constant 0 : i32
      %cond3A_286 = arith.cmpi ne, %convert_element_type3A_284, %cond3A_285 : i32
      scf.if %cond3A_286 {
        %add3A_616 = arith.constant 3 : i32
        %add3A_617 = arith.addi %add3A_190, %add3A_616 : i32
        %mul3A_618 = arith.constant 160 : i32
        %mul3A_619 = arith.muli %add3A, %mul3A_618 : i32
        %add3A_620 = arith.addi %mul3A_619, %add3A_617 : i32
        %mul3A_621 = arith.constant 40 : i32
        %mul3A_622 = arith.muli %add3A_620, %mul3A_621 : i32
        %dma_wait3A_623 = tpu.memref_slice %arg2[%mul3A_622] : memref<204800xi32, #tpu.memory_space<hbm>> -> memref<40xi32, #tpu.memory_space<hbm>>
        %dma_wait3A_624 = tpu.memref_slice %arg2[%mul3A_622] : memref<204800xi32, #tpu.memory_space<hbm>> -> memref<40xi32, #tpu.memory_space<hbm>>
        tpu.wait_dma2 semaphore(%arg31 : memref<!tpu.dma_semaphore, #tpu.memory_space<semaphore_mem>>) src(%dma_wait3A_624 : memref<40xi32, #tpu.memory_space<hbm>>) dst(%arg16 : memref<40xi32, #tpu.memory_space<vmem>>)
        %add3A_625 = arith.constant 3 : i32
        %add3A_626 = arith.addi %add3A_190, %add3A_625 : i32
        %dma_start3A_627 = arith.constant 0 : i32
        %dma_start3A_628 = arith.constant 0 : i32
        %dma_start3A_629 = tpu.memref_slice %arg3[%dma_start3A_627, %dma_start3A_628] : memref<100000x512xf32, #tpu.memory_space<hbm>> -> memref<100000x512xf32, #tpu.memory_space<hbm>>
        tpu.enqueue_indirect_dma source(%dma_start3A_629 : memref<100000x512xf32, #tpu.memory_space<hbm>>) target(%arg11 : memref<40x512xf32, #tpu.memory_space<vmem>>) offsets(%arg16 : memref<40xi32, #tpu.memory_space<vmem>>) semaphore(%arg21 : memref<!tpu.dma_semaphore, #tpu.memory_space<semaphore_mem>>)
      } else {
      }
      %add3A_287 = arith.constant 4 : i32
      %add3A_288 = arith.addi %add3A_190, %add3A_287 : i32
      %lt3A_289 = arith.constant 160 : i32
      %lt3A_290 = arith.cmpi slt, %add3A_288, %lt3A_289 : i32
      %convert_element_type3A_291 = arith.extui %lt3A_290 : i1 to i32
      %cond3A_292 = arith.constant 0 : i32
      %cond3A_293 = arith.cmpi ne, %convert_element_type3A_291, %cond3A_292 : i32
      scf.if %cond3A_293 {
        %add3A_616 = arith.constant 4 : i32
        %add3A_617 = arith.addi %add3A_190, %add3A_616 : i32
        %mul3A_618 = arith.constant 160 : i32
        %mul3A_619 = arith.muli %add3A, %mul3A_618 : i32
        %add3A_620 = arith.addi %mul3A_619, %add3A_617 : i32
        %mul3A_621 = arith.constant 40 : i32
        %mul3A_622 = arith.muli %add3A_620, %mul3A_621 : i32
        %dma_start3A_623 = tpu.memref_slice %arg2[%mul3A_622] : memref<204800xi32, #tpu.memory_space<hbm>> -> memref<40xi32, #tpu.memory_space<hbm>>
        %dma_start3A_624 = tpu.memref_slice %arg2[%mul3A_622] : memref<204800xi32, #tpu.memory_space<hbm>> -> memref<40xi32, #tpu.memory_space<hbm>>
        tpu.enqueue_dma source(%dma_start3A_624 : memref<40xi32, #tpu.memory_space<hbm>>) target(%arg12 : memref<40xi32, #tpu.memory_space<vmem>>) target_semaphore(%arg27 : memref<!tpu.dma_semaphore, #tpu.memory_space<semaphore_mem>>)
      } else {
      }
      %mul3A_294 = arith.constant 5 : i32
      %mul3A_295 = arith.muli %scan3A_92, %mul3A_294 : i32
      %add3A_296 = arith.constant 2 : i32
      %add3A_297 = arith.addi %mul3A_295, %add3A_296 : i32
      %jit3A_298 = arith.constant 32 : i32
      %eq3A_299 = arith.constant 0 : i32
      %eq3A_300 = arith.cmpi eq, %jit3A_298, %eq3A_299 : i32
      %jit3A_301 = arith.constant 1 : i32
      %select_n3A_302 = arith.select %eq3A_300, %jit3A_301, %jit3A_298 : i32
      %rem3A_303 = arith.remsi %add3A_297, %select_n3A_302 : i32
      %ne3A_304 = arith.constant 0 : i32
      %ne3A_305 = arith.cmpi ne, %rem3A_303, %ne3A_304 : i32
      %lt3A_306 = arith.constant 0 : i32
      %lt3A_307 = arith.cmpi slt, %rem3A_303, %lt3A_306 : i32
      %lt3A_308 = arith.constant 0 : i32
      %lt3A_309 = arith.cmpi slt, %select_n3A_302, %lt3A_308 : i32
      %ne3A_310 = arith.xori %lt3A_307, %lt3A_309 : i1
      %and3A_311 = arith.andi %ne3A_310, %ne3A_305 : i1
      %add3A_312 = arith.addi %rem3A_303, %select_n3A_302 : i32
      %select_n3A_313 = arith.select %and3A_311, %add3A_312, %rem3A_303 : i32
      %eq3A_314 = arith.constant 0 : i32
      %eq3A_315 = arith.cmpi eq, %select_n3A_313, %eq3A_314 : i32
      %gt3A_316 = arith.constant 0 : i32
      %gt3A_317 = arith.cmpi sgt, %add3A_297, %gt3A_316 : i32
      %and3A_318 = arith.andi %eq3A_315, %gt3A_317 : i1
      %convert_element_type3A_319 = arith.extui %and3A_318 : i1 to i32
      %cond3A_320 = arith.constant 0 : i32
      %cond3A_321 = arith.cmpi ne, %convert_element_type3A_319, %cond3A_320 : i32
      scf.if %cond3A_321 {
        %jit3A_616 = arith.constant 32 : i32
        %div3A_617 = arith.divsi %add3A_297, %jit3A_616 : i32
        %sign3A_618 = arith.constant 0 : i32
        %sign3A_619 = arith.cmpi sgt, %add3A_297, %sign3A_618 : i32
        %sign3A_620 = arith.extui %sign3A_619 : i1 to i32
        %sign3A_621 = arith.constant 0 : i32
        %sign3A_622 = arith.cmpi slt, %add3A_297, %sign3A_621 : i32
        %sign3A_623 = arith.extui %sign3A_622 : i1 to i32
        %sign3A_624 = arith.subi %sign3A_620, %sign3A_623 : i32
        %sign3A_625 = arith.constant 0 : i32
        %sign3A_626 = arith.cmpi sgt, %jit3A_616, %sign3A_625 : i32
        %sign3A_627 = arith.extui %sign3A_626 : i1 to i32
        %sign3A_628 = arith.constant 0 : i32
        %sign3A_629 = arith.cmpi slt, %jit3A_616, %sign3A_628 : i32
        %sign3A_630 = arith.extui %sign3A_629 : i1 to i32
        %sign3A_631 = arith.subi %sign3A_627, %sign3A_630 : i32
        %ne3A_632 = arith.cmpi ne, %sign3A_624, %sign3A_631 : i32
        %rem3A_633 = arith.remsi %add3A_297, %jit3A_616 : i32
        %ne3A_634 = arith.constant 0 : i32
        %ne3A_635 = arith.cmpi ne, %rem3A_633, %ne3A_634 : i32
        %and3A_636 = arith.andi %ne3A_632, %ne3A_635 : i1
        %sub3A_637 = arith.constant 1 : i32
        %sub3A_638 = arith.subi %div3A_617, %sub3A_637 : i32
        %select_n3A_639 = arith.select %and3A_636, %sub3A_638, %div3A_617 : i32
        %mul3A_640 = arith.constant 40 : i32
        %mul3A_641 = arith.muli %select_n3A_639, %mul3A_640 : i32
        "tpu.region"() ({
          %run_scoped3A = tpu.sem_alloc : memref<!tpu.dma_semaphore, #tpu.memory_space<semaphore_mem>>
          %dma_start3A_642 = arith.constant 0 : i32
          %dma_start3A_643 = tpu.memref_slice %arg4[%mul3A_641, %dma_start3A_642] : memref<200x512xf32, #tpu.memory_space<hbm>> -> memref<40x512xf32, #tpu.memory_space<hbm>>
          %dma_start3A_644 = arith.constant 0 : i32
          %dma_start3A_645 = tpu.memref_slice %arg4[%mul3A_641, %dma_start3A_644] : memref<200x512xf32, #tpu.memory_space<hbm>> -> memref<40x512xf32, #tpu.memory_space<hbm>>
          tpu.enqueue_dma source(%dma_start3A_645 : memref<40x512xf32, #tpu.memory_space<hbm>>) target(%arg6 : memref<40x512xf32, #tpu.memory_space<vmem>>) target_semaphore(%run_scoped3A : memref<!tpu.dma_semaphore, #tpu.memory_space<semaphore_mem>>)
          %dma_wait3A_646 = arith.constant 0 : i32
          %dma_wait3A_647 = tpu.memref_slice %arg4[%mul3A_641, %dma_wait3A_646] : memref<200x512xf32, #tpu.memory_space<hbm>> -> memref<40x512xf32, #tpu.memory_space<hbm>>
          %dma_wait3A_648 = arith.constant 0 : i32
          %dma_wait3A_649 = tpu.memref_slice %arg4[%mul3A_641, %dma_wait3A_648] : memref<200x512xf32, #tpu.memory_space<hbm>> -> memref<40x512xf32, #tpu.memory_space<hbm>>
          tpu.wait_dma2 semaphore(%run_scoped3A : memref<!tpu.dma_semaphore, #tpu.memory_space<semaphore_mem>>) src(%dma_wait3A_649 : memref<40x512xf32, #tpu.memory_space<hbm>>) dst(%arg6 : memref<40x512xf32, #tpu.memory_space<vmem>>)
          tpu.yield
        }) : () -> ()
      } else {
      }
      %dma_wait3A_322 = arith.constant 0 : i32
      %dma_wait3A_323 = arith.constant 0 : i32
      %dma_wait3A_324 = tpu.memref_slice %arg3[%dma_wait3A_322, %dma_wait3A_323] : memref<100000x512xf32, #tpu.memory_space<hbm>> -> memref<100000x512xf32, #tpu.memory_space<hbm>>
      tpu.wait_indirect_dma semaphore(%arg19 : memref<!tpu.dma_semaphore, #tpu.memory_space<semaphore_mem>>) src(%dma_wait3A_324 : memref<100000x512xf32, #tpu.memory_space<hbm>>) dst(%arg9 : memref<40x512xf32, #tpu.memory_space<vmem>>)
      %scan3A_325 = arith.constant 0 : i32
      %scan3A_326 = arith.constant 0 : i32
      %scan3A_327 = arith.constant 40 : i32
      %scan3A_328 = arith.addi %scan3A_326, %scan3A_327 : i32
      %scan3A_329 = arith.constant 1 : i32
      %scan3A_330 = scf.for %scan3A_616 = %scan3A_326 to %scan3A_328 step %scan3A_329 iter_args(%scan3A_617 = %scan3A_325) -> (i32)  : i32 {
        %get3A = arith.index_cast %scan3A_616 : i32 to index
        %get3A_618 = arith.constant 0 : index
        %get3A_619 = tpu.vector_load %arg9[%get3A, %get3A_618] {strides = array<i32>} : memref<40x512xf32, #tpu.memory_space<vmem>>, vector<1x16xf32>,
        %get3A_620 = vector.shape_cast %get3A_619 : vector<1x16xf32> to vector<16xf32>
        %mul3A_621 = arith.constant 22.6274166 : f32
        %mul3A_622 = vector.broadcast %mul3A_621 : f32 to vector<16xf32>
        %mul3A_623 = arith.mulf %get3A_620, %mul3A_622 : vector<16xf32>
        %get3A_624 = arith.index_cast %scan3A_616 : i32 to index
        %get3A_625 = arith.constant 0 : index
        %get3A_626 = tpu.vector_load %arg6[%get3A_624, %get3A_625] {strides = array<i32>} : memref<40x512xf32, #tpu.memory_space<vmem>>, vector<1x16xf32>,
        %get3A_627 = vector.shape_cast %get3A_626 : vector<1x16xf32> to vector<16xf32>
        %add3A_628 = arith.addf %mul3A_623, %get3A_627 : vector<16xf32>
        %swap3A = arith.index_cast %scan3A_616 : i32 to index
        %swap3A_629 = arith.constant 0 : index
        %swap3A_630 = tpu.vector_load %arg9[%swap3A, %swap3A_629] {strides = array<i32>} : memref<40x512xf32, #tpu.memory_space<vmem>>, vector<1x16xf32>,
        %swap3A_631 = vector.shape_cast %swap3A_630 : vector<1x16xf32> to vector<16xf32>
        %swap3A_632 = vector.shape_cast %add3A_628 : vector<16xf32> to vector<1x16xf32>
        tpu.vector_store %arg9[%swap3A, %swap3A_629], %swap3A_632 {strides = array<i32>} : memref<40x512xf32, #tpu.memory_space<vmem>>, vector<1x16xf32>,
        %get3A_633 = arith.index_cast %scan3A_616 : i32 to index
        %get3A_634 = arith.constant 16 : index
        %get3A_635 = tpu.vector_load %arg9[%get3A_633, %get3A_634] {strides = array<i32>} : memref<40x512xf32, #tpu.memory_space<vmem>>, vector<1x16xf32>,
        %get3A_636 = vector.shape_cast %get3A_635 : vector<1x16xf32> to vector<16xf32>
        %mul3A_637 = arith.constant 22.6274166 : f32
        %mul3A_638 = vector.broadcast %mul3A_637 : f32 to vector<16xf32>
        %mul3A_639 = arith.mulf %get3A_636, %mul3A_638 : vector<16xf32>
        %get3A_640 = arith.index_cast %scan3A_616 : i32 to index
        %get3A_641 = arith.constant 16 : index
        %get3A_642 = tpu.vector_load %arg6[%get3A_640, %get3A_641] {strides = array<i32>} : memref<40x512xf32, #tpu.memory_space<vmem>>, vector<1x16xf32>,
        %get3A_643 = vector.shape_cast %get3A_642 : vector<1x16xf32> to vector<16xf32>
        %add3A_644 = arith.addf %mul3A_639, %get3A_643 : vector<16xf32>
        %swap3A_645 = arith.index_cast %scan3A_616 : i32 to index
        %swap3A_646 = arith.constant 16 : index
        %swap3A_647 = tpu.vector_load %arg9[%swap3A_645, %swap3A_646] {strides = array<i32>} : memref<40x512xf32, #tpu.memory_space<vmem>>, vector<1x16xf32>,
        %swap3A_648 = vector.shape_cast %swap3A_647 : vector<1x16xf32> to vector<16xf32>
        %swap3A_649 = vector.shape_cast %add3A_644 : vector<16xf32> to vector<1x16xf32>
        tpu.vector_store %arg9[%swap3A_645, %swap3A_646], %swap3A_649 {strides = array<i32>} : memref<40x512xf32, #tpu.memory_space<vmem>>, vector<1x16xf32>,
        %get3A_650 = arith.index_cast %scan3A_616 : i32 to index
        %get3A_651 = arith.constant 32 : index
        %get3A_652 = tpu.vector_load %arg9[%get3A_650, %get3A_651] {strides = array<i32>} : memref<40x512xf32, #tpu.memory_space<vmem>>, vector<1x16xf32>,
        %get3A_653 = vector.shape_cast %get3A_652 : vector<1x16xf32> to vector<16xf32>
        %mul3A_654 = arith.constant 22.6274166 : f32
        %mul3A_655 = vector.broadcast %mul3A_654 : f32 to vector<16xf32>
        %mul3A_656 = arith.mulf %get3A_653, %mul3A_655 : vector<16xf32>
        %get3A_657 = arith.index_cast %scan3A_616 : i32 to index
        %get3A_658 = arith.constant 32 : index
        %get3A_659 = tpu.vector_load %arg6[%get3A_657, %get3A_658] {strides = array<i32>} : memref<40x512xf32, #tpu.memory_space<vmem>>, vector<1x16xf32>,
        %get3A_660 = vector.shape_cast %get3A_659 : vector<1x16xf32> to vector<16xf32>
        %add3A_661 = arith.addf %mul3A_656, %get3A_660 : vector<16xf32>
        %swap3A_662 = arith.index_cast %scan3A_616 : i32 to index
        %swap3A_663 = arith.constant 32 : index
        %swap3A_664 = tpu.vector_load %arg9[%swap3A_662, %swap3A_663] {strides = array<i32>} : memref<40x512xf32, #tpu.memory_space<vmem>>, vector<1x16xf32>,
        %swap3A_665 = vector.shape_cast %swap3A_664 : vector<1x16xf32> to vector<16xf32>
        %swap3A_666 = vector.shape_cast %add3A_661 : vector<16xf32> to vector<1x16xf32>
        tpu.vector_store %arg9[%swap3A_662, %swap3A_663], %swap3A_666 {strides = array<i32>} : memref<40x512xf32, #tpu.memory_space<vmem>>, vector<1x16xf32>,
        %get3A_667 = arith.index_cast %scan3A_616 : i32 to index
        %get3A_668 = arith.constant 48 : index
        %get3A_669 = tpu.vector_load %arg9[%get3A_667, %get3A_668] {strides = array<i32>} : memref<40x512xf32, #tpu.memory_space<vmem>>, vector<1x16xf32>,
        %get3A_670 = vector.shape_cast %get3A_669 : vector<1x16xf32> to vector<16xf32>
        %mul3A_671 = arith.constant 22.6274166 : f32
        %mul3A_672 = vector.broadcast %mul3A_671 : f32 to vector<16xf32>
        %mul3A_673 = arith.mulf %get3A_670, %mul3A_672 : vector<16xf32>
        %get3A_674 = arith.index_cast %scan3A_616 : i32 to index
        %get3A_675 = arith.constant 48 : index
        %get3A_676 = tpu.vector_load %arg6[%get3A_674, %get3A_675] {strides = array<i32>} : memref<40x512xf32, #tpu.memory_space<vmem>>, vector<1x16xf32>,
        %get3A_677 = vector.shape_cast %get3A_676 : vector<1x16xf32> to vector<16xf32>
        %add3A_678 = arith.addf %mul3A_673, %get3A_677 : vector<16xf32>
        %swap3A_679 = arith.index_cast %scan3A_616 : i32 to index
        %swap3A_680 = arith.constant 48 : index
        %swap3A_681 = tpu.vector_load %arg9[%swap3A_679, %swap3A_680] {strides = array<i32>} : memref<40x512xf32, #tpu.memory_space<vmem>>, vector<1x16xf32>,
        %swap3A_682 = vector.shape_cast %swap3A_681 : vector<1x16xf32> to vector<16xf32>
        %swap3A_683 = vector.shape_cast %add3A_678 : vector<16xf32> to vector<1x16xf32>
        tpu.vector_store %arg9[%swap3A_679, %swap3A_680], %swap3A_683 {strides = array<i32>} : memref<40x512xf32, #tpu.memory_space<vmem>>, vector<1x16xf32>,
        %get3A_684 = arith.index_cast %scan3A_616 : i32 to index
        %get3A_685 = arith.constant 64 : index
        %get3A_686 = tpu.vector_load %arg9[%get3A_684, %get3A_685] {strides = array<i32>} : memref<40x512xf32, #tpu.memory_space<vmem>>, vector<1x16xf32>,
        %get3A_687 = vector.shape_cast %get3A_686 : vector<1x16xf32> to vector<16xf32>
        %mul3A_688 = arith.constant 22.6274166 : f32
        %mul3A_689 = vector.broadcast %mul3A_688 : f32 to vector<16xf32>
        %mul3A_690 = arith.mulf %get3A_687, %mul3A_689 : vector<16xf32>
        %get3A_691 = arith.index_cast %scan3A_616 : i32 to index
        %get3A_692 = arith.constant 64 : index
        %get3A_693 = tpu.vector_load %arg6[%get3A_691, %get3A_692] {strides = array<i32>} : memref<40x512xf32, #tpu.memory_space<vmem>>, vector<1x16xf32>,
        %get3A_694 = vector.shape_cast %get3A_693 : vector<1x16xf32> to vector<16xf32>
        %add3A_695 = arith.addf %mul3A_690, %get3A_694 : vector<16xf32>
        %swap3A_696 = arith.index_cast %scan3A_616 : i32 to index
        %swap3A_697 = arith.constant 64 : index
        %swap3A_698 = tpu.vector_load %arg9[%swap3A_696, %swap3A_697] {strides = array<i32>} : memref<40x512xf32, #tpu.memory_space<vmem>>, vector<1x16xf32>,
        %swap3A_699 = vector.shape_cast %swap3A_698 : vector<1x16xf32> to vector<16xf32>
        %swap3A_700 = vector.shape_cast %add3A_695 : vector<16xf32> to vector<1x16xf32>
        tpu.vector_store %arg9[%swap3A_696, %swap3A_697], %swap3A_700 {strides = array<i32>} : memref<40x512xf32, #tpu.memory_space<vmem>>, vector<1x16xf32>,
        %get3A_701 = arith.index_cast %scan3A_616 : i32 to index
        %get3A_702 = arith.constant 80 : index
        %get3A_703 = tpu.vector_load %arg9[%get3A_701, %get3A_702] {strides = array<i32>} : memref<40x512xf32, #tpu.memory_space<vmem>>, vector<1x16xf32>,
        %get3A_704 = vector.shape_cast %get3A_703 : vector<1x16xf32> to vector<16xf32>
        %mul3A_705 = arith.constant 22.6274166 : f32
        %mul3A_706 = vector.broadcast %mul3A_705 : f32 to vector<16xf32>
        %mul3A_707 = arith.mulf %get3A_704, %mul3A_706 : vector<16xf32>
        %get3A_708 = arith.index_cast %scan3A_616 : i32 to index
        %get3A_709 = arith.constant 80 : index
        %get3A_710 = tpu.vector_load %arg6[%get3A_708, %get3A_709] {strides = array<i32>} : memref<40x512xf32, #tpu.memory_space<vmem>>, vector<1x16xf32>,
        %get3A_711 = vector.shape_cast %get3A_710 : vector<1x16xf32> to vector<16xf32>
        %add3A_712 = arith.addf %mul3A_707, %get3A_711 : vector<16xf32>
        %swap3A_713 = arith.index_cast %scan3A_616 : i32 to index
        %swap3A_714 = arith.constant 80 : index
        %swap3A_715 = tpu.vector_load %arg9[%swap3A_713, %swap3A_714] {strides = array<i32>} : memref<40x512xf32, #tpu.memory_space<vmem>>, vector<1x16xf32>,
        %swap3A_716 = vector.shape_cast %swap3A_715 : vector<1x16xf32> to vector<16xf32>
        %swap3A_717 = vector.shape_cast %add3A_712 : vector<16xf32> to vector<1x16xf32>
        tpu.vector_store %arg9[%swap3A_713, %swap3A_714], %swap3A_717 {strides = array<i32>} : memref<40x512xf32, #tpu.memory_space<vmem>>, vector<1x16xf32>,
        %get3A_718 = arith.index_cast %scan3A_616 : i32 to index
        %get3A_719 = arith.constant 96 : index
        %get3A_720 = tpu.vector_load %arg9[%get3A_718, %get3A_719] {strides = array<i32>} : memref<40x512xf32, #tpu.memory_space<vmem>>, vector<1x16xf32>,
        %get3A_721 = vector.shape_cast %get3A_720 : vector<1x16xf32> to vector<16xf32>
        %mul3A_722 = arith.constant 22.6274166 : f32
        %mul3A_723 = vector.broadcast %mul3A_722 : f32 to vector<16xf32>
        %mul3A_724 = arith.mulf %get3A_721, %mul3A_723 : vector<16xf32>
        %get3A_725 = arith.index_cast %scan3A_616 : i32 to index
        %get3A_726 = arith.constant 96 : index
        %get3A_727 = tpu.vector_load %arg6[%get3A_725, %get3A_726] {strides = array<i32>} : memref<40x512xf32, #tpu.memory_space<vmem>>, vector<1x16xf32>,
        %get3A_728 = vector.shape_cast %get3A_727 : vector<1x16xf32> to vector<16xf32>
        %add3A_729 = arith.addf %mul3A_724, %get3A_728 : vector<16xf32>
        %swap3A_730 = arith.index_cast %scan3A_616 : i32 to index
        %swap3A_731 = arith.constant 96 : index
        %swap3A_732 = tpu.vector_load %arg9[%swap3A_730, %swap3A_731] {strides = array<i32>} : memref<40x512xf32, #tpu.memory_space<vmem>>, vector<1x16xf32>,
        %swap3A_733 = vector.shape_cast %swap3A_732 : vector<1x16xf32> to vector<16xf32>
        %swap3A_734 = vector.shape_cast %add3A_729 : vector<16xf32> to vector<1x16xf32>
        tpu.vector_store %arg9[%swap3A_730, %swap3A_731], %swap3A_734 {strides = array<i32>} : memref<40x512xf32, #tpu.memory_space<vmem>>, vector<1x16xf32>,
        %get3A_735 = arith.index_cast %scan3A_616 : i32 to index
        %get3A_736 = arith.constant 112 : index
        %get3A_737 = tpu.vector_load %arg9[%get3A_735, %get3A_736] {strides = array<i32>} : memref<40x512xf32, #tpu.memory_space<vmem>>, vector<1x16xf32>,
        %get3A_738 = vector.shape_cast %get3A_737 : vector<1x16xf32> to vector<16xf32>
        %mul3A_739 = arith.constant 22.6274166 : f32
        %mul3A_740 = vector.broadcast %mul3A_739 : f32 to vector<16xf32>
        %mul3A_741 = arith.mulf %get3A_738, %mul3A_740 : vector<16xf32>
        %get3A_742 = arith.index_cast %scan3A_616 : i32 to index
        %get3A_743 = arith.constant 112 : index
        %get3A_744 = tpu.vector_load %arg6[%get3A_742, %get3A_743] {strides = array<i32>} : memref<40x512xf32, #tpu.memory_space<vmem>>, vector<1x16xf32>,
        %get3A_745 = vector.shape_cast %get3A_744 : vector<1x16xf32> to vector<16xf32>
        %add3A_746 = arith.addf %mul3A_741, %get3A_745 : vector<16xf32>
        %swap3A_747 = arith.index_cast %scan3A_616 : i32 to index
        %swap3A_748 = arith.constant 112 : index
        %swap3A_749 = tpu.vector_load %arg9[%swap3A_747, %swap3A_748] {strides = array<i32>} : memref<40x512xf32, #tpu.memory_space<vmem>>, vector<1x16xf32>,
        %swap3A_750 = vector.shape_cast %swap3A_749 : vector<1x16xf32> to vector<16xf32>
        %swap3A_751 = vector.shape_cast %add3A_746 : vector<16xf32> to vector<1x16xf32>
        tpu.vector_store %arg9[%swap3A_747, %swap3A_748], %swap3A_751 {strides = array<i32>} : memref<40x512xf32, #tpu.memory_space<vmem>>, vector<1x16xf32>,
        %get3A_752 = arith.index_cast %scan3A_616 : i32 to index
        %get3A_753 = arith.constant 128 : index
        %get3A_754 = tpu.vector_load %arg9[%get3A_752, %get3A_753] {strides = array<i32>} : memref<40x512xf32, #tpu.memory_space<vmem>>, vector<1x16xf32>,
        %get3A_755 = vector.shape_cast %get3A_754 : vector<1x16xf32> to vector<16xf32>
        %mul3A_756 = arith.constant 22.6274166 : f32
        %mul3A_757 = vector.broadcast %mul3A_756 : f32 to vector<16xf32>
        %mul3A_758 = arith.mulf %get3A_755, %mul3A_757 : vector<16xf32>
        %get3A_759 = arith.index_cast %scan3A_616 : i32 to index
        %get3A_760 = arith.constant 128 : index
        %get3A_761 = tpu.vector_load %arg6[%get3A_759, %get3A_760] {strides = array<i32>} : memref<40x512xf32, #tpu.memory_space<vmem>>, vector<1x16xf32>,
        %get3A_762 = vector.shape_cast %get3A_761 : vector<1x16xf32> to vector<16xf32>
        %add3A_763 = arith.addf %mul3A_758, %get3A_762 : vector<16xf32>
        %swap3A_764 = arith.index_cast %scan3A_616 : i32 to index
        %swap3A_765 = arith.constant 128 : index
        %swap3A_766 = tpu.vector_load %arg9[%swap3A_764, %swap3A_765] {strides = array<i32>} : memref<40x512xf32, #tpu.memory_space<vmem>>, vector<1x16xf32>,
        %swap3A_767 = vector.shape_cast %swap3A_766 : vector<1x16xf32> to vector<16xf32>
        %swap3A_768 = vector.shape_cast %add3A_763 : vector<16xf32> to vector<1x16xf32>
        tpu.vector_store %arg9[%swap3A_764, %swap3A_765], %swap3A_768 {strides = array<i32>} : memref<40x512xf32, #tpu.memory_space<vmem>>, vector<1x16xf32>,
        %get3A_769 = arith.index_cast %scan3A_616 : i32 to index
        %get3A_770 = arith.constant 144 : index
        %get3A_771 = tpu.vector_load %arg9[%get3A_769, %get3A_770] {strides = array<i32>} : memref<40x512xf32, #tpu.memory_space<vmem>>, vector<1x16xf32>,
        %get3A_772 = vector.shape_cast %get3A_771 : vector<1x16xf32> to vector<16xf32>
        %mul3A_773 = arith.constant 22.6274166 : f32
        %mul3A_774 = vector.broadcast %mul3A_773 : f32 to vector<16xf32>
        %mul3A_775 = arith.mulf %get3A_772, %mul3A_774 : vector<16xf32>
        %get3A_776 = arith.index_cast %scan3A_616 : i32 to index
        %get3A_777 = arith.constant 144 : index
        %get3A_778 = tpu.vector_load %arg6[%get3A_776, %get3A_777] {strides = array<i32>} : memref<40x512xf32, #tpu.memory_space<vmem>>, vector<1x16xf32>,
        %get3A_779 = vector.shape_cast %get3A_778 : vector<1x16xf32> to vector<16xf32>
        %add3A_780 = arith.addf %mul3A_775, %get3A_779 : vector<16xf32>
        %swap3A_781 = arith.index_cast %scan3A_616 : i32 to index
        %swap3A_782 = arith.constant 144 : index
        %swap3A_783 = tpu.vector_load %arg9[%swap3A_781, %swap3A_782] {strides = array<i32>} : memref<40x512xf32, #tpu.memory_space<vmem>>, vector<1x16xf32>,
        %swap3A_784 = vector.shape_cast %swap3A_783 : vector<1x16xf32> to vector<16xf32>
        %swap3A_785 = vector.shape_cast %add3A_780 : vector<16xf32> to vector<1x16xf32>
        tpu.vector_store %arg9[%swap3A_781, %swap3A_782], %swap3A_785 {strides = array<i32>} : memref<40x512xf32, #tpu.memory_space<vmem>>, vector<1x16xf32>,
        %get3A_786 = arith.index_cast %scan3A_616 : i32 to index
        %get3A_787 = arith.constant 160 : index
        %get3A_788 = tpu.vector_load %arg9[%get3A_786, %get3A_787] {strides = array<i32>} : memref<40x512xf32, #tpu.memory_space<vmem>>, vector<1x16xf32>,
        %get3A_789 = vector.shape_cast %get3A_788 : vector<1x16xf32> to vector<16xf32>
        %mul3A_790 = arith.constant 22.6274166 : f32
        %mul3A_791 = vector.broadcast %mul3A_790 : f32 to vector<16xf32>
        %mul3A_792 = arith.mulf %get3A_789, %mul3A_791 : vector<16xf32>
        %get3A_793 = arith.index_cast %scan3A_616 : i32 to index
        %get3A_794 = arith.constant 160 : index
        %get3A_795 = tpu.vector_load %arg6[%get3A_793, %get3A_794] {strides = array<i32>} : memref<40x512xf32, #tpu.memory_space<vmem>>, vector<1x16xf32>,
        %get3A_796 = vector.shape_cast %get3A_795 : vector<1x16xf32> to vector<16xf32>
        %add3A_797 = arith.addf %mul3A_792, %get3A_796 : vector<16xf32>
        %swap3A_798 = arith.index_cast %scan3A_616 : i32 to index
        %swap3A_799 = arith.constant 160 : index
        %swap3A_800 = tpu.vector_load %arg9[%swap3A_798, %swap3A_799] {strides = array<i32>} : memref<40x512xf32, #tpu.memory_space<vmem>>, vector<1x16xf32>,
        %swap3A_801 = vector.shape_cast %swap3A_800 : vector<1x16xf32> to vector<16xf32>
        %swap3A_802 = vector.shape_cast %add3A_797 : vector<16xf32> to vector<1x16xf32>
        tpu.vector_store %arg9[%swap3A_798, %swap3A_799], %swap3A_802 {strides = array<i32>} : memref<40x512xf32, #tpu.memory_space<vmem>>, vector<1x16xf32>,
        %get3A_803 = arith.index_cast %scan3A_616 : i32 to index
        %get3A_804 = arith.constant 176 : index
        %get3A_805 = tpu.vector_load %arg9[%get3A_803, %get3A_804] {strides = array<i32>} : memref<40x512xf32, #tpu.memory_space<vmem>>, vector<1x16xf32>,
        %get3A_806 = vector.shape_cast %get3A_805 : vector<1x16xf32> to vector<16xf32>
        %mul3A_807 = arith.constant 22.6274166 : f32
        %mul3A_808 = vector.broadcast %mul3A_807 : f32 to vector<16xf32>
        %mul3A_809 = arith.mulf %get3A_806, %mul3A_808 : vector<16xf32>
        %get3A_810 = arith.index_cast %scan3A_616 : i32 to index
        %get3A_811 = arith.constant 176 : index
        %get3A_812 = tpu.vector_load %arg6[%get3A_810, %get3A_811] {strides = array<i32>} : memref<40x512xf32, #tpu.memory_space<vmem>>, vector<1x16xf32>,
        %get3A_813 = vector.shape_cast %get3A_812 : vector<1x16xf32> to vector<16xf32>
        %add3A_814 = arith.addf %mul3A_809, %get3A_813 : vector<16xf32>
        %swap3A_815 = arith.index_cast %scan3A_616 : i32 to index
        %swap3A_816 = arith.constant 176 : index
        %swap3A_817 = tpu.vector_load %arg9[%swap3A_815, %swap3A_816] {strides = array<i32>} : memref<40x512xf32, #tpu.memory_space<vmem>>, vector<1x16xf32>,
        %swap3A_818 = vector.shape_cast %swap3A_817 : vector<1x16xf32> to vector<16xf32>
        %swap3A_819 = vector.shape_cast %add3A_814 : vector<16xf32> to vector<1x16xf32>
        tpu.vector_store %arg9[%swap3A_815, %swap3A_816], %swap3A_819 {strides = array<i32>} : memref<40x512xf32, #tpu.memory_space<vmem>>, vector<1x16xf32>,
        %get3A_820 = arith.index_cast %scan3A_616 : i32 to index
        %get3A_821 = arith.constant 192 : index
        %get3A_822 = tpu.vector_load %arg9[%get3A_820, %get3A_821] {strides = array<i32>} : memref<40x512xf32, #tpu.memory_space<vmem>>, vector<1x16xf32>,
        %get3A_823 = vector.shape_cast %get3A_822 : vector<1x16xf32> to vector<16xf32>
        %mul3A_824 = arith.constant 22.6274166 : f32
        %mul3A_825 = vector.broadcast %mul3A_824 : f32 to vector<16xf32>
        %mul3A_826 = arith.mulf %get3A_823, %mul3A_825 : vector<16xf32>
        %get3A_827 = arith.index_cast %scan3A_616 : i32 to index
        %get3A_828 = arith.constant 192 : index
        %get3A_829 = tpu.vector_load %arg6[%get3A_827, %get3A_828] {strides = array<i32>} : memref<40x512xf32, #tpu.memory_space<vmem>>, vector<1x16xf32>,
        %get3A_830 = vector.shape_cast %get3A_829 : vector<1x16xf32> to vector<16xf32>
        %add3A_831 = arith.addf %mul3A_826, %get3A_830 : vector<16xf32>
        %swap3A_832 = arith.index_cast %scan3A_616 : i32 to index
        %swap3A_833 = arith.constant 192 : index
        %swap3A_834 = tpu.vector_load %arg9[%swap3A_832, %swap3A_833] {strides = array<i32>} : memref<40x512xf32, #tpu.memory_space<vmem>>, vector<1x16xf32>,
        %swap3A_835 = vector.shape_cast %swap3A_834 : vector<1x16xf32> to vector<16xf32>
        %swap3A_836 = vector.shape_cast %add3A_831 : vector<16xf32> to vector<1x16xf32>
        tpu.vector_store %arg9[%swap3A_832, %swap3A_833], %swap3A_836 {strides = array<i32>} : memref<40x512xf32, #tpu.memory_space<vmem>>, vector<1x16xf32>,
        %get3A_837 = arith.index_cast %scan3A_616 : i32 to index
        %get3A_838 = arith.constant 208 : index
        %get3A_839 = tpu.vector_load %arg9[%get3A_837, %get3A_838] {strides = array<i32>} : memref<40x512xf32, #tpu.memory_space<vmem>>, vector<1x16xf32>,
        %get3A_840 = vector.shape_cast %get3A_839 : vector<1x16xf32> to vector<16xf32>
        %mul3A_841 = arith.constant 22.6274166 : f32
        %mul3A_842 = vector.broadcast %mul3A_841 : f32 to vector<16xf32>
        %mul3A_843 = arith.mulf %get3A_840, %mul3A_842 : vector<16xf32>
        %get3A_844 = arith.index_cast %scan3A_616 : i32 to index
        %get3A_845 = arith.constant 208 : index
        %get3A_846 = tpu.vector_load %arg6[%get3A_844, %get3A_845] {strides = array<i32>} : memref<40x512xf32, #tpu.memory_space<vmem>>, vector<1x16xf32>,
        %get3A_847 = vector.shape_cast %get3A_846 : vector<1x16xf32> to vector<16xf32>
        %add3A_848 = arith.addf %mul3A_843, %get3A_847 : vector<16xf32>
        %swap3A_849 = arith.index_cast %scan3A_616 : i32 to index
        %swap3A_850 = arith.constant 208 : index
        %swap3A_851 = tpu.vector_load %arg9[%swap3A_849, %swap3A_850] {strides = array<i32>} : memref<40x512xf32, #tpu.memory_space<vmem>>, vector<1x16xf32>,
        %swap3A_852 = vector.shape_cast %swap3A_851 : vector<1x16xf32> to vector<16xf32>
        %swap3A_853 = vector.shape_cast %add3A_848 : vector<16xf32> to vector<1x16xf32>
        tpu.vector_store %arg9[%swap3A_849, %swap3A_850], %swap3A_853 {strides = array<i32>} : memref<40x512xf32, #tpu.memory_space<vmem>>, vector<1x16xf32>,
        %get3A_854 = arith.index_cast %scan3A_616 : i32 to index
        %get3A_855 = arith.constant 224 : index
        %get3A_856 = tpu.vector_load %arg9[%get3A_854, %get3A_855] {strides = array<i32>} : memref<40x512xf32, #tpu.memory_space<vmem>>, vector<1x16xf32>,
        %get3A_857 = vector.shape_cast %get3A_856 : vector<1x16xf32> to vector<16xf32>
        %mul3A_858 = arith.constant 22.6274166 : f32
        %mul3A_859 = vector.broadcast %mul3A_858 : f32 to vector<16xf32>
        %mul3A_860 = arith.mulf %get3A_857, %mul3A_859 : vector<16xf32>
        %get3A_861 = arith.index_cast %scan3A_616 : i32 to index
        %get3A_862 = arith.constant 224 : index
        %get3A_863 = tpu.vector_load %arg6[%get3A_861, %get3A_862] {strides = array<i32>} : memref<40x512xf32, #tpu.memory_space<vmem>>, vector<1x16xf32>,
        %get3A_864 = vector.shape_cast %get3A_863 : vector<1x16xf32> to vector<16xf32>
        %add3A_865 = arith.addf %mul3A_860, %get3A_864 : vector<16xf32>
        %swap3A_866 = arith.index_cast %scan3A_616 : i32 to index
        %swap3A_867 = arith.constant 224 : index
        %swap3A_868 = tpu.vector_load %arg9[%swap3A_866, %swap3A_867] {strides = array<i32>} : memref<40x512xf32, #tpu.memory_space<vmem>>, vector<1x16xf32>,
        %swap3A_869 = vector.shape_cast %swap3A_868 : vector<1x16xf32> to vector<16xf32>
        %swap3A_870 = vector.shape_cast %add3A_865 : vector<16xf32> to vector<1x16xf32>
        tpu.vector_store %arg9[%swap3A_866, %swap3A_867], %swap3A_870 {strides = array<i32>} : memref<40x512xf32, #tpu.memory_space<vmem>>, vector<1x16xf32>,
        %get3A_871 = arith.index_cast %scan3A_616 : i32 to index
        %get3A_872 = arith.constant 240 : index
        %get3A_873 = tpu.vector_load %arg9[%get3A_871, %get3A_872] {strides = array<i32>} : memref<40x512xf32, #tpu.memory_space<vmem>>, vector<1x16xf32>,
        %get3A_874 = vector.shape_cast %get3A_873 : vector<1x16xf32> to vector<16xf32>
        %mul3A_875 = arith.constant 22.6274166 : f32
        %mul3A_876 = vector.broadcast %mul3A_875 : f32 to vector<16xf32>
        %mul3A_877 = arith.mulf %get3A_874, %mul3A_876 : vector<16xf32>
        %get3A_878 = arith.index_cast %scan3A_616 : i32 to index
        %get3A_879 = arith.constant 240 : index
        %get3A_880 = tpu.vector_load %arg6[%get3A_878, %get3A_879] {strides = array<i32>} : memref<40x512xf32, #tpu.memory_space<vmem>>, vector<1x16xf32>,
        %get3A_881 = vector.shape_cast %get3A_880 : vector<1x16xf32> to vector<16xf32>
        %add3A_882 = arith.addf %mul3A_877, %get3A_881 : vector<16xf32>
        %swap3A_883 = arith.index_cast %scan3A_616 : i32 to index
        %swap3A_884 = arith.constant 240 : index
        %swap3A_885 = tpu.vector_load %arg9[%swap3A_883, %swap3A_884] {strides = array<i32>} : memref<40x512xf32, #tpu.memory_space<vmem>>, vector<1x16xf32>,
        %swap3A_886 = vector.shape_cast %swap3A_885 : vector<1x16xf32> to vector<16xf32>
        %swap3A_887 = vector.shape_cast %add3A_882 : vector<16xf32> to vector<1x16xf32>
        tpu.vector_store %arg9[%swap3A_883, %swap3A_884], %swap3A_887 {strides = array<i32>} : memref<40x512xf32, #tpu.memory_space<vmem>>, vector<1x16xf32>,
        %get3A_888 = arith.index_cast %scan3A_616 : i32 to index
        %get3A_889 = arith.constant 256 : index
        %get3A_890 = tpu.vector_load %arg9[%get3A_888, %get3A_889] {strides = array<i32>} : memref<40x512xf32, #tpu.memory_space<vmem>>, vector<1x16xf32>,
        %get3A_891 = vector.shape_cast %get3A_890 : vector<1x16xf32> to vector<16xf32>
        %mul3A_892 = arith.constant 22.6274166 : f32
        %mul3A_893 = vector.broadcast %mul3A_892 : f32 to vector<16xf32>
        %mul3A_894 = arith.mulf %get3A_891, %mul3A_893 : vector<16xf32>
        %get3A_895 = arith.index_cast %scan3A_616 : i32 to index
        %get3A_896 = arith.constant 256 : index
        %get3A_897 = tpu.vector_load %arg6[%get3A_895, %get3A_896] {strides = array<i32>} : memref<40x512xf32, #tpu.memory_space<vmem>>, vector<1x16xf32>,
        %get3A_898 = vector.shape_cast %get3A_897 : vector<1x16xf32> to vector<16xf32>
        %add3A_899 = arith.addf %mul3A_894, %get3A_898 : vector<16xf32>
        %swap3A_900 = arith.index_cast %scan3A_616 : i32 to index
        %swap3A_901 = arith.constant 256 : index
        %swap3A_902 = tpu.vector_load %arg9[%swap3A_900, %swap3A_901] {strides = array<i32>} : memref<40x512xf32, #tpu.memory_space<vmem>>, vector<1x16xf32>,
        %swap3A_903 = vector.shape_cast %swap3A_902 : vector<1x16xf32> to vector<16xf32>
        %swap3A_904 = vector.shape_cast %add3A_899 : vector<16xf32> to vector<1x16xf32>
        tpu.vector_store %arg9[%swap3A_900, %swap3A_901], %swap3A_904 {strides = array<i32>} : memref<40x512xf32, #tpu.memory_space<vmem>>, vector<1x16xf32>,
        %get3A_905 = arith.index_cast %scan3A_616 : i32 to index
        %get3A_906 = arith.constant 272 : index
        %get3A_907 = tpu.vector_load %arg9[%get3A_905, %get3A_906] {strides = array<i32>} : memref<40x512xf32, #tpu.memory_space<vmem>>, vector<1x16xf32>,
        %get3A_908 = vector.shape_cast %get3A_907 : vector<1x16xf32> to vector<16xf32>
        %mul3A_909 = arith.constant 22.6274166 : f32
        %mul3A_910 = vector.broadcast %mul3A_909 : f32 to vector<16xf32>
        %mul3A_911 = arith.mulf %get3A_908, %mul3A_910 : vector<16xf32>
        %get3A_912 = arith.index_cast %scan3A_616 : i32 to index
        %get3A_913 = arith.constant 272 : index
        %get3A_914 = tpu.vector_load %arg6[%get3A_912, %get3A_913] {strides = array<i32>} : memref<40x512xf32, #tpu.memory_space<vmem>>, vector<1x16xf32>,
        %get3A_915 = vector.shape_cast %get3A_914 : vector<1x16xf32> to vector<16xf32>
        %add3A_916 = arith.addf %mul3A_911, %get3A_915 : vector<16xf32>
        %swap3A_917 = arith.index_cast %scan3A_616 : i32 to index
        %swap3A_918 = arith.constant 272 : index
        %swap3A_919 = tpu.vector_load %arg9[%swap3A_917, %swap3A_918] {strides = array<i32>} : memref<40x512xf32, #tpu.memory_space<vmem>>, vector<1x16xf32>,
        %swap3A_920 = vector.shape_cast %swap3A_919 : vector<1x16xf32> to vector<16xf32>
        %swap3A_921 = vector.shape_cast %add3A_916 : vector<16xf32> to vector<1x16xf32>
        tpu.vector_store %arg9[%swap3A_917, %swap3A_918], %swap3A_921 {strides = array<i32>} : memref<40x512xf32, #tpu.memory_space<vmem>>, vector<1x16xf32>,
        %get3A_922 = arith.index_cast %scan3A_616 : i32 to index
        %get3A_923 = arith.constant 288 : index
        %get3A_924 = tpu.vector_load %arg9[%get3A_922, %get3A_923] {strides = array<i32>} : memref<40x512xf32, #tpu.memory_space<vmem>>, vector<1x16xf32>,
        %get3A_925 = vector.shape_cast %get3A_924 : vector<1x16xf32> to vector<16xf32>
        %mul3A_926 = arith.constant 22.6274166 : f32
        %mul3A_927 = vector.broadcast %mul3A_926 : f32 to vector<16xf32>
        %mul3A_928 = arith.mulf %get3A_925, %mul3A_927 : vector<16xf32>
        %get3A_929 = arith.index_cast %scan3A_616 : i32 to index
        %get3A_930 = arith.constant 288 : index
        %get3A_931 = tpu.vector_load %arg6[%get3A_929, %get3A_930] {strides = array<i32>} : memref<40x512xf32, #tpu.memory_space<vmem>>, vector<1x16xf32>,
        %get3A_932 = vector.shape_cast %get3A_931 : vector<1x16xf32> to vector<16xf32>
        %add3A_933 = arith.addf %mul3A_928, %get3A_932 : vector<16xf32>
        %swap3A_934 = arith.index_cast %scan3A_616 : i32 to index
        %swap3A_935 = arith.constant 288 : index
        %swap3A_936 = tpu.vector_load %arg9[%swap3A_934, %swap3A_935] {strides = array<i32>} : memref<40x512xf32, #tpu.memory_space<vmem>>, vector<1x16xf32>,
        %swap3A_937 = vector.shape_cast %swap3A_936 : vector<1x16xf32> to vector<16xf32>
        %swap3A_938 = vector.shape_cast %add3A_933 : vector<16xf32> to vector<1x16xf32>
        tpu.vector_store %arg9[%swap3A_934, %swap3A_935], %swap3A_938 {strides = array<i32>} : memref<40x512xf32, #tpu.memory_space<vmem>>, vector<1x16xf32>,
        %get3A_939 = arith.index_cast %scan3A_616 : i32 to index
        %get3A_940 = arith.constant 304 : index
        %get3A_941 = tpu.vector_load %arg9[%get3A_939, %get3A_940] {strides = array<i32>} : memref<40x512xf32, #tpu.memory_space<vmem>>, vector<1x16xf32>,
        %get3A_942 = vector.shape_cast %get3A_941 : vector<1x16xf32> to vector<16xf32>
        %mul3A_943 = arith.constant 22.6274166 : f32
        %mul3A_944 = vector.broadcast %mul3A_943 : f32 to vector<16xf32>
        %mul3A_945 = arith.mulf %get3A_942, %mul3A_944 : vector<16xf32>
        %get3A_946 = arith.index_cast %scan3A_616 : i32 to index
        %get3A_947 = arith.constant 304 : index
        %get3A_948 = tpu.vector_load %arg6[%get3A_946, %get3A_947] {strides = array<i32>} : memref<40x512xf32, #tpu.memory_space<vmem>>, vector<1x16xf32>,
        %get3A_949 = vector.shape_cast %get3A_948 : vector<1x16xf32> to vector<16xf32>
        %add3A_950 = arith.addf %mul3A_945, %get3A_949 : vector<16xf32>
        %swap3A_951 = arith.index_cast %scan3A_616 : i32 to index
        %swap3A_952 = arith.constant 304 : index
        %swap3A_953 = tpu.vector_load %arg9[%swap3A_951, %swap3A_952] {strides = array<i32>} : memref<40x512xf32, #tpu.memory_space<vmem>>, vector<1x16xf32>,
        %swap3A_954 = vector.shape_cast %swap3A_953 : vector<1x16xf32> to vector<16xf32>
        %swap3A_955 = vector.shape_cast %add3A_950 : vector<16xf32> to vector<1x16xf32>
        tpu.vector_store %arg9[%swap3A_951, %swap3A_952], %swap3A_955 {strides = array<i32>} : memref<40x512xf32, #tpu.memory_space<vmem>>, vector<1x16xf32>,
        %get3A_956 = arith.index_cast %scan3A_616 : i32 to index
        %get3A_957 = arith.constant 320 : index
        %get3A_958 = tpu.vector_load %arg9[%get3A_956, %get3A_957] {strides = array<i32>} : memref<40x512xf32, #tpu.memory_space<vmem>>, vector<1x16xf32>,
        %get3A_959 = vector.shape_cast %get3A_958 : vector<1x16xf32> to vector<16xf32>
        %mul3A_960 = arith.constant 22.6274166 : f32
        %mul3A_961 = vector.broadcast %mul3A_960 : f32 to vector<16xf32>
        %mul3A_962 = arith.mulf %get3A_959, %mul3A_961 : vector<16xf32>
        %get3A_963 = arith.index_cast %scan3A_616 : i32 to index
        %get3A_964 = arith.constant 320 : index
        %get3A_965 = tpu.vector_load %arg6[%get3A_963, %get3A_964] {strides = array<i32>} : memref<40x512xf32, #tpu.memory_space<vmem>>, vector<1x16xf32>,
        %get3A_966 = vector.shape_cast %get3A_965 : vector<1x16xf32> to vector<16xf32>
        %add3A_967 = arith.addf %mul3A_962, %get3A_966 : vector<16xf32>
        %swap3A_968 = arith.index_cast %scan3A_616 : i32 to index
        %swap3A_969 = arith.constant 320 : index
        %swap3A_970 = tpu.vector_load %arg9[%swap3A_968, %swap3A_969] {strides = array<i32>} : memref<40x512xf32, #tpu.memory_space<vmem>>, vector<1x16xf32>,
        %swap3A_971 = vector.shape_cast %swap3A_970 : vector<1x16xf32> to vector<16xf32>
        %swap3A_972 = vector.shape_cast %add3A_967 : vector<16xf32> to vector<1x16xf32>
        tpu.vector_store %arg9[%swap3A_968, %swap3A_969], %swap3A_972 {strides = array<i32>} : memref<40x512xf32, #tpu.memory_space<vmem>>, vector<1x16xf32>,
        %get3A_973 = arith.index_cast %scan3A_616 : i32 to index
        %get3A_974 = arith.constant 336 : index
        %get3A_975 = tpu.vector_load %arg9[%get3A_973, %get3A_974] {strides = array<i32>} : memref<40x512xf32, #tpu.memory_space<vmem>>, vector<1x16xf32>,
        %get3A_976 = vector.shape_cast %get3A_975 : vector<1x16xf32> to vector<16xf32>
        %mul3A_977 = arith.constant 22.6274166 : f32
        %mul3A_978 = vector.broadcast %mul3A_977 : f32 to vector<16xf32>
        %mul3A_979 = arith.mulf %get3A_976, %mul3A_978 : vector<16xf32>
        %get3A_980 = arith.index_cast %scan3A_616 : i32 to index
        %get3A_981 = arith.constant 336 : index
        %get3A_982 = tpu.vector_load %arg6[%get3A_980, %get3A_981] {strides = array<i32>} : memref<40x512xf32, #tpu.memory_space<vmem>>, vector<1x16xf32>,
        %get3A_983 = vector.shape_cast %get3A_982 : vector<1x16xf32> to vector<16xf32>
        %add3A_984 = arith.addf %mul3A_979, %get3A_983 : vector<16xf32>
        %swap3A_985 = arith.index_cast %scan3A_616 : i32 to index
        %swap3A_986 = arith.constant 336 : index
        %swap3A_987 = tpu.vector_load %arg9[%swap3A_985, %swap3A_986] {strides = array<i32>} : memref<40x512xf32, #tpu.memory_space<vmem>>, vector<1x16xf32>,
        %swap3A_988 = vector.shape_cast %swap3A_987 : vector<1x16xf32> to vector<16xf32>
        %swap3A_989 = vector.shape_cast %add3A_984 : vector<16xf32> to vector<1x16xf32>
        tpu.vector_store %arg9[%swap3A_985, %swap3A_986], %swap3A_989 {strides = array<i32>} : memref<40x512xf32, #tpu.memory_space<vmem>>, vector<1x16xf32>,
        %get3A_990 = arith.index_cast %scan3A_616 : i32 to index
        %get3A_991 = arith.constant 352 : index
        %get3A_992 = tpu.vector_load %arg9[%get3A_990, %get3A_991] {strides = array<i32>} : memref<40x512xf32, #tpu.memory_space<vmem>>, vector<1x16xf32>,
        %get3A_993 = vector.shape_cast %get3A_992 : vector<1x16xf32> to vector<16xf32>
        %mul3A_994 = arith.constant 22.6274166 : f32
        %mul3A_995 = vector.broadcast %mul3A_994 : f32 to vector<16xf32>
        %mul3A_996 = arith.mulf %get3A_993, %mul3A_995 : vector<16xf32>
        %get3A_997 = arith.index_cast %scan3A_616 : i32 to index
        %get3A_998 = arith.constant 352 : index
        %get3A_999 = tpu.vector_load %arg6[%get3A_997, %get3A_998] {strides = array<i32>} : memref<40x512xf32, #tpu.memory_space<vmem>>, vector<1x16xf32>,
        %get3A_1000 = vector.shape_cast %get3A_999 : vector<1x16xf32> to vector<16xf32>
        %add3A_1001 = arith.addf %mul3A_996, %get3A_1000 : vector<16xf32>
        %swap3A_1002 = arith.index_cast %scan3A_616 : i32 to index
        %swap3A_1003 = arith.constant 352 : index
        %swap3A_1004 = tpu.vector_load %arg9[%swap3A_1002, %swap3A_1003] {strides = array<i32>} : memref<40x512xf32, #tpu.memory_space<vmem>>, vector<1x16xf32>,
        %swap3A_1005 = vector.shape_cast %swap3A_1004 : vector<1x16xf32> to vector<16xf32>
        %swap3A_1006 = vector.shape_cast %add3A_1001 : vector<16xf32> to vector<1x16xf32>
        tpu.vector_store %arg9[%swap3A_1002, %swap3A_1003], %swap3A_1006 {strides = array<i32>} : memref<40x512xf32, #tpu.memory_space<vmem>>, vector<1x16xf32>,
        %get3A_1007 = arith.index_cast %scan3A_616 : i32 to index
        %get3A_1008 = arith.constant 368 : index
        %get3A_1009 = tpu.vector_load %arg9[%get3A_1007, %get3A_1008] {strides = array<i32>} : memref<40x512xf32, #tpu.memory_space<vmem>>, vector<1x16xf32>,
        %get3A_1010 = vector.shape_cast %get3A_1009 : vector<1x16xf32> to vector<16xf32>
        %mul3A_1011 = arith.constant 22.6274166 : f32
        %mul3A_1012 = vector.broadcast %mul3A_1011 : f32 to vector<16xf32>
        %mul3A_1013 = arith.mulf %get3A_1010, %mul3A_1012 : vector<16xf32>
        %get3A_1014 = arith.index_cast %scan3A_616 : i32 to index
        %get3A_1015 = arith.constant 368 : index
        %get3A_1016 = tpu.vector_load %arg6[%get3A_1014, %get3A_1015] {strides = array<i32>} : memref<40x512xf32, #tpu.memory_space<vmem>>, vector<1x16xf32>,
        %get3A_1017 = vector.shape_cast %get3A_1016 : vector<1x16xf32> to vector<16xf32>
        %add3A_1018 = arith.addf %mul3A_1013, %get3A_1017 : vector<16xf32>
        %swap3A_1019 = arith.index_cast %scan3A_616 : i32 to index
        %swap3A_1020 = arith.constant 368 : index
        %swap3A_1021 = tpu.vector_load %arg9[%swap3A_1019, %swap3A_1020] {strides = array<i32>} : memref<40x512xf32, #tpu.memory_space<vmem>>, vector<1x16xf32>,
        %swap3A_1022 = vector.shape_cast %swap3A_1021 : vector<1x16xf32> to vector<16xf32>
        %swap3A_1023 = vector.shape_cast %add3A_1018 : vector<16xf32> to vector<1x16xf32>
        tpu.vector_store %arg9[%swap3A_1019, %swap3A_1020], %swap3A_1023 {strides = array<i32>} : memref<40x512xf32, #tpu.memory_space<vmem>>, vector<1x16xf32>,
        %get3A_1024 = arith.index_cast %scan3A_616 : i32 to index
        %get3A_1025 = arith.constant 384 : index
        %get3A_1026 = tpu.vector_load %arg9[%get3A_1024, %get3A_1025] {strides = array<i32>} : memref<40x512xf32, #tpu.memory_space<vmem>>, vector<1x16xf32>,
        %get3A_1027 = vector.shape_cast %get3A_1026 : vector<1x16xf32> to vector<16xf32>
        %mul3A_1028 = arith.constant 22.6274166 : f32
        %mul3A_1029 = vector.broadcast %mul3A_1028 : f32 to vector<16xf32>
        %mul3A_1030 = arith.mulf %get3A_1027, %mul3A_1029 : vector<16xf32>
        %get3A_1031 = arith.index_cast %scan3A_616 : i32 to index
        %get3A_1032 = arith.constant 384 : index
        %get3A_1033 = tpu.vector_load %arg6[%get3A_1031, %get3A_1032] {strides = array<i32>} : memref<40x512xf32, #tpu.memory_space<vmem>>, vector<1x16xf32>,
        %get3A_1034 = vector.shape_cast %get3A_1033 : vector<1x16xf32> to vector<16xf32>
        %add3A_1035 = arith.addf %mul3A_1030, %get3A_1034 : vector<16xf32>
        %swap3A_1036 = arith.index_cast %scan3A_616 : i32 to index
        %swap3A_1037 = arith.constant 384 : index
        %swap3A_1038 = tpu.vector_load %arg9[%swap3A_1036, %swap3A_1037] {strides = array<i32>} : memref<40x512xf32, #tpu.memory_space<vmem>>, vector<1x16xf32>,
        %swap3A_1039 = vector.shape_cast %swap3A_1038 : vector<1x16xf32> to vector<16xf32>
        %swap3A_1040 = vector.shape_cast %add3A_1035 : vector<16xf32> to vector<1x16xf32>
        tpu.vector_store %arg9[%swap3A_1036, %swap3A_1037], %swap3A_1040 {strides = array<i32>} : memref<40x512xf32, #tpu.memory_space<vmem>>, vector<1x16xf32>,
        %get3A_1041 = arith.index_cast %scan3A_616 : i32 to index
        %get3A_1042 = arith.constant 400 : index
        %get3A_1043 = tpu.vector_load %arg9[%get3A_1041, %get3A_1042] {strides = array<i32>} : memref<40x512xf32, #tpu.memory_space<vmem>>, vector<1x16xf32>,
        %get3A_1044 = vector.shape_cast %get3A_1043 : vector<1x16xf32> to vector<16xf32>
        %mul3A_1045 = arith.constant 22.6274166 : f32
        %mul3A_1046 = vector.broadcast %mul3A_1045 : f32 to vector<16xf32>
        %mul3A_1047 = arith.mulf %get3A_1044, %mul3A_1046 : vector<16xf32>
        %get3A_1048 = arith.index_cast %scan3A_616 : i32 to index
        %get3A_1049 = arith.constant 400 : index
        %get3A_1050 = tpu.vector_load %arg6[%get3A_1048, %get3A_1049] {strides = array<i32>} : memref<40x512xf32, #tpu.memory_space<vmem>>, vector<1x16xf32>,
        %get3A_1051 = vector.shape_cast %get3A_1050 : vector<1x16xf32> to vector<16xf32>
        %add3A_1052 = arith.addf %mul3A_1047, %get3A_1051 : vector<16xf32>
        %swap3A_1053 = arith.index_cast %scan3A_616 : i32 to index
        %swap3A_1054 = arith.constant 400 : index
        %swap3A_1055 = tpu.vector_load %arg9[%swap3A_1053, %swap3A_1054] {strides = array<i32>} : memref<40x512xf32, #tpu.memory_space<vmem>>, vector<1x16xf32>,
        %swap3A_1056 = vector.shape_cast %swap3A_1055 : vector<1x16xf32> to vector<16xf32>
        %swap3A_1057 = vector.shape_cast %add3A_1052 : vector<16xf32> to vector<1x16xf32>
        tpu.vector_store %arg9[%swap3A_1053, %swap3A_1054], %swap3A_1057 {strides = array<i32>} : memref<40x512xf32, #tpu.memory_space<vmem>>, vector<1x16xf32>,
        %get3A_1058 = arith.index_cast %scan3A_616 : i32 to index
        %get3A_1059 = arith.constant 416 : index
        %get3A_1060 = tpu.vector_load %arg9[%get3A_1058, %get3A_1059] {strides = array<i32>} : memref<40x512xf32, #tpu.memory_space<vmem>>, vector<1x16xf32>,
        %get3A_1061 = vector.shape_cast %get3A_1060 : vector<1x16xf32> to vector<16xf32>
        %mul3A_1062 = arith.constant 22.6274166 : f32
        %mul3A_1063 = vector.broadcast %mul3A_1062 : f32 to vector<16xf32>
        %mul3A_1064 = arith.mulf %get3A_1061, %mul3A_1063 : vector<16xf32>
        %get3A_1065 = arith.index_cast %scan3A_616 : i32 to index
        %get3A_1066 = arith.constant 416 : index
        %get3A_1067 = tpu.vector_load %arg6[%get3A_1065, %get3A_1066] {strides = array<i32>} : memref<40x512xf32, #tpu.memory_space<vmem>>, vector<1x16xf32>,
        %get3A_1068 = vector.shape_cast %get3A_1067 : vector<1x16xf32> to vector<16xf32>
        %add3A_1069 = arith.addf %mul3A_1064, %get3A_1068 : vector<16xf32>
        %swap3A_1070 = arith.index_cast %scan3A_616 : i32 to index
        %swap3A_1071 = arith.constant 416 : index
        %swap3A_1072 = tpu.vector_load %arg9[%swap3A_1070, %swap3A_1071] {strides = array<i32>} : memref<40x512xf32, #tpu.memory_space<vmem>>, vector<1x16xf32>,
        %swap3A_1073 = vector.shape_cast %swap3A_1072 : vector<1x16xf32> to vector<16xf32>
        %swap3A_1074 = vector.shape_cast %add3A_1069 : vector<16xf32> to vector<1x16xf32>
        tpu.vector_store %arg9[%swap3A_1070, %swap3A_1071], %swap3A_1074 {strides = array<i32>} : memref<40x512xf32, #tpu.memory_space<vmem>>, vector<1x16xf32>,
        %get3A_1075 = arith.index_cast %scan3A_616 : i32 to index
        %get3A_1076 = arith.constant 432 : index
        %get3A_1077 = tpu.vector_load %arg9[%get3A_1075, %get3A_1076] {strides = array<i32>} : memref<40x512xf32, #tpu.memory_space<vmem>>, vector<1x16xf32>,
        %get3A_1078 = vector.shape_cast %get3A_1077 : vector<1x16xf32> to vector<16xf32>
        %mul3A_1079 = arith.constant 22.6274166 : f32
        %mul3A_1080 = vector.broadcast %mul3A_1079 : f32 to vector<16xf32>
        %mul3A_1081 = arith.mulf %get3A_1078, %mul3A_1080 : vector<16xf32>
        %get3A_1082 = arith.index_cast %scan3A_616 : i32 to index
        %get3A_1083 = arith.constant 432 : index
        %get3A_1084 = tpu.vector_load %arg6[%get3A_1082, %get3A_1083] {strides = array<i32>} : memref<40x512xf32, #tpu.memory_space<vmem>>, vector<1x16xf32>,
        %get3A_1085 = vector.shape_cast %get3A_1084 : vector<1x16xf32> to vector<16xf32>
        %add3A_1086 = arith.addf %mul3A_1081, %get3A_1085 : vector<16xf32>
        %swap3A_1087 = arith.index_cast %scan3A_616 : i32 to index
        %swap3A_1088 = arith.constant 432 : index
        %swap3A_1089 = tpu.vector_load %arg9[%swap3A_1087, %swap3A_1088] {strides = array<i32>} : memref<40x512xf32, #tpu.memory_space<vmem>>, vector<1x16xf32>,
        %swap3A_1090 = vector.shape_cast %swap3A_1089 : vector<1x16xf32> to vector<16xf32>
        %swap3A_1091 = vector.shape_cast %add3A_1086 : vector<16xf32> to vector<1x16xf32>
        tpu.vector_store %arg9[%swap3A_1087, %swap3A_1088], %swap3A_1091 {strides = array<i32>} : memref<40x512xf32, #tpu.memory_space<vmem>>, vector<1x16xf32>,
        %get3A_1092 = arith.index_cast %scan3A_616 : i32 to index
        %get3A_1093 = arith.constant 448 : index
        %get3A_1094 = tpu.vector_load %arg9[%get3A_1092, %get3A_1093] {strides = array<i32>} : memref<40x512xf32, #tpu.memory_space<vmem>>, vector<1x16xf32>,
        %get3A_1095 = vector.shape_cast %get3A_1094 : vector<1x16xf32> to vector<16xf32>
        %mul3A_1096 = arith.constant 22.6274166 : f32
        %mul3A_1097 = vector.broadcast %mul3A_1096 : f32 to vector<16xf32>
        %mul3A_1098 = arith.mulf %get3A_1095, %mul3A_1097 : vector<16xf32>
        %get3A_1099 = arith.index_cast %scan3A_616 : i32 to index
        %get3A_1100 = arith.constant 448 : index
        %get3A_1101 = tpu.vector_load %arg6[%get3A_1099, %get3A_1100] {strides = array<i32>} : memref<40x512xf32, #tpu.memory_space<vmem>>, vector<1x16xf32>,
        %get3A_1102 = vector.shape_cast %get3A_1101 : vector<1x16xf32> to vector<16xf32>
        %add3A_1103 = arith.addf %mul3A_1098, %get3A_1102 : vector<16xf32>
        %swap3A_1104 = arith.index_cast %scan3A_616 : i32 to index
        %swap3A_1105 = arith.constant 448 : index
        %swap3A_1106 = tpu.vector_load %arg9[%swap3A_1104, %swap3A_1105] {strides = array<i32>} : memref<40x512xf32, #tpu.memory_space<vmem>>, vector<1x16xf32>,
        %swap3A_1107 = vector.shape_cast %swap3A_1106 : vector<1x16xf32> to vector<16xf32>
        %swap3A_1108 = vector.shape_cast %add3A_1103 : vector<16xf32> to vector<1x16xf32>
        tpu.vector_store %arg9[%swap3A_1104, %swap3A_1105], %swap3A_1108 {strides = array<i32>} : memref<40x512xf32, #tpu.memory_space<vmem>>, vector<1x16xf32>,
        %get3A_1109 = arith.index_cast %scan3A_616 : i32 to index
        %get3A_1110 = arith.constant 464 : index
        %get3A_1111 = tpu.vector_load %arg9[%get3A_1109, %get3A_1110] {strides = array<i32>} : memref<40x512xf32, #tpu.memory_space<vmem>>, vector<1x16xf32>,
        %get3A_1112 = vector.shape_cast %get3A_1111 : vector<1x16xf32> to vector<16xf32>
        %mul3A_1113 = arith.constant 22.6274166 : f32
        %mul3A_1114 = vector.broadcast %mul3A_1113 : f32 to vector<16xf32>
        %mul3A_1115 = arith.mulf %get3A_1112, %mul3A_1114 : vector<16xf32>
        %get3A_1116 = arith.index_cast %scan3A_616 : i32 to index
        %get3A_1117 = arith.constant 464 : index
        %get3A_1118 = tpu.vector_load %arg6[%get3A_1116, %get3A_1117] {strides = array<i32>} : memref<40x512xf32, #tpu.memory_space<vmem>>, vector<1x16xf32>,
        %get3A_1119 = vector.shape_cast %get3A_1118 : vector<1x16xf32> to vector<16xf32>
        %add3A_1120 = arith.addf %mul3A_1115, %get3A_1119 : vector<16xf32>
        %swap3A_1121 = arith.index_cast %scan3A_616 : i32 to index
        %swap3A_1122 = arith.constant 464 : index
        %swap3A_1123 = tpu.vector_load %arg9[%swap3A_1121, %swap3A_1122] {strides = array<i32>} : memref<40x512xf32, #tpu.memory_space<vmem>>, vector<1x16xf32>,
        %swap3A_1124 = vector.shape_cast %swap3A_1123 : vector<1x16xf32> to vector<16xf32>
        %swap3A_1125 = vector.shape_cast %add3A_1120 : vector<16xf32> to vector<1x16xf32>
        tpu.vector_store %arg9[%swap3A_1121, %swap3A_1122], %swap3A_1125 {strides = array<i32>} : memref<40x512xf32, #tpu.memory_space<vmem>>, vector<1x16xf32>,
        %get3A_1126 = arith.index_cast %scan3A_616 : i32 to index
        %get3A_1127 = arith.constant 480 : index
        %get3A_1128 = tpu.vector_load %arg9[%get3A_1126, %get3A_1127] {strides = array<i32>} : memref<40x512xf32, #tpu.memory_space<vmem>>, vector<1x16xf32>,
        %get3A_1129 = vector.shape_cast %get3A_1128 : vector<1x16xf32> to vector<16xf32>
        %mul3A_1130 = arith.constant 22.6274166 : f32
        %mul3A_1131 = vector.broadcast %mul3A_1130 : f32 to vector<16xf32>
        %mul3A_1132 = arith.mulf %get3A_1129, %mul3A_1131 : vector<16xf32>
        %get3A_1133 = arith.index_cast %scan3A_616 : i32 to index
        %get3A_1134 = arith.constant 480 : index
        %get3A_1135 = tpu.vector_load %arg6[%get3A_1133, %get3A_1134] {strides = array<i32>} : memref<40x512xf32, #tpu.memory_space<vmem>>, vector<1x16xf32>,
        %get3A_1136 = vector.shape_cast %get3A_1135 : vector<1x16xf32> to vector<16xf32>
        %add3A_1137 = arith.addf %mul3A_1132, %get3A_1136 : vector<16xf32>
        %swap3A_1138 = arith.index_cast %scan3A_616 : i32 to index
        %swap3A_1139 = arith.constant 480 : index
        %swap3A_1140 = tpu.vector_load %arg9[%swap3A_1138, %swap3A_1139] {strides = array<i32>} : memref<40x512xf32, #tpu.memory_space<vmem>>, vector<1x16xf32>,
        %swap3A_1141 = vector.shape_cast %swap3A_1140 : vector<1x16xf32> to vector<16xf32>
        %swap3A_1142 = vector.shape_cast %add3A_1137 : vector<16xf32> to vector<1x16xf32>
        tpu.vector_store %arg9[%swap3A_1138, %swap3A_1139], %swap3A_1142 {strides = array<i32>} : memref<40x512xf32, #tpu.memory_space<vmem>>, vector<1x16xf32>,
        %get3A_1143 = arith.index_cast %scan3A_616 : i32 to index
        %get3A_1144 = arith.constant 496 : index
        %get3A_1145 = tpu.vector_load %arg9[%get3A_1143, %get3A_1144] {strides = array<i32>} : memref<40x512xf32, #tpu.memory_space<vmem>>, vector<1x16xf32>,
        %get3A_1146 = vector.shape_cast %get3A_1145 : vector<1x16xf32> to vector<16xf32>
        %mul3A_1147 = arith.constant 22.6274166 : f32
        %mul3A_1148 = vector.broadcast %mul3A_1147 : f32 to vector<16xf32>
        %mul3A_1149 = arith.mulf %get3A_1146, %mul3A_1148 : vector<16xf32>
        %get3A_1150 = arith.index_cast %scan3A_616 : i32 to index
        %get3A_1151 = arith.constant 496 : index
        %get3A_1152 = tpu.vector_load %arg6[%get3A_1150, %get3A_1151] {strides = array<i32>} : memref<40x512xf32, #tpu.memory_space<vmem>>, vector<1x16xf32>,
        %get3A_1153 = vector.shape_cast %get3A_1152 : vector<1x16xf32> to vector<16xf32>
        %add3A_1154 = arith.addf %mul3A_1149, %get3A_1153 : vector<16xf32>
        %swap3A_1155 = arith.index_cast %scan3A_616 : i32 to index
        %swap3A_1156 = arith.constant 496 : index
        %swap3A_1157 = tpu.vector_load %arg9[%swap3A_1155, %swap3A_1156] {strides = array<i32>} : memref<40x512xf32, #tpu.memory_space<vmem>>, vector<1x16xf32>,
        %swap3A_1158 = vector.shape_cast %swap3A_1157 : vector<1x16xf32> to vector<16xf32>
        %swap3A_1159 = vector.shape_cast %add3A_1154 : vector<16xf32> to vector<1x16xf32>
        tpu.vector_store %arg9[%swap3A_1155, %swap3A_1156], %swap3A_1159 {strides = array<i32>} : memref<40x512xf32, #tpu.memory_space<vmem>>, vector<1x16xf32>,
        %scan3A_1160 = arith.constant 0 : i32
        scf.yield %scan3A_1160 : i32
      }
      %scan3A_331 = arith.constant 40 : i32
      %jit3A_332 = arith.constant 32 : i32
      %eq3A_333 = arith.constant 0 : i32
      %eq3A_334 = arith.cmpi eq, %jit3A_332, %eq3A_333 : i32
      %jit3A_335 = arith.constant 1 : i32
      %select_n3A_336 = arith.select %eq3A_334, %jit3A_335, %jit3A_332 : i32
      %rem3A_337 = arith.remsi %add3A_297, %select_n3A_336 : i32
      %ne3A_338 = arith.constant 0 : i32
      %ne3A_339 = arith.cmpi ne, %rem3A_337, %ne3A_338 : i32
      %lt3A_340 = arith.constant 0 : i32
      %lt3A_341 = arith.cmpi slt, %rem3A_337, %lt3A_340 : i32
      %lt3A_342 = arith.constant 0 : i32
      %lt3A_343 = arith.cmpi slt, %select_n3A_336, %lt3A_342 : i32
      %ne3A_344 = arith.xori %lt3A_341, %lt3A_343 : i1
      %and3A_345 = arith.andi %ne3A_344, %ne3A_339 : i1
      %add3A_346 = arith.addi %rem3A_337, %select_n3A_336 : i32
      %select_n3A_347 = arith.select %and3A_345, %add3A_346, %rem3A_337 : i32
      %add3A_348 = arith.addi %mul3A_2, %select_n3A_347 : i32
      %mul3A_349 = arith.constant 200 : i32
      %mul3A_350 = arith.muli %add3A_348, %mul3A_349 : i32
      %jit3A_351 = arith.constant 32 : i32
      %div3A_352 = arith.divsi %add3A_297, %jit3A_351 : i32
      %sign3A_353 = arith.constant 0 : i32
      %sign3A_354 = arith.cmpi sgt, %add3A_297, %sign3A_353 : i32
      %sign3A_355 = arith.extui %sign3A_354 : i1 to i32
      %sign3A_356 = arith.constant 0 : i32
      %sign3A_357 = arith.cmpi slt, %add3A_297, %sign3A_356 : i32
      %sign3A_358 = arith.extui %sign3A_357 : i1 to i32
      %sign3A_359 = arith.subi %sign3A_355, %sign3A_358 : i32
      %sign3A_360 = arith.constant 0 : i32
      %sign3A_361 = arith.cmpi sgt, %jit3A_351, %sign3A_360 : i32
      %sign3A_362 = arith.extui %sign3A_361 : i1 to i32
      %sign3A_363 = arith.constant 0 : i32
      %sign3A_364 = arith.cmpi slt, %jit3A_351, %sign3A_363 : i32
      %sign3A_365 = arith.extui %sign3A_364 : i1 to i32
      %sign3A_366 = arith.subi %sign3A_362, %sign3A_365 : i32
      %ne3A_367 = arith.cmpi ne, %sign3A_359, %sign3A_366 : i32
      %rem3A_368 = arith.remsi %add3A_297, %jit3A_351 : i32
      %ne3A_369 = arith.constant 0 : i32
      %ne3A_370 = arith.cmpi ne, %rem3A_368, %ne3A_369 : i32
      %and3A_371 = arith.andi %ne3A_367, %ne3A_370 : i1
      %sub3A_372 = arith.constant 1 : i32
      %sub3A_373 = arith.subi %div3A_352, %sub3A_372 : i32
      %select_n3A_374 = arith.select %and3A_371, %sub3A_373, %div3A_352 : i32
      %mul3A_375 = arith.constant 40 : i32
      %mul3A_376 = arith.muli %select_n3A_374, %mul3A_375 : i32
      %add3A_377 = arith.addi %mul3A_350, %mul3A_376 : i32
      %dma_start3A_378 = arith.constant 0 : i32
      %dma_start3A_379 = tpu.memref_slice %arg5[%add3A_377, %dma_start3A_378] : memref<204800x512xf32, #tpu.memory_space<hbm>> -> memref<40x512xf32, #tpu.memory_space<hbm>>
      %dma_start3A_380 = arith.constant 0 : i32
      %dma_start3A_381 = tpu.memref_slice %arg5[%add3A_377, %dma_start3A_380] : memref<204800x512xf32, #tpu.memory_space<hbm>> -> memref<40x512xf32, #tpu.memory_space<hbm>>
      tpu.enqueue_dma source(%arg9 : memref<40x512xf32, #tpu.memory_space<vmem>>) target(%dma_start3A_381 : memref<40x512xf32, #tpu.memory_space<hbm>>) target_semaphore(%arg24 : memref<!tpu.dma_semaphore, #tpu.memory_space<semaphore_mem>>)
      %ge3A_382 = arith.constant 2 : i32
      %ge3A_383 = arith.cmpi sge, %add3A_297, %ge3A_382 : i32
      %convert_element_type3A_384 = arith.extui %ge3A_383 : i1 to i32
      %cond3A_385 = arith.constant 0 : i32
      %cond3A_386 = arith.cmpi ne, %convert_element_type3A_384, %cond3A_385 : i32
      scf.if %cond3A_386 {
        %sub3A_616 = arith.constant 2 : i32
        %sub3A_617 = arith.subi %add3A_297, %sub3A_616 : i32
        %jit3A_618 = arith.constant 32 : i32
        %eq3A_619 = arith.constant 0 : i32
        %eq3A_620 = arith.cmpi eq, %jit3A_618, %eq3A_619 : i32
        %jit3A_621 = arith.constant 1 : i32
        %select_n3A_622 = arith.select %eq3A_620, %jit3A_621, %jit3A_618 : i32
        %rem3A_623 = arith.remsi %sub3A_617, %select_n3A_622 : i32
        %ne3A_624 = arith.constant 0 : i32
        %ne3A_625 = arith.cmpi ne, %rem3A_623, %ne3A_624 : i32
        %lt3A_626 = arith.constant 0 : i32
        %lt3A_627 = arith.cmpi slt, %rem3A_623, %lt3A_626 : i32
        %lt3A_628 = arith.constant 0 : i32
        %lt3A_629 = arith.cmpi slt, %select_n3A_622, %lt3A_628 : i32
        %ne3A_630 = arith.xori %lt3A_627, %lt3A_629 : i1
        %and3A_631 = arith.andi %ne3A_630, %ne3A_625 : i1
        %add3A_632 = arith.addi %rem3A_623, %select_n3A_622 : i32
        %select_n3A_633 = arith.select %and3A_631, %add3A_632, %rem3A_623 : i32
        %add3A_634 = arith.addi %mul3A_2, %select_n3A_633 : i32
        %mul3A_635 = arith.constant 200 : i32
        %mul3A_636 = arith.muli %add3A_634, %mul3A_635 : i32
        %jit3A_637 = arith.constant 32 : i32
        %div3A_638 = arith.divsi %sub3A_617, %jit3A_637 : i32
        %sign3A_639 = arith.constant 0 : i32
        %sign3A_640 = arith.cmpi sgt, %sub3A_617, %sign3A_639 : i32
        %sign3A_641 = arith.extui %sign3A_640 : i1 to i32
        %sign3A_642 = arith.constant 0 : i32
        %sign3A_643 = arith.cmpi slt, %sub3A_617, %sign3A_642 : i32
        %sign3A_644 = arith.extui %sign3A_643 : i1 to i32
        %sign3A_645 = arith.subi %sign3A_641, %sign3A_644 : i32
        %sign3A_646 = arith.constant 0 : i32
        %sign3A_647 = arith.cmpi sgt, %jit3A_637, %sign3A_646 : i32
        %sign3A_648 = arith.extui %sign3A_647 : i1 to i32
        %sign3A_649 = arith.constant 0 : i32
        %sign3A_650 = arith.cmpi slt, %jit3A_637, %sign3A_649 : i32
        %sign3A_651 = arith.extui %sign3A_650 : i1 to i32
        %sign3A_652 = arith.subi %sign3A_648, %sign3A_651 : i32
        %ne3A_653 = arith.cmpi ne, %sign3A_645, %sign3A_652 : i32
        %rem3A_654 = arith.remsi %sub3A_617, %jit3A_637 : i32
        %ne3A_655 = arith.constant 0 : i32
        %ne3A_656 = arith.cmpi ne, %rem3A_654, %ne3A_655 : i32
        %and3A_657 = arith.andi %ne3A_653, %ne3A_656 : i1
        %sub3A_658 = arith.constant 1 : i32
        %sub3A_659 = arith.subi %div3A_638, %sub3A_658 : i32
        %select_n3A_660 = arith.select %and3A_657, %sub3A_659, %div3A_638 : i32
        %mul3A_661 = arith.constant 40 : i32
        %mul3A_662 = arith.muli %select_n3A_660, %mul3A_661 : i32
        %add3A_663 = arith.addi %mul3A_636, %mul3A_662 : i32
        %dma_wait3A_664 = arith.constant 0 : i32
        %dma_wait3A_665 = tpu.memref_slice %arg5[%add3A_663, %dma_wait3A_664] : memref<204800x512xf32, #tpu.memory_space<hbm>> -> memref<40x512xf32, #tpu.memory_space<hbm>>
        %dma_wait3A_666 = arith.constant 0 : i32
        %dma_wait3A_667 = tpu.memref_slice %arg5[%add3A_663, %dma_wait3A_666] : memref<204800x512xf32, #tpu.memory_space<hbm>> -> memref<40x512xf32, #tpu.memory_space<hbm>>
        tpu.wait_dma2 semaphore(%arg22 : memref<!tpu.dma_semaphore, #tpu.memory_space<semaphore_mem>>) src(%arg7 : memref<40x512xf32, #tpu.memory_space<vmem>>) dst(%dma_wait3A_667 : memref<40x512xf32, #tpu.memory_space<hbm>>)
      } else {
      }
      %add3A_387 = arith.constant 3 : i32
      %add3A_388 = arith.addi %add3A_297, %add3A_387 : i32
      %lt3A_389 = arith.constant 160 : i32
      %lt3A_390 = arith.cmpi slt, %add3A_388, %lt3A_389 : i32
      %convert_element_type3A_391 = arith.extui %lt3A_390 : i1 to i32
      %cond3A_392 = arith.constant 0 : i32
      %cond3A_393 = arith.cmpi ne, %convert_element_type3A_391, %cond3A_392 : i32
      scf.if %cond3A_393 {
        %add3A_616 = arith.constant 3 : i32
        %add3A_617 = arith.addi %add3A_297, %add3A_616 : i32
        %mul3A_618 = arith.constant 160 : i32
        %mul3A_619 = arith.muli %add3A, %mul3A_618 : i32
        %add3A_620 = arith.addi %mul3A_619, %add3A_617 : i32
        %mul3A_621 = arith.constant 40 : i32
        %mul3A_622 = arith.muli %add3A_620, %mul3A_621 : i32
        %dma_wait3A_623 = tpu.memref_slice %arg2[%mul3A_622] : memref<204800xi32, #tpu.memory_space<hbm>> -> memref<40xi32, #tpu.memory_space<hbm>>
        %dma_wait3A_624 = tpu.memref_slice %arg2[%mul3A_622] : memref<204800xi32, #tpu.memory_space<hbm>> -> memref<40xi32, #tpu.memory_space<hbm>>
        tpu.wait_dma2 semaphore(%arg27 : memref<!tpu.dma_semaphore, #tpu.memory_space<semaphore_mem>>) src(%dma_wait3A_624 : memref<40xi32, #tpu.memory_space<hbm>>) dst(%arg12 : memref<40xi32, #tpu.memory_space<vmem>>)
        %add3A_625 = arith.constant 3 : i32
        %add3A_626 = arith.addi %add3A_297, %add3A_625 : i32
        %dma_start3A_627 = arith.constant 0 : i32
        %dma_start3A_628 = arith.constant 0 : i32
        %dma_start3A_629 = tpu.memref_slice %arg3[%dma_start3A_627, %dma_start3A_628] : memref<100000x512xf32, #tpu.memory_space<hbm>> -> memref<100000x512xf32, #tpu.memory_space<hbm>>
        tpu.enqueue_indirect_dma source(%dma_start3A_629 : memref<100000x512xf32, #tpu.memory_space<hbm>>) target(%arg7 : memref<40x512xf32, #tpu.memory_space<vmem>>) offsets(%arg12 : memref<40xi32, #tpu.memory_space<vmem>>) semaphore(%arg17 : memref<!tpu.dma_semaphore, #tpu.memory_space<semaphore_mem>>)
      } else {
      }
      %add3A_394 = arith.constant 4 : i32
      %add3A_395 = arith.addi %add3A_297, %add3A_394 : i32
      %lt3A_396 = arith.constant 160 : i32
      %lt3A_397 = arith.cmpi slt, %add3A_395, %lt3A_396 : i32
      %convert_element_type3A_398 = arith.extui %lt3A_397 : i1 to i32
      %cond3A_399 = arith.constant 0 : i32
      %cond3A_400 = arith.cmpi ne, %convert_element_type3A_398, %cond3A_399 : i32
      scf.if %cond3A_400 {
        %add3A_616 = arith.constant 4 : i32
        %add3A_617 = arith.addi %add3A_297, %add3A_616 : i32
        %mul3A_618 = arith.constant 160 : i32
        %mul3A_619 = arith.muli %add3A, %mul3A_618 : i32
        %add3A_620 = arith.addi %mul3A_619, %add3A_617 : i32
        %mul3A_621 = arith.constant 40 : i32
        %mul3A_622 = arith.muli %add3A_620, %mul3A_621 : i32
        %dma_start3A_623 = tpu.memref_slice %arg2[%mul3A_622] : memref<204800xi32, #tpu.memory_space<hbm>> -> memref<40xi32, #tpu.memory_space<hbm>>
        %dma_start3A_624 = tpu.memref_slice %arg2[%mul3A_622] : memref<204800xi32, #tpu.memory_space<hbm>> -> memref<40xi32, #tpu.memory_space<hbm>>
        tpu.enqueue_dma source(%dma_start3A_624 : memref<40xi32, #tpu.memory_space<hbm>>) target(%arg13 : memref<40xi32, #tpu.memory_space<vmem>>) target_semaphore(%arg28 : memref<!tpu.dma_semaphore, #tpu.memory_space<semaphore_mem>>)
      } else {
      }
      %mul3A_401 = arith.constant 5 : i32
      %mul3A_402 = arith.muli %scan3A_92, %mul3A_401 : i32
      %add3A_403 = arith.constant 3 : i32
      %add3A_404 = arith.addi %mul3A_402, %add3A_403 : i32
      %jit3A_405 = arith.constant 32 : i32
      %eq3A_406 = arith.constant 0 : i32
      %eq3A_407 = arith.cmpi eq, %jit3A_405, %eq3A_406 : i32
      %jit3A_408 = arith.constant 1 : i32
      %select_n3A_409 = arith.select %eq3A_407, %jit3A_408, %jit3A_405 : i32
      %rem3A_410 = arith.remsi %add3A_404, %select_n3A_409 : i32
      %ne3A_411 = arith.constant 0 : i32
      %ne3A_412 = arith.cmpi ne, %rem3A_410, %ne3A_411 : i32
      %lt3A_413 = arith.constant 0 : i32
      %lt3A_414 = arith.cmpi slt, %rem3A_410, %lt3A_413 : i32
      %lt3A_415 = arith.constant 0 : i32
      %lt3A_416 = arith.cmpi slt, %select_n3A_409, %lt3A_415 : i32
      %ne3A_417 = arith.xori %lt3A_414, %lt3A_416 : i1
      %and3A_418 = arith.andi %ne3A_417, %ne3A_412 : i1
      %add3A_419 = arith.addi %rem3A_410, %select_n3A_409 : i32
      %select_n3A_420 = arith.select %and3A_418, %add3A_419, %rem3A_410 : i32
      %eq3A_421 = arith.constant 0 : i32
      %eq3A_422 = arith.cmpi eq, %select_n3A_420, %eq3A_421 : i32
      %gt3A_423 = arith.constant 0 : i32
      %gt3A_424 = arith.cmpi sgt, %add3A_404, %gt3A_423 : i32
      %and3A_425 = arith.andi %eq3A_422, %gt3A_424 : i1
      %convert_element_type3A_426 = arith.extui %and3A_425 : i1 to i32
      %cond3A_427 = arith.constant 0 : i32
      %cond3A_428 = arith.cmpi ne, %convert_element_type3A_426, %cond3A_427 : i32
      scf.if %cond3A_428 {
        %jit3A_616 = arith.constant 32 : i32
        %div3A_617 = arith.divsi %add3A_404, %jit3A_616 : i32
        %sign3A_618 = arith.constant 0 : i32
        %sign3A_619 = arith.cmpi sgt, %add3A_404, %sign3A_618 : i32
        %sign3A_620 = arith.extui %sign3A_619 : i1 to i32
        %sign3A_621 = arith.constant 0 : i32
        %sign3A_622 = arith.cmpi slt, %add3A_404, %sign3A_621 : i32
        %sign3A_623 = arith.extui %sign3A_622 : i1 to i32
        %sign3A_624 = arith.subi %sign3A_620, %sign3A_623 : i32
        %sign3A_625 = arith.constant 0 : i32
        %sign3A_626 = arith.cmpi sgt, %jit3A_616, %sign3A_625 : i32
        %sign3A_627 = arith.extui %sign3A_626 : i1 to i32
        %sign3A_628 = arith.constant 0 : i32
        %sign3A_629 = arith.cmpi slt, %jit3A_616, %sign3A_628 : i32
        %sign3A_630 = arith.extui %sign3A_629 : i1 to i32
        %sign3A_631 = arith.subi %sign3A_627, %sign3A_630 : i32
        %ne3A_632 = arith.cmpi ne, %sign3A_624, %sign3A_631 : i32
        %rem3A_633 = arith.remsi %add3A_404, %jit3A_616 : i32
        %ne3A_634 = arith.constant 0 : i32
        %ne3A_635 = arith.cmpi ne, %rem3A_633, %ne3A_634 : i32
        %and3A_636 = arith.andi %ne3A_632, %ne3A_635 : i1
        %sub3A_637 = arith.constant 1 : i32
        %sub3A_638 = arith.subi %div3A_617, %sub3A_637 : i32
        %select_n3A_639 = arith.select %and3A_636, %sub3A_638, %div3A_617 : i32
        %mul3A_640 = arith.constant 40 : i32
        %mul3A_641 = arith.muli %select_n3A_639, %mul3A_640 : i32
        "tpu.region"() ({
          %run_scoped3A = tpu.sem_alloc : memref<!tpu.dma_semaphore, #tpu.memory_space<semaphore_mem>>
          %dma_start3A_642 = arith.constant 0 : i32
          %dma_start3A_643 = tpu.memref_slice %arg4[%mul3A_641, %dma_start3A_642] : memref<200x512xf32, #tpu.memory_space<hbm>> -> memref<40x512xf32, #tpu.memory_space<hbm>>
          %dma_start3A_644 = arith.constant 0 : i32
          %dma_start3A_645 = tpu.memref_slice %arg4[%mul3A_641, %dma_start3A_644] : memref<200x512xf32, #tpu.memory_space<hbm>> -> memref<40x512xf32, #tpu.memory_space<hbm>>
          tpu.enqueue_dma source(%dma_start3A_645 : memref<40x512xf32, #tpu.memory_space<hbm>>) target(%arg6 : memref<40x512xf32, #tpu.memory_space<vmem>>) target_semaphore(%run_scoped3A : memref<!tpu.dma_semaphore, #tpu.memory_space<semaphore_mem>>)
          %dma_wait3A_646 = arith.constant 0 : i32
          %dma_wait3A_647 = tpu.memref_slice %arg4[%mul3A_641, %dma_wait3A_646] : memref<200x512xf32, #tpu.memory_space<hbm>> -> memref<40x512xf32, #tpu.memory_space<hbm>>
          %dma_wait3A_648 = arith.constant 0 : i32
          %dma_wait3A_649 = tpu.memref_slice %arg4[%mul3A_641, %dma_wait3A_648] : memref<200x512xf32, #tpu.memory_space<hbm>> -> memref<40x512xf32, #tpu.memory_space<hbm>>
          tpu.wait_dma2 semaphore(%run_scoped3A : memref<!tpu.dma_semaphore, #tpu.memory_space<semaphore_mem>>) src(%dma_wait3A_649 : memref<40x512xf32, #tpu.memory_space<hbm>>) dst(%arg6 : memref<40x512xf32, #tpu.memory_space<vmem>>)
          tpu.yield
        }) : () -> ()
      } else {
      }
      %dma_wait3A_429 = arith.constant 0 : i32
      %dma_wait3A_430 = arith.constant 0 : i32
      %dma_wait3A_431 = tpu.memref_slice %arg3[%dma_wait3A_429, %dma_wait3A_430] : memref<100000x512xf32, #tpu.memory_space<hbm>> -> memref<100000x512xf32, #tpu.memory_space<hbm>>
      tpu.wait_indirect_dma semaphore(%arg20 : memref<!tpu.dma_semaphore, #tpu.memory_space<semaphore_mem>>) src(%dma_wait3A_431 : memref<100000x512xf32, #tpu.memory_space<hbm>>) dst(%arg10 : memref<40x512xf32, #tpu.memory_space<vmem>>)
      %scan3A_432 = arith.constant 0 : i32
      %scan3A_433 = arith.constant 0 : i32
      %scan3A_434 = arith.constant 40 : i32
      %scan3A_435 = arith.addi %scan3A_433, %scan3A_434 : i32
      %scan3A_436 = arith.constant 1 : i32
      %scan3A_437 = scf.for %scan3A_616 = %scan3A_433 to %scan3A_435 step %scan3A_436 iter_args(%scan3A_617 = %scan3A_432) -> (i32)  : i32 {
        %get3A = arith.index_cast %scan3A_616 : i32 to index
        %get3A_618 = arith.constant 0 : index
        %get3A_619 = tpu.vector_load %arg10[%get3A, %get3A_618] {strides = array<i32>} : memref<40x512xf32, #tpu.memory_space<vmem>>, vector<1x16xf32>,
        %get3A_620 = vector.shape_cast %get3A_619 : vector<1x16xf32> to vector<16xf32>
        %mul3A_621 = arith.constant 22.6274166 : f32
        %mul3A_622 = vector.broadcast %mul3A_621 : f32 to vector<16xf32>
        %mul3A_623 = arith.mulf %get3A_620, %mul3A_622 : vector<16xf32>
        %get3A_624 = arith.index_cast %scan3A_616 : i32 to index
        %get3A_625 = arith.constant 0 : index
        %get3A_626 = tpu.vector_load %arg6[%get3A_624, %get3A_625] {strides = array<i32>} : memref<40x512xf32, #tpu.memory_space<vmem>>, vector<1x16xf32>,
        %get3A_627 = vector.shape_cast %get3A_626 : vector<1x16xf32> to vector<16xf32>
        %add3A_628 = arith.addf %mul3A_623, %get3A_627 : vector<16xf32>
        %swap3A = arith.index_cast %scan3A_616 : i32 to index
        %swap3A_629 = arith.constant 0 : index
        %swap3A_630 = tpu.vector_load %arg10[%swap3A, %swap3A_629] {strides = array<i32>} : memref<40x512xf32, #tpu.memory_space<vmem>>, vector<1x16xf32>,
        %swap3A_631 = vector.shape_cast %swap3A_630 : vector<1x16xf32> to vector<16xf32>
        %swap3A_632 = vector.shape_cast %add3A_628 : vector<16xf32> to vector<1x16xf32>
        tpu.vector_store %arg10[%swap3A, %swap3A_629], %swap3A_632 {strides = array<i32>} : memref<40x512xf32, #tpu.memory_space<vmem>>, vector<1x16xf32>,
        %get3A_633 = arith.index_cast %scan3A_616 : i32 to index
        %get3A_634 = arith.constant 16 : index
        %get3A_635 = tpu.vector_load %arg10[%get3A_633, %get3A_634] {strides = array<i32>} : memref<40x512xf32, #tpu.memory_space<vmem>>, vector<1x16xf32>,
        %get3A_636 = vector.shape_cast %get3A_635 : vector<1x16xf32> to vector<16xf32>
        %mul3A_637 = arith.constant 22.6274166 : f32
        %mul3A_638 = vector.broadcast %mul3A_637 : f32 to vector<16xf32>
        %mul3A_639 = arith.mulf %get3A_636, %mul3A_638 : vector<16xf32>
        %get3A_640 = arith.index_cast %scan3A_616 : i32 to index
        %get3A_641 = arith.constant 16 : index
        %get3A_642 = tpu.vector_load %arg6[%get3A_640, %get3A_641] {strides = array<i32>} : memref<40x512xf32, #tpu.memory_space<vmem>>, vector<1x16xf32>,
        %get3A_643 = vector.shape_cast %get3A_642 : vector<1x16xf32> to vector<16xf32>
        %add3A_644 = arith.addf %mul3A_639, %get3A_643 : vector<16xf32>
        %swap3A_645 = arith.index_cast %scan3A_616 : i32 to index
        %swap3A_646 = arith.constant 16 : index
        %swap3A_647 = tpu.vector_load %arg10[%swap3A_645, %swap3A_646] {strides = array<i32>} : memref<40x512xf32, #tpu.memory_space<vmem>>, vector<1x16xf32>,
        %swap3A_648 = vector.shape_cast %swap3A_647 : vector<1x16xf32> to vector<16xf32>
        %swap3A_649 = vector.shape_cast %add3A_644 : vector<16xf32> to vector<1x16xf32>
        tpu.vector_store %arg10[%swap3A_645, %swap3A_646], %swap3A_649 {strides = array<i32>} : memref<40x512xf32, #tpu.memory_space<vmem>>, vector<1x16xf32>,
        %get3A_650 = arith.index_cast %scan3A_616 : i32 to index
        %get3A_651 = arith.constant 32 : index
        %get3A_652 = tpu.vector_load %arg10[%get3A_650, %get3A_651] {strides = array<i32>} : memref<40x512xf32, #tpu.memory_space<vmem>>, vector<1x16xf32>,
        %get3A_653 = vector.shape_cast %get3A_652 : vector<1x16xf32> to vector<16xf32>
        %mul3A_654 = arith.constant 22.6274166 : f32
        %mul3A_655 = vector.broadcast %mul3A_654 : f32 to vector<16xf32>
        %mul3A_656 = arith.mulf %get3A_653, %mul3A_655 : vector<16xf32>
        %get3A_657 = arith.index_cast %scan3A_616 : i32 to index
        %get3A_658 = arith.constant 32 : index
        %get3A_659 = tpu.vector_load %arg6[%get3A_657, %get3A_658] {strides = array<i32>} : memref<40x512xf32, #tpu.memory_space<vmem>>, vector<1x16xf32>,
        %get3A_660 = vector.shape_cast %get3A_659 : vector<1x16xf32> to vector<16xf32>
        %add3A_661 = arith.addf %mul3A_656, %get3A_660 : vector<16xf32>
        %swap3A_662 = arith.index_cast %scan3A_616 : i32 to index
        %swap3A_663 = arith.constant 32 : index
        %swap3A_664 = tpu.vector_load %arg10[%swap3A_662, %swap3A_663] {strides = array<i32>} : memref<40x512xf32, #tpu.memory_space<vmem>>, vector<1x16xf32>,
        %swap3A_665 = vector.shape_cast %swap3A_664 : vector<1x16xf32> to vector<16xf32>
        %swap3A_666 = vector.shape_cast %add3A_661 : vector<16xf32> to vector<1x16xf32>
        tpu.vector_store %arg10[%swap3A_662, %swap3A_663], %swap3A_666 {strides = array<i32>} : memref<40x512xf32, #tpu.memory_space<vmem>>, vector<1x16xf32>,
        %get3A_667 = arith.index_cast %scan3A_616 : i32 to index
        %get3A_668 = arith.constant 48 : index
        %get3A_669 = tpu.vector_load %arg10[%get3A_667, %get3A_668] {strides = array<i32>} : memref<40x512xf32, #tpu.memory_space<vmem>>, vector<1x16xf32>,
        %get3A_670 = vector.shape_cast %get3A_669 : vector<1x16xf32> to vector<16xf32>
        %mul3A_671 = arith.constant 22.6274166 : f32
        %mul3A_672 = vector.broadcast %mul3A_671 : f32 to vector<16xf32>
        %mul3A_673 = arith.mulf %get3A_670, %mul3A_672 : vector<16xf32>
        %get3A_674 = arith.index_cast %scan3A_616 : i32 to index
        %get3A_675 = arith.constant 48 : index
        %get3A_676 = tpu.vector_load %arg6[%get3A_674, %get3A_675] {strides = array<i32>} : memref<40x512xf32, #tpu.memory_space<vmem>>, vector<1x16xf32>,
        %get3A_677 = vector.shape_cast %get3A_676 : vector<1x16xf32> to vector<16xf32>
        %add3A_678 = arith.addf %mul3A_673, %get3A_677 : vector<16xf32>
        %swap3A_679 = arith.index_cast %scan3A_616 : i32 to index
        %swap3A_680 = arith.constant 48 : index
        %swap3A_681 = tpu.vector_load %arg10[%swap3A_679, %swap3A_680] {strides = array<i32>} : memref<40x512xf32, #tpu.memory_space<vmem>>, vector<1x16xf32>,
        %swap3A_682 = vector.shape_cast %swap3A_681 : vector<1x16xf32> to vector<16xf32>
        %swap3A_683 = vector.shape_cast %add3A_678 : vector<16xf32> to vector<1x16xf32>
        tpu.vector_store %arg10[%swap3A_679, %swap3A_680], %swap3A_683 {strides = array<i32>} : memref<40x512xf32, #tpu.memory_space<vmem>>, vector<1x16xf32>,
        %get3A_684 = arith.index_cast %scan3A_616 : i32 to index
        %get3A_685 = arith.constant 64 : index
        %get3A_686 = tpu.vector_load %arg10[%get3A_684, %get3A_685] {strides = array<i32>} : memref<40x512xf32, #tpu.memory_space<vmem>>, vector<1x16xf32>,
        %get3A_687 = vector.shape_cast %get3A_686 : vector<1x16xf32> to vector<16xf32>
        %mul3A_688 = arith.constant 22.6274166 : f32
        %mul3A_689 = vector.broadcast %mul3A_688 : f32 to vector<16xf32>
        %mul3A_690 = arith.mulf %get3A_687, %mul3A_689 : vector<16xf32>
        %get3A_691 = arith.index_cast %scan3A_616 : i32 to index
        %get3A_692 = arith.constant 64 : index
        %get3A_693 = tpu.vector_load %arg6[%get3A_691, %get3A_692] {strides = array<i32>} : memref<40x512xf32, #tpu.memory_space<vmem>>, vector<1x16xf32>,
        %get3A_694 = vector.shape_cast %get3A_693 : vector<1x16xf32> to vector<16xf32>
        %add3A_695 = arith.addf %mul3A_690, %get3A_694 : vector<16xf32>
        %swap3A_696 = arith.index_cast %scan3A_616 : i32 to index
        %swap3A_697 = arith.constant 64 : index
        %swap3A_698 = tpu.vector_load %arg10[%swap3A_696, %swap3A_697] {strides = array<i32>} : memref<40x512xf32, #tpu.memory_space<vmem>>, vector<1x16xf32>,
        %swap3A_699 = vector.shape_cast %swap3A_698 : vector<1x16xf32> to vector<16xf32>
        %swap3A_700 = vector.shape_cast %add3A_695 : vector<16xf32> to vector<1x16xf32>
        tpu.vector_store %arg10[%swap3A_696, %swap3A_697], %swap3A_700 {strides = array<i32>} : memref<40x512xf32, #tpu.memory_space<vmem>>, vector<1x16xf32>,
        %get3A_701 = arith.index_cast %scan3A_616 : i32 to index
        %get3A_702 = arith.constant 80 : index
        %get3A_703 = tpu.vector_load %arg10[%get3A_701, %get3A_702] {strides = array<i32>} : memref<40x512xf32, #tpu.memory_space<vmem>>, vector<1x16xf32>,
        %get3A_704 = vector.shape_cast %get3A_703 : vector<1x16xf32> to vector<16xf32>
        %mul3A_705 = arith.constant 22.6274166 : f32
        %mul3A_706 = vector.broadcast %mul3A_705 : f32 to vector<16xf32>
        %mul3A_707 = arith.mulf %get3A_704, %mul3A_706 : vector<16xf32>
        %get3A_708 = arith.index_cast %scan3A_616 : i32 to index
        %get3A_709 = arith.constant 80 : index
        %get3A_710 = tpu.vector_load %arg6[%get3A_708, %get3A_709] {strides = array<i32>} : memref<40x512xf32, #tpu.memory_space<vmem>>, vector<1x16xf32>,
        %get3A_711 = vector.shape_cast %get3A_710 : vector<1x16xf32> to vector<16xf32>
        %add3A_712 = arith.addf %mul3A_707, %get3A_711 : vector<16xf32>
        %swap3A_713 = arith.index_cast %scan3A_616 : i32 to index
        %swap3A_714 = arith.constant 80 : index
        %swap3A_715 = tpu.vector_load %arg10[%swap3A_713, %swap3A_714] {strides = array<i32>} : memref<40x512xf32, #tpu.memory_space<vmem>>, vector<1x16xf32>,
        %swap3A_716 = vector.shape_cast %swap3A_715 : vector<1x16xf32> to vector<16xf32>
        %swap3A_717 = vector.shape_cast %add3A_712 : vector<16xf32> to vector<1x16xf32>
        tpu.vector_store %arg10[%swap3A_713, %swap3A_714], %swap3A_717 {strides = array<i32>} : memref<40x512xf32, #tpu.memory_space<vmem>>, vector<1x16xf32>,
        %get3A_718 = arith.index_cast %scan3A_616 : i32 to index
        %get3A_719 = arith.constant 96 : index
        %get3A_720 = tpu.vector_load %arg10[%get3A_718, %get3A_719] {strides = array<i32>} : memref<40x512xf32, #tpu.memory_space<vmem>>, vector<1x16xf32>,
        %get3A_721 = vector.shape_cast %get3A_720 : vector<1x16xf32> to vector<16xf32>
        %mul3A_722 = arith.constant 22.6274166 : f32
        %mul3A_723 = vector.broadcast %mul3A_722 : f32 to vector<16xf32>
        %mul3A_724 = arith.mulf %get3A_721, %mul3A_723 : vector<16xf32>
        %get3A_725 = arith.index_cast %scan3A_616 : i32 to index
        %get3A_726 = arith.constant 96 : index
        %get3A_727 = tpu.vector_load %arg6[%get3A_725, %get3A_726] {strides = array<i32>} : memref<40x512xf32, #tpu.memory_space<vmem>>, vector<1x16xf32>,
        %get3A_728 = vector.shape_cast %get3A_727 : vector<1x16xf32> to vector<16xf32>
        %add3A_729 = arith.addf %mul3A_724, %get3A_728 : vector<16xf32>
        %swap3A_730 = arith.index_cast %scan3A_616 : i32 to index
        %swap3A_731 = arith.constant 96 : index
        %swap3A_732 = tpu.vector_load %arg10[%swap3A_730, %swap3A_731] {strides = array<i32>} : memref<40x512xf32, #tpu.memory_space<vmem>>, vector<1x16xf32>,
        %swap3A_733 = vector.shape_cast %swap3A_732 : vector<1x16xf32> to vector<16xf32>
        %swap3A_734 = vector.shape_cast %add3A_729 : vector<16xf32> to vector<1x16xf32>
        tpu.vector_store %arg10[%swap3A_730, %swap3A_731], %swap3A_734 {strides = array<i32>} : memref<40x512xf32, #tpu.memory_space<vmem>>, vector<1x16xf32>,
        %get3A_735 = arith.index_cast %scan3A_616 : i32 to index
        %get3A_736 = arith.constant 112 : index
        %get3A_737 = tpu.vector_load %arg10[%get3A_735, %get3A_736] {strides = array<i32>} : memref<40x512xf32, #tpu.memory_space<vmem>>, vector<1x16xf32>,
        %get3A_738 = vector.shape_cast %get3A_737 : vector<1x16xf32> to vector<16xf32>
        %mul3A_739 = arith.constant 22.6274166 : f32
        %mul3A_740 = vector.broadcast %mul3A_739 : f32 to vector<16xf32>
        %mul3A_741 = arith.mulf %get3A_738, %mul3A_740 : vector<16xf32>
        %get3A_742 = arith.index_cast %scan3A_616 : i32 to index
        %get3A_743 = arith.constant 112 : index
        %get3A_744 = tpu.vector_load %arg6[%get3A_742, %get3A_743] {strides = array<i32>} : memref<40x512xf32, #tpu.memory_space<vmem>>, vector<1x16xf32>,
        %get3A_745 = vector.shape_cast %get3A_744 : vector<1x16xf32> to vector<16xf32>
        %add3A_746 = arith.addf %mul3A_741, %get3A_745 : vector<16xf32>
        %swap3A_747 = arith.index_cast %scan3A_616 : i32 to index
        %swap3A_748 = arith.constant 112 : index
        %swap3A_749 = tpu.vector_load %arg10[%swap3A_747, %swap3A_748] {strides = array<i32>} : memref<40x512xf32, #tpu.memory_space<vmem>>, vector<1x16xf32>,
        %swap3A_750 = vector.shape_cast %swap3A_749 : vector<1x16xf32> to vector<16xf32>
        %swap3A_751 = vector.shape_cast %add3A_746 : vector<16xf32> to vector<1x16xf32>
        tpu.vector_store %arg10[%swap3A_747, %swap3A_748], %swap3A_751 {strides = array<i32>} : memref<40x512xf32, #tpu.memory_space<vmem>>, vector<1x16xf32>,
        %get3A_752 = arith.index_cast %scan3A_616 : i32 to index
        %get3A_753 = arith.constant 128 : index
        %get3A_754 = tpu.vector_load %arg10[%get3A_752, %get3A_753] {strides = array<i32>} : memref<40x512xf32, #tpu.memory_space<vmem>>, vector<1x16xf32>,
        %get3A_755 = vector.shape_cast %get3A_754 : vector<1x16xf32> to vector<16xf32>
        %mul3A_756 = arith.constant 22.6274166 : f32
        %mul3A_757 = vector.broadcast %mul3A_756 : f32 to vector<16xf32>
        %mul3A_758 = arith.mulf %get3A_755, %mul3A_757 : vector<16xf32>
        %get3A_759 = arith.index_cast %scan3A_616 : i32 to index
        %get3A_760 = arith.constant 128 : index
        %get3A_761 = tpu.vector_load %arg6[%get3A_759, %get3A_760] {strides = array<i32>} : memref<40x512xf32, #tpu.memory_space<vmem>>, vector<1x16xf32>,
        %get3A_762 = vector.shape_cast %get3A_761 : vector<1x16xf32> to vector<16xf32>
        %add3A_763 = arith.addf %mul3A_758, %get3A_762 : vector<16xf32>
        %swap3A_764 = arith.index_cast %scan3A_616 : i32 to index
        %swap3A_765 = arith.constant 128 : index
        %swap3A_766 = tpu.vector_load %arg10[%swap3A_764, %swap3A_765] {strides = array<i32>} : memref<40x512xf32, #tpu.memory_space<vmem>>, vector<1x16xf32>,
        %swap3A_767 = vector.shape_cast %swap3A_766 : vector<1x16xf32> to vector<16xf32>
        %swap3A_768 = vector.shape_cast %add3A_763 : vector<16xf32> to vector<1x16xf32>
        tpu.vector_store %arg10[%swap3A_764, %swap3A_765], %swap3A_768 {strides = array<i32>} : memref<40x512xf32, #tpu.memory_space<vmem>>, vector<1x16xf32>,
        %get3A_769 = arith.index_cast %scan3A_616 : i32 to index
        %get3A_770 = arith.constant 144 : index
        %get3A_771 = tpu.vector_load %arg10[%get3A_769, %get3A_770] {strides = array<i32>} : memref<40x512xf32, #tpu.memory_space<vmem>>, vector<1x16xf32>,
        %get3A_772 = vector.shape_cast %get3A_771 : vector<1x16xf32> to vector<16xf32>
        %mul3A_773 = arith.constant 22.6274166 : f32
        %mul3A_774 = vector.broadcast %mul3A_773 : f32 to vector<16xf32>
        %mul3A_775 = arith.mulf %get3A_772, %mul3A_774 : vector<16xf32>
        %get3A_776 = arith.index_cast %scan3A_616 : i32 to index
        %get3A_777 = arith.constant 144 : index
        %get3A_778 = tpu.vector_load %arg6[%get3A_776, %get3A_777] {strides = array<i32>} : memref<40x512xf32, #tpu.memory_space<vmem>>, vector<1x16xf32>,
        %get3A_779 = vector.shape_cast %get3A_778 : vector<1x16xf32> to vector<16xf32>
        %add3A_780 = arith.addf %mul3A_775, %get3A_779 : vector<16xf32>
        %swap3A_781 = arith.index_cast %scan3A_616 : i32 to index
        %swap3A_782 = arith.constant 144 : index
        %swap3A_783 = tpu.vector_load %arg10[%swap3A_781, %swap3A_782] {strides = array<i32>} : memref<40x512xf32, #tpu.memory_space<vmem>>, vector<1x16xf32>,
        %swap3A_784 = vector.shape_cast %swap3A_783 : vector<1x16xf32> to vector<16xf32>
        %swap3A_785 = vector.shape_cast %add3A_780 : vector<16xf32> to vector<1x16xf32>
        tpu.vector_store %arg10[%swap3A_781, %swap3A_782], %swap3A_785 {strides = array<i32>} : memref<40x512xf32, #tpu.memory_space<vmem>>, vector<1x16xf32>,
        %get3A_786 = arith.index_cast %scan3A_616 : i32 to index
        %get3A_787 = arith.constant 160 : index
        %get3A_788 = tpu.vector_load %arg10[%get3A_786, %get3A_787] {strides = array<i32>} : memref<40x512xf32, #tpu.memory_space<vmem>>, vector<1x16xf32>,
        %get3A_789 = vector.shape_cast %get3A_788 : vector<1x16xf32> to vector<16xf32>
        %mul3A_790 = arith.constant 22.6274166 : f32
        %mul3A_791 = vector.broadcast %mul3A_790 : f32 to vector<16xf32>
        %mul3A_792 = arith.mulf %get3A_789, %mul3A_791 : vector<16xf32>
        %get3A_793 = arith.index_cast %scan3A_616 : i32 to index
        %get3A_794 = arith.constant 160 : index
        %get3A_795 = tpu.vector_load %arg6[%get3A_793, %get3A_794] {strides = array<i32>} : memref<40x512xf32, #tpu.memory_space<vmem>>, vector<1x16xf32>,
        %get3A_796 = vector.shape_cast %get3A_795 : vector<1x16xf32> to vector<16xf32>
        %add3A_797 = arith.addf %mul3A_792, %get3A_796 : vector<16xf32>
        %swap3A_798 = arith.index_cast %scan3A_616 : i32 to index
        %swap3A_799 = arith.constant 160 : index
        %swap3A_800 = tpu.vector_load %arg10[%swap3A_798, %swap3A_799] {strides = array<i32>} : memref<40x512xf32, #tpu.memory_space<vmem>>, vector<1x16xf32>,
        %swap3A_801 = vector.shape_cast %swap3A_800 : vector<1x16xf32> to vector<16xf32>
        %swap3A_802 = vector.shape_cast %add3A_797 : vector<16xf32> to vector<1x16xf32>
        tpu.vector_store %arg10[%swap3A_798, %swap3A_799], %swap3A_802 {strides = array<i32>} : memref<40x512xf32, #tpu.memory_space<vmem>>, vector<1x16xf32>,
        %get3A_803 = arith.index_cast %scan3A_616 : i32 to index
        %get3A_804 = arith.constant 176 : index
        %get3A_805 = tpu.vector_load %arg10[%get3A_803, %get3A_804] {strides = array<i32>} : memref<40x512xf32, #tpu.memory_space<vmem>>, vector<1x16xf32>,
        %get3A_806 = vector.shape_cast %get3A_805 : vector<1x16xf32> to vector<16xf32>
        %mul3A_807 = arith.constant 22.6274166 : f32
        %mul3A_808 = vector.broadcast %mul3A_807 : f32 to vector<16xf32>
        %mul3A_809 = arith.mulf %get3A_806, %mul3A_808 : vector<16xf32>
        %get3A_810 = arith.index_cast %scan3A_616 : i32 to index
        %get3A_811 = arith.constant 176 : index
        %get3A_812 = tpu.vector_load %arg6[%get3A_810, %get3A_811] {strides = array<i32>} : memref<40x512xf32, #tpu.memory_space<vmem>>, vector<1x16xf32>,
        %get3A_813 = vector.shape_cast %get3A_812 : vector<1x16xf32> to vector<16xf32>
        %add3A_814 = arith.addf %mul3A_809, %get3A_813 : vector<16xf32>
        %swap3A_815 = arith.index_cast %scan3A_616 : i32 to index
        %swap3A_816 = arith.constant 176 : index
        %swap3A_817 = tpu.vector_load %arg10[%swap3A_815, %swap3A_816] {strides = array<i32>} : memref<40x512xf32, #tpu.memory_space<vmem>>, vector<1x16xf32>,
        %swap3A_818 = vector.shape_cast %swap3A_817 : vector<1x16xf32> to vector<16xf32>
        %swap3A_819 = vector.shape_cast %add3A_814 : vector<16xf32> to vector<1x16xf32>
        tpu.vector_store %arg10[%swap3A_815, %swap3A_816], %swap3A_819 {strides = array<i32>} : memref<40x512xf32, #tpu.memory_space<vmem>>, vector<1x16xf32>,
        %get3A_820 = arith.index_cast %scan3A_616 : i32 to index
        %get3A_821 = arith.constant 192 : index
        %get3A_822 = tpu.vector_load %arg10[%get3A_820, %get3A_821] {strides = array<i32>} : memref<40x512xf32, #tpu.memory_space<vmem>>, vector<1x16xf32>,
        %get3A_823 = vector.shape_cast %get3A_822 : vector<1x16xf32> to vector<16xf32>
        %mul3A_824 = arith.constant 22.6274166 : f32
        %mul3A_825 = vector.broadcast %mul3A_824 : f32 to vector<16xf32>
        %mul3A_826 = arith.mulf %get3A_823, %mul3A_825 : vector<16xf32>
        %get3A_827 = arith.index_cast %scan3A_616 : i32 to index
        %get3A_828 = arith.constant 192 : index
        %get3A_829 = tpu.vector_load %arg6[%get3A_827, %get3A_828] {strides = array<i32>} : memref<40x512xf32, #tpu.memory_space<vmem>>, vector<1x16xf32>,
        %get3A_830 = vector.shape_cast %get3A_829 : vector<1x16xf32> to vector<16xf32>
        %add3A_831 = arith.addf %mul3A_826, %get3A_830 : vector<16xf32>
        %swap3A_832 = arith.index_cast %scan3A_616 : i32 to index
        %swap3A_833 = arith.constant 192 : index
        %swap3A_834 = tpu.vector_load %arg10[%swap3A_832, %swap3A_833] {strides = array<i32>} : memref<40x512xf32, #tpu.memory_space<vmem>>, vector<1x16xf32>,
        %swap3A_835 = vector.shape_cast %swap3A_834 : vector<1x16xf32> to vector<16xf32>
        %swap3A_836 = vector.shape_cast %add3A_831 : vector<16xf32> to vector<1x16xf32>
        tpu.vector_store %arg10[%swap3A_832, %swap3A_833], %swap3A_836 {strides = array<i32>} : memref<40x512xf32, #tpu.memory_space<vmem>>, vector<1x16xf32>,
        %get3A_837 = arith.index_cast %scan3A_616 : i32 to index
        %get3A_838 = arith.constant 208 : index
        %get3A_839 = tpu.vector_load %arg10[%get3A_837, %get3A_838] {strides = array<i32>} : memref<40x512xf32, #tpu.memory_space<vmem>>, vector<1x16xf32>,
        %get3A_840 = vector.shape_cast %get3A_839 : vector<1x16xf32> to vector<16xf32>
        %mul3A_841 = arith.constant 22.6274166 : f32
        %mul3A_842 = vector.broadcast %mul3A_841 : f32 to vector<16xf32>
        %mul3A_843 = arith.mulf %get3A_840, %mul3A_842 : vector<16xf32>
        %get3A_844 = arith.index_cast %scan3A_616 : i32 to index
        %get3A_845 = arith.constant 208 : index
        %get3A_846 = tpu.vector_load %arg6[%get3A_844, %get3A_845] {strides = array<i32>} : memref<40x512xf32, #tpu.memory_space<vmem>>, vector<1x16xf32>,
        %get3A_847 = vector.shape_cast %get3A_846 : vector<1x16xf32> to vector<16xf32>
        %add3A_848 = arith.addf %mul3A_843, %get3A_847 : vector<16xf32>
        %swap3A_849 = arith.index_cast %scan3A_616 : i32 to index
        %swap3A_850 = arith.constant 208 : index
        %swap3A_851 = tpu.vector_load %arg10[%swap3A_849, %swap3A_850] {strides = array<i32>} : memref<40x512xf32, #tpu.memory_space<vmem>>, vector<1x16xf32>,
        %swap3A_852 = vector.shape_cast %swap3A_851 : vector<1x16xf32> to vector<16xf32>
        %swap3A_853 = vector.shape_cast %add3A_848 : vector<16xf32> to vector<1x16xf32>
        tpu.vector_store %arg10[%swap3A_849, %swap3A_850], %swap3A_853 {strides = array<i32>} : memref<40x512xf32, #tpu.memory_space<vmem>>, vector<1x16xf32>,
        %get3A_854 = arith.index_cast %scan3A_616 : i32 to index
        %get3A_855 = arith.constant 224 : index
        %get3A_856 = tpu.vector_load %arg10[%get3A_854, %get3A_855] {strides = array<i32>} : memref<40x512xf32, #tpu.memory_space<vmem>>, vector<1x16xf32>,
        %get3A_857 = vector.shape_cast %get3A_856 : vector<1x16xf32> to vector<16xf32>
        %mul3A_858 = arith.constant 22.6274166 : f32
        %mul3A_859 = vector.broadcast %mul3A_858 : f32 to vector<16xf32>
        %mul3A_860 = arith.mulf %get3A_857, %mul3A_859 : vector<16xf32>
        %get3A_861 = arith.index_cast %scan3A_616 : i32 to index
        %get3A_862 = arith.constant 224 : index
        %get3A_863 = tpu.vector_load %arg6[%get3A_861, %get3A_862] {strides = array<i32>} : memref<40x512xf32, #tpu.memory_space<vmem>>, vector<1x16xf32>,
        %get3A_864 = vector.shape_cast %get3A_863 : vector<1x16xf32> to vector<16xf32>
        %add3A_865 = arith.addf %mul3A_860, %get3A_864 : vector<16xf32>
        %swap3A_866 = arith.index_cast %scan3A_616 : i32 to index
        %swap3A_867 = arith.constant 224 : index
        %swap3A_868 = tpu.vector_load %arg10[%swap3A_866, %swap3A_867] {strides = array<i32>} : memref<40x512xf32, #tpu.memory_space<vmem>>, vector<1x16xf32>,
        %swap3A_869 = vector.shape_cast %swap3A_868 : vector<1x16xf32> to vector<16xf32>
        %swap3A_870 = vector.shape_cast %add3A_865 : vector<16xf32> to vector<1x16xf32>
        tpu.vector_store %arg10[%swap3A_866, %swap3A_867], %swap3A_870 {strides = array<i32>} : memref<40x512xf32, #tpu.memory_space<vmem>>, vector<1x16xf32>,
        %get3A_871 = arith.index_cast %scan3A_616 : i32 to index
        %get3A_872 = arith.constant 240 : index
        %get3A_873 = tpu.vector_load %arg10[%get3A_871, %get3A_872] {strides = array<i32>} : memref<40x512xf32, #tpu.memory_space<vmem>>, vector<1x16xf32>,
        %get3A_874 = vector.shape_cast %get3A_873 : vector<1x16xf32> to vector<16xf32>
        %mul3A_875 = arith.constant 22.6274166 : f32
        %mul3A_876 = vector.broadcast %mul3A_875 : f32 to vector<16xf32>
        %mul3A_877 = arith.mulf %get3A_874, %mul3A_876 : vector<16xf32>
        %get3A_878 = arith.index_cast %scan3A_616 : i32 to index
        %get3A_879 = arith.constant 240 : index
        %get3A_880 = tpu.vector_load %arg6[%get3A_878, %get3A_879] {strides = array<i32>} : memref<40x512xf32, #tpu.memory_space<vmem>>, vector<1x16xf32>,
        %get3A_881 = vector.shape_cast %get3A_880 : vector<1x16xf32> to vector<16xf32>
        %add3A_882 = arith.addf %mul3A_877, %get3A_881 : vector<16xf32>
        %swap3A_883 = arith.index_cast %scan3A_616 : i32 to index
        %swap3A_884 = arith.constant 240 : index
        %swap3A_885 = tpu.vector_load %arg10[%swap3A_883, %swap3A_884] {strides = array<i32>} : memref<40x512xf32, #tpu.memory_space<vmem>>, vector<1x16xf32>,
        %swap3A_886 = vector.shape_cast %swap3A_885 : vector<1x16xf32> to vector<16xf32>
        %swap3A_887 = vector.shape_cast %add3A_882 : vector<16xf32> to vector<1x16xf32>
        tpu.vector_store %arg10[%swap3A_883, %swap3A_884], %swap3A_887 {strides = array<i32>} : memref<40x512xf32, #tpu.memory_space<vmem>>, vector<1x16xf32>,
        %get3A_888 = arith.index_cast %scan3A_616 : i32 to index
        %get3A_889 = arith.constant 256 : index
        %get3A_890 = tpu.vector_load %arg10[%get3A_888, %get3A_889] {strides = array<i32>} : memref<40x512xf32, #tpu.memory_space<vmem>>, vector<1x16xf32>,
        %get3A_891 = vector.shape_cast %get3A_890 : vector<1x16xf32> to vector<16xf32>
        %mul3A_892 = arith.constant 22.6274166 : f32
        %mul3A_893 = vector.broadcast %mul3A_892 : f32 to vector<16xf32>
        %mul3A_894 = arith.mulf %get3A_891, %mul3A_893 : vector<16xf32>
        %get3A_895 = arith.index_cast %scan3A_616 : i32 to index
        %get3A_896 = arith.constant 256 : index
        %get3A_897 = tpu.vector_load %arg6[%get3A_895, %get3A_896] {strides = array<i32>} : memref<40x512xf32, #tpu.memory_space<vmem>>, vector<1x16xf32>,
        %get3A_898 = vector.shape_cast %get3A_897 : vector<1x16xf32> to vector<16xf32>
        %add3A_899 = arith.addf %mul3A_894, %get3A_898 : vector<16xf32>
        %swap3A_900 = arith.index_cast %scan3A_616 : i32 to index
        %swap3A_901 = arith.constant 256 : index
        %swap3A_902 = tpu.vector_load %arg10[%swap3A_900, %swap3A_901] {strides = array<i32>} : memref<40x512xf32, #tpu.memory_space<vmem>>, vector<1x16xf32>,
        %swap3A_903 = vector.shape_cast %swap3A_902 : vector<1x16xf32> to vector<16xf32>
        %swap3A_904 = vector.shape_cast %add3A_899 : vector<16xf32> to vector<1x16xf32>
        tpu.vector_store %arg10[%swap3A_900, %swap3A_901], %swap3A_904 {strides = array<i32>} : memref<40x512xf32, #tpu.memory_space<vmem>>, vector<1x16xf32>,
        %get3A_905 = arith.index_cast %scan3A_616 : i32 to index
        %get3A_906 = arith.constant 272 : index
        %get3A_907 = tpu.vector_load %arg10[%get3A_905, %get3A_906] {strides = array<i32>} : memref<40x512xf32, #tpu.memory_space<vmem>>, vector<1x16xf32>,
        %get3A_908 = vector.shape_cast %get3A_907 : vector<1x16xf32> to vector<16xf32>
        %mul3A_909 = arith.constant 22.6274166 : f32
        %mul3A_910 = vector.broadcast %mul3A_909 : f32 to vector<16xf32>
        %mul3A_911 = arith.mulf %get3A_908, %mul3A_910 : vector<16xf32>
        %get3A_912 = arith.index_cast %scan3A_616 : i32 to index
        %get3A_913 = arith.constant 272 : index
        %get3A_914 = tpu.vector_load %arg6[%get3A_912, %get3A_913] {strides = array<i32>} : memref<40x512xf32, #tpu.memory_space<vmem>>, vector<1x16xf32>,
        %get3A_915 = vector.shape_cast %get3A_914 : vector<1x16xf32> to vector<16xf32>
        %add3A_916 = arith.addf %mul3A_911, %get3A_915 : vector<16xf32>
        %swap3A_917 = arith.index_cast %scan3A_616 : i32 to index
        %swap3A_918 = arith.constant 272 : index
        %swap3A_919 = tpu.vector_load %arg10[%swap3A_917, %swap3A_918] {strides = array<i32>} : memref<40x512xf32, #tpu.memory_space<vmem>>, vector<1x16xf32>,
        %swap3A_920 = vector.shape_cast %swap3A_919 : vector<1x16xf32> to vector<16xf32>
        %swap3A_921 = vector.shape_cast %add3A_916 : vector<16xf32> to vector<1x16xf32>
        tpu.vector_store %arg10[%swap3A_917, %swap3A_918], %swap3A_921 {strides = array<i32>} : memref<40x512xf32, #tpu.memory_space<vmem>>, vector<1x16xf32>,
        %get3A_922 = arith.index_cast %scan3A_616 : i32 to index
        %get3A_923 = arith.constant 288 : index
        %get3A_924 = tpu.vector_load %arg10[%get3A_922, %get3A_923] {strides = array<i32>} : memref<40x512xf32, #tpu.memory_space<vmem>>, vector<1x16xf32>,
        %get3A_925 = vector.shape_cast %get3A_924 : vector<1x16xf32> to vector<16xf32>
        %mul3A_926 = arith.constant 22.6274166 : f32
        %mul3A_927 = vector.broadcast %mul3A_926 : f32 to vector<16xf32>
        %mul3A_928 = arith.mulf %get3A_925, %mul3A_927 : vector<16xf32>
        %get3A_929 = arith.index_cast %scan3A_616 : i32 to index
        %get3A_930 = arith.constant 288 : index
        %get3A_931 = tpu.vector_load %arg6[%get3A_929, %get3A_930] {strides = array<i32>} : memref<40x512xf32, #tpu.memory_space<vmem>>, vector<1x16xf32>,
        %get3A_932 = vector.shape_cast %get3A_931 : vector<1x16xf32> to vector<16xf32>
        %add3A_933 = arith.addf %mul3A_928, %get3A_932 : vector<16xf32>
        %swap3A_934 = arith.index_cast %scan3A_616 : i32 to index
        %swap3A_935 = arith.constant 288 : index
        %swap3A_936 = tpu.vector_load %arg10[%swap3A_934, %swap3A_935] {strides = array<i32>} : memref<40x512xf32, #tpu.memory_space<vmem>>, vector<1x16xf32>,
        %swap3A_937 = vector.shape_cast %swap3A_936 : vector<1x16xf32> to vector<16xf32>
        %swap3A_938 = vector.shape_cast %add3A_933 : vector<16xf32> to vector<1x16xf32>
        tpu.vector_store %arg10[%swap3A_934, %swap3A_935], %swap3A_938 {strides = array<i32>} : memref<40x512xf32, #tpu.memory_space<vmem>>, vector<1x16xf32>,
        %get3A_939 = arith.index_cast %scan3A_616 : i32 to index
        %get3A_940 = arith.constant 304 : index
        %get3A_941 = tpu.vector_load %arg10[%get3A_939, %get3A_940] {strides = array<i32>} : memref<40x512xf32, #tpu.memory_space<vmem>>, vector<1x16xf32>,
        %get3A_942 = vector.shape_cast %get3A_941 : vector<1x16xf32> to vector<16xf32>
        %mul3A_943 = arith.constant 22.6274166 : f32
        %mul3A_944 = vector.broadcast %mul3A_943 : f32 to vector<16xf32>
        %mul3A_945 = arith.mulf %get3A_942, %mul3A_944 : vector<16xf32>
        %get3A_946 = arith.index_cast %scan3A_616 : i32 to index
        %get3A_947 = arith.constant 304 : index
        %get3A_948 = tpu.vector_load %arg6[%get3A_946, %get3A_947] {strides = array<i32>} : memref<40x512xf32, #tpu.memory_space<vmem>>, vector<1x16xf32>,
        %get3A_949 = vector.shape_cast %get3A_948 : vector<1x16xf32> to vector<16xf32>
        %add3A_950 = arith.addf %mul3A_945, %get3A_949 : vector<16xf32>
        %swap3A_951 = arith.index_cast %scan3A_616 : i32 to index
        %swap3A_952 = arith.constant 304 : index
        %swap3A_953 = tpu.vector_load %arg10[%swap3A_951, %swap3A_952] {strides = array<i32>} : memref<40x512xf32, #tpu.memory_space<vmem>>, vector<1x16xf32>,
        %swap3A_954 = vector.shape_cast %swap3A_953 : vector<1x16xf32> to vector<16xf32>
        %swap3A_955 = vector.shape_cast %add3A_950 : vector<16xf32> to vector<1x16xf32>
        tpu.vector_store %arg10[%swap3A_951, %swap3A_952], %swap3A_955 {strides = array<i32>} : memref<40x512xf32, #tpu.memory_space<vmem>>, vector<1x16xf32>,
        %get3A_956 = arith.index_cast %scan3A_616 : i32 to index
        %get3A_957 = arith.constant 320 : index
        %get3A_958 = tpu.vector_load %arg10[%get3A_956, %get3A_957] {strides = array<i32>} : memref<40x512xf32, #tpu.memory_space<vmem>>, vector<1x16xf32>,
        %get3A_959 = vector.shape_cast %get3A_958 : vector<1x16xf32> to vector<16xf32>
        %mul3A_960 = arith.constant 22.6274166 : f32
        %mul3A_961 = vector.broadcast %mul3A_960 : f32 to vector<16xf32>
        %mul3A_962 = arith.mulf %get3A_959, %mul3A_961 : vector<16xf32>
        %get3A_963 = arith.index_cast %scan3A_616 : i32 to index
        %get3A_964 = arith.constant 320 : index
        %get3A_965 = tpu.vector_load %arg6[%get3A_963, %get3A_964] {strides = array<i32>} : memref<40x512xf32, #tpu.memory_space<vmem>>, vector<1x16xf32>,
        %get3A_966 = vector.shape_cast %get3A_965 : vector<1x16xf32> to vector<16xf32>
        %add3A_967 = arith.addf %mul3A_962, %get3A_966 : vector<16xf32>
        %swap3A_968 = arith.index_cast %scan3A_616 : i32 to index
        %swap3A_969 = arith.constant 320 : index
        %swap3A_970 = tpu.vector_load %arg10[%swap3A_968, %swap3A_969] {strides = array<i32>} : memref<40x512xf32, #tpu.memory_space<vmem>>, vector<1x16xf32>,
        %swap3A_971 = vector.shape_cast %swap3A_970 : vector<1x16xf32> to vector<16xf32>
        %swap3A_972 = vector.shape_cast %add3A_967 : vector<16xf32> to vector<1x16xf32>
        tpu.vector_store %arg10[%swap3A_968, %swap3A_969], %swap3A_972 {strides = array<i32>} : memref<40x512xf32, #tpu.memory_space<vmem>>, vector<1x16xf32>,
        %get3A_973 = arith.index_cast %scan3A_616 : i32 to index
        %get3A_974 = arith.constant 336 : index
        %get3A_975 = tpu.vector_load %arg10[%get3A_973, %get3A_974] {strides = array<i32>} : memref<40x512xf32, #tpu.memory_space<vmem>>, vector<1x16xf32>,
        %get3A_976 = vector.shape_cast %get3A_975 : vector<1x16xf32> to vector<16xf32>
        %mul3A_977 = arith.constant 22.6274166 : f32
        %mul3A_978 = vector.broadcast %mul3A_977 : f32 to vector<16xf32>
        %mul3A_979 = arith.mulf %get3A_976, %mul3A_978 : vector<16xf32>
        %get3A_980 = arith.index_cast %scan3A_616 : i32 to index
        %get3A_981 = arith.constant 336 : index
        %get3A_982 = tpu.vector_load %arg6[%get3A_980, %get3A_981] {strides = array<i32>} : memref<40x512xf32, #tpu.memory_space<vmem>>, vector<1x16xf32>,
        %get3A_983 = vector.shape_cast %get3A_982 : vector<1x16xf32> to vector<16xf32>
        %add3A_984 = arith.addf %mul3A_979, %get3A_983 : vector<16xf32>
        %swap3A_985 = arith.index_cast %scan3A_616 : i32 to index
        %swap3A_986 = arith.constant 336 : index
        %swap3A_987 = tpu.vector_load %arg10[%swap3A_985, %swap3A_986] {strides = array<i32>} : memref<40x512xf32, #tpu.memory_space<vmem>>, vector<1x16xf32>,
        %swap3A_988 = vector.shape_cast %swap3A_987 : vector<1x16xf32> to vector<16xf32>
        %swap3A_989 = vector.shape_cast %add3A_984 : vector<16xf32> to vector<1x16xf32>
        tpu.vector_store %arg10[%swap3A_985, %swap3A_986], %swap3A_989 {strides = array<i32>} : memref<40x512xf32, #tpu.memory_space<vmem>>, vector<1x16xf32>,
        %get3A_990 = arith.index_cast %scan3A_616 : i32 to index
        %get3A_991 = arith.constant 352 : index
        %get3A_992 = tpu.vector_load %arg10[%get3A_990, %get3A_991] {strides = array<i32>} : memref<40x512xf32, #tpu.memory_space<vmem>>, vector<1x16xf32>,
        %get3A_993 = vector.shape_cast %get3A_992 : vector<1x16xf32> to vector<16xf32>
        %mul3A_994 = arith.constant 22.6274166 : f32
        %mul3A_995 = vector.broadcast %mul3A_994 : f32 to vector<16xf32>
        %mul3A_996 = arith.mulf %get3A_993, %mul3A_995 : vector<16xf32>
        %get3A_997 = arith.index_cast %scan3A_616 : i32 to index
        %get3A_998 = arith.constant 352 : index
        %get3A_999 = tpu.vector_load %arg6[%get3A_997, %get3A_998] {strides = array<i32>} : memref<40x512xf32, #tpu.memory_space<vmem>>, vector<1x16xf32>,
        %get3A_1000 = vector.shape_cast %get3A_999 : vector<1x16xf32> to vector<16xf32>
        %add3A_1001 = arith.addf %mul3A_996, %get3A_1000 : vector<16xf32>
        %swap3A_1002 = arith.index_cast %scan3A_616 : i32 to index
        %swap3A_1003 = arith.constant 352 : index
        %swap3A_1004 = tpu.vector_load %arg10[%swap3A_1002, %swap3A_1003] {strides = array<i32>} : memref<40x512xf32, #tpu.memory_space<vmem>>, vector<1x16xf32>,
        %swap3A_1005 = vector.shape_cast %swap3A_1004 : vector<1x16xf32> to vector<16xf32>
        %swap3A_1006 = vector.shape_cast %add3A_1001 : vector<16xf32> to vector<1x16xf32>
        tpu.vector_store %arg10[%swap3A_1002, %swap3A_1003], %swap3A_1006 {strides = array<i32>} : memref<40x512xf32, #tpu.memory_space<vmem>>, vector<1x16xf32>,
        %get3A_1007 = arith.index_cast %scan3A_616 : i32 to index
        %get3A_1008 = arith.constant 368 : index
        %get3A_1009 = tpu.vector_load %arg10[%get3A_1007, %get3A_1008] {strides = array<i32>} : memref<40x512xf32, #tpu.memory_space<vmem>>, vector<1x16xf32>,
        %get3A_1010 = vector.shape_cast %get3A_1009 : vector<1x16xf32> to vector<16xf32>
        %mul3A_1011 = arith.constant 22.6274166 : f32
        %mul3A_1012 = vector.broadcast %mul3A_1011 : f32 to vector<16xf32>
        %mul3A_1013 = arith.mulf %get3A_1010, %mul3A_1012 : vector<16xf32>
        %get3A_1014 = arith.index_cast %scan3A_616 : i32 to index
        %get3A_1015 = arith.constant 368 : index
        %get3A_1016 = tpu.vector_load %arg6[%get3A_1014, %get3A_1015] {strides = array<i32>} : memref<40x512xf32, #tpu.memory_space<vmem>>, vector<1x16xf32>,
        %get3A_1017 = vector.shape_cast %get3A_1016 : vector<1x16xf32> to vector<16xf32>
        %add3A_1018 = arith.addf %mul3A_1013, %get3A_1017 : vector<16xf32>
        %swap3A_1019 = arith.index_cast %scan3A_616 : i32 to index
        %swap3A_1020 = arith.constant 368 : index
        %swap3A_1021 = tpu.vector_load %arg10[%swap3A_1019, %swap3A_1020] {strides = array<i32>} : memref<40x512xf32, #tpu.memory_space<vmem>>, vector<1x16xf32>,
        %swap3A_1022 = vector.shape_cast %swap3A_1021 : vector<1x16xf32> to vector<16xf32>
        %swap3A_1023 = vector.shape_cast %add3A_1018 : vector<16xf32> to vector<1x16xf32>
        tpu.vector_store %arg10[%swap3A_1019, %swap3A_1020], %swap3A_1023 {strides = array<i32>} : memref<40x512xf32, #tpu.memory_space<vmem>>, vector<1x16xf32>,
        %get3A_1024 = arith.index_cast %scan3A_616 : i32 to index
        %get3A_1025 = arith.constant 384 : index
        %get3A_1026 = tpu.vector_load %arg10[%get3A_1024, %get3A_1025] {strides = array<i32>} : memref<40x512xf32, #tpu.memory_space<vmem>>, vector<1x16xf32>,
        %get3A_1027 = vector.shape_cast %get3A_1026 : vector<1x16xf32> to vector<16xf32>
        %mul3A_1028 = arith.constant 22.6274166 : f32
        %mul3A_1029 = vector.broadcast %mul3A_1028 : f32 to vector<16xf32>
        %mul3A_1030 = arith.mulf %get3A_1027, %mul3A_1029 : vector<16xf32>
        %get3A_1031 = arith.index_cast %scan3A_616 : i32 to index
        %get3A_1032 = arith.constant 384 : index
        %get3A_1033 = tpu.vector_load %arg6[%get3A_1031, %get3A_1032] {strides = array<i32>} : memref<40x512xf32, #tpu.memory_space<vmem>>, vector<1x16xf32>,
        %get3A_1034 = vector.shape_cast %get3A_1033 : vector<1x16xf32> to vector<16xf32>
        %add3A_1035 = arith.addf %mul3A_1030, %get3A_1034 : vector<16xf32>
        %swap3A_1036 = arith.index_cast %scan3A_616 : i32 to index
        %swap3A_1037 = arith.constant 384 : index
        %swap3A_1038 = tpu.vector_load %arg10[%swap3A_1036, %swap3A_1037] {strides = array<i32>} : memref<40x512xf32, #tpu.memory_space<vmem>>, vector<1x16xf32>,
        %swap3A_1039 = vector.shape_cast %swap3A_1038 : vector<1x16xf32> to vector<16xf32>
        %swap3A_1040 = vector.shape_cast %add3A_1035 : vector<16xf32> to vector<1x16xf32>
        tpu.vector_store %arg10[%swap3A_1036, %swap3A_1037], %swap3A_1040 {strides = array<i32>} : memref<40x512xf32, #tpu.memory_space<vmem>>, vector<1x16xf32>,
        %get3A_1041 = arith.index_cast %scan3A_616 : i32 to index
        %get3A_1042 = arith.constant 400 : index
        %get3A_1043 = tpu.vector_load %arg10[%get3A_1041, %get3A_1042] {strides = array<i32>} : memref<40x512xf32, #tpu.memory_space<vmem>>, vector<1x16xf32>,
        %get3A_1044 = vector.shape_cast %get3A_1043 : vector<1x16xf32> to vector<16xf32>
        %mul3A_1045 = arith.constant 22.6274166 : f32
        %mul3A_1046 = vector.broadcast %mul3A_1045 : f32 to vector<16xf32>
        %mul3A_1047 = arith.mulf %get3A_1044, %mul3A_1046 : vector<16xf32>
        %get3A_1048 = arith.index_cast %scan3A_616 : i32 to index
        %get3A_1049 = arith.constant 400 : index
        %get3A_1050 = tpu.vector_load %arg6[%get3A_1048, %get3A_1049] {strides = array<i32>} : memref<40x512xf32, #tpu.memory_space<vmem>>, vector<1x16xf32>,
        %get3A_1051 = vector.shape_cast %get3A_1050 : vector<1x16xf32> to vector<16xf32>
        %add3A_1052 = arith.addf %mul3A_1047, %get3A_1051 : vector<16xf32>
        %swap3A_1053 = arith.index_cast %scan3A_616 : i32 to index
        %swap3A_1054 = arith.constant 400 : index
        %swap3A_1055 = tpu.vector_load %arg10[%swap3A_1053, %swap3A_1054] {strides = array<i32>} : memref<40x512xf32, #tpu.memory_space<vmem>>, vector<1x16xf32>,
        %swap3A_1056 = vector.shape_cast %swap3A_1055 : vector<1x16xf32> to vector<16xf32>
        %swap3A_1057 = vector.shape_cast %add3A_1052 : vector<16xf32> to vector<1x16xf32>
        tpu.vector_store %arg10[%swap3A_1053, %swap3A_1054], %swap3A_1057 {strides = array<i32>} : memref<40x512xf32, #tpu.memory_space<vmem>>, vector<1x16xf32>,
        %get3A_1058 = arith.index_cast %scan3A_616 : i32 to index
        %get3A_1059 = arith.constant 416 : index
        %get3A_1060 = tpu.vector_load %arg10[%get3A_1058, %get3A_1059] {strides = array<i32>} : memref<40x512xf32, #tpu.memory_space<vmem>>, vector<1x16xf32>,
        %get3A_1061 = vector.shape_cast %get3A_1060 : vector<1x16xf32> to vector<16xf32>
        %mul3A_1062 = arith.constant 22.6274166 : f32
        %mul3A_1063 = vector.broadcast %mul3A_1062 : f32 to vector<16xf32>
        %mul3A_1064 = arith.mulf %get3A_1061, %mul3A_1063 : vector<16xf32>
        %get3A_1065 = arith.index_cast %scan3A_616 : i32 to index
        %get3A_1066 = arith.constant 416 : index
        %get3A_1067 = tpu.vector_load %arg6[%get3A_1065, %get3A_1066] {strides = array<i32>} : memref<40x512xf32, #tpu.memory_space<vmem>>, vector<1x16xf32>,
        %get3A_1068 = vector.shape_cast %get3A_1067 : vector<1x16xf32> to vector<16xf32>
        %add3A_1069 = arith.addf %mul3A_1064, %get3A_1068 : vector<16xf32>
        %swap3A_1070 = arith.index_cast %scan3A_616 : i32 to index
        %swap3A_1071 = arith.constant 416 : index
        %swap3A_1072 = tpu.vector_load %arg10[%swap3A_1070, %swap3A_1071] {strides = array<i32>} : memref<40x512xf32, #tpu.memory_space<vmem>>, vector<1x16xf32>,
        %swap3A_1073 = vector.shape_cast %swap3A_1072 : vector<1x16xf32> to vector<16xf32>
        %swap3A_1074 = vector.shape_cast %add3A_1069 : vector<16xf32> to vector<1x16xf32>
        tpu.vector_store %arg10[%swap3A_1070, %swap3A_1071], %swap3A_1074 {strides = array<i32>} : memref<40x512xf32, #tpu.memory_space<vmem>>, vector<1x16xf32>,
        %get3A_1075 = arith.index_cast %scan3A_616 : i32 to index
        %get3A_1076 = arith.constant 432 : index
        %get3A_1077 = tpu.vector_load %arg10[%get3A_1075, %get3A_1076] {strides = array<i32>} : memref<40x512xf32, #tpu.memory_space<vmem>>, vector<1x16xf32>,
        %get3A_1078 = vector.shape_cast %get3A_1077 : vector<1x16xf32> to vector<16xf32>
        %mul3A_1079 = arith.constant 22.6274166 : f32
        %mul3A_1080 = vector.broadcast %mul3A_1079 : f32 to vector<16xf32>
        %mul3A_1081 = arith.mulf %get3A_1078, %mul3A_1080 : vector<16xf32>
        %get3A_1082 = arith.index_cast %scan3A_616 : i32 to index
        %get3A_1083 = arith.constant 432 : index
        %get3A_1084 = tpu.vector_load %arg6[%get3A_1082, %get3A_1083] {strides = array<i32>} : memref<40x512xf32, #tpu.memory_space<vmem>>, vector<1x16xf32>,
        %get3A_1085 = vector.shape_cast %get3A_1084 : vector<1x16xf32> to vector<16xf32>
        %add3A_1086 = arith.addf %mul3A_1081, %get3A_1085 : vector<16xf32>
        %swap3A_1087 = arith.index_cast %scan3A_616 : i32 to index
        %swap3A_1088 = arith.constant 432 : index
        %swap3A_1089 = tpu.vector_load %arg10[%swap3A_1087, %swap3A_1088] {strides = array<i32>} : memref<40x512xf32, #tpu.memory_space<vmem>>, vector<1x16xf32>,
        %swap3A_1090 = vector.shape_cast %swap3A_1089 : vector<1x16xf32> to vector<16xf32>
        %swap3A_1091 = vector.shape_cast %add3A_1086 : vector<16xf32> to vector<1x16xf32>
        tpu.vector_store %arg10[%swap3A_1087, %swap3A_1088], %swap3A_1091 {strides = array<i32>} : memref<40x512xf32, #tpu.memory_space<vmem>>, vector<1x16xf32>,
        %get3A_1092 = arith.index_cast %scan3A_616 : i32 to index
        %get3A_1093 = arith.constant 448 : index
        %get3A_1094 = tpu.vector_load %arg10[%get3A_1092, %get3A_1093] {strides = array<i32>} : memref<40x512xf32, #tpu.memory_space<vmem>>, vector<1x16xf32>,
        %get3A_1095 = vector.shape_cast %get3A_1094 : vector<1x16xf32> to vector<16xf32>
        %mul3A_1096 = arith.constant 22.6274166 : f32
        %mul3A_1097 = vector.broadcast %mul3A_1096 : f32 to vector<16xf32>
        %mul3A_1098 = arith.mulf %get3A_1095, %mul3A_1097 : vector<16xf32>
        %get3A_1099 = arith.index_cast %scan3A_616 : i32 to index
        %get3A_1100 = arith.constant 448 : index
        %get3A_1101 = tpu.vector_load %arg6[%get3A_1099, %get3A_1100] {strides = array<i32>} : memref<40x512xf32, #tpu.memory_space<vmem>>, vector<1x16xf32>,
        %get3A_1102 = vector.shape_cast %get3A_1101 : vector<1x16xf32> to vector<16xf32>
        %add3A_1103 = arith.addf %mul3A_1098, %get3A_1102 : vector<16xf32>
        %swap3A_1104 = arith.index_cast %scan3A_616 : i32 to index
        %swap3A_1105 = arith.constant 448 : index
        %swap3A_1106 = tpu.vector_load %arg10[%swap3A_1104, %swap3A_1105] {strides = array<i32>} : memref<40x512xf32, #tpu.memory_space<vmem>>, vector<1x16xf32>,
        %swap3A_1107 = vector.shape_cast %swap3A_1106 : vector<1x16xf32> to vector<16xf32>
        %swap3A_1108 = vector.shape_cast %add3A_1103 : vector<16xf32> to vector<1x16xf32>
        tpu.vector_store %arg10[%swap3A_1104, %swap3A_1105], %swap3A_1108 {strides = array<i32>} : memref<40x512xf32, #tpu.memory_space<vmem>>, vector<1x16xf32>,
        %get3A_1109 = arith.index_cast %scan3A_616 : i32 to index
        %get3A_1110 = arith.constant 464 : index
        %get3A_1111 = tpu.vector_load %arg10[%get3A_1109, %get3A_1110] {strides = array<i32>} : memref<40x512xf32, #tpu.memory_space<vmem>>, vector<1x16xf32>,
        %get3A_1112 = vector.shape_cast %get3A_1111 : vector<1x16xf32> to vector<16xf32>
        %mul3A_1113 = arith.constant 22.6274166 : f32
        %mul3A_1114 = vector.broadcast %mul3A_1113 : f32 to vector<16xf32>
        %mul3A_1115 = arith.mulf %get3A_1112, %mul3A_1114 : vector<16xf32>
        %get3A_1116 = arith.index_cast %scan3A_616 : i32 to index
        %get3A_1117 = arith.constant 464 : index
        %get3A_1118 = tpu.vector_load %arg6[%get3A_1116, %get3A_1117] {strides = array<i32>} : memref<40x512xf32, #tpu.memory_space<vmem>>, vector<1x16xf32>,
        %get3A_1119 = vector.shape_cast %get3A_1118 : vector<1x16xf32> to vector<16xf32>
        %add3A_1120 = arith.addf %mul3A_1115, %get3A_1119 : vector<16xf32>
        %swap3A_1121 = arith.index_cast %scan3A_616 : i32 to index
        %swap3A_1122 = arith.constant 464 : index
        %swap3A_1123 = tpu.vector_load %arg10[%swap3A_1121, %swap3A_1122] {strides = array<i32>} : memref<40x512xf32, #tpu.memory_space<vmem>>, vector<1x16xf32>,
        %swap3A_1124 = vector.shape_cast %swap3A_1123 : vector<1x16xf32> to vector<16xf32>
        %swap3A_1125 = vector.shape_cast %add3A_1120 : vector<16xf32> to vector<1x16xf32>
        tpu.vector_store %arg10[%swap3A_1121, %swap3A_1122], %swap3A_1125 {strides = array<i32>} : memref<40x512xf32, #tpu.memory_space<vmem>>, vector<1x16xf32>,
        %get3A_1126 = arith.index_cast %scan3A_616 : i32 to index
        %get3A_1127 = arith.constant 480 : index
        %get3A_1128 = tpu.vector_load %arg10[%get3A_1126, %get3A_1127] {strides = array<i32>} : memref<40x512xf32, #tpu.memory_space<vmem>>, vector<1x16xf32>,
        %get3A_1129 = vector.shape_cast %get3A_1128 : vector<1x16xf32> to vector<16xf32>
        %mul3A_1130 = arith.constant 22.6274166 : f32
        %mul3A_1131 = vector.broadcast %mul3A_1130 : f32 to vector<16xf32>
        %mul3A_1132 = arith.mulf %get3A_1129, %mul3A_1131 : vector<16xf32>
        %get3A_1133 = arith.index_cast %scan3A_616 : i32 to index
        %get3A_1134 = arith.constant 480 : index
        %get3A_1135 = tpu.vector_load %arg6[%get3A_1133, %get3A_1134] {strides = array<i32>} : memref<40x512xf32, #tpu.memory_space<vmem>>, vector<1x16xf32>,
        %get3A_1136 = vector.shape_cast %get3A_1135 : vector<1x16xf32> to vector<16xf32>
        %add3A_1137 = arith.addf %mul3A_1132, %get3A_1136 : vector<16xf32>
        %swap3A_1138 = arith.index_cast %scan3A_616 : i32 to index
        %swap3A_1139 = arith.constant 480 : index
        %swap3A_1140 = tpu.vector_load %arg10[%swap3A_1138, %swap3A_1139] {strides = array<i32>} : memref<40x512xf32, #tpu.memory_space<vmem>>, vector<1x16xf32>,
        %swap3A_1141 = vector.shape_cast %swap3A_1140 : vector<1x16xf32> to vector<16xf32>
        %swap3A_1142 = vector.shape_cast %add3A_1137 : vector<16xf32> to vector<1x16xf32>
        tpu.vector_store %arg10[%swap3A_1138, %swap3A_1139], %swap3A_1142 {strides = array<i32>} : memref<40x512xf32, #tpu.memory_space<vmem>>, vector<1x16xf32>,
        %get3A_1143 = arith.index_cast %scan3A_616 : i32 to index
        %get3A_1144 = arith.constant 496 : index
        %get3A_1145 = tpu.vector_load %arg10[%get3A_1143, %get3A_1144] {strides = array<i32>} : memref<40x512xf32, #tpu.memory_space<vmem>>, vector<1x16xf32>,
        %get3A_1146 = vector.shape_cast %get3A_1145 : vector<1x16xf32> to vector<16xf32>
        %mul3A_1147 = arith.constant 22.6274166 : f32
        %mul3A_1148 = vector.broadcast %mul3A_1147 : f32 to vector<16xf32>
        %mul3A_1149 = arith.mulf %get3A_1146, %mul3A_1148 : vector<16xf32>
        %get3A_1150 = arith.index_cast %scan3A_616 : i32 to index
        %get3A_1151 = arith.constant 496 : index
        %get3A_1152 = tpu.vector_load %arg6[%get3A_1150, %get3A_1151] {strides = array<i32>} : memref<40x512xf32, #tpu.memory_space<vmem>>, vector<1x16xf32>,
        %get3A_1153 = vector.shape_cast %get3A_1152 : vector<1x16xf32> to vector<16xf32>
        %add3A_1154 = arith.addf %mul3A_1149, %get3A_1153 : vector<16xf32>
        %swap3A_1155 = arith.index_cast %scan3A_616 : i32 to index
        %swap3A_1156 = arith.constant 496 : index
        %swap3A_1157 = tpu.vector_load %arg10[%swap3A_1155, %swap3A_1156] {strides = array<i32>} : memref<40x512xf32, #tpu.memory_space<vmem>>, vector<1x16xf32>,
        %swap3A_1158 = vector.shape_cast %swap3A_1157 : vector<1x16xf32> to vector<16xf32>
        %swap3A_1159 = vector.shape_cast %add3A_1154 : vector<16xf32> to vector<1x16xf32>
        tpu.vector_store %arg10[%swap3A_1155, %swap3A_1156], %swap3A_1159 {strides = array<i32>} : memref<40x512xf32, #tpu.memory_space<vmem>>, vector<1x16xf32>,
        %scan3A_1160 = arith.constant 0 : i32
        scf.yield %scan3A_1160 : i32
      }
      %scan3A_438 = arith.constant 40 : i32
      %jit3A_439 = arith.constant 32 : i32
      %eq3A_440 = arith.constant 0 : i32
      %eq3A_441 = arith.cmpi eq, %jit3A_439, %eq3A_440 : i32
      %jit3A_442 = arith.constant 1 : i32
      %select_n3A_443 = arith.select %eq3A_441, %jit3A_442, %jit3A_439 : i32
      %rem3A_444 = arith.remsi %add3A_404, %select_n3A_443 : i32
      %ne3A_445 = arith.constant 0 : i32
      %ne3A_446 = arith.cmpi ne, %rem3A_444, %ne3A_445 : i32
      %lt3A_447 = arith.constant 0 : i32
      %lt3A_448 = arith.cmpi slt, %rem3A_444, %lt3A_447 : i32
      %lt3A_449 = arith.constant 0 : i32
      %lt3A_450 = arith.cmpi slt, %select_n3A_443, %lt3A_449 : i32
      %ne3A_451 = arith.xori %lt3A_448, %lt3A_450 : i1
      %and3A_452 = arith.andi %ne3A_451, %ne3A_446 : i1
      %add3A_453 = arith.addi %rem3A_444, %select_n3A_443 : i32
      %select_n3A_454 = arith.select %and3A_452, %add3A_453, %rem3A_444 : i32
      %add3A_455 = arith.addi %mul3A_2, %select_n3A_454 : i32
      %mul3A_456 = arith.constant 200 : i32
      %mul3A_457 = arith.muli %add3A_455, %mul3A_456 : i32
      %jit3A_458 = arith.constant 32 : i32
      %div3A_459 = arith.divsi %add3A_404, %jit3A_458 : i32
      %sign3A_460 = arith.constant 0 : i32
      %sign3A_461 = arith.cmpi sgt, %add3A_404, %sign3A_460 : i32
      %sign3A_462 = arith.extui %sign3A_461 : i1 to i32
      %sign3A_463 = arith.constant 0 : i32
      %sign3A_464 = arith.cmpi slt, %add3A_404, %sign3A_463 : i32
      %sign3A_465 = arith.extui %sign3A_464 : i1 to i32
      %sign3A_466 = arith.subi %sign3A_462, %sign3A_465 : i32
      %sign3A_467 = arith.constant 0 : i32
      %sign3A_468 = arith.cmpi sgt, %jit3A_458, %sign3A_467 : i32
      %sign3A_469 = arith.extui %sign3A_468 : i1 to i32
      %sign3A_470 = arith.constant 0 : i32
      %sign3A_471 = arith.cmpi slt, %jit3A_458, %sign3A_470 : i32
      %sign3A_472 = arith.extui %sign3A_471 : i1 to i32
      %sign3A_473 = arith.subi %sign3A_469, %sign3A_472 : i32
      %ne3A_474 = arith.cmpi ne, %sign3A_466, %sign3A_473 : i32
      %rem3A_475 = arith.remsi %add3A_404, %jit3A_458 : i32
      %ne3A_476 = arith.constant 0 : i32
      %ne3A_477 = arith.cmpi ne, %rem3A_475, %ne3A_476 : i32
      %and3A_478 = arith.andi %ne3A_474, %ne3A_477 : i1
      %sub3A_479 = arith.constant 1 : i32
      %sub3A_480 = arith.subi %div3A_459, %sub3A_479 : i32
      %select_n3A_481 = arith.select %and3A_478, %sub3A_480, %div3A_459 : i32
      %mul3A_482 = arith.constant 40 : i32
      %mul3A_483 = arith.muli %select_n3A_481, %mul3A_482 : i32
      %add3A_484 = arith.addi %mul3A_457, %mul3A_483 : i32
      %dma_start3A_485 = arith.constant 0 : i32
      %dma_start3A_486 = tpu.memref_slice %arg5[%add3A_484, %dma_start3A_485] : memref<204800x512xf32, #tpu.memory_space<hbm>> -> memref<40x512xf32, #tpu.memory_space<hbm>>
      %dma_start3A_487 = arith.constant 0 : i32
      %dma_start3A_488 = tpu.memref_slice %arg5[%add3A_484, %dma_start3A_487] : memref<204800x512xf32, #tpu.memory_space<hbm>> -> memref<40x512xf32, #tpu.memory_space<hbm>>
      tpu.enqueue_dma source(%arg10 : memref<40x512xf32, #tpu.memory_space<vmem>>) target(%dma_start3A_488 : memref<40x512xf32, #tpu.memory_space<hbm>>) target_semaphore(%arg25 : memref<!tpu.dma_semaphore, #tpu.memory_space<semaphore_mem>>)
      %ge3A_489 = arith.constant 2 : i32
      %ge3A_490 = arith.cmpi sge, %add3A_404, %ge3A_489 : i32
      %convert_element_type3A_491 = arith.extui %ge3A_490 : i1 to i32
      %cond3A_492 = arith.constant 0 : i32
      %cond3A_493 = arith.cmpi ne, %convert_element_type3A_491, %cond3A_492 : i32
      scf.if %cond3A_493 {
        %sub3A_616 = arith.constant 2 : i32
        %sub3A_617 = arith.subi %add3A_404, %sub3A_616 : i32
        %jit3A_618 = arith.constant 32 : i32
        %eq3A_619 = arith.constant 0 : i32
        %eq3A_620 = arith.cmpi eq, %jit3A_618, %eq3A_619 : i32
        %jit3A_621 = arith.constant 1 : i32
        %select_n3A_622 = arith.select %eq3A_620, %jit3A_621, %jit3A_618 : i32
        %rem3A_623 = arith.remsi %sub3A_617, %select_n3A_622 : i32
        %ne3A_624 = arith.constant 0 : i32
        %ne3A_625 = arith.cmpi ne, %rem3A_623, %ne3A_624 : i32
        %lt3A_626 = arith.constant 0 : i32
        %lt3A_627 = arith.cmpi slt, %rem3A_623, %lt3A_626 : i32
        %lt3A_628 = arith.constant 0 : i32
        %lt3A_629 = arith.cmpi slt, %select_n3A_622, %lt3A_628 : i32
        %ne3A_630 = arith.xori %lt3A_627, %lt3A_629 : i1
        %and3A_631 = arith.andi %ne3A_630, %ne3A_625 : i1
        %add3A_632 = arith.addi %rem3A_623, %select_n3A_622 : i32
        %select_n3A_633 = arith.select %and3A_631, %add3A_632, %rem3A_623 : i32
        %add3A_634 = arith.addi %mul3A_2, %select_n3A_633 : i32
        %mul3A_635 = arith.constant 200 : i32
        %mul3A_636 = arith.muli %add3A_634, %mul3A_635 : i32
        %jit3A_637 = arith.constant 32 : i32
        %div3A_638 = arith.divsi %sub3A_617, %jit3A_637 : i32
        %sign3A_639 = arith.constant 0 : i32
        %sign3A_640 = arith.cmpi sgt, %sub3A_617, %sign3A_639 : i32
        %sign3A_641 = arith.extui %sign3A_640 : i1 to i32
        %sign3A_642 = arith.constant 0 : i32
        %sign3A_643 = arith.cmpi slt, %sub3A_617, %sign3A_642 : i32
        %sign3A_644 = arith.extui %sign3A_643 : i1 to i32
        %sign3A_645 = arith.subi %sign3A_641, %sign3A_644 : i32
        %sign3A_646 = arith.constant 0 : i32
        %sign3A_647 = arith.cmpi sgt, %jit3A_637, %sign3A_646 : i32
        %sign3A_648 = arith.extui %sign3A_647 : i1 to i32
        %sign3A_649 = arith.constant 0 : i32
        %sign3A_650 = arith.cmpi slt, %jit3A_637, %sign3A_649 : i32
        %sign3A_651 = arith.extui %sign3A_650 : i1 to i32
        %sign3A_652 = arith.subi %sign3A_648, %sign3A_651 : i32
        %ne3A_653 = arith.cmpi ne, %sign3A_645, %sign3A_652 : i32
        %rem3A_654 = arith.remsi %sub3A_617, %jit3A_637 : i32
        %ne3A_655 = arith.constant 0 : i32
        %ne3A_656 = arith.cmpi ne, %rem3A_654, %ne3A_655 : i32
        %and3A_657 = arith.andi %ne3A_653, %ne3A_656 : i1
        %sub3A_658 = arith.constant 1 : i32
        %sub3A_659 = arith.subi %div3A_638, %sub3A_658 : i32
        %select_n3A_660 = arith.select %and3A_657, %sub3A_659, %div3A_638 : i32
        %mul3A_661 = arith.constant 40 : i32
        %mul3A_662 = arith.muli %select_n3A_660, %mul3A_661 : i32
        %add3A_663 = arith.addi %mul3A_636, %mul3A_662 : i32
        %dma_wait3A_664 = arith.constant 0 : i32
        %dma_wait3A_665 = tpu.memref_slice %arg5[%add3A_663, %dma_wait3A_664] : memref<204800x512xf32, #tpu.memory_space<hbm>> -> memref<40x512xf32, #tpu.memory_space<hbm>>
        %dma_wait3A_666 = arith.constant 0 : i32
        %dma_wait3A_667 = tpu.memref_slice %arg5[%add3A_663, %dma_wait3A_666] : memref<204800x512xf32, #tpu.memory_space<hbm>> -> memref<40x512xf32, #tpu.memory_space<hbm>>
        tpu.wait_dma2 semaphore(%arg23 : memref<!tpu.dma_semaphore, #tpu.memory_space<semaphore_mem>>) src(%arg8 : memref<40x512xf32, #tpu.memory_space<vmem>>) dst(%dma_wait3A_667 : memref<40x512xf32, #tpu.memory_space<hbm>>)
      } else {
      }
      %add3A_494 = arith.constant 3 : i32
      %add3A_495 = arith.addi %add3A_404, %add3A_494 : i32
      %lt3A_496 = arith.constant 160 : i32
      %lt3A_497 = arith.cmpi slt, %add3A_495, %lt3A_496 : i32
      %convert_element_type3A_498 = arith.extui %lt3A_497 : i1 to i32
      %cond3A_499 = arith.constant 0 : i32
      %cond3A_500 = arith.cmpi ne, %convert_element_type3A_498, %cond3A_499 : i32
      scf.if %cond3A_500 {
        %add3A_616 = arith.constant 3 : i32
        %add3A_617 = arith.addi %add3A_404, %add3A_616 : i32
        %mul3A_618 = arith.constant 160 : i32
        %mul3A_619 = arith.muli %add3A, %mul3A_618 : i32
        %add3A_620 = arith.addi %mul3A_619, %add3A_617 : i32
        %mul3A_621 = arith.constant 40 : i32
        %mul3A_622 = arith.muli %add3A_620, %mul3A_621 : i32
        %dma_wait3A_623 = tpu.memref_slice %arg2[%mul3A_622] : memref<204800xi32, #tpu.memory_space<hbm>> -> memref<40xi32, #tpu.memory_space<hbm>>
        %dma_wait3A_624 = tpu.memref_slice %arg2[%mul3A_622] : memref<204800xi32, #tpu.memory_space<hbm>> -> memref<40xi32, #tpu.memory_space<hbm>>
        tpu.wait_dma2 semaphore(%arg28 : memref<!tpu.dma_semaphore, #tpu.memory_space<semaphore_mem>>) src(%dma_wait3A_624 : memref<40xi32, #tpu.memory_space<hbm>>) dst(%arg13 : memref<40xi32, #tpu.memory_space<vmem>>)
        %add3A_625 = arith.constant 3 : i32
        %add3A_626 = arith.addi %add3A_404, %add3A_625 : i32
        %dma_start3A_627 = arith.constant 0 : i32
        %dma_start3A_628 = arith.constant 0 : i32
        %dma_start3A_629 = tpu.memref_slice %arg3[%dma_start3A_627, %dma_start3A_628] : memref<100000x512xf32, #tpu.memory_space<hbm>> -> memref<100000x512xf32, #tpu.memory_space<hbm>>
        tpu.enqueue_indirect_dma source(%dma_start3A_629 : memref<100000x512xf32, #tpu.memory_space<hbm>>) target(%arg8 : memref<40x512xf32, #tpu.memory_space<vmem>>) offsets(%arg13 : memref<40xi32, #tpu.memory_space<vmem>>) semaphore(%arg18 : memref<!tpu.dma_semaphore, #tpu.memory_space<semaphore_mem>>)
      } else {
      }
      %add3A_501 = arith.constant 4 : i32
      %add3A_502 = arith.addi %add3A_404, %add3A_501 : i32
      %lt3A_503 = arith.constant 160 : i32
      %lt3A_504 = arith.cmpi slt, %add3A_502, %lt3A_503 : i32
      %convert_element_type3A_505 = arith.extui %lt3A_504 : i1 to i32
      %cond3A_506 = arith.constant 0 : i32
      %cond3A_507 = arith.cmpi ne, %convert_element_type3A_505, %cond3A_506 : i32
      scf.if %cond3A_507 {
        %add3A_616 = arith.constant 4 : i32
        %add3A_617 = arith.addi %add3A_404, %add3A_616 : i32
        %mul3A_618 = arith.constant 160 : i32
        %mul3A_619 = arith.muli %add3A, %mul3A_618 : i32
        %add3A_620 = arith.addi %mul3A_619, %add3A_617 : i32
        %mul3A_621 = arith.constant 40 : i32
        %mul3A_622 = arith.muli %add3A_620, %mul3A_621 : i32
        %dma_start3A_623 = tpu.memref_slice %arg2[%mul3A_622] : memref<204800xi32, #tpu.memory_space<hbm>> -> memref<40xi32, #tpu.memory_space<hbm>>
        %dma_start3A_624 = tpu.memref_slice %arg2[%mul3A_622] : memref<204800xi32, #tpu.memory_space<hbm>> -> memref<40xi32, #tpu.memory_space<hbm>>
        tpu.enqueue_dma source(%dma_start3A_624 : memref<40xi32, #tpu.memory_space<hbm>>) target(%arg14 : memref<40xi32, #tpu.memory_space<vmem>>) target_semaphore(%arg29 : memref<!tpu.dma_semaphore, #tpu.memory_space<semaphore_mem>>)
      } else {
      }
      %mul3A_508 = arith.constant 5 : i32
      %mul3A_509 = arith.muli %scan3A_92, %mul3A_508 : i32
      %add3A_510 = arith.constant 4 : i32
      %add3A_511 = arith.addi %mul3A_509, %add3A_510 : i32
      %jit3A_512 = arith.constant 32 : i32
      %eq3A_513 = arith.constant 0 : i32
      %eq3A_514 = arith.cmpi eq, %jit3A_512, %eq3A_513 : i32
      %jit3A_515 = arith.constant 1 : i32
      %select_n3A_516 = arith.select %eq3A_514, %jit3A_515, %jit3A_512 : i32
      %rem3A_517 = arith.remsi %add3A_511, %select_n3A_516 : i32
      %ne3A_518 = arith.constant 0 : i32
      %ne3A_519 = arith.cmpi ne, %rem3A_517, %ne3A_518 : i32
      %lt3A_520 = arith.constant 0 : i32
      %lt3A_521 = arith.cmpi slt, %rem3A_517, %lt3A_520 : i32
      %lt3A_522 = arith.constant 0 : i32
      %lt3A_523 = arith.cmpi slt, %select_n3A_516, %lt3A_522 : i32
      %ne3A_524 = arith.xori %lt3A_521, %lt3A_523 : i1
      %and3A_525 = arith.andi %ne3A_524, %ne3A_519 : i1
      %add3A_526 = arith.addi %rem3A_517, %select_n3A_516 : i32
      %select_n3A_527 = arith.select %and3A_525, %add3A_526, %rem3A_517 : i32
      %eq3A_528 = arith.constant 0 : i32
      %eq3A_529 = arith.cmpi eq, %select_n3A_527, %eq3A_528 : i32
      %gt3A_530 = arith.constant 0 : i32
      %gt3A_531 = arith.cmpi sgt, %add3A_511, %gt3A_530 : i32
      %and3A_532 = arith.andi %eq3A_529, %gt3A_531 : i1
      %convert_element_type3A_533 = arith.extui %and3A_532 : i1 to i32
      %cond3A_534 = arith.constant 0 : i32
      %cond3A_535 = arith.cmpi ne, %convert_element_type3A_533, %cond3A_534 : i32
      scf.if %cond3A_535 {
        %jit3A_616 = arith.constant 32 : i32
        %div3A_617 = arith.divsi %add3A_511, %jit3A_616 : i32
        %sign3A_618 = arith.constant 0 : i32
        %sign3A_619 = arith.cmpi sgt, %add3A_511, %sign3A_618 : i32
        %sign3A_620 = arith.extui %sign3A_619 : i1 to i32
        %sign3A_621 = arith.constant 0 : i32
        %sign3A_622 = arith.cmpi slt, %add3A_511, %sign3A_621 : i32
        %sign3A_623 = arith.extui %sign3A_622 : i1 to i32
        %sign3A_624 = arith.subi %sign3A_620, %sign3A_623 : i32
        %sign3A_625 = arith.constant 0 : i32
        %sign3A_626 = arith.cmpi sgt, %jit3A_616, %sign3A_625 : i32
        %sign3A_627 = arith.extui %sign3A_626 : i1 to i32
        %sign3A_628 = arith.constant 0 : i32
        %sign3A_629 = arith.cmpi slt, %jit3A_616, %sign3A_628 : i32
        %sign3A_630 = arith.extui %sign3A_629 : i1 to i32
        %sign3A_631 = arith.subi %sign3A_627, %sign3A_630 : i32
        %ne3A_632 = arith.cmpi ne, %sign3A_624, %sign3A_631 : i32
        %rem3A_633 = arith.remsi %add3A_511, %jit3A_616 : i32
        %ne3A_634 = arith.constant 0 : i32
        %ne3A_635 = arith.cmpi ne, %rem3A_633, %ne3A_634 : i32
        %and3A_636 = arith.andi %ne3A_632, %ne3A_635 : i1
        %sub3A_637 = arith.constant 1 : i32
        %sub3A_638 = arith.subi %div3A_617, %sub3A_637 : i32
        %select_n3A_639 = arith.select %and3A_636, %sub3A_638, %div3A_617 : i32
        %mul3A_640 = arith.constant 40 : i32
        %mul3A_641 = arith.muli %select_n3A_639, %mul3A_640 : i32
        "tpu.region"() ({
          %run_scoped3A = tpu.sem_alloc : memref<!tpu.dma_semaphore, #tpu.memory_space<semaphore_mem>>
          %dma_start3A_642 = arith.constant 0 : i32
          %dma_start3A_643 = tpu.memref_slice %arg4[%mul3A_641, %dma_start3A_642] : memref<200x512xf32, #tpu.memory_space<hbm>> -> memref<40x512xf32, #tpu.memory_space<hbm>>
          %dma_start3A_644 = arith.constant 0 : i32
          %dma_start3A_645 = tpu.memref_slice %arg4[%mul3A_641, %dma_start3A_644] : memref<200x512xf32, #tpu.memory_space<hbm>> -> memref<40x512xf32, #tpu.memory_space<hbm>>
          tpu.enqueue_dma source(%dma_start3A_645 : memref<40x512xf32, #tpu.memory_space<hbm>>) target(%arg6 : memref<40x512xf32, #tpu.memory_space<vmem>>) target_semaphore(%run_scoped3A : memref<!tpu.dma_semaphore, #tpu.memory_space<semaphore_mem>>)
          %dma_wait3A_646 = arith.constant 0 : i32
          %dma_wait3A_647 = tpu.memref_slice %arg4[%mul3A_641, %dma_wait3A_646] : memref<200x512xf32, #tpu.memory_space<hbm>> -> memref<40x512xf32, #tpu.memory_space<hbm>>
          %dma_wait3A_648 = arith.constant 0 : i32
          %dma_wait3A_649 = tpu.memref_slice %arg4[%mul3A_641, %dma_wait3A_648] : memref<200x512xf32, #tpu.memory_space<hbm>> -> memref<40x512xf32, #tpu.memory_space<hbm>>
          tpu.wait_dma2 semaphore(%run_scoped3A : memref<!tpu.dma_semaphore, #tpu.memory_space<semaphore_mem>>) src(%dma_wait3A_649 : memref<40x512xf32, #tpu.memory_space<hbm>>) dst(%arg6 : memref<40x512xf32, #tpu.memory_space<vmem>>)
          tpu.yield
        }) : () -> ()
      } else {
      }
      %dma_wait3A_536 = arith.constant 0 : i32
      %dma_wait3A_537 = arith.constant 0 : i32
      %dma_wait3A_538 = tpu.memref_slice %arg3[%dma_wait3A_536, %dma_wait3A_537] : memref<100000x512xf32, #tpu.memory_space<hbm>> -> memref<100000x512xf32, #tpu.memory_space<hbm>>
      tpu.wait_indirect_dma semaphore(%arg21 : memref<!tpu.dma_semaphore, #tpu.memory_space<semaphore_mem>>) src(%dma_wait3A_538 : memref<100000x512xf32, #tpu.memory_space<hbm>>) dst(%arg11 : memref<40x512xf32, #tpu.memory_space<vmem>>)
      %scan3A_539 = arith.constant 0 : i32
      %scan3A_540 = arith.constant 0 : i32
      %scan3A_541 = arith.constant 40 : i32
      %scan3A_542 = arith.addi %scan3A_540, %scan3A_541 : i32
      %scan3A_543 = arith.constant 1 : i32
      %scan3A_544 = scf.for %scan3A_616 = %scan3A_540 to %scan3A_542 step %scan3A_543 iter_args(%scan3A_617 = %scan3A_539) -> (i32)  : i32 {
        %get3A = arith.index_cast %scan3A_616 : i32 to index
        %get3A_618 = arith.constant 0 : index
        %get3A_619 = tpu.vector_load %arg11[%get3A, %get3A_618] {strides = array<i32>} : memref<40x512xf32, #tpu.memory_space<vmem>>, vector<1x16xf32>,
        %get3A_620 = vector.shape_cast %get3A_619 : vector<1x16xf32> to vector<16xf32>
        %mul3A_621 = arith.constant 22.6274166 : f32
        %mul3A_622 = vector.broadcast %mul3A_621 : f32 to vector<16xf32>
        %mul3A_623 = arith.mulf %get3A_620, %mul3A_622 : vector<16xf32>
        %get3A_624 = arith.index_cast %scan3A_616 : i32 to index
        %get3A_625 = arith.constant 0 : index
        %get3A_626 = tpu.vector_load %arg6[%get3A_624, %get3A_625] {strides = array<i32>} : memref<40x512xf32, #tpu.memory_space<vmem>>, vector<1x16xf32>,
        %get3A_627 = vector.shape_cast %get3A_626 : vector<1x16xf32> to vector<16xf32>
        %add3A_628 = arith.addf %mul3A_623, %get3A_627 : vector<16xf32>
        %swap3A = arith.index_cast %scan3A_616 : i32 to index
        %swap3A_629 = arith.constant 0 : index
        %swap3A_630 = tpu.vector_load %arg11[%swap3A, %swap3A_629] {strides = array<i32>} : memref<40x512xf32, #tpu.memory_space<vmem>>, vector<1x16xf32>,
        %swap3A_631 = vector.shape_cast %swap3A_630 : vector<1x16xf32> to vector<16xf32>
        %swap3A_632 = vector.shape_cast %add3A_628 : vector<16xf32> to vector<1x16xf32>
        tpu.vector_store %arg11[%swap3A, %swap3A_629], %swap3A_632 {strides = array<i32>} : memref<40x512xf32, #tpu.memory_space<vmem>>, vector<1x16xf32>,
        %get3A_633 = arith.index_cast %scan3A_616 : i32 to index
        %get3A_634 = arith.constant 16 : index
        %get3A_635 = tpu.vector_load %arg11[%get3A_633, %get3A_634] {strides = array<i32>} : memref<40x512xf32, #tpu.memory_space<vmem>>, vector<1x16xf32>,
        %get3A_636 = vector.shape_cast %get3A_635 : vector<1x16xf32> to vector<16xf32>
        %mul3A_637 = arith.constant 22.6274166 : f32
        %mul3A_638 = vector.broadcast %mul3A_637 : f32 to vector<16xf32>
        %mul3A_639 = arith.mulf %get3A_636, %mul3A_638 : vector<16xf32>
        %get3A_640 = arith.index_cast %scan3A_616 : i32 to index
        %get3A_641 = arith.constant 16 : index
        %get3A_642 = tpu.vector_load %arg6[%get3A_640, %get3A_641] {strides = array<i32>} : memref<40x512xf32, #tpu.memory_space<vmem>>, vector<1x16xf32>,
        %get3A_643 = vector.shape_cast %get3A_642 : vector<1x16xf32> to vector<16xf32>
        %add3A_644 = arith.addf %mul3A_639, %get3A_643 : vector<16xf32>
        %swap3A_645 = arith.index_cast %scan3A_616 : i32 to index
        %swap3A_646 = arith.constant 16 : index
        %swap3A_647 = tpu.vector_load %arg11[%swap3A_645, %swap3A_646] {strides = array<i32>} : memref<40x512xf32, #tpu.memory_space<vmem>>, vector<1x16xf32>,
        %swap3A_648 = vector.shape_cast %swap3A_647 : vector<1x16xf32> to vector<16xf32>
        %swap3A_649 = vector.shape_cast %add3A_644 : vector<16xf32> to vector<1x16xf32>
        tpu.vector_store %arg11[%swap3A_645, %swap3A_646], %swap3A_649 {strides = array<i32>} : memref<40x512xf32, #tpu.memory_space<vmem>>, vector<1x16xf32>,
        %get3A_650 = arith.index_cast %scan3A_616 : i32 to index
        %get3A_651 = arith.constant 32 : index
        %get3A_652 = tpu.vector_load %arg11[%get3A_650, %get3A_651] {strides = array<i32>} : memref<40x512xf32, #tpu.memory_space<vmem>>, vector<1x16xf32>,
        %get3A_653 = vector.shape_cast %get3A_652 : vector<1x16xf32> to vector<16xf32>
        %mul3A_654 = arith.constant 22.6274166 : f32
        %mul3A_655 = vector.broadcast %mul3A_654 : f32 to vector<16xf32>
        %mul3A_656 = arith.mulf %get3A_653, %mul3A_655 : vector<16xf32>
        %get3A_657 = arith.index_cast %scan3A_616 : i32 to index
        %get3A_658 = arith.constant 32 : index
        %get3A_659 = tpu.vector_load %arg6[%get3A_657, %get3A_658] {strides = array<i32>} : memref<40x512xf32, #tpu.memory_space<vmem>>, vector<1x16xf32>,
        %get3A_660 = vector.shape_cast %get3A_659 : vector<1x16xf32> to vector<16xf32>
        %add3A_661 = arith.addf %mul3A_656, %get3A_660 : vector<16xf32>
        %swap3A_662 = arith.index_cast %scan3A_616 : i32 to index
        %swap3A_663 = arith.constant 32 : index
        %swap3A_664 = tpu.vector_load %arg11[%swap3A_662, %swap3A_663] {strides = array<i32>} : memref<40x512xf32, #tpu.memory_space<vmem>>, vector<1x16xf32>,
        %swap3A_665 = vector.shape_cast %swap3A_664 : vector<1x16xf32> to vector<16xf32>
        %swap3A_666 = vector.shape_cast %add3A_661 : vector<16xf32> to vector<1x16xf32>
        tpu.vector_store %arg11[%swap3A_662, %swap3A_663], %swap3A_666 {strides = array<i32>} : memref<40x512xf32, #tpu.memory_space<vmem>>, vector<1x16xf32>,
        %get3A_667 = arith.index_cast %scan3A_616 : i32 to index
        %get3A_668 = arith.constant 48 : index
        %get3A_669 = tpu.vector_load %arg11[%get3A_667, %get3A_668] {strides = array<i32>} : memref<40x512xf32, #tpu.memory_space<vmem>>, vector<1x16xf32>,
        %get3A_670 = vector.shape_cast %get3A_669 : vector<1x16xf32> to vector<16xf32>
        %mul3A_671 = arith.constant 22.6274166 : f32
        %mul3A_672 = vector.broadcast %mul3A_671 : f32 to vector<16xf32>
        %mul3A_673 = arith.mulf %get3A_670, %mul3A_672 : vector<16xf32>
        %get3A_674 = arith.index_cast %scan3A_616 : i32 to index
        %get3A_675 = arith.constant 48 : index
        %get3A_676 = tpu.vector_load %arg6[%get3A_674, %get3A_675] {strides = array<i32>} : memref<40x512xf32, #tpu.memory_space<vmem>>, vector<1x16xf32>,
        %get3A_677 = vector.shape_cast %get3A_676 : vector<1x16xf32> to vector<16xf32>
        %add3A_678 = arith.addf %mul3A_673, %get3A_677 : vector<16xf32>
        %swap3A_679 = arith.index_cast %scan3A_616 : i32 to index
        %swap3A_680 = arith.constant 48 : index
        %swap3A_681 = tpu.vector_load %arg11[%swap3A_679, %swap3A_680] {strides = array<i32>} : memref<40x512xf32, #tpu.memory_space<vmem>>, vector<1x16xf32>,
        %swap3A_682 = vector.shape_cast %swap3A_681 : vector<1x16xf32> to vector<16xf32>
        %swap3A_683 = vector.shape_cast %add3A_678 : vector<16xf32> to vector<1x16xf32>
        tpu.vector_store %arg11[%swap3A_679, %swap3A_680], %swap3A_683 {strides = array<i32>} : memref<40x512xf32, #tpu.memory_space<vmem>>, vector<1x16xf32>,
        %get3A_684 = arith.index_cast %scan3A_616 : i32 to index
        %get3A_685 = arith.constant 64 : index
        %get3A_686 = tpu.vector_load %arg11[%get3A_684, %get3A_685] {strides = array<i32>} : memref<40x512xf32, #tpu.memory_space<vmem>>, vector<1x16xf32>,
        %get3A_687 = vector.shape_cast %get3A_686 : vector<1x16xf32> to vector<16xf32>
        %mul3A_688 = arith.constant 22.6274166 : f32
        %mul3A_689 = vector.broadcast %mul3A_688 : f32 to vector<16xf32>
        %mul3A_690 = arith.mulf %get3A_687, %mul3A_689 : vector<16xf32>
        %get3A_691 = arith.index_cast %scan3A_616 : i32 to index
        %get3A_692 = arith.constant 64 : index
        %get3A_693 = tpu.vector_load %arg6[%get3A_691, %get3A_692] {strides = array<i32>} : memref<40x512xf32, #tpu.memory_space<vmem>>, vector<1x16xf32>,
        %get3A_694 = vector.shape_cast %get3A_693 : vector<1x16xf32> to vector<16xf32>
        %add3A_695 = arith.addf %mul3A_690, %get3A_694 : vector<16xf32>
        %swap3A_696 = arith.index_cast %scan3A_616 : i32 to index
        %swap3A_697 = arith.constant 64 : index
        %swap3A_698 = tpu.vector_load %arg11[%swap3A_696, %swap3A_697] {strides = array<i32>} : memref<40x512xf32, #tpu.memory_space<vmem>>, vector<1x16xf32>,
        %swap3A_699 = vector.shape_cast %swap3A_698 : vector<1x16xf32> to vector<16xf32>
        %swap3A_700 = vector.shape_cast %add3A_695 : vector<16xf32> to vector<1x16xf32>
        tpu.vector_store %arg11[%swap3A_696, %swap3A_697], %swap3A_700 {strides = array<i32>} : memref<40x512xf32, #tpu.memory_space<vmem>>, vector<1x16xf32>,
        %get3A_701 = arith.index_cast %scan3A_616 : i32 to index
        %get3A_702 = arith.constant 80 : index
        %get3A_703 = tpu.vector_load %arg11[%get3A_701, %get3A_702] {strides = array<i32>} : memref<40x512xf32, #tpu.memory_space<vmem>>, vector<1x16xf32>,
        %get3A_704 = vector.shape_cast %get3A_703 : vector<1x16xf32> to vector<16xf32>
        %mul3A_705 = arith.constant 22.6274166 : f32
        %mul3A_706 = vector.broadcast %mul3A_705 : f32 to vector<16xf32>
        %mul3A_707 = arith.mulf %get3A_704, %mul3A_706 : vector<16xf32>
        %get3A_708 = arith.index_cast %scan3A_616 : i32 to index
        %get3A_709 = arith.constant 80 : index
        %get3A_710 = tpu.vector_load %arg6[%get3A_708, %get3A_709] {strides = array<i32>} : memref<40x512xf32, #tpu.memory_space<vmem>>, vector<1x16xf32>,
        %get3A_711 = vector.shape_cast %get3A_710 : vector<1x16xf32> to vector<16xf32>
        %add3A_712 = arith.addf %mul3A_707, %get3A_711 : vector<16xf32>
        %swap3A_713 = arith.index_cast %scan3A_616 : i32 to index
        %swap3A_714 = arith.constant 80 : index
        %swap3A_715 = tpu.vector_load %arg11[%swap3A_713, %swap3A_714] {strides = array<i32>} : memref<40x512xf32, #tpu.memory_space<vmem>>, vector<1x16xf32>,
        %swap3A_716 = vector.shape_cast %swap3A_715 : vector<1x16xf32> to vector<16xf32>
        %swap3A_717 = vector.shape_cast %add3A_712 : vector<16xf32> to vector<1x16xf32>
        tpu.vector_store %arg11[%swap3A_713, %swap3A_714], %swap3A_717 {strides = array<i32>} : memref<40x512xf32, #tpu.memory_space<vmem>>, vector<1x16xf32>,
        %get3A_718 = arith.index_cast %scan3A_616 : i32 to index
        %get3A_719 = arith.constant 96 : index
        %get3A_720 = tpu.vector_load %arg11[%get3A_718, %get3A_719] {strides = array<i32>} : memref<40x512xf32, #tpu.memory_space<vmem>>, vector<1x16xf32>,
        %get3A_721 = vector.shape_cast %get3A_720 : vector<1x16xf32> to vector<16xf32>
        %mul3A_722 = arith.constant 22.6274166 : f32
        %mul3A_723 = vector.broadcast %mul3A_722 : f32 to vector<16xf32>
        %mul3A_724 = arith.mulf %get3A_721, %mul3A_723 : vector<16xf32>
        %get3A_725 = arith.index_cast %scan3A_616 : i32 to index
        %get3A_726 = arith.constant 96 : index
        %get3A_727 = tpu.vector_load %arg6[%get3A_725, %get3A_726] {strides = array<i32>} : memref<40x512xf32, #tpu.memory_space<vmem>>, vector<1x16xf32>,
        %get3A_728 = vector.shape_cast %get3A_727 : vector<1x16xf32> to vector<16xf32>
        %add3A_729 = arith.addf %mul3A_724, %get3A_728 : vector<16xf32>
        %swap3A_730 = arith.index_cast %scan3A_616 : i32 to index
        %swap3A_731 = arith.constant 96 : index
        %swap3A_732 = tpu.vector_load %arg11[%swap3A_730, %swap3A_731] {strides = array<i32>} : memref<40x512xf32, #tpu.memory_space<vmem>>, vector<1x16xf32>,
        %swap3A_733 = vector.shape_cast %swap3A_732 : vector<1x16xf32> to vector<16xf32>
        %swap3A_734 = vector.shape_cast %add3A_729 : vector<16xf32> to vector<1x16xf32>
        tpu.vector_store %arg11[%swap3A_730, %swap3A_731], %swap3A_734 {strides = array<i32>} : memref<40x512xf32, #tpu.memory_space<vmem>>, vector<1x16xf32>,
        %get3A_735 = arith.index_cast %scan3A_616 : i32 to index
        %get3A_736 = arith.constant 112 : index
        %get3A_737 = tpu.vector_load %arg11[%get3A_735, %get3A_736] {strides = array<i32>} : memref<40x512xf32, #tpu.memory_space<vmem>>, vector<1x16xf32>,
        %get3A_738 = vector.shape_cast %get3A_737 : vector<1x16xf32> to vector<16xf32>
        %mul3A_739 = arith.constant 22.6274166 : f32
        %mul3A_740 = vector.broadcast %mul3A_739 : f32 to vector<16xf32>
        %mul3A_741 = arith.mulf %get3A_738, %mul3A_740 : vector<16xf32>
        %get3A_742 = arith.index_cast %scan3A_616 : i32 to index
        %get3A_743 = arith.constant 112 : index
        %get3A_744 = tpu.vector_load %arg6[%get3A_742, %get3A_743] {strides = array<i32>} : memref<40x512xf32, #tpu.memory_space<vmem>>, vector<1x16xf32>,
        %get3A_745 = vector.shape_cast %get3A_744 : vector<1x16xf32> to vector<16xf32>
        %add3A_746 = arith.addf %mul3A_741, %get3A_745 : vector<16xf32>
        %swap3A_747 = arith.index_cast %scan3A_616 : i32 to index
        %swap3A_748 = arith.constant 112 : index
        %swap3A_749 = tpu.vector_load %arg11[%swap3A_747, %swap3A_748] {strides = array<i32>} : memref<40x512xf32, #tpu.memory_space<vmem>>, vector<1x16xf32>,
        %swap3A_750 = vector.shape_cast %swap3A_749 : vector<1x16xf32> to vector<16xf32>
        %swap3A_751 = vector.shape_cast %add3A_746 : vector<16xf32> to vector<1x16xf32>
        tpu.vector_store %arg11[%swap3A_747, %swap3A_748], %swap3A_751 {strides = array<i32>} : memref<40x512xf32, #tpu.memory_space<vmem>>, vector<1x16xf32>,
        %get3A_752 = arith.index_cast %scan3A_616 : i32 to index
        %get3A_753 = arith.constant 128 : index
        %get3A_754 = tpu.vector_load %arg11[%get3A_752, %get3A_753] {strides = array<i32>} : memref<40x512xf32, #tpu.memory_space<vmem>>, vector<1x16xf32>,
        %get3A_755 = vector.shape_cast %get3A_754 : vector<1x16xf32> to vector<16xf32>
        %mul3A_756 = arith.constant 22.6274166 : f32
        %mul3A_757 = vector.broadcast %mul3A_756 : f32 to vector<16xf32>
        %mul3A_758 = arith.mulf %get3A_755, %mul3A_757 : vector<16xf32>
        %get3A_759 = arith.index_cast %scan3A_616 : i32 to index
        %get3A_760 = arith.constant 128 : index
        %get3A_761 = tpu.vector_load %arg6[%get3A_759, %get3A_760] {strides = array<i32>} : memref<40x512xf32, #tpu.memory_space<vmem>>, vector<1x16xf32>,
        %get3A_762 = vector.shape_cast %get3A_761 : vector<1x16xf32> to vector<16xf32>
        %add3A_763 = arith.addf %mul3A_758, %get3A_762 : vector<16xf32>
        %swap3A_764 = arith.index_cast %scan3A_616 : i32 to index
        %swap3A_765 = arith.constant 128 : index
        %swap3A_766 = tpu.vector_load %arg11[%swap3A_764, %swap3A_765] {strides = array<i32>} : memref<40x512xf32, #tpu.memory_space<vmem>>, vector<1x16xf32>,
        %swap3A_767 = vector.shape_cast %swap3A_766 : vector<1x16xf32> to vector<16xf32>
        %swap3A_768 = vector.shape_cast %add3A_763 : vector<16xf32> to vector<1x16xf32>
        tpu.vector_store %arg11[%swap3A_764, %swap3A_765], %swap3A_768 {strides = array<i32>} : memref<40x512xf32, #tpu.memory_space<vmem>>, vector<1x16xf32>,
        %get3A_769 = arith.index_cast %scan3A_616 : i32 to index
        %get3A_770 = arith.constant 144 : index
        %get3A_771 = tpu.vector_load %arg11[%get3A_769, %get3A_770] {strides = array<i32>} : memref<40x512xf32, #tpu.memory_space<vmem>>, vector<1x16xf32>,
        %get3A_772 = vector.shape_cast %get3A_771 : vector<1x16xf32> to vector<16xf32>
        %mul3A_773 = arith.constant 22.6274166 : f32
        %mul3A_774 = vector.broadcast %mul3A_773 : f32 to vector<16xf32>
        %mul3A_775 = arith.mulf %get3A_772, %mul3A_774 : vector<16xf32>
        %get3A_776 = arith.index_cast %scan3A_616 : i32 to index
        %get3A_777 = arith.constant 144 : index
        %get3A_778 = tpu.vector_load %arg6[%get3A_776, %get3A_777] {strides = array<i32>} : memref<40x512xf32, #tpu.memory_space<vmem>>, vector<1x16xf32>,
        %get3A_779 = vector.shape_cast %get3A_778 : vector<1x16xf32> to vector<16xf32>
        %add3A_780 = arith.addf %mul3A_775, %get3A_779 : vector<16xf32>
        %swap3A_781 = arith.index_cast %scan3A_616 : i32 to index
        %swap3A_782 = arith.constant 144 : index
        %swap3A_783 = tpu.vector_load %arg11[%swap3A_781, %swap3A_782] {strides = array<i32>} : memref<40x512xf32, #tpu.memory_space<vmem>>, vector<1x16xf32>,
        %swap3A_784 = vector.shape_cast %swap3A_783 : vector<1x16xf32> to vector<16xf32>
        %swap3A_785 = vector.shape_cast %add3A_780 : vector<16xf32> to vector<1x16xf32>
        tpu.vector_store %arg11[%swap3A_781, %swap3A_782], %swap3A_785 {strides = array<i32>} : memref<40x512xf32, #tpu.memory_space<vmem>>, vector<1x16xf32>,
        %get3A_786 = arith.index_cast %scan3A_616 : i32 to index
        %get3A_787 = arith.constant 160 : index
        %get3A_788 = tpu.vector_load %arg11[%get3A_786, %get3A_787] {strides = array<i32>} : memref<40x512xf32, #tpu.memory_space<vmem>>, vector<1x16xf32>,
        %get3A_789 = vector.shape_cast %get3A_788 : vector<1x16xf32> to vector<16xf32>
        %mul3A_790 = arith.constant 22.6274166 : f32
        %mul3A_791 = vector.broadcast %mul3A_790 : f32 to vector<16xf32>
        %mul3A_792 = arith.mulf %get3A_789, %mul3A_791 : vector<16xf32>
        %get3A_793 = arith.index_cast %scan3A_616 : i32 to index
        %get3A_794 = arith.constant 160 : index
        %get3A_795 = tpu.vector_load %arg6[%get3A_793, %get3A_794] {strides = array<i32>} : memref<40x512xf32, #tpu.memory_space<vmem>>, vector<1x16xf32>,
        %get3A_796 = vector.shape_cast %get3A_795 : vector<1x16xf32> to vector<16xf32>
        %add3A_797 = arith.addf %mul3A_792, %get3A_796 : vector<16xf32>
        %swap3A_798 = arith.index_cast %scan3A_616 : i32 to index
        %swap3A_799 = arith.constant 160 : index
        %swap3A_800 = tpu.vector_load %arg11[%swap3A_798, %swap3A_799] {strides = array<i32>} : memref<40x512xf32, #tpu.memory_space<vmem>>, vector<1x16xf32>,
        %swap3A_801 = vector.shape_cast %swap3A_800 : vector<1x16xf32> to vector<16xf32>
        %swap3A_802 = vector.shape_cast %add3A_797 : vector<16xf32> to vector<1x16xf32>
        tpu.vector_store %arg11[%swap3A_798, %swap3A_799], %swap3A_802 {strides = array<i32>} : memref<40x512xf32, #tpu.memory_space<vmem>>, vector<1x16xf32>,
        %get3A_803 = arith.index_cast %scan3A_616 : i32 to index
        %get3A_804 = arith.constant 176 : index
        %get3A_805 = tpu.vector_load %arg11[%get3A_803, %get3A_804] {strides = array<i32>} : memref<40x512xf32, #tpu.memory_space<vmem>>, vector<1x16xf32>,
        %get3A_806 = vector.shape_cast %get3A_805 : vector<1x16xf32> to vector<16xf32>
        %mul3A_807 = arith.constant 22.6274166 : f32
        %mul3A_808 = vector.broadcast %mul3A_807 : f32 to vector<16xf32>
        %mul3A_809 = arith.mulf %get3A_806, %mul3A_808 : vector<16xf32>
        %get3A_810 = arith.index_cast %scan3A_616 : i32 to index
        %get3A_811 = arith.constant 176 : index
        %get3A_812 = tpu.vector_load %arg6[%get3A_810, %get3A_811] {strides = array<i32>} : memref<40x512xf32, #tpu.memory_space<vmem>>, vector<1x16xf32>,
        %get3A_813 = vector.shape_cast %get3A_812 : vector<1x16xf32> to vector<16xf32>
        %add3A_814 = arith.addf %mul3A_809, %get3A_813 : vector<16xf32>
        %swap3A_815 = arith.index_cast %scan3A_616 : i32 to index
        %swap3A_816 = arith.constant 176 : index
        %swap3A_817 = tpu.vector_load %arg11[%swap3A_815, %swap3A_816] {strides = array<i32>} : memref<40x512xf32, #tpu.memory_space<vmem>>, vector<1x16xf32>,
        %swap3A_818 = vector.shape_cast %swap3A_817 : vector<1x16xf32> to vector<16xf32>
        %swap3A_819 = vector.shape_cast %add3A_814 : vector<16xf32> to vector<1x16xf32>
        tpu.vector_store %arg11[%swap3A_815, %swap3A_816], %swap3A_819 {strides = array<i32>} : memref<40x512xf32, #tpu.memory_space<vmem>>, vector<1x16xf32>,
        %get3A_820 = arith.index_cast %scan3A_616 : i32 to index
        %get3A_821 = arith.constant 192 : index
        %get3A_822 = tpu.vector_load %arg11[%get3A_820, %get3A_821] {strides = array<i32>} : memref<40x512xf32, #tpu.memory_space<vmem>>, vector<1x16xf32>,
        %get3A_823 = vector.shape_cast %get3A_822 : vector<1x16xf32> to vector<16xf32>
        %mul3A_824 = arith.constant 22.6274166 : f32
        %mul3A_825 = vector.broadcast %mul3A_824 : f32 to vector<16xf32>
        %mul3A_826 = arith.mulf %get3A_823, %mul3A_825 : vector<16xf32>
        %get3A_827 = arith.index_cast %scan3A_616 : i32 to index
        %get3A_828 = arith.constant 192 : index
        %get3A_829 = tpu.vector_load %arg6[%get3A_827, %get3A_828] {strides = array<i32>} : memref<40x512xf32, #tpu.memory_space<vmem>>, vector<1x16xf32>,
        %get3A_830 = vector.shape_cast %get3A_829 : vector<1x16xf32> to vector<16xf32>
        %add3A_831 = arith.addf %mul3A_826, %get3A_830 : vector<16xf32>
        %swap3A_832 = arith.index_cast %scan3A_616 : i32 to index
        %swap3A_833 = arith.constant 192 : index
        %swap3A_834 = tpu.vector_load %arg11[%swap3A_832, %swap3A_833] {strides = array<i32>} : memref<40x512xf32, #tpu.memory_space<vmem>>, vector<1x16xf32>,
        %swap3A_835 = vector.shape_cast %swap3A_834 : vector<1x16xf32> to vector<16xf32>
        %swap3A_836 = vector.shape_cast %add3A_831 : vector<16xf32> to vector<1x16xf32>
        tpu.vector_store %arg11[%swap3A_832, %swap3A_833], %swap3A_836 {strides = array<i32>} : memref<40x512xf32, #tpu.memory_space<vmem>>, vector<1x16xf32>,
        %get3A_837 = arith.index_cast %scan3A_616 : i32 to index
        %get3A_838 = arith.constant 208 : index
        %get3A_839 = tpu.vector_load %arg11[%get3A_837, %get3A_838] {strides = array<i32>} : memref<40x512xf32, #tpu.memory_space<vmem>>, vector<1x16xf32>,
        %get3A_840 = vector.shape_cast %get3A_839 : vector<1x16xf32> to vector<16xf32>
        %mul3A_841 = arith.constant 22.6274166 : f32
        %mul3A_842 = vector.broadcast %mul3A_841 : f32 to vector<16xf32>
        %mul3A_843 = arith.mulf %get3A_840, %mul3A_842 : vector<16xf32>
        %get3A_844 = arith.index_cast %scan3A_616 : i32 to index
        %get3A_845 = arith.constant 208 : index
        %get3A_846 = tpu.vector_load %arg6[%get3A_844, %get3A_845] {strides = array<i32>} : memref<40x512xf32, #tpu.memory_space<vmem>>, vector<1x16xf32>,
        %get3A_847 = vector.shape_cast %get3A_846 : vector<1x16xf32> to vector<16xf32>
        %add3A_848 = arith.addf %mul3A_843, %get3A_847 : vector<16xf32>
        %swap3A_849 = arith.index_cast %scan3A_616 : i32 to index
        %swap3A_850 = arith.constant 208 : index
        %swap3A_851 = tpu.vector_load %arg11[%swap3A_849, %swap3A_850] {strides = array<i32>} : memref<40x512xf32, #tpu.memory_space<vmem>>, vector<1x16xf32>,
        %swap3A_852 = vector.shape_cast %swap3A_851 : vector<1x16xf32> to vector<16xf32>
        %swap3A_853 = vector.shape_cast %add3A_848 : vector<16xf32> to vector<1x16xf32>
        tpu.vector_store %arg11[%swap3A_849, %swap3A_850], %swap3A_853 {strides = array<i32>} : memref<40x512xf32, #tpu.memory_space<vmem>>, vector<1x16xf32>,
        %get3A_854 = arith.index_cast %scan3A_616 : i32 to index
        %get3A_855 = arith.constant 224 : index
        %get3A_856 = tpu.vector_load %arg11[%get3A_854, %get3A_855] {strides = array<i32>} : memref<40x512xf32, #tpu.memory_space<vmem>>, vector<1x16xf32>,
        %get3A_857 = vector.shape_cast %get3A_856 : vector<1x16xf32> to vector<16xf32>
        %mul3A_858 = arith.constant 22.6274166 : f32
        %mul3A_859 = vector.broadcast %mul3A_858 : f32 to vector<16xf32>
        %mul3A_860 = arith.mulf %get3A_857, %mul3A_859 : vector<16xf32>
        %get3A_861 = arith.index_cast %scan3A_616 : i32 to index
        %get3A_862 = arith.constant 224 : index
        %get3A_863 = tpu.vector_load %arg6[%get3A_861, %get3A_862] {strides = array<i32>} : memref<40x512xf32, #tpu.memory_space<vmem>>, vector<1x16xf32>,
        %get3A_864 = vector.shape_cast %get3A_863 : vector<1x16xf32> to vector<16xf32>
        %add3A_865 = arith.addf %mul3A_860, %get3A_864 : vector<16xf32>
        %swap3A_866 = arith.index_cast %scan3A_616 : i32 to index
        %swap3A_867 = arith.constant 224 : index
        %swap3A_868 = tpu.vector_load %arg11[%swap3A_866, %swap3A_867] {strides = array<i32>} : memref<40x512xf32, #tpu.memory_space<vmem>>, vector<1x16xf32>,
        %swap3A_869 = vector.shape_cast %swap3A_868 : vector<1x16xf32> to vector<16xf32>
        %swap3A_870 = vector.shape_cast %add3A_865 : vector<16xf32> to vector<1x16xf32>
        tpu.vector_store %arg11[%swap3A_866, %swap3A_867], %swap3A_870 {strides = array<i32>} : memref<40x512xf32, #tpu.memory_space<vmem>>, vector<1x16xf32>,
        %get3A_871 = arith.index_cast %scan3A_616 : i32 to index
        %get3A_872 = arith.constant 240 : index
        %get3A_873 = tpu.vector_load %arg11[%get3A_871, %get3A_872] {strides = array<i32>} : memref<40x512xf32, #tpu.memory_space<vmem>>, vector<1x16xf32>,
        %get3A_874 = vector.shape_cast %get3A_873 : vector<1x16xf32> to vector<16xf32>
        %mul3A_875 = arith.constant 22.6274166 : f32
        %mul3A_876 = vector.broadcast %mul3A_875 : f32 to vector<16xf32>
        %mul3A_877 = arith.mulf %get3A_874, %mul3A_876 : vector<16xf32>
        %get3A_878 = arith.index_cast %scan3A_616 : i32 to index
        %get3A_879 = arith.constant 240 : index
        %get3A_880 = tpu.vector_load %arg6[%get3A_878, %get3A_879] {strides = array<i32>} : memref<40x512xf32, #tpu.memory_space<vmem>>, vector<1x16xf32>,
        %get3A_881 = vector.shape_cast %get3A_880 : vector<1x16xf32> to vector<16xf32>
        %add3A_882 = arith.addf %mul3A_877, %get3A_881 : vector<16xf32>
        %swap3A_883 = arith.index_cast %scan3A_616 : i32 to index
        %swap3A_884 = arith.constant 240 : index
        %swap3A_885 = tpu.vector_load %arg11[%swap3A_883, %swap3A_884] {strides = array<i32>} : memref<40x512xf32, #tpu.memory_space<vmem>>, vector<1x16xf32>,
        %swap3A_886 = vector.shape_cast %swap3A_885 : vector<1x16xf32> to vector<16xf32>
        %swap3A_887 = vector.shape_cast %add3A_882 : vector<16xf32> to vector<1x16xf32>
        tpu.vector_store %arg11[%swap3A_883, %swap3A_884], %swap3A_887 {strides = array<i32>} : memref<40x512xf32, #tpu.memory_space<vmem>>, vector<1x16xf32>,
        %get3A_888 = arith.index_cast %scan3A_616 : i32 to index
        %get3A_889 = arith.constant 256 : index
        %get3A_890 = tpu.vector_load %arg11[%get3A_888, %get3A_889] {strides = array<i32>} : memref<40x512xf32, #tpu.memory_space<vmem>>, vector<1x16xf32>,
        %get3A_891 = vector.shape_cast %get3A_890 : vector<1x16xf32> to vector<16xf32>
        %mul3A_892 = arith.constant 22.6274166 : f32
        %mul3A_893 = vector.broadcast %mul3A_892 : f32 to vector<16xf32>
        %mul3A_894 = arith.mulf %get3A_891, %mul3A_893 : vector<16xf32>
        %get3A_895 = arith.index_cast %scan3A_616 : i32 to index
        %get3A_896 = arith.constant 256 : index
        %get3A_897 = tpu.vector_load %arg6[%get3A_895, %get3A_896] {strides = array<i32>} : memref<40x512xf32, #tpu.memory_space<vmem>>, vector<1x16xf32>,
        %get3A_898 = vector.shape_cast %get3A_897 : vector<1x16xf32> to vector<16xf32>
        %add3A_899 = arith.addf %mul3A_894, %get3A_898 : vector<16xf32>
        %swap3A_900 = arith.index_cast %scan3A_616 : i32 to index
        %swap3A_901 = arith.constant 256 : index
        %swap3A_902 = tpu.vector_load %arg11[%swap3A_900, %swap3A_901] {strides = array<i32>} : memref<40x512xf32, #tpu.memory_space<vmem>>, vector<1x16xf32>,
        %swap3A_903 = vector.shape_cast %swap3A_902 : vector<1x16xf32> to vector<16xf32>
        %swap3A_904 = vector.shape_cast %add3A_899 : vector<16xf32> to vector<1x16xf32>
        tpu.vector_store %arg11[%swap3A_900, %swap3A_901], %swap3A_904 {strides = array<i32>} : memref<40x512xf32, #tpu.memory_space<vmem>>, vector<1x16xf32>,
        %get3A_905 = arith.index_cast %scan3A_616 : i32 to index
        %get3A_906 = arith.constant 272 : index
        %get3A_907 = tpu.vector_load %arg11[%get3A_905, %get3A_906] {strides = array<i32>} : memref<40x512xf32, #tpu.memory_space<vmem>>, vector<1x16xf32>,
        %get3A_908 = vector.shape_cast %get3A_907 : vector<1x16xf32> to vector<16xf32>
        %mul3A_909 = arith.constant 22.6274166 : f32
        %mul3A_910 = vector.broadcast %mul3A_909 : f32 to vector<16xf32>
        %mul3A_911 = arith.mulf %get3A_908, %mul3A_910 : vector<16xf32>
        %get3A_912 = arith.index_cast %scan3A_616 : i32 to index
        %get3A_913 = arith.constant 272 : index
        %get3A_914 = tpu.vector_load %arg6[%get3A_912, %get3A_913] {strides = array<i32>} : memref<40x512xf32, #tpu.memory_space<vmem>>, vector<1x16xf32>,
        %get3A_915 = vector.shape_cast %get3A_914 : vector<1x16xf32> to vector<16xf32>
        %add3A_916 = arith.addf %mul3A_911, %get3A_915 : vector<16xf32>
        %swap3A_917 = arith.index_cast %scan3A_616 : i32 to index
        %swap3A_918 = arith.constant 272 : index
        %swap3A_919 = tpu.vector_load %arg11[%swap3A_917, %swap3A_918] {strides = array<i32>} : memref<40x512xf32, #tpu.memory_space<vmem>>, vector<1x16xf32>,
        %swap3A_920 = vector.shape_cast %swap3A_919 : vector<1x16xf32> to vector<16xf32>
        %swap3A_921 = vector.shape_cast %add3A_916 : vector<16xf32> to vector<1x16xf32>
        tpu.vector_store %arg11[%swap3A_917, %swap3A_918], %swap3A_921 {strides = array<i32>} : memref<40x512xf32, #tpu.memory_space<vmem>>, vector<1x16xf32>,
        %get3A_922 = arith.index_cast %scan3A_616 : i32 to index
        %get3A_923 = arith.constant 288 : index
        %get3A_924 = tpu.vector_load %arg11[%get3A_922, %get3A_923] {strides = array<i32>} : memref<40x512xf32, #tpu.memory_space<vmem>>, vector<1x16xf32>,
        %get3A_925 = vector.shape_cast %get3A_924 : vector<1x16xf32> to vector<16xf32>
        %mul3A_926 = arith.constant 22.6274166 : f32
        %mul3A_927 = vector.broadcast %mul3A_926 : f32 to vector<16xf32>
        %mul3A_928 = arith.mulf %get3A_925, %mul3A_927 : vector<16xf32>
        %get3A_929 = arith.index_cast %scan3A_616 : i32 to index
        %get3A_930 = arith.constant 288 : index
        %get3A_931 = tpu.vector_load %arg6[%get3A_929, %get3A_930] {strides = array<i32>} : memref<40x512xf32, #tpu.memory_space<vmem>>, vector<1x16xf32>,
        %get3A_932 = vector.shape_cast %get3A_931 : vector<1x16xf32> to vector<16xf32>
        %add3A_933 = arith.addf %mul3A_928, %get3A_932 : vector<16xf32>
        %swap3A_934 = arith.index_cast %scan3A_616 : i32 to index
        %swap3A_935 = arith.constant 288 : index
        %swap3A_936 = tpu.vector_load %arg11[%swap3A_934, %swap3A_935] {strides = array<i32>} : memref<40x512xf32, #tpu.memory_space<vmem>>, vector<1x16xf32>,
        %swap3A_937 = vector.shape_cast %swap3A_936 : vector<1x16xf32> to vector<16xf32>
        %swap3A_938 = vector.shape_cast %add3A_933 : vector<16xf32> to vector<1x16xf32>
        tpu.vector_store %arg11[%swap3A_934, %swap3A_935], %swap3A_938 {strides = array<i32>} : memref<40x512xf32, #tpu.memory_space<vmem>>, vector<1x16xf32>,
        %get3A_939 = arith.index_cast %scan3A_616 : i32 to index
        %get3A_940 = arith.constant 304 : index
        %get3A_941 = tpu.vector_load %arg11[%get3A_939, %get3A_940] {strides = array<i32>} : memref<40x512xf32, #tpu.memory_space<vmem>>, vector<1x16xf32>,
        %get3A_942 = vector.shape_cast %get3A_941 : vector<1x16xf32> to vector<16xf32>
        %mul3A_943 = arith.constant 22.6274166 : f32
        %mul3A_944 = vector.broadcast %mul3A_943 : f32 to vector<16xf32>
        %mul3A_945 = arith.mulf %get3A_942, %mul3A_944 : vector<16xf32>
        %get3A_946 = arith.index_cast %scan3A_616 : i32 to index
        %get3A_947 = arith.constant 304 : index
        %get3A_948 = tpu.vector_load %arg6[%get3A_946, %get3A_947] {strides = array<i32>} : memref<40x512xf32, #tpu.memory_space<vmem>>, vector<1x16xf32>,
        %get3A_949 = vector.shape_cast %get3A_948 : vector<1x16xf32> to vector<16xf32>
        %add3A_950 = arith.addf %mul3A_945, %get3A_949 : vector<16xf32>
        %swap3A_951 = arith.index_cast %scan3A_616 : i32 to index
        %swap3A_952 = arith.constant 304 : index
        %swap3A_953 = tpu.vector_load %arg11[%swap3A_951, %swap3A_952] {strides = array<i32>} : memref<40x512xf32, #tpu.memory_space<vmem>>, vector<1x16xf32>,
        %swap3A_954 = vector.shape_cast %swap3A_953 : vector<1x16xf32> to vector<16xf32>
        %swap3A_955 = vector.shape_cast %add3A_950 : vector<16xf32> to vector<1x16xf32>
        tpu.vector_store %arg11[%swap3A_951, %swap3A_952], %swap3A_955 {strides = array<i32>} : memref<40x512xf32, #tpu.memory_space<vmem>>, vector<1x16xf32>,
        %get3A_956 = arith.index_cast %scan3A_616 : i32 to index
        %get3A_957 = arith.constant 320 : index
        %get3A_958 = tpu.vector_load %arg11[%get3A_956, %get3A_957] {strides = array<i32>} : memref<40x512xf32, #tpu.memory_space<vmem>>, vector<1x16xf32>,
        %get3A_959 = vector.shape_cast %get3A_958 : vector<1x16xf32> to vector<16xf32>
        %mul3A_960 = arith.constant 22.6274166 : f32
        %mul3A_961 = vector.broadcast %mul3A_960 : f32 to vector<16xf32>
        %mul3A_962 = arith.mulf %get3A_959, %mul3A_961 : vector<16xf32>
        %get3A_963 = arith.index_cast %scan3A_616 : i32 to index
        %get3A_964 = arith.constant 320 : index
        %get3A_965 = tpu.vector_load %arg6[%get3A_963, %get3A_964] {strides = array<i32>} : memref<40x512xf32, #tpu.memory_space<vmem>>, vector<1x16xf32>,
        %get3A_966 = vector.shape_cast %get3A_965 : vector<1x16xf32> to vector<16xf32>
        %add3A_967 = arith.addf %mul3A_962, %get3A_966 : vector<16xf32>
        %swap3A_968 = arith.index_cast %scan3A_616 : i32 to index
        %swap3A_969 = arith.constant 320 : index
        %swap3A_970 = tpu.vector_load %arg11[%swap3A_968, %swap3A_969] {strides = array<i32>} : memref<40x512xf32, #tpu.memory_space<vmem>>, vector<1x16xf32>,
        %swap3A_971 = vector.shape_cast %swap3A_970 : vector<1x16xf32> to vector<16xf32>
        %swap3A_972 = vector.shape_cast %add3A_967 : vector<16xf32> to vector<1x16xf32>
        tpu.vector_store %arg11[%swap3A_968, %swap3A_969], %swap3A_972 {strides = array<i32>} : memref<40x512xf32, #tpu.memory_space<vmem>>, vector<1x16xf32>,
        %get3A_973 = arith.index_cast %scan3A_616 : i32 to index
        %get3A_974 = arith.constant 336 : index
        %get3A_975 = tpu.vector_load %arg11[%get3A_973, %get3A_974] {strides = array<i32>} : memref<40x512xf32, #tpu.memory_space<vmem>>, vector<1x16xf32>,
        %get3A_976 = vector.shape_cast %get3A_975 : vector<1x16xf32> to vector<16xf32>
        %mul3A_977 = arith.constant 22.6274166 : f32
        %mul3A_978 = vector.broadcast %mul3A_977 : f32 to vector<16xf32>
        %mul3A_979 = arith.mulf %get3A_976, %mul3A_978 : vector<16xf32>
        %get3A_980 = arith.index_cast %scan3A_616 : i32 to index
        %get3A_981 = arith.constant 336 : index
        %get3A_982 = tpu.vector_load %arg6[%get3A_980, %get3A_981] {strides = array<i32>} : memref<40x512xf32, #tpu.memory_space<vmem>>, vector<1x16xf32>,
        %get3A_983 = vector.shape_cast %get3A_982 : vector<1x16xf32> to vector<16xf32>
        %add3A_984 = arith.addf %mul3A_979, %get3A_983 : vector<16xf32>
        %swap3A_985 = arith.index_cast %scan3A_616 : i32 to index
        %swap3A_986 = arith.constant 336 : index
        %swap3A_987 = tpu.vector_load %arg11[%swap3A_985, %swap3A_986] {strides = array<i32>} : memref<40x512xf32, #tpu.memory_space<vmem>>, vector<1x16xf32>,
        %swap3A_988 = vector.shape_cast %swap3A_987 : vector<1x16xf32> to vector<16xf32>
        %swap3A_989 = vector.shape_cast %add3A_984 : vector<16xf32> to vector<1x16xf32>
        tpu.vector_store %arg11[%swap3A_985, %swap3A_986], %swap3A_989 {strides = array<i32>} : memref<40x512xf32, #tpu.memory_space<vmem>>, vector<1x16xf32>,
        %get3A_990 = arith.index_cast %scan3A_616 : i32 to index
        %get3A_991 = arith.constant 352 : index
        %get3A_992 = tpu.vector_load %arg11[%get3A_990, %get3A_991] {strides = array<i32>} : memref<40x512xf32, #tpu.memory_space<vmem>>, vector<1x16xf32>,
        %get3A_993 = vector.shape_cast %get3A_992 : vector<1x16xf32> to vector<16xf32>
        %mul3A_994 = arith.constant 22.6274166 : f32
        %mul3A_995 = vector.broadcast %mul3A_994 : f32 to vector<16xf32>
        %mul3A_996 = arith.mulf %get3A_993, %mul3A_995 : vector<16xf32>
        %get3A_997 = arith.index_cast %scan3A_616 : i32 to index
        %get3A_998 = arith.constant 352 : index
        %get3A_999 = tpu.vector_load %arg6[%get3A_997, %get3A_998] {strides = array<i32>} : memref<40x512xf32, #tpu.memory_space<vmem>>, vector<1x16xf32>,
        %get3A_1000 = vector.shape_cast %get3A_999 : vector<1x16xf32> to vector<16xf32>
        %add3A_1001 = arith.addf %mul3A_996, %get3A_1000 : vector<16xf32>
        %swap3A_1002 = arith.index_cast %scan3A_616 : i32 to index
        %swap3A_1003 = arith.constant 352 : index
        %swap3A_1004 = tpu.vector_load %arg11[%swap3A_1002, %swap3A_1003] {strides = array<i32>} : memref<40x512xf32, #tpu.memory_space<vmem>>, vector<1x16xf32>,
        %swap3A_1005 = vector.shape_cast %swap3A_1004 : vector<1x16xf32> to vector<16xf32>
        %swap3A_1006 = vector.shape_cast %add3A_1001 : vector<16xf32> to vector<1x16xf32>
        tpu.vector_store %arg11[%swap3A_1002, %swap3A_1003], %swap3A_1006 {strides = array<i32>} : memref<40x512xf32, #tpu.memory_space<vmem>>, vector<1x16xf32>,
        %get3A_1007 = arith.index_cast %scan3A_616 : i32 to index
        %get3A_1008 = arith.constant 368 : index
        %get3A_1009 = tpu.vector_load %arg11[%get3A_1007, %get3A_1008] {strides = array<i32>} : memref<40x512xf32, #tpu.memory_space<vmem>>, vector<1x16xf32>,
        %get3A_1010 = vector.shape_cast %get3A_1009 : vector<1x16xf32> to vector<16xf32>
        %mul3A_1011 = arith.constant 22.6274166 : f32
        %mul3A_1012 = vector.broadcast %mul3A_1011 : f32 to vector<16xf32>
        %mul3A_1013 = arith.mulf %get3A_1010, %mul3A_1012 : vector<16xf32>
        %get3A_1014 = arith.index_cast %scan3A_616 : i32 to index
        %get3A_1015 = arith.constant 368 : index
        %get3A_1016 = tpu.vector_load %arg6[%get3A_1014, %get3A_1015] {strides = array<i32>} : memref<40x512xf32, #tpu.memory_space<vmem>>, vector<1x16xf32>,
        %get3A_1017 = vector.shape_cast %get3A_1016 : vector<1x16xf32> to vector<16xf32>
        %add3A_1018 = arith.addf %mul3A_1013, %get3A_1017 : vector<16xf32>
        %swap3A_1019 = arith.index_cast %scan3A_616 : i32 to index
        %swap3A_1020 = arith.constant 368 : index
        %swap3A_1021 = tpu.vector_load %arg11[%swap3A_1019, %swap3A_1020] {strides = array<i32>} : memref<40x512xf32, #tpu.memory_space<vmem>>, vector<1x16xf32>,
        %swap3A_1022 = vector.shape_cast %swap3A_1021 : vector<1x16xf32> to vector<16xf32>
        %swap3A_1023 = vector.shape_cast %add3A_1018 : vector<16xf32> to vector<1x16xf32>
        tpu.vector_store %arg11[%swap3A_1019, %swap3A_1020], %swap3A_1023 {strides = array<i32>} : memref<40x512xf32, #tpu.memory_space<vmem>>, vector<1x16xf32>,
        %get3A_1024 = arith.index_cast %scan3A_616 : i32 to index
        %get3A_1025 = arith.constant 384 : index
        %get3A_1026 = tpu.vector_load %arg11[%get3A_1024, %get3A_1025] {strides = array<i32>} : memref<40x512xf32, #tpu.memory_space<vmem>>, vector<1x16xf32>,
        %get3A_1027 = vector.shape_cast %get3A_1026 : vector<1x16xf32> to vector<16xf32>
        %mul3A_1028 = arith.constant 22.6274166 : f32
        %mul3A_1029 = vector.broadcast %mul3A_1028 : f32 to vector<16xf32>
        %mul3A_1030 = arith.mulf %get3A_1027, %mul3A_1029 : vector<16xf32>
        %get3A_1031 = arith.index_cast %scan3A_616 : i32 to index
        %get3A_1032 = arith.constant 384 : index
        %get3A_1033 = tpu.vector_load %arg6[%get3A_1031, %get3A_1032] {strides = array<i32>} : memref<40x512xf32, #tpu.memory_space<vmem>>, vector<1x16xf32>,
        %get3A_1034 = vector.shape_cast %get3A_1033 : vector<1x16xf32> to vector<16xf32>
        %add3A_1035 = arith.addf %mul3A_1030, %get3A_1034 : vector<16xf32>
        %swap3A_1036 = arith.index_cast %scan3A_616 : i32 to index
        %swap3A_1037 = arith.constant 384 : index
        %swap3A_1038 = tpu.vector_load %arg11[%swap3A_1036, %swap3A_1037] {strides = array<i32>} : memref<40x512xf32, #tpu.memory_space<vmem>>, vector<1x16xf32>,
        %swap3A_1039 = vector.shape_cast %swap3A_1038 : vector<1x16xf32> to vector<16xf32>
        %swap3A_1040 = vector.shape_cast %add3A_1035 : vector<16xf32> to vector<1x16xf32>
        tpu.vector_store %arg11[%swap3A_1036, %swap3A_1037], %swap3A_1040 {strides = array<i32>} : memref<40x512xf32, #tpu.memory_space<vmem>>, vector<1x16xf32>,
        %get3A_1041 = arith.index_cast %scan3A_616 : i32 to index
        %get3A_1042 = arith.constant 400 : index
        %get3A_1043 = tpu.vector_load %arg11[%get3A_1041, %get3A_1042] {strides = array<i32>} : memref<40x512xf32, #tpu.memory_space<vmem>>, vector<1x16xf32>,
        %get3A_1044 = vector.shape_cast %get3A_1043 : vector<1x16xf32> to vector<16xf32>
        %mul3A_1045 = arith.constant 22.6274166 : f32
        %mul3A_1046 = vector.broadcast %mul3A_1045 : f32 to vector<16xf32>
        %mul3A_1047 = arith.mulf %get3A_1044, %mul3A_1046 : vector<16xf32>
        %get3A_1048 = arith.index_cast %scan3A_616 : i32 to index
        %get3A_1049 = arith.constant 400 : index
        %get3A_1050 = tpu.vector_load %arg6[%get3A_1048, %get3A_1049] {strides = array<i32>} : memref<40x512xf32, #tpu.memory_space<vmem>>, vector<1x16xf32>,
        %get3A_1051 = vector.shape_cast %get3A_1050 : vector<1x16xf32> to vector<16xf32>
        %add3A_1052 = arith.addf %mul3A_1047, %get3A_1051 : vector<16xf32>
        %swap3A_1053 = arith.index_cast %scan3A_616 : i32 to index
        %swap3A_1054 = arith.constant 400 : index
        %swap3A_1055 = tpu.vector_load %arg11[%swap3A_1053, %swap3A_1054] {strides = array<i32>} : memref<40x512xf32, #tpu.memory_space<vmem>>, vector<1x16xf32>,
        %swap3A_1056 = vector.shape_cast %swap3A_1055 : vector<1x16xf32> to vector<16xf32>
        %swap3A_1057 = vector.shape_cast %add3A_1052 : vector<16xf32> to vector<1x16xf32>
        tpu.vector_store %arg11[%swap3A_1053, %swap3A_1054], %swap3A_1057 {strides = array<i32>} : memref<40x512xf32, #tpu.memory_space<vmem>>, vector<1x16xf32>,
        %get3A_1058 = arith.index_cast %scan3A_616 : i32 to index
        %get3A_1059 = arith.constant 416 : index
        %get3A_1060 = tpu.vector_load %arg11[%get3A_1058, %get3A_1059] {strides = array<i32>} : memref<40x512xf32, #tpu.memory_space<vmem>>, vector<1x16xf32>,
        %get3A_1061 = vector.shape_cast %get3A_1060 : vector<1x16xf32> to vector<16xf32>
        %mul3A_1062 = arith.constant 22.6274166 : f32
        %mul3A_1063 = vector.broadcast %mul3A_1062 : f32 to vector<16xf32>
        %mul3A_1064 = arith.mulf %get3A_1061, %mul3A_1063 : vector<16xf32>
        %get3A_1065 = arith.index_cast %scan3A_616 : i32 to index
        %get3A_1066 = arith.constant 416 : index
        %get3A_1067 = tpu.vector_load %arg6[%get3A_1065, %get3A_1066] {strides = array<i32>} : memref<40x512xf32, #tpu.memory_space<vmem>>, vector<1x16xf32>,
        %get3A_1068 = vector.shape_cast %get3A_1067 : vector<1x16xf32> to vector<16xf32>
        %add3A_1069 = arith.addf %mul3A_1064, %get3A_1068 : vector<16xf32>
        %swap3A_1070 = arith.index_cast %scan3A_616 : i32 to index
        %swap3A_1071 = arith.constant 416 : index
        %swap3A_1072 = tpu.vector_load %arg11[%swap3A_1070, %swap3A_1071] {strides = array<i32>} : memref<40x512xf32, #tpu.memory_space<vmem>>, vector<1x16xf32>,
        %swap3A_1073 = vector.shape_cast %swap3A_1072 : vector<1x16xf32> to vector<16xf32>
        %swap3A_1074 = vector.shape_cast %add3A_1069 : vector<16xf32> to vector<1x16xf32>
        tpu.vector_store %arg11[%swap3A_1070, %swap3A_1071], %swap3A_1074 {strides = array<i32>} : memref<40x512xf32, #tpu.memory_space<vmem>>, vector<1x16xf32>,
        %get3A_1075 = arith.index_cast %scan3A_616 : i32 to index
        %get3A_1076 = arith.constant 432 : index
        %get3A_1077 = tpu.vector_load %arg11[%get3A_1075, %get3A_1076] {strides = array<i32>} : memref<40x512xf32, #tpu.memory_space<vmem>>, vector<1x16xf32>,
        %get3A_1078 = vector.shape_cast %get3A_1077 : vector<1x16xf32> to vector<16xf32>
        %mul3A_1079 = arith.constant 22.6274166 : f32
        %mul3A_1080 = vector.broadcast %mul3A_1079 : f32 to vector<16xf32>
        %mul3A_1081 = arith.mulf %get3A_1078, %mul3A_1080 : vector<16xf32>
        %get3A_1082 = arith.index_cast %scan3A_616 : i32 to index
        %get3A_1083 = arith.constant 432 : index
        %get3A_1084 = tpu.vector_load %arg6[%get3A_1082, %get3A_1083] {strides = array<i32>} : memref<40x512xf32, #tpu.memory_space<vmem>>, vector<1x16xf32>,
        %get3A_1085 = vector.shape_cast %get3A_1084 : vector<1x16xf32> to vector<16xf32>
        %add3A_1086 = arith.addf %mul3A_1081, %get3A_1085 : vector<16xf32>
        %swap3A_1087 = arith.index_cast %scan3A_616 : i32 to index
        %swap3A_1088 = arith.constant 432 : index
        %swap3A_1089 = tpu.vector_load %arg11[%swap3A_1087, %swap3A_1088] {strides = array<i32>} : memref<40x512xf32, #tpu.memory_space<vmem>>, vector<1x16xf32>,
        %swap3A_1090 = vector.shape_cast %swap3A_1089 : vector<1x16xf32> to vector<16xf32>
        %swap3A_1091 = vector.shape_cast %add3A_1086 : vector<16xf32> to vector<1x16xf32>
        tpu.vector_store %arg11[%swap3A_1087, %swap3A_1088], %swap3A_1091 {strides = array<i32>} : memref<40x512xf32, #tpu.memory_space<vmem>>, vector<1x16xf32>,
        %get3A_1092 = arith.index_cast %scan3A_616 : i32 to index
        %get3A_1093 = arith.constant 448 : index
        %get3A_1094 = tpu.vector_load %arg11[%get3A_1092, %get3A_1093] {strides = array<i32>} : memref<40x512xf32, #tpu.memory_space<vmem>>, vector<1x16xf32>,
        %get3A_1095 = vector.shape_cast %get3A_1094 : vector<1x16xf32> to vector<16xf32>
        %mul3A_1096 = arith.constant 22.6274166 : f32
        %mul3A_1097 = vector.broadcast %mul3A_1096 : f32 to vector<16xf32>
        %mul3A_1098 = arith.mulf %get3A_1095, %mul3A_1097 : vector<16xf32>
        %get3A_1099 = arith.index_cast %scan3A_616 : i32 to index
        %get3A_1100 = arith.constant 448 : index
        %get3A_1101 = tpu.vector_load %arg6[%get3A_1099, %get3A_1100] {strides = array<i32>} : memref<40x512xf32, #tpu.memory_space<vmem>>, vector<1x16xf32>,
        %get3A_1102 = vector.shape_cast %get3A_1101 : vector<1x16xf32> to vector<16xf32>
        %add3A_1103 = arith.addf %mul3A_1098, %get3A_1102 : vector<16xf32>
        %swap3A_1104 = arith.index_cast %scan3A_616 : i32 to index
        %swap3A_1105 = arith.constant 448 : index
        %swap3A_1106 = tpu.vector_load %arg11[%swap3A_1104, %swap3A_1105] {strides = array<i32>} : memref<40x512xf32, #tpu.memory_space<vmem>>, vector<1x16xf32>,
        %swap3A_1107 = vector.shape_cast %swap3A_1106 : vector<1x16xf32> to vector<16xf32>
        %swap3A_1108 = vector.shape_cast %add3A_1103 : vector<16xf32> to vector<1x16xf32>
        tpu.vector_store %arg11[%swap3A_1104, %swap3A_1105], %swap3A_1108 {strides = array<i32>} : memref<40x512xf32, #tpu.memory_space<vmem>>, vector<1x16xf32>,
        %get3A_1109 = arith.index_cast %scan3A_616 : i32 to index
        %get3A_1110 = arith.constant 464 : index
        %get3A_1111 = tpu.vector_load %arg11[%get3A_1109, %get3A_1110] {strides = array<i32>} : memref<40x512xf32, #tpu.memory_space<vmem>>, vector<1x16xf32>,
        %get3A_1112 = vector.shape_cast %get3A_1111 : vector<1x16xf32> to vector<16xf32>
        %mul3A_1113 = arith.constant 22.6274166 : f32
        %mul3A_1114 = vector.broadcast %mul3A_1113 : f32 to vector<16xf32>
        %mul3A_1115 = arith.mulf %get3A_1112, %mul3A_1114 : vector<16xf32>
        %get3A_1116 = arith.index_cast %scan3A_616 : i32 to index
        %get3A_1117 = arith.constant 464 : index
        %get3A_1118 = tpu.vector_load %arg6[%get3A_1116, %get3A_1117] {strides = array<i32>} : memref<40x512xf32, #tpu.memory_space<vmem>>, vector<1x16xf32>,
        %get3A_1119 = vector.shape_cast %get3A_1118 : vector<1x16xf32> to vector<16xf32>
        %add3A_1120 = arith.addf %mul3A_1115, %get3A_1119 : vector<16xf32>
        %swap3A_1121 = arith.index_cast %scan3A_616 : i32 to index
        %swap3A_1122 = arith.constant 464 : index
        %swap3A_1123 = tpu.vector_load %arg11[%swap3A_1121, %swap3A_1122] {strides = array<i32>} : memref<40x512xf32, #tpu.memory_space<vmem>>, vector<1x16xf32>,
        %swap3A_1124 = vector.shape_cast %swap3A_1123 : vector<1x16xf32> to vector<16xf32>
        %swap3A_1125 = vector.shape_cast %add3A_1120 : vector<16xf32> to vector<1x16xf32>
        tpu.vector_store %arg11[%swap3A_1121, %swap3A_1122], %swap3A_1125 {strides = array<i32>} : memref<40x512xf32, #tpu.memory_space<vmem>>, vector<1x16xf32>,
        %get3A_1126 = arith.index_cast %scan3A_616 : i32 to index
        %get3A_1127 = arith.constant 480 : index
        %get3A_1128 = tpu.vector_load %arg11[%get3A_1126, %get3A_1127] {strides = array<i32>} : memref<40x512xf32, #tpu.memory_space<vmem>>, vector<1x16xf32>,
        %get3A_1129 = vector.shape_cast %get3A_1128 : vector<1x16xf32> to vector<16xf32>
        %mul3A_1130 = arith.constant 22.6274166 : f32
        %mul3A_1131 = vector.broadcast %mul3A_1130 : f32 to vector<16xf32>
        %mul3A_1132 = arith.mulf %get3A_1129, %mul3A_1131 : vector<16xf32>
        %get3A_1133 = arith.index_cast %scan3A_616 : i32 to index
        %get3A_1134 = arith.constant 480 : index
        %get3A_1135 = tpu.vector_load %arg6[%get3A_1133, %get3A_1134] {strides = array<i32>} : memref<40x512xf32, #tpu.memory_space<vmem>>, vector<1x16xf32>,
        %get3A_1136 = vector.shape_cast %get3A_1135 : vector<1x16xf32> to vector<16xf32>
        %add3A_1137 = arith.addf %mul3A_1132, %get3A_1136 : vector<16xf32>
        %swap3A_1138 = arith.index_cast %scan3A_616 : i32 to index
        %swap3A_1139 = arith.constant 480 : index
        %swap3A_1140 = tpu.vector_load %arg11[%swap3A_1138, %swap3A_1139] {strides = array<i32>} : memref<40x512xf32, #tpu.memory_space<vmem>>, vector<1x16xf32>,
        %swap3A_1141 = vector.shape_cast %swap3A_1140 : vector<1x16xf32> to vector<16xf32>
        %swap3A_1142 = vector.shape_cast %add3A_1137 : vector<16xf32> to vector<1x16xf32>
        tpu.vector_store %arg11[%swap3A_1138, %swap3A_1139], %swap3A_1142 {strides = array<i32>} : memref<40x512xf32, #tpu.memory_space<vmem>>, vector<1x16xf32>,
        %get3A_1143 = arith.index_cast %scan3A_616 : i32 to index
        %get3A_1144 = arith.constant 496 : index
        %get3A_1145 = tpu.vector_load %arg11[%get3A_1143, %get3A_1144] {strides = array<i32>} : memref<40x512xf32, #tpu.memory_space<vmem>>, vector<1x16xf32>,
        %get3A_1146 = vector.shape_cast %get3A_1145 : vector<1x16xf32> to vector<16xf32>
        %mul3A_1147 = arith.constant 22.6274166 : f32
        %mul3A_1148 = vector.broadcast %mul3A_1147 : f32 to vector<16xf32>
        %mul3A_1149 = arith.mulf %get3A_1146, %mul3A_1148 : vector<16xf32>
        %get3A_1150 = arith.index_cast %scan3A_616 : i32 to index
        %get3A_1151 = arith.constant 496 : index
        %get3A_1152 = tpu.vector_load %arg6[%get3A_1150, %get3A_1151] {strides = array<i32>} : memref<40x512xf32, #tpu.memory_space<vmem>>, vector<1x16xf32>,
        %get3A_1153 = vector.shape_cast %get3A_1152 : vector<1x16xf32> to vector<16xf32>
        %add3A_1154 = arith.addf %mul3A_1149, %get3A_1153 : vector<16xf32>
        %swap3A_1155 = arith.index_cast %scan3A_616 : i32 to index
        %swap3A_1156 = arith.constant 496 : index
        %swap3A_1157 = tpu.vector_load %arg11[%swap3A_1155, %swap3A_1156] {strides = array<i32>} : memref<40x512xf32, #tpu.memory_space<vmem>>, vector<1x16xf32>,
        %swap3A_1158 = vector.shape_cast %swap3A_1157 : vector<1x16xf32> to vector<16xf32>
        %swap3A_1159 = vector.shape_cast %add3A_1154 : vector<16xf32> to vector<1x16xf32>
        tpu.vector_store %arg11[%swap3A_1155, %swap3A_1156], %swap3A_1159 {strides = array<i32>} : memref<40x512xf32, #tpu.memory_space<vmem>>, vector<1x16xf32>,
        %scan3A_1160 = arith.constant 0 : i32
        scf.yield %scan3A_1160 : i32
      }
      %scan3A_545 = arith.constant 40 : i32
      %jit3A_546 = arith.constant 32 : i32
      %eq3A_547 = arith.constant 0 : i32
      %eq3A_548 = arith.cmpi eq, %jit3A_546, %eq3A_547 : i32
      %jit3A_549 = arith.constant 1 : i32
      %select_n3A_550 = arith.select %eq3A_548, %jit3A_549, %jit3A_546 : i32
      %rem3A_551 = arith.remsi %add3A_511, %select_n3A_550 : i32
      %ne3A_552 = arith.constant 0 : i32
      %ne3A_553 = arith.cmpi ne, %rem3A_551, %ne3A_552 : i32
      %lt3A_554 = arith.constant 0 : i32
      %lt3A_555 = arith.cmpi slt, %rem3A_551, %lt3A_554 : i32
      %lt3A_556 = arith.constant 0 : i32
      %lt3A_557 = arith.cmpi slt, %select_n3A_550, %lt3A_556 : i32
      %ne3A_558 = arith.xori %lt3A_555, %lt3A_557 : i1
      %and3A_559 = arith.andi %ne3A_558, %ne3A_553 : i1
      %add3A_560 = arith.addi %rem3A_551, %select_n3A_550 : i32
      %select_n3A_561 = arith.select %and3A_559, %add3A_560, %rem3A_551 : i32
      %add3A_562 = arith.addi %mul3A_2, %select_n3A_561 : i32
      %mul3A_563 = arith.constant 200 : i32
      %mul3A_564 = arith.muli %add3A_562, %mul3A_563 : i32
      %jit3A_565 = arith.constant 32 : i32
      %div3A_566 = arith.divsi %add3A_511, %jit3A_565 : i32
      %sign3A_567 = arith.constant 0 : i32
      %sign3A_568 = arith.cmpi sgt, %add3A_511, %sign3A_567 : i32
      %sign3A_569 = arith.extui %sign3A_568 : i1 to i32
      %sign3A_570 = arith.constant 0 : i32
      %sign3A_571 = arith.cmpi slt, %add3A_511, %sign3A_570 : i32
      %sign3A_572 = arith.extui %sign3A_571 : i1 to i32
      %sign3A_573 = arith.subi %sign3A_569, %sign3A_572 : i32
      %sign3A_574 = arith.constant 0 : i32
      %sign3A_575 = arith.cmpi sgt, %jit3A_565, %sign3A_574 : i32
      %sign3A_576 = arith.extui %sign3A_575 : i1 to i32
      %sign3A_577 = arith.constant 0 : i32
      %sign3A_578 = arith.cmpi slt, %jit3A_565, %sign3A_577 : i32
      %sign3A_579 = arith.extui %sign3A_578 : i1 to i32
      %sign3A_580 = arith.subi %sign3A_576, %sign3A_579 : i32
      %ne3A_581 = arith.cmpi ne, %sign3A_573, %sign3A_580 : i32
      %rem3A_582 = arith.remsi %add3A_511, %jit3A_565 : i32
      %ne3A_583 = arith.constant 0 : i32
      %ne3A_584 = arith.cmpi ne, %rem3A_582, %ne3A_583 : i32
      %and3A_585 = arith.andi %ne3A_581, %ne3A_584 : i1
      %sub3A_586 = arith.constant 1 : i32
      %sub3A_587 = arith.subi %div3A_566, %sub3A_586 : i32
      %select_n3A_588 = arith.select %and3A_585, %sub3A_587, %div3A_566 : i32
      %mul3A_589 = arith.constant 40 : i32
      %mul3A_590 = arith.muli %select_n3A_588, %mul3A_589 : i32
      %add3A_591 = arith.addi %mul3A_564, %mul3A_590 : i32
      %dma_start3A_592 = arith.constant 0 : i32
      %dma_start3A_593 = tpu.memref_slice %arg5[%add3A_591, %dma_start3A_592] : memref<204800x512xf32, #tpu.memory_space<hbm>> -> memref<40x512xf32, #tpu.memory_space<hbm>>
      %dma_start3A_594 = arith.constant 0 : i32
      %dma_start3A_595 = tpu.memref_slice %arg5[%add3A_591, %dma_start3A_594] : memref<204800x512xf32, #tpu.memory_space<hbm>> -> memref<40x512xf32, #tpu.memory_space<hbm>>
      tpu.enqueue_dma source(%arg11 : memref<40x512xf32, #tpu.memory_space<vmem>>) target(%dma_start3A_595 : memref<40x512xf32, #tpu.memory_space<hbm>>) target_semaphore(%arg26 : memref<!tpu.dma_semaphore, #tpu.memory_space<semaphore_mem>>)
      %ge3A_596 = arith.constant 2 : i32
      %ge3A_597 = arith.cmpi sge, %add3A_511, %ge3A_596 : i32
      %convert_element_type3A_598 = arith.extui %ge3A_597 : i1 to i32
      %cond3A_599 = arith.constant 0 : i32
      %cond3A_600 = arith.cmpi ne, %convert_element_type3A_598, %cond3A_599 : i32
      scf.if %cond3A_600 {
        %sub3A_616 = arith.constant 2 : i32
        %sub3A_617 = arith.subi %add3A_511, %sub3A_616 : i32
        %jit3A_618 = arith.constant 32 : i32
        %eq3A_619 = arith.constant 0 : i32
        %eq3A_620 = arith.cmpi eq, %jit3A_618, %eq3A_619 : i32
        %jit3A_621 = arith.constant 1 : i32
        %select_n3A_622 = arith.select %eq3A_620, %jit3A_621, %jit3A_618 : i32
        %rem3A_623 = arith.remsi %sub3A_617, %select_n3A_622 : i32
        %ne3A_624 = arith.constant 0 : i32
        %ne3A_625 = arith.cmpi ne, %rem3A_623, %ne3A_624 : i32
        %lt3A_626 = arith.constant 0 : i32
        %lt3A_627 = arith.cmpi slt, %rem3A_623, %lt3A_626 : i32
        %lt3A_628 = arith.constant 0 : i32
        %lt3A_629 = arith.cmpi slt, %select_n3A_622, %lt3A_628 : i32
        %ne3A_630 = arith.xori %lt3A_627, %lt3A_629 : i1
        %and3A_631 = arith.andi %ne3A_630, %ne3A_625 : i1
        %add3A_632 = arith.addi %rem3A_623, %select_n3A_622 : i32
        %select_n3A_633 = arith.select %and3A_631, %add3A_632, %rem3A_623 : i32
        %add3A_634 = arith.addi %mul3A_2, %select_n3A_633 : i32
        %mul3A_635 = arith.constant 200 : i32
        %mul3A_636 = arith.muli %add3A_634, %mul3A_635 : i32
        %jit3A_637 = arith.constant 32 : i32
        %div3A_638 = arith.divsi %sub3A_617, %jit3A_637 : i32
        %sign3A_639 = arith.constant 0 : i32
        %sign3A_640 = arith.cmpi sgt, %sub3A_617, %sign3A_639 : i32
        %sign3A_641 = arith.extui %sign3A_640 : i1 to i32
        %sign3A_642 = arith.constant 0 : i32
        %sign3A_643 = arith.cmpi slt, %sub3A_617, %sign3A_642 : i32
        %sign3A_644 = arith.extui %sign3A_643 : i1 to i32
        %sign3A_645 = arith.subi %sign3A_641, %sign3A_644 : i32
        %sign3A_646 = arith.constant 0 : i32
        %sign3A_647 = arith.cmpi sgt, %jit3A_637, %sign3A_646 : i32
        %sign3A_648 = arith.extui %sign3A_647 : i1 to i32
        %sign3A_649 = arith.constant 0 : i32
        %sign3A_650 = arith.cmpi slt, %jit3A_637, %sign3A_649 : i32
        %sign3A_651 = arith.extui %sign3A_650 : i1 to i32
        %sign3A_652 = arith.subi %sign3A_648, %sign3A_651 : i32
        %ne3A_653 = arith.cmpi ne, %sign3A_645, %sign3A_652 : i32
        %rem3A_654 = arith.remsi %sub3A_617, %jit3A_637 : i32
        %ne3A_655 = arith.constant 0 : i32
        %ne3A_656 = arith.cmpi ne, %rem3A_654, %ne3A_655 : i32
        %and3A_657 = arith.andi %ne3A_653, %ne3A_656 : i1
        %sub3A_658 = arith.constant 1 : i32
        %sub3A_659 = arith.subi %div3A_638, %sub3A_658 : i32
        %select_n3A_660 = arith.select %and3A_657, %sub3A_659, %div3A_638 : i32
        %mul3A_661 = arith.constant 40 : i32
        %mul3A_662 = arith.muli %select_n3A_660, %mul3A_661 : i32
        %add3A_663 = arith.addi %mul3A_636, %mul3A_662 : i32
        %dma_wait3A_664 = arith.constant 0 : i32
        %dma_wait3A_665 = tpu.memref_slice %arg5[%add3A_663, %dma_wait3A_664] : memref<204800x512xf32, #tpu.memory_space<hbm>> -> memref<40x512xf32, #tpu.memory_space<hbm>>
        %dma_wait3A_666 = arith.constant 0 : i32
        %dma_wait3A_667 = tpu.memref_slice %arg5[%add3A_663, %dma_wait3A_666] : memref<204800x512xf32, #tpu.memory_space<hbm>> -> memref<40x512xf32, #tpu.memory_space<hbm>>
        tpu.wait_dma2 semaphore(%arg24 : memref<!tpu.dma_semaphore, #tpu.memory_space<semaphore_mem>>) src(%arg9 : memref<40x512xf32, #tpu.memory_space<vmem>>) dst(%dma_wait3A_667 : memref<40x512xf32, #tpu.memory_space<hbm>>)
      } else {
      }
      %add3A_601 = arith.constant 3 : i32
      %add3A_602 = arith.addi %add3A_511, %add3A_601 : i32
      %lt3A_603 = arith.constant 160 : i32
      %lt3A_604 = arith.cmpi slt, %add3A_602, %lt3A_603 : i32
      %convert_element_type3A_605 = arith.extui %lt3A_604 : i1 to i32
      %cond3A_606 = arith.constant 0 : i32
      %cond3A_607 = arith.cmpi ne, %convert_element_type3A_605, %cond3A_606 : i32
      scf.if %cond3A_607 {
        %add3A_616 = arith.constant 3 : i32
        %add3A_617 = arith.addi %add3A_511, %add3A_616 : i32
        %mul3A_618 = arith.constant 160 : i32
        %mul3A_619 = arith.muli %add3A, %mul3A_618 : i32
        %add3A_620 = arith.addi %mul3A_619, %add3A_617 : i32
        %mul3A_621 = arith.constant 40 : i32
        %mul3A_622 = arith.muli %add3A_620, %mul3A_621 : i32
        %dma_wait3A_623 = tpu.memref_slice %arg2[%mul3A_622] : memref<204800xi32, #tpu.memory_space<hbm>> -> memref<40xi32, #tpu.memory_space<hbm>>
        %dma_wait3A_624 = tpu.memref_slice %arg2[%mul3A_622] : memref<204800xi32, #tpu.memory_space<hbm>> -> memref<40xi32, #tpu.memory_space<hbm>>
        tpu.wait_dma2 semaphore(%arg29 : memref<!tpu.dma_semaphore, #tpu.memory_space<semaphore_mem>>) src(%dma_wait3A_624 : memref<40xi32, #tpu.memory_space<hbm>>) dst(%arg14 : memref<40xi32, #tpu.memory_space<vmem>>)
        %add3A_625 = arith.constant 3 : i32
        %add3A_626 = arith.addi %add3A_511, %add3A_625 : i32
        %dma_start3A_627 = arith.constant 0 : i32
        %dma_start3A_628 = arith.constant 0 : i32
        %dma_start3A_629 = tpu.memref_slice %arg3[%dma_start3A_627, %dma_start3A_628] : memref<100000x512xf32, #tpu.memory_space<hbm>> -> memref<100000x512xf32, #tpu.memory_space<hbm>>
        tpu.enqueue_indirect_dma source(%dma_start3A_629 : memref<100000x512xf32, #tpu.memory_space<hbm>>) target(%arg9 : memref<40x512xf32, #tpu.memory_space<vmem>>) offsets(%arg14 : memref<40xi32, #tpu.memory_space<vmem>>) semaphore(%arg19 : memref<!tpu.dma_semaphore, #tpu.memory_space<semaphore_mem>>)
      } else {
      }
      %add3A_608 = arith.constant 4 : i32
      %add3A_609 = arith.addi %add3A_511, %add3A_608 : i32
      %lt3A_610 = arith.constant 160 : i32
      %lt3A_611 = arith.cmpi slt, %add3A_609, %lt3A_610 : i32
      %convert_element_type3A_612 = arith.extui %lt3A_611 : i1 to i32
      %cond3A_613 = arith.constant 0 : i32
      %cond3A_614 = arith.cmpi ne, %convert_element_type3A_612, %cond3A_613 : i32
      scf.if %cond3A_614 {
        %add3A_616 = arith.constant 4 : i32
        %add3A_617 = arith.addi %add3A_511, %add3A_616 : i32
        %mul3A_618 = arith.constant 160 : i32
        %mul3A_619 = arith.muli %add3A, %mul3A_618 : i32
        %add3A_620 = arith.addi %mul3A_619, %add3A_617 : i32
        %mul3A_621 = arith.constant 40 : i32
        %mul3A_622 = arith.muli %add3A_620, %mul3A_621 : i32
        %dma_start3A_623 = tpu.memref_slice %arg2[%mul3A_622] : memref<204800xi32, #tpu.memory_space<hbm>> -> memref<40xi32, #tpu.memory_space<hbm>>
        %dma_start3A_624 = tpu.memref_slice %arg2[%mul3A_622] : memref<204800xi32, #tpu.memory_space<hbm>> -> memref<40xi32, #tpu.memory_space<hbm>>
        tpu.enqueue_dma source(%dma_start3A_624 : memref<40xi32, #tpu.memory_space<hbm>>) target(%arg15 : memref<40xi32, #tpu.memory_space<vmem>>) target_semaphore(%arg30 : memref<!tpu.dma_semaphore, #tpu.memory_space<semaphore_mem>>)
      } else {
      }
      %scan3A_615 = arith.constant 0 : i32
      scf.yield %scan3A_615 : i32
    }
    %scan3A_71 = arith.constant 32 : i32
    %add3A_72 = arith.constant 30 : i32
    %add3A_73 = arith.addi %mul3A_2, %add3A_72 : i32
    %mul3A_74 = arith.constant 200 : i32
    %mul3A_75 = arith.muli %add3A_73, %mul3A_74 : i32
    %add3A_76 = arith.constant 160 : i32
    %add3A_77 = arith.addi %mul3A_75, %add3A_76 : i32
    %dma_wait3A_78 = arith.constant 0 : i32
    %dma_wait3A_79 = tpu.memref_slice %arg5[%add3A_77, %dma_wait3A_78] : memref<204800x512xf32, #tpu.memory_space<hbm>> -> memref<40x512xf32, #tpu.memory_space<hbm>>
    %dma_wait3A_80 = arith.constant 0 : i32
    %dma_wait3A_81 = tpu.memref_slice %arg5[%add3A_77, %dma_wait3A_80] : memref<204800x512xf32, #tpu.memory_space<hbm>> -> memref<40x512xf32, #tpu.memory_space<hbm>>
    tpu.wait_dma2 semaphore(%arg25 : memref<!tpu.dma_semaphore, #tpu.memory_space<semaphore_mem>>) src(%arg10 : memref<40x512xf32, #tpu.memory_space<vmem>>) dst(%dma_wait3A_81 : memref<40x512xf32, #tpu.memory_space<hbm>>)
    %add3A_82 = arith.constant 31 : i32
    %add3A_83 = arith.addi %mul3A_2, %add3A_82 : i32
    %mul3A_84 = arith.constant 200 : i32
    %mul3A_85 = arith.muli %add3A_83, %mul3A_84 : i32
    %add3A_86 = arith.constant 160 : i32
    %add3A_87 = arith.addi %mul3A_85, %add3A_86 : i32
    %dma_wait3A_88 = arith.constant 0 : i32
    %dma_wait3A_89 = tpu.memref_slice %arg5[%add3A_87, %dma_wait3A_88] : memref<204800x512xf32, #tpu.memory_space<hbm>> -> memref<40x512xf32, #tpu.memory_space<hbm>>
    %dma_wait3A_90 = arith.constant 0 : i32
    %dma_wait3A_91 = tpu.memref_slice %arg5[%add3A_87, %dma_wait3A_90] : memref<204800x512xf32, #tpu.memory_space<hbm>> -> memref<40x512xf32, #tpu.memory_space<hbm>>
    tpu.wait_dma2 semaphore(%arg26 : memref<!tpu.dma_semaphore, #tpu.memory_space<semaphore_mem>>) src(%arg11 : memref<40x512xf32, #tpu.memory_space<vmem>>) dst(%dma_wait3A_91 : memref<40x512xf32, #tpu.memory_space<hbm>>)
    return
  }
}

</mosaic_0001>

<sc_bundles>
// kernel: kernel.3.cloned.1.call-start
scs
__scs_entry_jumppad:
0x0: {  	(pc) =	sbr.rel $0x88, $3  }
0x1: {  	(tag) =	ssettag $0x0;
	lr =	simm.s32 $0x1  }
0x2: {  	[smem:$0x3F9E] =	sst lr;
	_ =	strace $0xD0000000  }
0x3: {  	_ = 	snop  }
0x4: {  	_ = 	snop  }
0x5: {  	_ = 	snop  }
0x6: {  	_ = 	snop  }
0x7: {  	_ = 	snop  }
__scs_overlays_trampoline_lowered:
0x8: {  	[smem:$0x3FAD] =	sst s0  }
0x9: {  	[smem:$0x3FAE] =	sst s1  }
0xa: {  	[smem:$0x3FAF] =	sst s2  }
0xb: {  	[smem:$0x3FB0] =	sst s3  }
0xc: {  	[smem:$0x3FB1] =	sst s4  }
0xd: {  	[smem:$0x3FB2] =	sst s5  }
0xe: {  	[smem:$0x3FB3] =	sst s6  }
0xf: {  	[smem:$0x3FB4] =	sst s7  }
0x10: {  	[smem:$0x3FB5] =	sst s8  }
0x11: {  	[smem:$0x3FB6] =	sst s9;
	s0 =	simm.s32 @!p0 $0x0  }
0x12: {  	s1 =	sld [smem:$0x3F9C];
	s0 =	simm.s32 @p0 $0x1  }
0x13: {  	[smem:$0x3FB7] =	sst s0;
	s0 =	simm.s32 @!p1 $0x0  }
0x14: {  	s2 =	sld [smem:$0x3F9B];
	s0 =	simm.s32 @p1 $0x1  }
0x15: {  	[smem:$0x3FB8] =	sst s0;
	s0 =	simm.s32 @!p2 $0x0  }
0x16: {  	s3 =	sld [smem:$0x3FDB];
	s0 =	simm.s32 @p2 $0x1  }
0x17: {  	s4 =	simm.s32 $0x1BF5;
	[smem:$0x3FBA] =	sst s0  }
0x18: {  	s0 =	sld [smem:$0x3F9D];
	_ =	swait.ge [sflag:s4], $0x0  }
0x19: {  	s7 =	sld [smem:$0x3F9E]  }
0x1a: {  	s8 =	sadd.s32 $0xFFFFE003, lr  }
0x1b: {  	s9 =	sadd.s32 $0xFFFFFEF7, lr;
	s5 =	simm.s32 $0xFFFFFFFF;
	p2 =	slt.u32 s8, $0xFFFFF086  }
0x1c: {  	p1 =	slt.u32 s9, $0xF7A;
	s5 =	simm.s32 @!p2 $0x0  }
0x1d: {  	s5 =	simm.s32 @p1 $0x1;
	p0 =	seq.s32 s7, s2  }
0x1e: {  	s7 =	smul.u32 @!p0 $0xF7A, s2;
	p2 =	seq.s32 @!p0 s5, $0x0  }
0x1f: {  	s9 =	smul.u32 $0xF7A, s1;
	s8 =	simm.s32 @!p0 $0x1BF5;
	p2 =	por !p2, p0  }
0x20: {  	[sflag:s8] =	ssyncset.s32 @!p0 $0xFFFFF086;
	s6 =	sadd.s32 @!p0 s3, s7;
	s7 =	simm.s32 @!p0 $0x108  }
0x21: {  	s3 =	sadd.s32 s3, s9;
	s6 =	sadd.s32 @!p0 $0x88, s6;
	s7 =	simm.s32 @p2 $0x1082  }
0x22: {  	[simem:s7], [sflag:s8] =	dma.local @!p0 [hbm:s6], $0xF7A  }
0x23: {  	s9 =	sor.u32 $0xD0000000, s2;
	s6 =	simm.s32 $0x108;
	_ =	swait.ge @!p0 [sflag:s8], $0x0  }
0x24: {  	s3 =	sadd.s32 $0x88, s3;
	s6 =	simm.s32 @!p1 $0x1082;
	[sflag:s4] =	ssyncset.s32 $0xFFFFF086  }
0x25: {  	[simem:s6], [sflag:s4] =	dma.local [hbm:s3], $0xF7A  }
0x26: {  	[smem:$0x3F9E] =	sst s1;
	(tag) =	ssettag s2;
	_ =	strace s9  }
0x27: {  	s1 =	sld [smem:$0x3FAE]  }
0x28: {  	s2 =	sld [smem:$0x3FAF]  }
0x29: {  	s4 =	sld [smem:$0x3FB1]  }
0x2a: {  	p0 =	seq.s32 s5, $0x0;
	s5 =	sld [smem:$0x3FB2]  }
0x2b: {  	s6 =	sld [smem:$0x3FB3]  }
0x2c: {  	s7 =	sld [smem:$0x3FB4]  }
0x2d: {  	s3 =	simm.s32 $0x108;
	s8 =	sld [smem:$0x3FB5]  }
0x2e: {  	s3 =	simm.s32 @!p0 $0x1082;
	s9 =	sld [smem:$0x3FB6]  }
0x2f: {  	lr =	sadd.s32 s0, s3;
	s0 =	sld [smem:$0x3FAD]  }
0x30: {  	s3 =	sld [smem:$0x3FB0]  }
0x31: {  	[smem:$0x3FB9] =	sst s10  }
0x32: {  	s10 =	sld [smem:$0x3FB7];
	_ =	sdelay $0x3  }
0x33: {  	p0 =	seq.s32 s10, $0x1;
	s10 =	sld [smem:$0x3FB9];
	_ =	sdelay $0x3  }
0x34: {  	[smem:$0x3FB9] =	sst s10  }
0x35: {  	s10 =	sld [smem:$0x3FB8];
	_ =	sdelay $0x3  }
0x36: {  	p1 =	seq.s32 s10, $0x1;
	s10 =	sld [smem:$0x3FB9];
	_ =	sdelay $0x3  }
0x37: {  	[smem:$0x3FB9] =	sst s10  }
0x38: {  	s10 =	sld [smem:$0x3FBA]  }
0x39: {  	_ = 	snop;
	(pc) =	sbr.ind lr, $3  }
0x3a: {  	_ = 	snop  }
0x3b: {  	_ = 	snop  }
0x3c: {  	p2 =	seq.s32 s10, $0x1;
	s10 =	sld [smem:$0x3FB9]  }
0x3d: {  	_ =	shalt  }
0x3e: {  	_ =	shalt  }
0x3f: {  	_ =	shalt  }
0x40: {  	_ =	shalt  }
0x41: {  	_ =	shalt  }
0x42: {  	_ =	shalt  }
0x43: {  	_ =	shalt  }
0x44: {  	_ =	shalt  }
0x45: {  	_ =	shalt  }
0x46: {  	_ =	shalt  }
0x47: {  	_ =	shalt  }
0x48: {  	_ =	shalt  }
0x49: {  	_ =	shalt  }
0x4a: {  	_ =	shalt  }
0x4b: {  	_ =	shalt  }
0x4c: {  	_ =	shalt  }
0x4d: {  	_ =	shalt  }
0x4e: {  	_ =	shalt  }
0x4f: {  	_ =	shalt  }
0x50: {  	_ =	shalt  }
0x51: {  	_ =	shalt  }
0x52: {  	_ =	shalt  }
0x53: {  	_ =	shalt  }
0x54: {  	_ =	shalt  }
0x55: {  	_ =	shalt  }
0x56: {  	_ =	shalt  }
0x57: {  	_ =	shalt  }
0x58: {  	_ =	shalt  }
0x59: {  	_ =	shalt  }
0x5a: {  	_ =	shalt  }
0x5b: {  	_ =	shalt  }
0x5c: {  	_ =	shalt  }
0x5d: {  	_ =	shalt  }
0x5e: {  	_ =	shalt  }
0x5f: {  	_ =	shalt  }
0x60: {  	_ =	shalt  }
0x61: {  	_ =	shalt  }
0x62: {  	_ =	shalt  }
0x63: {  	_ =	shalt  }
0x64: {  	_ =	shalt  }
0x65: {  	_ =	shalt  }
0x66: {  	_ =	shalt  }
0x67: {  	_ =	shalt  }
0x68: {  	_ =	shalt  }
0x69: {  	_ =	shalt  }
0x6a: {  	_ =	shalt  }
0x6b: {  	_ =	shalt  }
0x6c: {  	_ =	shalt  }
0x6d: {  	_ =	shalt  }
0x6e: {  	_ =	shalt  }
0x6f: {  	_ =	shalt  }
0x70: {  	_ =	shalt  }
0x71: {  	_ =	shalt  }
0x72: {  	_ =	shalt  }
0x73: {  	_ =	shalt  }
0x74: {  	_ =	shalt  }
0x75: {  	_ =	shalt  }
0x76: {  	_ =	shalt  }
0x77: {  	_ =	shalt  }
0x78: {  	_ =	shalt  }
0x79: {  	_ =	shalt  }
0x7a: {  	_ =	shalt  }
0x7b: {  	_ =	shalt  }
0x7c: {  	_ =	shalt  }
0x7d: {  	_ =	shalt  }
0x7e: {  	_ =	shalt  }
0x7f: {  	_ =	shalt  }
0x80: {  	_ =	shalt  }
0x81: {  	_ =	shalt  }
0x82: {  	_ =	shalt  }
0x83: {  	_ =	shalt  }
0x84: {  	_ =	shalt  }
0x85: {  	_ =	shalt  }
0x86: {  	_ =	shalt  }
0x87: {  	_ =	shalt  }
.Lfunc_end0:
.L_simem_size_0:
called_computation_lowered:
.L_overlay_start_0:
0x88: {  	s2 =	sld [smem:$0x3FD9]  }
0x89: {  	s3 =	sld [smem:$0x3FFE];
	_ =	sdelay $0x1  }
0x8a: {  	s1 =	srdreg.scid  }
0x8b: {  	s0 =	sand.u32 $0x1, s1  }
0x8c: {  	s17 =	sshll.u32 s0, $0xA;
	s2 =	sadd.s32 s3, s2  }
0x8d: {  	s2 =	sadd.s32 s2, s17  }
0x8e: {  	[smem:$0x3FC5] =	sst s2  }
0x8f: {  	_ = 	snop  }
0x90: {  	s2 =	sld [smem:$0x3FC8]  }
0x91: {  	s18 =	sld [smem:$0x3FD0];
	(tm) =	ssettm $0x1  }
0x92: {  	s4 =	sld [smem:$0x3FFB];
	_ =	sdelay $0x3  }
0x93: {  	_ =	strace s4  }
0x94: {  	s4 =	sld [smem:$0x3FFC];
	_ =	sdelay $0x3  }
0x95: {  	_ =	strace s4  }
0x96: {  	s4 =	sld [smem:$0x3FFD];
	_ =	sdelay $0x3  }
0x97: {  	_ =	strace s4  }
0x98: {  	_ =	strace $0x8FFFFFFF  }
0x99: {  	s19 =	sld [smem:$0x3FDB];
	_ =	sdelay $0x1  }
0x9a: {  	s5 =	simm.s32 $_scs_section_size  }
0x9b: {  	s6 =	simm.s32 $_size__tile_overlayer_lowered;
	s7 =	simm.s32 $_tile_overlayer_lowered  }
0x9c: {  	s22 =	simm.s32 $0x1BFF;
	s21 =	sshll.u32 s7, $0x1;
	s4 =	sadd.s32 s5, s19  }
0x9d: {  	s8 =	simm.s32 $0x0;
	s20 =	sshll.u32 s6, $0x1;
	s6 =	sadd.s32 s21, s4  }
0x9e: {  	[timem:s8], [sflag:s22] =	dma.local [hbm:s6], s20  }
0x9f: {  	_ =	swait.ge [sflag:s22], s20  }
0xa0: {  	s5 =	ssub.s32 $0x0, s20;
	[sflag:s22] =	ssyncset.done $0x0  }
0xa1: {  	[sflag:s22] =	ssyncadd.s32 s5;
	_ =	sdelay $0x1  }
0xa2: {  	s23 =	simm.s32 $0x1B8B  }
0xa3: {  	_ =	swait.ge [sflag:s23], $0x1  }
0xa4: {  	[sflag:s23] =	ssyncset.done $0x0  }
0xa5: {  	s25 =	simm.s32 $0x1B8E;
	s24 =	sld [smem:$0x3FFE];
	[sflag:s23] =	ssyncadd.s32 $0xFFFFFFFF  }
0xa6: {  	s26 =	simm.s32 $execute0_lowered;
	[smem:$0x3FD2] =	sst s25  }
0xa7: {  	s6 =	sshll.u32 s26, $0x1;
	_ =	strace $0x80000046;
	[dreg:$0x1] =	wrdreg $0xFFFFFFFF  }
0xa8: {  	s28 =	simm.s32 $_size_execute0_lowered;
	s4 =	sadd.s32 s4, s6;
	[dreg:$0x0] =	wrdreg $0x0  }
0xa9: {  	s6 =	sshll.u32 s28, $0x1;
	[dreg:$0x2] =	wrdreg s4  }
0xaa: {  	[dreg:$0x3] =	wrdreg s6  }
0xab: {  	[dreg:$0x4] =	wrdreg $0xC0  }
0xac: {  	_ =	task [dreg:s8], $0x5FFFF  }
0xad: {  	[dreg:$0x1] =	wrdreg $0xFFFFFFFF  }
0xae: {  	[dreg:$0x0] =	wrdreg $0x60  }
0xaf: {  	[dreg:$0x2] =	wrdreg s24  }
0xb0: {  	[dreg:$0x3] =	wrdreg s2  }
0xb1: {  	[dreg:$0x4] =	wrdreg s18  }
0xb2: {  	[dreg:$0x5] =	wrdreg $0x9  }
0xb3: {  	_ =	task.clear_ibuf [dreg:s8], $0x6FFFF;
	_ =	strace $0x90000046  }
0xb4: {  	s29 =	simm.s32 $0x9;
	_ =	strace $0x80000048  }
0xb5: {  	_ =	swait.ge [sflag:s29], $0x1  }
0xb6: {  	[sflag:s29] =	ssyncadd.s32 $0xFFFFFFFF  }
0xb7: {  	_ =	strace $0x90000048  }
0xb8: {  	_ =	sfence  }
0xb9: {  	s30 =	sld [smem:$0x0];
	_ =	sdelay $0x2  }
0xba: {  	s31 =	sshll.u32 s1, $0xD;
	s1 =	sshrl.u32 s1, $0x2  }
0xbb: {  	s3 =	sand.u32 $0x4000, s31;
	s1 =	sadd.s32 s1, s30  }
0xbc: {  	s0 =	sor.u32 s3, s0;
	s1 =	sshll.u32 s1, $0x11  }
0xbd: {  	s0 =	sor.u32 s1, s0  }
0xbe: {  	s0 =	sadd.s32 $0x8F2B, s0  }
0xbf: {  	[sflag:s0] =	ssyncadd.remote.s32 $0x1  }
0xc0: {  	_ =	sfence.sel $0xFFFF  }
0xc1: {  	[dreg:$0x0] =	wrdreg $0xFFFFFFFF;
	(pc) =	sbr.abs _section_cstart, $3  }
0xc2: {  	[dreg:$0x1] =	wrdreg $0xFFFFFFFF  }
0xc3: {  	_ =	task.clear_ibuf [dreg:s8], $0x2FFFF;
	_ =	strace $0x9FFFFFFF  }
0xc4: {  	(tm) =	ssettm $0x7FFFFFFF  }
0xc5: {  	_ =	shalt  }
tec
execute0_lowered:
.L_overlay_start_1:
0x0: {  	(tag) =	ssettag $0x1  }
0x1: {  	s0 =	rddreg [dreg:$0x0]  }
0x2: {  	s2 =	rddreg [dreg:$0x1]  }
0x3: {  	s3 =	rddreg [dreg:$0x2];
	s1 =	srdreg.scid  }
0x4: {  	s5 =	stileid.u32;
	s4 =	simm.s32 $0x0;
	s29 =	simm.s32 $0xD  }
0x5: {  	s30 =	simm.s32 $0xF000;
	s1 =	sand.u32 $0x1, s1;
	s5 =	sshll.u32 s5, $0x1  }
0x6: {  	s18 =	simm.s32 $0x1;
	s7 =	ssub.s32 $0x2, s1;
	s1 =	sor.u32 s1, s5  }
0x7: {  	s19 =	simm.s32 $0x14000;
	s8 =	sshrl.u32 s7, $0x1;
	s9 =	smul.u32 $0x320, s1  }
0x8: {  	[smem:$0x7FF] =	sst s4;
	s5 =	sadd.s32 $0x3600, s0;
	s22 =	ssub.s32 s7, s8  }
0x9: {  	s7 =	sshll.u32 s1, $0x5;
	s1 =	smul.u32 $0xA0, s1;
	s23 =	sadd.s32 s5, s9  }
0xa: {  	s11 =	simm.s32 $0x2;
	_ =	strace $0x80000047;
	[dreg:$0x4] =	wrdreg s23  }
0xb: {  	s6 =	sadd.s32 $0x400, s0;
	s0 =	smax.u32 s22, $0x1;
	[dreg:$0x5] =	wrdreg s1  }
0xc: {  	s12 =	simm.s32 $0xF;
	s9 =	sadd.s32 $0x5, s23;
	[dreg:$0xd] =	wrdreg s0  }
0xd: {  	s31 =	simm.s32 $0x4;
	s24 =	sadd.s32 $0xA, s23;
	[dreg:$0x6] =	wrdreg s9  }
0xe: {  	s20 =	simm.s32 $0x8;
	s8 =	sadd.s32 $0xF, s23;
	[dreg:$0x7] =	wrdreg s24  }
0xf: {  	s14 =	simm.s32 $0x0;
	s25 =	sor.u32 $0x5, s1;
	[dreg:$0x8] =	wrdreg s8  }
.Ltmp0:
0x10: {  	s26 =	sor.u32 $0x6, s1;
	[dreg:$0x9] =	wrdreg s25;
	(pc) =	sbr.rel .LBB2_1-.Ltmp0, $4  }
0x11: {  	s13 =	sadd.s32 $0x100, s2;
	s28 =	sor.u32 $0x7, s1;
	[dreg:$0xa] =	wrdreg s26  }
0x12: {  	v2 =	vlaneseq.u32;
	s22 =	simm.s32 $0x3;
	s1 =	sor.u32 $0x8, s1;
	[dreg:$0xb] =	wrdreg s28  }
0x13: {  	vm0 =	vmmov $0xffff;
	v1 =	vshrl.u32 v2, $0x3;
	s23 =	simm.s32 $0x6;
	s0 =	simm.s32 $0x7;
	[dreg:$0xc] =	wrdreg s1  }
0x14: {  	v0 =	vand.u32 $0x7, v2;
	v2 =	vor.u32 $0x8, v2;
	v1 =	vmul.u32 $0x8, v1;
	s8 =	simm.s32 $0xE;
	s24 =	simm.s32 $0x19000;
	s1 =	simm.s32 $0x5  }
.LBB2_14:
0x15: {  	s9 =	simm.s32 $0x9  }
0x16: {  	_ =	swait.ge [sflag:s9], $0x5000  }
0x17: {  	[sflag:s9] =	ssyncset.done $0x0  }
0x18: {  	s10 =	simm.s32 $0xA;
	[sflag:s9] =	ssyncadd.s32 $0xFFFFB000  }
0x19: {  	_ =	swait.ge [sflag:s10], $0x5000  }
0x1a: {  	s14 =	rddreg [dreg:$0xe]  }
0x1b: {  	s28 =	rddreg [dreg:$0xd];
	s14 =	sadd.s32 $0x1, s14  }
0x1c: {  	p0 =	sne.s32 s14, s28  }
.Ltmp1:
0x1d: {  	_ = 	snop;
	(pc) =	sbr.rel @!p0 .LBB2_15-.Ltmp1, $3  }
0x1e: {  	_ =	sdelay $0x1  }
0x1f: {  	[sflag:s10] =	ssyncset.done $0x0  }
0x20: {  	[sflag:s10] =	ssyncadd.s32 $0xFFFFB000  }
.LBB2_1:
0x21: {  	[tilespmem:s4], [sflag:$0x10] =	stream.linear.gather [hbm4b:s6+s4], $0x5000, $0x38;
	[tilespmem:$0x1E280] =	vst v63  }
0x22: {  	[dreg:$0xe] =	wrdreg s14;
	s9 =	simm.s32 $0x10  }
0x23: {  	_ =	swait.ge [sflag:s9], $0x5000  }
0x24: {  	[sflag:s9] =	ssyncset.done $0x0  }
0x25: {  	s10 =	simm.s32 $0x1E000;
	s28 =	rddreg [dreg:$0x4];
	[sflag:s9] =	ssyncadd.s32 $0xFFFFB000  }
0x26: {  	[tilespmem:s10], [sflag:$0xB] =	stream.linear.gather [hbm4b:s28+s4], $0x28, $0x38;
	[tilespmem:$0x1E280] =	vst v63  }
0x27: {  	s14 =	simm.s32 $0x1E080;
	s10 =	rddreg [dreg:$0x6]  }
0x28: {  	[tilespmem:s14], [sflag:$0xC] =	stream.linear.gather [hbm4b:s10+s4], $0x28, $0x38;
	[tilespmem:$0x1E280] =	vst v63  }
0x29: {  	s16 =	simm.s32 $0x1E100;
	s15 =	rddreg [dreg:$0x7]  }
0x2a: {  	[tilespmem:s16], [sflag:$0xD] =	stream.linear.gather [hbm4b:s15+s4], $0x28, $0x38;
	[tilespmem:$0x1E280] =	vst v63  }
0x2b: {  	s21 =	simm.s32 $0x1E180;
	s25 =	simm.s32 $0xB;
	s17 =	rddreg [dreg:$0x8]  }
0x2c: {  	[tilespmem:s21], [sflag:$0xE] =	stream.linear.gather [hbm4b:s17+s4], $0x28, $0x38;
	[tilespmem:$0x1E280] =	vst v63  }
0x2d: {  	_ =	swait.ge [sflag:s25], $0x28  }
0x2e: {  	[sflag:s25] =	ssyncset.done $0x0  }
0x2f: {  	[sflag:s25] =	ssyncadd.s32 $0xFFFFFFD8  }
0x30: {  	v3 =	vld [tilespmem:$0x1E000];
	_ =	sdelay $0x4  }
0x31: {  	v4 =	vshll.u32 v3, $0x2  }
0x32: {  	v3 =	vand.u32 $0x7, v3;
	v4 =	vand.u32 $0xFFFFFFE0, v4  }
0x33: {  	v3 =	vor.u32 v3, v4  }
0x34: {  	v4 =	vperm.xlane v3, v0;
	_ =	sdelay $0x1  }
0x35: {  	v4 =	vadd.s32 v1, v4;
	_ =	sdelay $0x1  }
0x36: {  	v3 =	vperm.xlane v3, v2;
	_ =	sdelay $0x1  }
0x37: {  	s26 =	simm.s32 $0x5000;
	v3 =	vadd.s32 v1, v3  }
0x38: {  	[tilespmem:s26], [sflag:$0x1] =	stream.indirect_vreg.gather [hbm4b:s2+s4], $0x80, v4, vm0, $0xb8;
	[tilespmem:$0x1E280] =	vst v63  }
0x39: {  	s28 =	simm.s32 $0x5800  }
0x3a: {  	[tilespmem:s28], [sflag:$0x1] =	stream.indirect_vreg.gather [hbm4b:s13+s4], $0x80, v4, vm0, $0xb8;
	[tilespmem:$0x1E280] =	vst v63  }
0x3b: {  	s10 =	simm.s32 $0x6000  }
0x3c: {  	[tilespmem:s10], [sflag:$0x1] =	stream.indirect_vreg.gather [hbm4b:s2+s4], $0x80, v3, vm0, $0xb8;
	[tilespmem:$0x1E280] =	vst v63  }
0x3d: {  	s14 =	simm.s32 $0x6800  }
0x3e: {  	[tilespmem:s14], [sflag:$0x1] =	stream.indirect_vreg.gather [hbm4b:s13+s4], $0x80, v3, vm0, $0xb8;
	[tilespmem:$0x1E280] =	vst v63  }
0x3f: {  	v3 =	vld [tilespmem:$0x1E010];
	_ =	sdelay $0x4  }
0x40: {  	v56 =	vshll.u32 v3, $0x2  }
0x41: {  	v3 =	vand.u32 $0x7, v3;
	v4 =	vand.u32 $0xFFFFFFE0, v56  }
0x42: {  	v3 =	vor.u32 v3, v4  }
0x43: {  	v4 =	vperm.xlane v3, v0;
	_ =	sdelay $0x1  }
0x44: {  	v4 =	vadd.s32 v1, v4;
	_ =	sdelay $0x1  }
0x45: {  	v3 =	vperm.xlane v3, v2;
	_ =	sdelay $0x1  }
0x46: {  	s15 =	simm.s32 $0x7000;
	v3 =	vadd.s32 v1, v3  }
0x47: {  	[tilespmem:s15], [sflag:$0x1] =	stream.indirect_vreg.gather [hbm4b:s2+s4], $0x80, v4, vm0, $0xb8;
	[tilespmem:$0x1E280] =	vst v63  }
0x48: {  	s16 =	simm.s32 $0x7800  }
0x49: {  	[tilespmem:s16], [sflag:$0x1] =	stream.indirect_vreg.gather [hbm4b:s13+s4], $0x80, v4, vm0, $0xb8;
	[tilespmem:$0x1E280] =	vst v63  }
0x4a: {  	s17 =	simm.s32 $0x8000  }
0x4b: {  	[tilespmem:s17], [sflag:$0x1] =	stream.indirect_vreg.gather [hbm4b:s2+s4], $0x80, v3, vm0, $0xb8;
	[tilespmem:$0x1E280] =	vst v63  }
0x4c: {  	s21 =	simm.s32 $0x8800  }
0x4d: {  	[tilespmem:s21], [sflag:$0x1] =	stream.indirect_vreg.gather [hbm4b:s13+s4], $0x80, v3, vm0, $0xb8;
	[tilespmem:$0x1E280] =	vst v63  }
0x4e: {  	v3 =	vld.msk [tilespmem:$0x1E020], $0xff;
	_ =	sdelay $0x4  }
0x4f: {  	v57 =	vshll.u32 v3, $0x2  }
0x50: {  	v3 =	vand.u32 $0x7, v3;
	v4 =	vand.u32 $0xFFFFFFE0, v57  }
0x51: {  	v3 =	vor.u32 v3, v4  }
0x52: {  	v3 =	vperm.xlane v3, v0;
	_ =	sdelay $0x1  }
0x53: {  	v3 =	vadd.s32 v1, v3;
	_ =	sdelay $0x3  }
0x54: {  	s25 =	simm.s32 $0x9000  }
0x55: {  	[tilespmem:s25], [sflag:$0x1] =	stream.indirect_vreg.gather [hbm4b:s2+s4], $0x80, v3, vm0, $0xb8;
	[tilespmem:$0x1E280] =	vst v63  }
0x56: {  	s26 =	simm.s32 $0x9800;
	s28 =	simm.s32 $0xC  }
0x57: {  	[tilespmem:s26], [sflag:$0x1] =	stream.indirect_vreg.gather [hbm4b:s13+s4], $0x80, v3, vm0, $0xb8;
	[tilespmem:$0x1E280] =	vst v63  }
0x58: {  	_ =	swait.ge [sflag:s28], $0x28  }
0x59: {  	[sflag:s28] =	ssyncset.done $0x0  }
0x5a: {  	[sflag:s28] =	ssyncadd.s32 $0xFFFFFFD8  }
0x5b: {  	v3 =	vld [tilespmem:$0x1E080];
	_ =	sdelay $0x4  }
0x5c: {  	v58 =	vshll.u32 v3, $0x2  }
0x5d: {  	v3 =	vand.u32 $0x7, v3;
	v4 =	vand.u32 $0xFFFFFFE0, v58  }
0x5e: {  	v3 =	vor.u32 v3, v4  }
0x5f: {  	v4 =	vperm.xlane v3, v0;
	_ =	sdelay $0x1  }
0x60: {  	v4 =	vadd.s32 v1, v4;
	_ =	sdelay $0x1  }
0x61: {  	v3 =	vperm.xlane v3, v2;
	_ =	sdelay $0x1  }
0x62: {  	s10 =	simm.s32 $0xA000;
	v3 =	vadd.s32 v1, v3  }
0x63: {  	[tilespmem:s10], [sflag:$0x2] =	stream.indirect_vreg.gather [hbm4b:s2+s4], $0x80, v4, vm0, $0xb8;
	[tilespmem:$0x1E280] =	vst v63  }
0x64: {  	s14 =	simm.s32 $0xA800  }
0x65: {  	[tilespmem:s14], [sflag:$0x2] =	stream.indirect_vreg.gather [hbm4b:s13+s4], $0x80, v4, vm0, $0xb8;
	[tilespmem:$0x1E280] =	vst v63  }
0x66: {  	s15 =	simm.s32 $0xB000  }
0x67: {  	[tilespmem:s15], [sflag:$0x2] =	stream.indirect_vreg.gather [hbm4b:s2+s4], $0x80, v3, vm0, $0xb8;
	[tilespmem:$0x1E280] =	vst v63  }
0x68: {  	s16 =	simm.s32 $0xB800  }
0x69: {  	[tilespmem:s16], [sflag:$0x2] =	stream.indirect_vreg.gather [hbm4b:s13+s4], $0x80, v3, vm0, $0xb8;
	[tilespmem:$0x1E280] =	vst v63  }
0x6a: {  	v3 =	vld [tilespmem:$0x1E090];
	_ =	sdelay $0x4  }
0x6b: {  	v59 =	vshll.u32 v3, $0x2  }
0x6c: {  	v3 =	vand.u32 $0x7, v3;
	v4 =	vand.u32 $0xFFFFFFE0, v59  }
0x6d: {  	v3 =	vor.u32 v3, v4  }
0x6e: {  	v4 =	vperm.xlane v3, v0;
	_ =	sdelay $0x1  }
0x6f: {  	v4 =	vadd.s32 v1, v4;
	_ =	sdelay $0x1  }
0x70: {  	v3 =	vperm.xlane v3, v2;
	_ =	sdelay $0x1  }
0x71: {  	s17 =	simm.s32 $0xC000;
	v3 =	vadd.s32 v1, v3  }
0x72: {  	[tilespmem:s17], [sflag:$0x2] =	stream.indirect_vreg.gather [hbm4b:s2+s4], $0x80, v4, vm0, $0xb8;
	[tilespmem:$0x1E280] =	vst v63  }
0x73: {  	s21 =	simm.s32 $0xC800  }
0x74: {  	[tilespmem:s21], [sflag:$0x2] =	stream.indirect_vreg.gather [hbm4b:s13+s4], $0x80, v4, vm0, $0xb8;
	[tilespmem:$0x1E280] =	vst v63  }
0x75: {  	s25 =	simm.s32 $0xD000  }
0x76: {  	[tilespmem:s25], [sflag:$0x2] =	stream.indirect_vreg.gather [hbm4b:s2+s4], $0x80, v3, vm0, $0xb8;
	[tilespmem:$0x1E280] =	vst v63  }
0x77: {  	s26 =	simm.s32 $0xD800  }
0x78: {  	[tilespmem:s26], [sflag:$0x2] =	stream.indirect_vreg.gather [hbm4b:s13+s4], $0x80, v3, vm0, $0xb8;
	[tilespmem:$0x1E280] =	vst v63  }
0x79: {  	v3 =	vld.msk [tilespmem:$0x1E0A0], $0xff;
	_ =	sdelay $0x4  }
0x7a: {  	v60 =	vshll.u32 v3, $0x2  }
0x7b: {  	v3 =	vand.u32 $0x7, v3;
	v4 =	vand.u32 $0xFFFFFFE0, v60  }
0x7c: {  	v3 =	vor.u32 v3, v4  }
0x7d: {  	v3 =	vperm.xlane v3, v0;
	_ =	sdelay $0x1  }
0x7e: {  	v3 =	vadd.s32 v1, v3;
	_ =	sdelay $0x3  }
0x7f: {  	s28 =	simm.s32 $0xE000  }
0x80: {  	[tilespmem:s28], [sflag:$0x2] =	stream.indirect_vreg.gather [hbm4b:s2+s4], $0x80, v3, vm0, $0xb8;
	[tilespmem:$0x1E280] =	vst v63  }
0x81: {  	s10 =	simm.s32 $0xE800  }
0x82: {  	[tilespmem:s10], [sflag:$0x2] =	stream.indirect_vreg.gather [hbm4b:s13+s4], $0x80, v3, vm0, $0xb8;
	[tilespmem:$0x1E280] =	vst v63  }
0x83: {  	_ =	swait.ge [sflag:s29], $0x28  }
0x84: {  	[sflag:s29] =	ssyncset.done $0x0  }
0x85: {  	[sflag:s29] =	ssyncadd.s32 $0xFFFFFFD8  }
0x86: {  	v3 =	vld [tilespmem:$0x1E100];
	_ =	sdelay $0x4  }
0x87: {  	v61 =	vshll.u32 v3, $0x2  }
0x88: {  	v3 =	vand.u32 $0x7, v3;
	v4 =	vand.u32 $0xFFFFFFE0, v61  }
0x89: {  	v3 =	vor.u32 v3, v4  }
0x8a: {  	v4 =	vperm.xlane v3, v0;
	_ =	sdelay $0x1  }
0x8b: {  	v4 =	vadd.s32 v1, v4;
	_ =	sdelay $0x1  }
0x8c: {  	v3 =	vperm.xlane v3, v2;
	_ =	sdelay $0x1  }
0x8d: {  	v3 =	vadd.s32 v1, v3  }
0x8e: {  	[tilespmem:s30], [sflag:$0x3] =	stream.indirect_vreg.gather [hbm4b:s2+s4], $0x80, v4, vm0, $0xb8;
	[tilespmem:$0x1E280] =	vst v63  }
0x8f: {  	s14 =	simm.s32 $0xF800  }
0x90: {  	[tilespmem:s14], [sflag:$0x3] =	stream.indirect_vreg.gather [hbm4b:s13+s4], $0x80, v4, vm0, $0xb8;
	[tilespmem:$0x1E280] =	vst v63  }
0x91: {  	s15 =	simm.s32 $0x10000  }
0x92: {  	[tilespmem:s15], [sflag:$0x3] =	stream.indirect_vreg.gather [hbm4b:s2+s4], $0x80, v3, vm0, $0xb8;
	[tilespmem:$0x1E280] =	vst v63  }
0x93: {  	s16 =	simm.s32 $0x10800  }
0x94: {  	[tilespmem:s16], [sflag:$0x3] =	stream.indirect_vreg.gather [hbm4b:s13+s4], $0x80, v3, vm0, $0xb8;
	[tilespmem:$0x1E280] =	vst v63  }
0x95: {  	v3 =	vld [tilespmem:$0x1E110];
	_ =	sdelay $0x4  }
0x96: {  	v62 =	vshll.u32 v3, $0x2  }
0x97: {  	v3 =	vand.u32 $0x7, v3;
	v4 =	vand.u32 $0xFFFFFFE0, v62  }
0x98: {  	v3 =	vor.u32 v3, v4  }
0x99: {  	v4 =	vperm.xlane v3, v0;
	_ =	sdelay $0x1  }
0x9a: {  	v4 =	vadd.s32 v1, v4;
	_ =	sdelay $0x1  }
0x9b: {  	v3 =	vperm.xlane v3, v2;
	_ =	sdelay $0x1  }
0x9c: {  	s17 =	simm.s32 $0x11000;
	v3 =	vadd.s32 v1, v3  }
0x9d: {  	[tilespmem:s17], [sflag:$0x3] =	stream.indirect_vreg.gather [hbm4b:s2+s4], $0x80, v4, vm0, $0xb8;
	[tilespmem:$0x1E280] =	vst v63  }
0x9e: {  	s21 =	simm.s32 $0x11800  }
0x9f: {  	[tilespmem:s21], [sflag:$0x3] =	stream.indirect_vreg.gather [hbm4b:s13+s4], $0x80, v4, vm0, $0xb8;
	[tilespmem:$0x1E280] =	vst v63  }
0xa0: {  	s25 =	simm.s32 $0x12000  }
0xa1: {  	[tilespmem:s25], [sflag:$0x3] =	stream.indirect_vreg.gather [hbm4b:s2+s4], $0x80, v3, vm0, $0xb8;
	[tilespmem:$0x1E280] =	vst v63  }
0xa2: {  	s26 =	simm.s32 $0x12800  }
0xa3: {  	[tilespmem:s26], [sflag:$0x3] =	stream.indirect_vreg.gather [hbm4b:s13+s4], $0x80, v3, vm0, $0xb8;
	[tilespmem:$0x1E280] =	vst v63  }
0xa4: {  	v3 =	vld.msk [tilespmem:$0x1E120], $0xff;
	_ =	sdelay $0x4  }
0xa5: {  	v63 =	vshll.u32 v3, $0x2  }
0xa6: {  	v3 =	vand.u32 $0x7, v3;
	v4 =	vand.u32 $0xFFFFFFE0, v63  }
0xa7: {  	v3 =	vor.u32 v3, v4  }
0xa8: {  	v3 =	vperm.xlane v3, v0;
	_ =	sdelay $0x1  }
0xa9: {  	v3 =	vadd.s32 v1, v3;
	_ =	sdelay $0x3  }
0xaa: {  	s28 =	simm.s32 $0x13000  }
0xab: {  	[tilespmem:s28], [sflag:$0x3] =	stream.indirect_vreg.gather [hbm4b:s2+s4], $0x80, v3, vm0, $0xb8;
	[tilespmem:$0x1E280] =	vst v63  }
0xac: {  	s30 =	simm.s32 $0x13800;
	s21 =	simm.s32 $0x0  }
0xad: {  	[tilespmem:s30], [sflag:$0x3] =	stream.indirect_vreg.gather [hbm4b:s13+s4], $0x80, v3, vm0, $0xb8;
	[tilespmem:$0x1E280] =	vst v63  }
.LBB2_2:
0xae: {  	s28 =	smul.u32 $0x5, s21;
	_ =	sdelay $0x1  }
0xaf: {  	p0 =	seq.s32 s21, $0x0;
	s10 =	sand.u32 $0x1F, s28  }
0xb0: {  	p1 =	sne.s32 @!p0 s10, $0x0  }
0xb1: {  	p1 =	por p1, p0  }
0xb2: {  	s14 =	sshrl.u32 @!p1 s28, $0x5  }
0xb3: {  	s14 =	smul.u32 @!p1 $0xA00, s14;
	_ =	sdelay $0x1  }
0xb4: {  	s15 =	simm.s32 @!p1 $0x0;
	s14 =	sadd.s32 @!p1 s6, s14  }
0xb5: {  	[tilespmem:s15], [sflag:$0x10] =	stream.linear.gather @!p1 [hbm4b:s14+s15], $0x5000, $0x38;
	[tilespmem:$0x1E280] =	vst v63  }
0xb6: {  	s14 =	simm.s32 @!p1 $0x10  }
0xb7: {  	_ =	swait.ge @!p1 [sflag:s14], $0x5000  }
0xb8: {  	[sflag:s14] =	ssyncset.done @!p1 $0x0  }
0xb9: {  	[sflag:s14] =	ssyncadd.s32 @!p1 $0xFFFFB000  }
0xba: {  	s15 =	simm.s32 $0x0;
	_ =	swait.ge [sflag:s18], $0x5000  }
0xbb: {  	s30 =	sand.u32 $0x7000, s15;
	s16 =	sand.u32 $0x380, s15;
	[sflag:s18] =	ssyncset.done $0x0  }
0xbc: {  	s14 =	sor.u32 s16, s30;
	[sflag:s18] =	ssyncadd.s32 $0xFFFFB000  }
0xbd: {  	v10 =	vld [tilespmem:s14+$0x0]  }
0xbe: {  	v11 =	vld [tilespmem:s14+$0x10]  }
0xbf: {  	v12 =	vld [tilespmem:s14+$0x20]  }
0xc0: {  	v13 =	vld [tilespmem:s14+$0x30]  }
0xc1: {  	v14 =	vld [tilespmem:s14+$0x40]  }
0xc2: {  	v15 =	vld [tilespmem:s14+$0x50]  }
0xc3: {  	v16 =	vld [tilespmem:s14+$0x60]  }
0xc4: {  	v17 =	vld [tilespmem:s14+$0x70]  }
0xc5: {  	v18 =	vld [tilespmem:s14+$0x400]  }
0xc6: {  	v19 =	vld [tilespmem:s14+$0x410]  }
0xc7: {  	v20 =	vld [tilespmem:s14+$0x420]  }
0xc8: {  	v21 =	vld [tilespmem:s14+$0x430]  }
0xc9: {  	v22 =	vld [tilespmem:s14+$0x440]  }
0xca: {  	v23 =	vld [tilespmem:s14+$0x450]  }
0xcb: {  	v24 =	vld [tilespmem:s14+$0x460]  }
0xcc: {  	v25 =	vld [tilespmem:s14+$0x470]  }
0xcd: {  	v26 =	vld [tilespmem:s14+$0x800]  }
0xce: {  	v27 =	vld [tilespmem:s14+$0x810]  }
0xcf: {  	v28 =	vld [tilespmem:s14+$0x820]  }
0xd0: {  	v29 =	vld [tilespmem:s14+$0x830]  }
0xd1: {  	v30 =	vld [tilespmem:s14+$0x840]  }
0xd2: {  	v31 =	vld [tilespmem:s14+$0x850]  }
0xd3: {  	v32 =	vld [tilespmem:s14+$0x860]  }
0xd4: {  	v9 =	vld [tilespmem:s14+$0x870]  }
0xd5: {  	v8 =	vld [tilespmem:s14+$0xC00]  }
0xd6: {  	v7 =	vld [tilespmem:s14+$0xC10]  }
0xd7: {  	v6 =	vld [tilespmem:s14+$0xC20]  }
0xd8: {  	v5 =	vld [tilespmem:s14+$0xC30]  }
0xd9: {  	v4 =	vld [tilespmem:s14+$0xC40]  }
0xda: {  	v3 =	vld [tilespmem:s14+$0xC50]  }
0xdb: {  	v33 =	vld [tilespmem:s14+$0x5000]  }
0xdc: {  	v34 =	vld [tilespmem:s14+$0x5010]  }
0xdd: {  	v35 =	vld [tilespmem:s14+$0x5020]  }
0xde: {  	v36 =	vld [tilespmem:s14+$0x5030]  }
0xdf: {  	v37 =	vld [tilespmem:s14+$0x5040]  }
0xe0: {  	v38 =	vld [tilespmem:s14+$0x5050];
	v33 =	vmul.f32 $2.262741660e+01, v33  }
0xe1: {  	v39 =	vld [tilespmem:s14+$0x5060];
	v34 =	vmul.f32 $2.262741660e+01, v34  }
0xe2: {  	v59 =	vld [tilespmem:s14+$0x5070];
	v58 =	vmul.f32 $2.262741660e+01, v35;
	v10 =	vadd.f32 v10, v33  }
0xe3: {  	v61 =	vld [tilespmem:s14+$0x5400];
	v60 =	vmul.f32 $2.262741660e+01, v36;
	v11 =	vadd.f32 v11, v34  }
0xe4: {  	v62 =	vld [tilespmem:s14+$0x5410];
	[tilespmem:s14+$0x5000] =	vst v10;
	v10 =	vadd.f32 v12, v58;
	v12 =	vmul.f32 $2.262741660e+01, v37  }
0xe5: {  	v63 =	vld [tilespmem:s14+$0x5420];
	[tilespmem:s14+$0x5010] =	vst v11;
	v11 =	vadd.f32 v13, v60;
	v13 =	vmul.f32 $2.262741660e+01, v38  }
0xe6: {  	[tilespmem:s14+$0x5020] =	vst v10;
	v10 =	vadd.f32 v14, v12;
	v12 =	vmul.f32 $2.262741660e+01, v39;
	v14 =	vld [tilespmem:s14+$0x5430]  }
0xe7: {  	[tilespmem:s14+$0x5030] =	vst v11;
	v11 =	vadd.f32 v15, v13;
	v13 =	vmul.f32 $2.262741660e+01, v59;
	v15 =	vld [tilespmem:s14+$0x5440]  }
0xe8: {  	[tilespmem:s14+$0x5040] =	vst v10;
	v10 =	vadd.f32 v16, v12;
	v12 =	vmul.f32 $2.262741660e+01, v61;
	v16 =	vld [tilespmem:s14+$0x5450]  }
0xe9: {  	[tilespmem:s14+$0x5050] =	vst v11;
	v11 =	vadd.f32 v17, v13;
	v13 =	vmul.f32 $2.262741660e+01, v62;
	v17 =	vld [tilespmem:s14+$0x5460]  }
0xea: {  	[tilespmem:s14+$0x5060] =	vst v10;
	v10 =	vadd.f32 v18, v12;
	v12 =	vmul.f32 $2.262741660e+01, v63;
	v18 =	vld [tilespmem:s14+$0x5470]  }
0xeb: {  	[tilespmem:s14+$0x5070] =	vst v11;
	v11 =	vadd.f32 v19, v13;
	v13 =	vmul.f32 $2.262741660e+01, v14;
	v14 =	vld [tilespmem:s14+$0x5800]  }
0xec: {  	[tilespmem:s14+$0x5400] =	vst v10;
	v10 =	vadd.f32 v20, v12;
	v12 =	vmul.f32 $2.262741660e+01, v15;
	v15 =	vld [tilespmem:s14+$0x5810]  }
0xed: {  	[tilespmem:s14+$0x5410] =	vst v11;
	v11 =	vadd.f32 v21, v13;
	v13 =	vmul.f32 $2.262741660e+01, v16;
	v16 =	vld [tilespmem:s14+$0x5820]  }
0xee: {  	[tilespmem:s14+$0x5420] =	vst v10;
	v10 =	vadd.f32 v22, v12;
	v12 =	vmul.f32 $2.262741660e+01, v17;
	v17 =	vld [tilespmem:s14+$0x5830]  }
0xef: {  	[tilespmem:s14+$0x5430] =	vst v11;
	v11 =	vadd.f32 v23, v13;
	v13 =	vmul.f32 $2.262741660e+01, v18;
	v18 =	vld [tilespmem:s14+$0x5840]  }
0xf0: {  	v19 =	vld [tilespmem:s14+$0x5850];
	[tilespmem:s14+$0x5440] =	vst v10;
	v10 =	vadd.f32 v24, v12;
	v12 =	vmul.f32 $2.262741660e+01, v14  }
0xf1: {  	[tilespmem:s14+$0x5450] =	vst v11;
	v11 =	vadd.f32 v25, v13;
	v13 =	vmul.f32 $2.262741660e+01, v15;
	v15 =	vld [tilespmem:s14+$0x5860]  }
0xf2: {  	[tilespmem:s14+$0x5460] =	vst v10;
	v10 =	vadd.f32 v26, v12;
	v12 =	vmul.f32 $2.262741660e+01, v16;
	v16 =	vld [tilespmem:s14+$0x5870]  }
0xf3: {  	v20 =	vld [tilespmem:s14+$0x5C00];
	[tilespmem:s14+$0x5470] =	vst v11;
	v11 =	vadd.f32 v27, v13;
	v13 =	vmul.f32 $2.262741660e+01, v17  }
0xf4: {  	v14 =	vld [tilespmem:s14+$0x5C10];
	[tilespmem:s14+$0x5800] =	vst v10;
	v10 =	vadd.f32 v28, v12;
	v12 =	vmul.f32 $2.262741660e+01, v18  }
0xf5: {  	v17 =	vmul.f32 $2.262741660e+01, v19;
	[tilespmem:s14+$0x5810] =	vst v11;
	v11 =	vadd.f32 v29, v13;
	v13 =	vld [tilespmem:s14+$0x5C20]  }
0xf6: {  	[tilespmem:s14+$0x5820] =	vst v10;
	v10 =	vadd.f32 v30, v12;
	v18 =	vmul.f32 $2.262741660e+01, v15;
	v12 =	vld [tilespmem:s14+$0x5C30]  }
0xf7: {  	v15 =	vadd.f32 v31, v17;
	[tilespmem:s14+$0x5830] =	vst v11;
	v11 =	vld [tilespmem:s14+$0x5C40];
	v17 =	vmul.f32 $2.262741660e+01, v16  }
0xf8: {  	s17 =	simm.s32 $0x200;
	v16 =	vmul.f32 $2.262741660e+01, v20;
	[tilespmem:s14+$0x5840] =	vst v10;
	v18 =	vadd.f32 v32, v18;
	v10 =	vld [tilespmem:s14+$0x5C50]  }
.LBB2_3:
0xf9: {  	p1 =	sne.s32 s17, $0x4E00;
	[tilespmem:s14+$0x5850] =	vst v15;
	v9 =	vadd.f32 v9, v17;
	v14 =	vmul.f32 $2.262741660e+01, v14;
	v15 =	vld [tilespmem:s14+$0x5C60]  }
0xfa: {  	s15 =	sadd.s32 $0x80, s15;
	[tilespmem:s14+$0x5860] =	vst v18;
	v8 =	vadd.f32 v8, v16;
	v13 =	vmul.f32 $2.262741660e+01, v13;
	v16 =	vld [tilespmem:s14+$0x5C70]  }
0xfb: {  	s16 =	sand.u32 $0x7000, s17;
	s25 =	sand.u32 $0x380, s15;
	[tilespmem:s14+$0x5870] =	vst v9;
	v7 =	vadd.f32 v7, v14;
	v9 =	vmul.f32 $2.262741660e+01, v12;
	v12 =	vld [tilespmem:s14+$0xC60]  }
0xfc: {  	s16 =	sor.u32 s25, s16;
	[tilespmem:s14+$0x5C00] =	vst v8;
	v6 =	vadd.f32 v6, v13;
	v8 =	vmul.f32 $2.262741660e+01, v11;
	v11 =	vld [tilespmem:s14+$0xC70]  }
0xfd: {  	v17 =	vld [tilespmem:s16+$0x0];
	[tilespmem:s14+$0x5C10] =	vst v7;
	v5 =	vadd.f32 v5, v9;
	v7 =	vmul.f32 $2.262741660e+01, v10  }
0xfe: {  	v18 =	vld [tilespmem:s16+$0x10];
	[tilespmem:s14+$0x5C20] =	vst v6;
	v4 =	vadd.f32 v4, v8;
	v6 =	vmul.f32 $2.262741660e+01, v15  }
0xff: {  	v15 =	vld [tilespmem:s16+$0x20];
	[tilespmem:s14+$0x5C30] =	vst v5;
	v3 =	vadd.f32 v3, v7;
	v5 =	vmul.f32 $2.262741660e+01, v16  }
0x100: {  	v16 =	vld [tilespmem:s16+$0x30];
	[tilespmem:s14+$0x5C40] =	vst v4;
	v4 =	vadd.f32 v12, v6  }
0x101: {  	v19 =	vld [tilespmem:s16+$0x40];
	[tilespmem:s14+$0x5C50] =	vst v3;
	v3 =	vadd.f32 v11, v5  }
0x102: {  	v20 =	vld [tilespmem:s16+$0x50];
	[tilespmem:s14+$0x5C60] =	vst v4  }
0x103: {  	v21 =	vld [tilespmem:s16+$0x60];
	[tilespmem:s14+$0x5C70] =	vst v3;
	s14 =	smov.u32 s16  }
0x104: {  	v22 =	vld [tilespmem:s14+$0x70]  }
0x105: {  	v23 =	vld [tilespmem:s14+$0x400]  }
0x106: {  	v24 =	vld [tilespmem:s14+$0x410]  }
0x107: {  	v25 =	vld [tilespmem:s14+$0x420]  }
0x108: {  	v26 =	vld [tilespmem:s14+$0x430]  }
0x109: {  	v27 =	vld [tilespmem:s14+$0x440]  }
0x10a: {  	v28 =	vld [tilespmem:s14+$0x450]  }
0x10b: {  	v29 =	vld [tilespmem:s14+$0x460]  }
0x10c: {  	v30 =	vld [tilespmem:s14+$0x470]  }
0x10d: {  	v31 =	vld [tilespmem:s14+$0x800]  }
0x10e: {  	v32 =	vld [tilespmem:s14+$0x810]  }
0x10f: {  	v14 =	vld [tilespmem:s14+$0x820]  }
0x110: {  	v13 =	vld [tilespmem:s14+$0x830]  }
0x111: {  	v12 =	vld [tilespmem:s14+$0x840]  }
0x112: {  	v11 =	vld [tilespmem:s14+$0x850]  }
0x113: {  	v10 =	vld [tilespmem:s14+$0x860]  }
0x114: {  	v9 =	vld [tilespmem:s14+$0x870]  }
0x115: {  	v8 =	vld [tilespmem:s14+$0xC00]  }
0x116: {  	v7 =	vld [tilespmem:s14+$0xC10]  }
0x117: {  	v6 =	vld [tilespmem:s14+$0xC20]  }
0x118: {  	v5 =	vld [tilespmem:s14+$0xC30]  }
0x119: {  	v4 =	vld [tilespmem:s14+$0xC40]  }
0x11a: {  	v3 =	vld [tilespmem:s14+$0xC50]  }
0x11b: {  	v33 =	vld [tilespmem:s14+$0x5000]  }
0x11c: {  	v34 =	vld [tilespmem:s14+$0x5010]  }
0x11d: {  	v35 =	vld [tilespmem:s14+$0x5020]  }
0x11e: {  	v36 =	vld [tilespmem:s14+$0x5030]  }
0x11f: {  	v37 =	vld [tilespmem:s14+$0x5040]  }
0x120: {  	v33 =	vmul.f32 $2.262741660e+01, v33;
	v38 =	vld [tilespmem:s14+$0x5050]  }
0x121: {  	v34 =	vmul.f32 $2.262741660e+01, v34;
	v39 =	vld [tilespmem:s14+$0x5060]  }
0x122: {  	v17 =	vadd.f32 v17, v33;
	v33 =	vmul.f32 $2.262741660e+01, v35;
	v35 =	vld [tilespmem:s14+$0x5070]  }
0x123: {  	v18 =	vadd.f32 v18, v34;
	v34 =	vmul.f32 $2.262741660e+01, v36;
	v36 =	vld [tilespmem:s14+$0x5400]  }
0x124: {  	[tilespmem:s14+$0x5000] =	vst v17;
	v15 =	vadd.f32 v15, v33;
	v17 =	vmul.f32 $2.262741660e+01, v37;
	v33 =	vld [tilespmem:s14+$0x5410]  }
0x125: {  	[tilespmem:s14+$0x5010] =	vst v18;
	v16 =	vadd.f32 v16, v34;
	v18 =	vmul.f32 $2.262741660e+01, v38;
	v34 =	vld [tilespmem:s14+$0x5420]  }
0x126: {  	[tilespmem:s14+$0x5020] =	vst v15;
	v15 =	vadd.f32 v19, v17;
	v17 =	vmul.f32 $2.262741660e+01, v39;
	v19 =	vld [tilespmem:s14+$0x5430]  }
0x127: {  	[tilespmem:s14+$0x5030] =	vst v16;
	v16 =	vadd.f32 v20, v18;
	v18 =	vmul.f32 $2.262741660e+01, v35;
	v20 =	vld [tilespmem:s14+$0x5440]  }
0x128: {  	[tilespmem:s14+$0x5040] =	vst v15;
	v15 =	vadd.f32 v21, v17;
	v17 =	vmul.f32 $2.262741660e+01, v36;
	v21 =	vld [tilespmem:s14+$0x5450]  }
0x129: {  	[tilespmem:s14+$0x5050] =	vst v16;
	v16 =	vadd.f32 v22, v18;
	v18 =	vmul.f32 $2.262741660e+01, v33;
	v22 =	vld [tilespmem:s14+$0x5460]  }
0x12a: {  	[tilespmem:s14+$0x5060] =	vst v15;
	v15 =	vadd.f32 v23, v17;
	v17 =	vmul.f32 $2.262741660e+01, v34;
	v23 =	vld [tilespmem:s14+$0x5470]  }
0x12b: {  	[tilespmem:s14+$0x5070] =	vst v16;
	v16 =	vadd.f32 v24, v18;
	v18 =	vmul.f32 $2.262741660e+01, v19;
	v19 =	vld [tilespmem:s14+$0x5800]  }
0x12c: {  	[tilespmem:s14+$0x5400] =	vst v15;
	v15 =	vadd.f32 v25, v17;
	v17 =	vmul.f32 $2.262741660e+01, v20;
	v20 =	vld [tilespmem:s14+$0x5810]  }
0x12d: {  	[tilespmem:s14+$0x5410] =	vst v16;
	v16 =	vadd.f32 v26, v18;
	v18 =	vmul.f32 $2.262741660e+01, v21;
	v21 =	vld [tilespmem:s14+$0x5820]  }
0x12e: {  	[tilespmem:s14+$0x5420] =	vst v15;
	v15 =	vadd.f32 v27, v17;
	v17 =	vmul.f32 $2.262741660e+01, v22;
	v22 =	vld [tilespmem:s14+$0x5830]  }
0x12f: {  	[tilespmem:s14+$0x5430] =	vst v16;
	v16 =	vadd.f32 v28, v18;
	v18 =	vmul.f32 $2.262741660e+01, v23;
	v23 =	vld [tilespmem:s14+$0x5840]  }
0x130: {  	[tilespmem:s14+$0x5440] =	vst v15;
	v15 =	vadd.f32 v29, v17;
	v17 =	vmul.f32 $2.262741660e+01, v19;
	v19 =	vld [tilespmem:s14+$0x5850]  }
0x131: {  	[tilespmem:s14+$0x5450] =	vst v16;
	v16 =	vadd.f32 v30, v18;
	v18 =	vmul.f32 $2.262741660e+01, v20;
	v20 =	vld [tilespmem:s14+$0x5860]  }
0x132: {  	[tilespmem:s14+$0x5460] =	vst v15;
	v15 =	vadd.f32 v31, v17;
	v17 =	vmul.f32 $2.262741660e+01, v21;
	v21 =	vld [tilespmem:s14+$0x5870]  }
0x133: {  	[tilespmem:s14+$0x5470] =	vst v16;
	v16 =	vadd.f32 v32, v18;
	v18 =	vmul.f32 $2.262741660e+01, v22;
	v22 =	vld [tilespmem:s14+$0x5C00]  }
.Ltmp2:
0x134: {  	[tilespmem:s14+$0x5800] =	vst v15;
	v15 =	vadd.f32 v14, v17;
	v17 =	vmul.f32 $2.262741660e+01, v23;
	v14 =	vld [tilespmem:s14+$0x5C10];
	(pc) =	sbr.rel @p1 .LBB2_3-.Ltmp2, $4  }
0x135: {  	[tilespmem:s14+$0x5810] =	vst v16;
	v16 =	vadd.f32 v13, v18;
	v18 =	vmul.f32 $2.262741660e+01, v19;
	v13 =	vld [tilespmem:s14+$0x5C20]  }
0x136: {  	[tilespmem:s14+$0x5820] =	vst v15;
	v19 =	vadd.f32 v12, v17;
	v20 =	vmul.f32 $2.262741660e+01, v20;
	v12 =	vld [tilespmem:s14+$0x5C30]  }
0x137: {  	[tilespmem:s14+$0x5830] =	vst v16;
	v15 =	vadd.f32 v11, v18;
	v17 =	vmul.f32 $2.262741660e+01, v21;
	v11 =	vld [tilespmem:s14+$0x5C40]  }
0x138: {  	s17 =	sadd.s32 $0x200, s17;
	[tilespmem:s14+$0x5840] =	vst v19;
	v18 =	vadd.f32 v10, v20;
	v16 =	vmul.f32 $2.262741660e+01, v22;
	v10 =	vld [tilespmem:s14+$0x5C50]  }
0x139: {  	v9 =	vadd.f32 v9, v17  }
0x13a: {  	[tilespmem:s14+$0x5850] =	vst v15;
	v15 =	vld [tilespmem:s14+$0x5C60];
	v14 =	vmul.f32 $2.262741660e+01, v14  }
0x13b: {  	v8 =	vadd.f32 v8, v16;
	v16 =	vld [tilespmem:s14+$0x5C70];
	[tilespmem:s14+$0x5870] =	vst v9;
	v9 =	vmul.f32 $2.262741660e+01, v13  }
0x13c: {  	[tilespmem:s14+$0x5860] =	vst v18;
	v13 =	vld [tilespmem:s14+$0xC60];
	v7 =	vadd.f32 v7, v14;
	v12 =	vmul.f32 $2.262741660e+01, v12  }
0x13d: {  	[tilespmem:s14+$0x5C00] =	vst v8;
	v8 =	vmul.f32 $2.262741660e+01, v11;
	v6 =	vadd.f32 v6, v9;
	v9 =	vld [tilespmem:s14+$0xC70]  }
0x13e: {  	[tilespmem:s14+$0x5C10] =	vst v7;
	v5 =	vadd.f32 v5, v12;
	v7 =	vmul.f32 $2.262741660e+01, v10  }
0x13f: {  	s10 =	sor.u32 s7, s10;
	v4 =	vadd.f32 v4, v8;
	[tilespmem:s14+$0x5C20] =	vst v6;
	v6 =	vmul.f32 $2.262741660e+01, v15  }
0x140: {  	s15 =	sshrl.u32 s28, $0x5;
	s10 =	smul.u32 $0x3200, s10;
	[tilespmem:s14+$0x5C30] =	vst v5;
	v3 =	vadd.f32 v3, v7;
	v5 =	vmul.f32 $2.262741660e+01, v16  }
0x141: {  	s15 =	smul.u32 $0xA00, s15;
	[tilespmem:s14+$0x5C40] =	vst v4;
	v4 =	vadd.f32 v13, v6  }
0x142: {  	[tilespmem:s14+$0x5C50] =	vst v3;
	v3 =	vadd.f32 v9, v5  }
0x143: {  	s10 =	sadd.s32 s15, s10;
	[tilespmem:s14+$0x5C60] =	vst v4  }
0x144: {  	s9 =	simm.s32 $0x5000;
	s10 =	sadd.s32 s3, s10;
	[tilespmem:s14+$0x5C70] =	vst v3  }
0x145: {  	[hbm4b:s10+s4] =	stream.linear.scatter [tilespmem:s9], [sflag:$0x6], $0x5000, $0x38;
	[tilespmem:$0x1E280] =	vst v63  }
0x146: {  	s10 =	simm.s32 @!p0 $0x9  }
0x147: {  	_ =	swait.ge @!p0 [sflag:s10], $0x5000  }
0x148: {  	[sflag:s10] =	ssyncset.done @!p0 $0x0  }
0x149: {  	[sflag:s10] =	ssyncadd.s32 @!p0 $0xFFFFB000  }
0x14a: {  	_ =	swait.ge [sflag:s8], $0x28  }
0x14b: {  	[sflag:s8] =	ssyncset.done $0x0  }
0x14c: {  	[sflag:s8] =	ssyncadd.s32 $0xFFFFFFD8  }
0x14d: {  	v3 =	vld [tilespmem:$0x1E180];
	_ =	sdelay $0x4  }
0x14e: {  	v4 =	vshll.u32 v3, $0x2  }
0x14f: {  	v3 =	vand.u32 $0x7, v3;
	v4 =	vand.u32 $0xFFFFFFE0, v4  }
0x150: {  	v3 =	vor.u32 v3, v4  }
0x151: {  	v4 =	vperm.xlane v3, v0;
	_ =	sdelay $0x1  }
0x152: {  	v4 =	vadd.s32 v1, v4;
	_ =	sdelay $0x1  }
0x153: {  	v3 =	vperm.xlane v3, v2;
	_ =	sdelay $0x1  }
0x154: {  	v3 =	vadd.s32 v1, v3  }
0x155: {  	[tilespmem:s19], [sflag:$0x4] =	stream.indirect_vreg.gather [hbm4b:s2+s4], $0x80, v4, vm0, $0xb8;
	[tilespmem:$0x1E280] =	vst v63  }
0x156: {  	s14 =	simm.s32 $0x14800  }
0x157: {  	[tilespmem:s14], [sflag:$0x4] =	stream.indirect_vreg.gather [hbm4b:s13+s4], $0x80, v4, vm0, $0xb8;
	[tilespmem:$0x1E280] =	vst v63  }
0x158: {  	s15 =	simm.s32 $0x15000  }
0x159: {  	[tilespmem:s15], [sflag:$0x4] =	stream.indirect_vreg.gather [hbm4b:s2+s4], $0x80, v3, vm0, $0xb8;
	[tilespmem:$0x1E280] =	vst v63  }
0x15a: {  	s16 =	simm.s32 $0x15800  }
0x15b: {  	[tilespmem:s16], [sflag:$0x4] =	stream.indirect_vreg.gather [hbm4b:s13+s4], $0x80, v3, vm0, $0xb8;
	[tilespmem:$0x1E280] =	vst v63  }
0x15c: {  	v3 =	vld [tilespmem:$0x1E190];
	_ =	sdelay $0x4  }
0x15d: {  	v4 =	vshll.u32 v3, $0x2  }
0x15e: {  	v3 =	vand.u32 $0x7, v3;
	v4 =	vand.u32 $0xFFFFFFE0, v4  }
0x15f: {  	v3 =	vor.u32 v3, v4  }
0x160: {  	v4 =	vperm.xlane v3, v0;
	_ =	sdelay $0x1  }
0x161: {  	v4 =	vadd.s32 v1, v4;
	_ =	sdelay $0x1  }
0x162: {  	v3 =	vperm.xlane v3, v2;
	_ =	sdelay $0x1  }
0x163: {  	s17 =	simm.s32 $0x16000;
	v3 =	vadd.s32 v1, v3  }
0x164: {  	[tilespmem:s17], [sflag:$0x4] =	stream.indirect_vreg.gather [hbm4b:s2+s4], $0x80, v4, vm0, $0xb8;
	[tilespmem:$0x1E280] =	vst v63  }
0x165: {  	s25 =	simm.s32 $0x16800  }
0x166: {  	[tilespmem:s25], [sflag:$0x4] =	stream.indirect_vreg.gather [hbm4b:s13+s4], $0x80, v4, vm0, $0xb8;
	[tilespmem:$0x1E280] =	vst v63  }
0x167: {  	s26 =	simm.s32 $0x17000  }
0x168: {  	[tilespmem:s26], [sflag:$0x4] =	stream.indirect_vreg.gather [hbm4b:s2+s4], $0x80, v3, vm0, $0xb8;
	[tilespmem:$0x1E280] =	vst v63  }
0x169: {  	s30 =	simm.s32 $0x17800  }
0x16a: {  	[tilespmem:s30], [sflag:$0x4] =	stream.indirect_vreg.gather [hbm4b:s13+s4], $0x80, v3, vm0, $0xb8;
	[tilespmem:$0x1E280] =	vst v63  }
0x16b: {  	v3 =	vld.msk [tilespmem:$0x1E1A0], $0xff;
	_ =	sdelay $0x4  }
0x16c: {  	v4 =	vshll.u32 v3, $0x2  }
0x16d: {  	v3 =	vand.u32 $0x7, v3;
	v4 =	vand.u32 $0xFFFFFFE0, v4  }
0x16e: {  	v3 =	vor.u32 v3, v4  }
0x16f: {  	v3 =	vperm.xlane v3, v0;
	_ =	sdelay $0x1  }
0x170: {  	v3 =	vadd.s32 v1, v3;
	_ =	sdelay $0x3  }
0x171: {  	s10 =	simm.s32 $0x18000  }
0x172: {  	[tilespmem:s10], [sflag:$0x4] =	stream.indirect_vreg.gather [hbm4b:s2+s4], $0x80, v3, vm0, $0xb8;
	[tilespmem:$0x1E280] =	vst v63  }
0x173: {  	s15 =	rddreg [dreg:$0x5];
	s26 =	sadd.s32 $0x1, s28;
	s10 =	sadd.s32 $0x4, s28  }
0x174: {  	s14 =	simm.s32 $0x18800;
	s17 =	sand.u32 $0x1F, s26;
	s16 =	sadd.s32 s15, s10  }
0x175: {  	[tilespmem:s14], [sflag:$0x4] =	stream.indirect_vreg.gather [hbm4b:s13+s4], $0x80, v3, vm0, $0xb8;
	[tilespmem:$0x1E280] =	vst v63  }
0x176: {  	p1 =	sne.s32 s17, $0x0;
	s14 =	smul.u32 $0x5, s16  }
0x177: {  	s15 =	sshrl.u32 @!p1 s26, $0x5  }
0x178: {  	s25 =	simm.s32 $0x1E200;
	s15 =	smul.u32 @!p1 $0xA00, s15;
	s14 =	sadd.s32 s5, s14  }
0x179: {  	[tilespmem:s25], [sflag:$0xF] =	stream.linear.gather [hbm4b:s14+s4], $0x28, $0x38;
	[tilespmem:$0x1E280] =	vst v63  }
0x17a: {  	s14 =	sadd.s32 @!p1 s6, s15;
	s15 =	simm.s32 @!p1 $0x0  }
0x17b: {  	[tilespmem:s15], [sflag:$0x10] =	stream.linear.gather @!p1 [hbm4b:s14+s15], $0x5000, $0x38;
	[tilespmem:$0x1E280] =	vst v63  }
0x17c: {  	s14 =	simm.s32 @!p1 $0x10  }
0x17d: {  	_ =	swait.ge @!p1 [sflag:s14], $0x5000  }
0x17e: {  	[sflag:s14] =	ssyncset.done @!p1 $0x0  }
0x17f: {  	[sflag:s14] =	ssyncadd.s32 @!p1 $0xFFFFB000  }
0x180: {  	s15 =	simm.s32 $0x0;
	_ =	swait.ge [sflag:s11], $0x5000  }
0x181: {  	s30 =	sand.u32 $0x7000, s15;
	s16 =	sand.u32 $0x380, s15;
	[sflag:s11] =	ssyncset.done $0x0  }
0x182: {  	s14 =	sor.u32 s16, s30;
	[sflag:s11] =	ssyncadd.s32 $0xFFFFB000  }
0x183: {  	v10 =	vld [tilespmem:s14+$0x0]  }
0x184: {  	v11 =	vld [tilespmem:s14+$0x10]  }
0x185: {  	v12 =	vld [tilespmem:s14+$0x20]  }
0x186: {  	v13 =	vld [tilespmem:s14+$0x30]  }
0x187: {  	v14 =	vld [tilespmem:s14+$0x40]  }
0x188: {  	v15 =	vld [tilespmem:s14+$0x50]  }
0x189: {  	v16 =	vld [tilespmem:s14+$0x60]  }
0x18a: {  	v17 =	vld [tilespmem:s14+$0x70]  }
0x18b: {  	v18 =	vld [tilespmem:s14+$0x400]  }
0x18c: {  	v19 =	vld [tilespmem:s14+$0x410]  }
0x18d: {  	v20 =	vld [tilespmem:s14+$0x420]  }
0x18e: {  	v21 =	vld [tilespmem:s14+$0x430]  }
0x18f: {  	v22 =	vld [tilespmem:s14+$0x440]  }
0x190: {  	v23 =	vld [tilespmem:s14+$0x450]  }
0x191: {  	v24 =	vld [tilespmem:s14+$0x460]  }
0x192: {  	v25 =	vld [tilespmem:s14+$0x470]  }
0x193: {  	v26 =	vld [tilespmem:s14+$0x800]  }
0x194: {  	v27 =	vld [tilespmem:s14+$0x810]  }
0x195: {  	v28 =	vld [tilespmem:s14+$0x820]  }
0x196: {  	v29 =	vld [tilespmem:s14+$0x830]  }
0x197: {  	v30 =	vld [tilespmem:s14+$0x840]  }
0x198: {  	v31 =	vld [tilespmem:s14+$0x850]  }
0x199: {  	v32 =	vld [tilespmem:s14+$0x860]  }
0x19a: {  	v9 =	vld [tilespmem:s14+$0x870]  }
0x19b: {  	v8 =	vld [tilespmem:s14+$0xC00]  }
0x19c: {  	v7 =	vld [tilespmem:s14+$0xC10]  }
0x19d: {  	v6 =	vld [tilespmem:s14+$0xC20]  }
0x19e: {  	v5 =	vld [tilespmem:s14+$0xC30]  }
0x19f: {  	v4 =	vld [tilespmem:s14+$0xC40]  }
0x1a0: {  	v3 =	vld [tilespmem:s14+$0xC50]  }
0x1a1: {  	v33 =	vld [tilespmem:s14+$0xA000]  }
0x1a2: {  	v34 =	vld [tilespmem:s14+$0xA010]  }
0x1a3: {  	v35 =	vld [tilespmem:s14+$0xA020]  }
0x1a4: {  	v36 =	vld [tilespmem:s14+$0xA030]  }
0x1a5: {  	v37 =	vld [tilespmem:s14+$0xA040]  }
0x1a6: {  	v38 =	vld [tilespmem:s14+$0xA050];
	v33 =	vmul.f32 $2.262741660e+01, v33  }
0x1a7: {  	v39 =	vld [tilespmem:s14+$0xA060];
	v34 =	vmul.f32 $2.262741660e+01, v34  }
0x1a8: {  	v59 =	vld [tilespmem:s14+$0xA070];
	v58 =	vmul.f32 $2.262741660e+01, v35;
	v10 =	vadd.f32 v10, v33  }
0x1a9: {  	v61 =	vld [tilespmem:s14+$0xA400];
	v60 =	vmul.f32 $2.262741660e+01, v36;
	v11 =	vadd.f32 v11, v34  }
0x1aa: {  	v62 =	vld [tilespmem:s14+$0xA410];
	[tilespmem:s14+$0xA000] =	vst v10;
	v10 =	vadd.f32 v12, v58;
	v12 =	vmul.f32 $2.262741660e+01, v37  }
0x1ab: {  	v63 =	vld [tilespmem:s14+$0xA420];
	[tilespmem:s14+$0xA010] =	vst v11;
	v11 =	vadd.f32 v13, v60;
	v13 =	vmul.f32 $2.262741660e+01, v38  }
0x1ac: {  	[tilespmem:s14+$0xA020] =	vst v10;
	v10 =	vadd.f32 v14, v12;
	v12 =	vmul.f32 $2.262741660e+01, v39;
	v14 =	vld [tilespmem:s14+$0xA430]  }
0x1ad: {  	[tilespmem:s14+$0xA030] =	vst v11;
	v11 =	vadd.f32 v15, v13;
	v13 =	vmul.f32 $2.262741660e+01, v59;
	v15 =	vld [tilespmem:s14+$0xA440]  }
0x1ae: {  	[tilespmem:s14+$0xA040] =	vst v10;
	v10 =	vadd.f32 v16, v12;
	v12 =	vmul.f32 $2.262741660e+01, v61;
	v16 =	vld [tilespmem:s14+$0xA450]  }
0x1af: {  	[tilespmem:s14+$0xA050] =	vst v11;
	v11 =	vadd.f32 v17, v13;
	v13 =	vmul.f32 $2.262741660e+01, v62;
	v17 =	vld [tilespmem:s14+$0xA460]  }
0x1b0: {  	[tilespmem:s14+$0xA060] =	vst v10;
	v10 =	vadd.f32 v18, v12;
	v12 =	vmul.f32 $2.262741660e+01, v63;
	v18 =	vld [tilespmem:s14+$0xA470]  }
0x1b1: {  	[tilespmem:s14+$0xA070] =	vst v11;
	v11 =	vadd.f32 v19, v13;
	v13 =	vmul.f32 $2.262741660e+01, v14;
	v14 =	vld [tilespmem:s14+$0xA800]  }
0x1b2: {  	[tilespmem:s14+$0xA400] =	vst v10;
	v10 =	vadd.f32 v20, v12;
	v12 =	vmul.f32 $2.262741660e+01, v15;
	v15 =	vld [tilespmem:s14+$0xA810]  }
0x1b3: {  	[tilespmem:s14+$0xA410] =	vst v11;
	v11 =	vadd.f32 v21, v13;
	v13 =	vmul.f32 $2.262741660e+01, v16;
	v16 =	vld [tilespmem:s14+$0xA820]  }
0x1b4: {  	[tilespmem:s14+$0xA420] =	vst v10;
	v10 =	vadd.f32 v22, v12;
	v12 =	vmul.f32 $2.262741660e+01, v17;
	v17 =	vld [tilespmem:s14+$0xA830]  }
0x1b5: {  	[tilespmem:s14+$0xA430] =	vst v11;
	v11 =	vadd.f32 v23, v13;
	v13 =	vmul.f32 $2.262741660e+01, v18;
	v18 =	vld [tilespmem:s14+$0xA840]  }
0x1b6: {  	v19 =	vld [tilespmem:s14+$0xA850];
	[tilespmem:s14+$0xA440] =	vst v10;
	v10 =	vadd.f32 v24, v12;
	v12 =	vmul.f32 $2.262741660e+01, v14  }
0x1b7: {  	[tilespmem:s14+$0xA450] =	vst v11;
	v11 =	vadd.f32 v25, v13;
	v13 =	vmul.f32 $2.262741660e+01, v15;
	v15 =	vld [tilespmem:s14+$0xA860]  }
0x1b8: {  	[tilespmem:s14+$0xA460] =	vst v10;
	v10 =	vadd.f32 v26, v12;
	v12 =	vmul.f32 $2.262741660e+01, v16;
	v16 =	vld [tilespmem:s14+$0xA870]  }
0x1b9: {  	v20 =	vld [tilespmem:s14+$0xAC00];
	[tilespmem:s14+$0xA470] =	vst v11;
	v11 =	vadd.f32 v27, v13;
	v13 =	vmul.f32 $2.262741660e+01, v17  }
0x1ba: {  	v14 =	vld [tilespmem:s14+$0xAC10];
	[tilespmem:s14+$0xA800] =	vst v10;
	v10 =	vadd.f32 v28, v12;
	v12 =	vmul.f32 $2.262741660e+01, v18  }
0x1bb: {  	v17 =	vmul.f32 $2.262741660e+01, v19;
	[tilespmem:s14+$0xA810] =	vst v11;
	v11 =	vadd.f32 v29, v13;
	v13 =	vld [tilespmem:s14+$0xAC20]  }
0x1bc: {  	[tilespmem:s14+$0xA820] =	vst v10;
	v10 =	vadd.f32 v30, v12;
	v18 =	vmul.f32 $2.262741660e+01, v15;
	v12 =	vld [tilespmem:s14+$0xAC30]  }
0x1bd: {  	v15 =	vadd.f32 v31, v17;
	[tilespmem:s14+$0xA830] =	vst v11;
	v11 =	vld [tilespmem:s14+$0xAC40];
	v17 =	vmul.f32 $2.262741660e+01, v16  }
0x1be: {  	s25 =	sadd.s32 $0x3, s28;
	s16 =	simm.s32 $0x200;
	v16 =	vmul.f32 $2.262741660e+01, v20;
	[tilespmem:s14+$0xA840] =	vst v10;
	v18 =	vadd.f32 v32, v18;
	v10 =	vld [tilespmem:s14+$0xAC50]  }
.LBB2_5:
0x1bf: {  	p1 =	sne.s32 s16, $0x4E00;
	[tilespmem:s14+$0xA850] =	vst v15;
	v9 =	vadd.f32 v9, v17;
	v14 =	vmul.f32 $2.262741660e+01, v14;
	v15 =	vld [tilespmem:s14+$0xAC60]  }
0x1c0: {  	s15 =	sadd.s32 $0x80, s15;
	[tilespmem:s14+$0xA860] =	vst v18;
	v8 =	vadd.f32 v8, v16;
	v13 =	vmul.f32 $2.262741660e+01, v13;
	v16 =	vld [tilespmem:s14+$0xAC70]  }
0x1c1: {  	s9 =	sand.u32 $0x7000, s16;
	s30 =	sand.u32 $0x380, s15;
	[tilespmem:s14+$0xA870] =	vst v9;
	v7 =	vadd.f32 v7, v14;
	v9 =	vmul.f32 $2.262741660e+01, v12;
	v12 =	vld [tilespmem:s14+$0xC60]  }
0x1c2: {  	s9 =	sor.u32 s30, s9;
	[tilespmem:s14+$0xAC00] =	vst v8;
	v6 =	vadd.f32 v6, v13;
	v8 =	vmul.f32 $2.262741660e+01, v11;
	v11 =	vld [tilespmem:s14+$0xC70]  }
0x1c3: {  	v17 =	vld [tilespmem:s9+$0x0];
	[tilespmem:s14+$0xAC10] =	vst v7;
	v5 =	vadd.f32 v5, v9;
	v7 =	vmul.f32 $2.262741660e+01, v10  }
0x1c4: {  	v18 =	vld [tilespmem:s9+$0x10];
	[tilespmem:s14+$0xAC20] =	vst v6;
	v4 =	vadd.f32 v4, v8;
	v6 =	vmul.f32 $2.262741660e+01, v15  }
0x1c5: {  	v15 =	vld [tilespmem:s9+$0x20];
	[tilespmem:s14+$0xAC30] =	vst v5;
	v3 =	vadd.f32 v3, v7;
	v5 =	vmul.f32 $2.262741660e+01, v16  }
0x1c6: {  	v16 =	vld [tilespmem:s9+$0x30];
	[tilespmem:s14+$0xAC40] =	vst v4;
	v4 =	vadd.f32 v12, v6  }
0x1c7: {  	v19 =	vld [tilespmem:s9+$0x40];
	[tilespmem:s14+$0xAC50] =	vst v3;
	v3 =	vadd.f32 v11, v5  }
0x1c8: {  	v20 =	vld [tilespmem:s9+$0x50];
	[tilespmem:s14+$0xAC60] =	vst v4  }
0x1c9: {  	v21 =	vld [tilespmem:s9+$0x60];
	[tilespmem:s14+$0xAC70] =	vst v3;
	s14 =	smov.u32 s9  }
0x1ca: {  	v22 =	vld [tilespmem:s14+$0x70]  }
0x1cb: {  	v23 =	vld [tilespmem:s14+$0x400]  }
0x1cc: {  	v24 =	vld [tilespmem:s14+$0x410]  }
0x1cd: {  	v25 =	vld [tilespmem:s14+$0x420]  }
0x1ce: {  	v26 =	vld [tilespmem:s14+$0x430]  }
0x1cf: {  	v27 =	vld [tilespmem:s14+$0x440]  }
0x1d0: {  	v28 =	vld [tilespmem:s14+$0x450]  }
0x1d1: {  	v29 =	vld [tilespmem:s14+$0x460]  }
0x1d2: {  	v30 =	vld [tilespmem:s14+$0x470]  }
0x1d3: {  	v31 =	vld [tilespmem:s14+$0x800]  }
0x1d4: {  	v32 =	vld [tilespmem:s14+$0x810]  }
0x1d5: {  	v14 =	vld [tilespmem:s14+$0x820]  }
0x1d6: {  	v13 =	vld [tilespmem:s14+$0x830]  }
0x1d7: {  	v12 =	vld [tilespmem:s14+$0x840]  }
0x1d8: {  	v11 =	vld [tilespmem:s14+$0x850]  }
0x1d9: {  	v10 =	vld [tilespmem:s14+$0x860]  }
0x1da: {  	v9 =	vld [tilespmem:s14+$0x870]  }
0x1db: {  	v8 =	vld [tilespmem:s14+$0xC00]  }
0x1dc: {  	v7 =	vld [tilespmem:s14+$0xC10]  }
0x1dd: {  	v6 =	vld [tilespmem:s14+$0xC20]  }
0x1de: {  	v5 =	vld [tilespmem:s14+$0xC30]  }
0x1df: {  	v4 =	vld [tilespmem:s14+$0xC40]  }
0x1e0: {  	v3 =	vld [tilespmem:s14+$0xC50]  }
0x1e1: {  	v33 =	vld [tilespmem:s14+$0xA000]  }
0x1e2: {  	v34 =	vld [tilespmem:s14+$0xA010]  }
0x1e3: {  	v35 =	vld [tilespmem:s14+$0xA020]  }
0x1e4: {  	v36 =	vld [tilespmem:s14+$0xA030]  }
0x1e5: {  	v37 =	vld [tilespmem:s14+$0xA040]  }
0x1e6: {  	v33 =	vmul.f32 $2.262741660e+01, v33;
	v38 =	vld [tilespmem:s14+$0xA050]  }
0x1e7: {  	v34 =	vmul.f32 $2.262741660e+01, v34;
	v39 =	vld [tilespmem:s14+$0xA060]  }
0x1e8: {  	v17 =	vadd.f32 v17, v33;
	v33 =	vmul.f32 $2.262741660e+01, v35;
	v35 =	vld [tilespmem:s14+$0xA070]  }
0x1e9: {  	v18 =	vadd.f32 v18, v34;
	v34 =	vmul.f32 $2.262741660e+01, v36;
	v36 =	vld [tilespmem:s14+$0xA400]  }
0x1ea: {  	[tilespmem:s14+$0xA000] =	vst v17;
	v15 =	vadd.f32 v15, v33;
	v17 =	vmul.f32 $2.262741660e+01, v37;
	v33 =	vld [tilespmem:s14+$0xA410]  }
0x1eb: {  	[tilespmem:s14+$0xA010] =	vst v18;
	v16 =	vadd.f32 v16, v34;
	v18 =	vmul.f32 $2.262741660e+01, v38;
	v34 =	vld [tilespmem:s14+$0xA420]  }
0x1ec: {  	[tilespmem:s14+$0xA020] =	vst v15;
	v15 =	vadd.f32 v19, v17;
	v17 =	vmul.f32 $2.262741660e+01, v39;
	v19 =	vld [tilespmem:s14+$0xA430]  }
0x1ed: {  	[tilespmem:s14+$0xA030] =	vst v16;
	v16 =	vadd.f32 v20, v18;
	v18 =	vmul.f32 $2.262741660e+01, v35;
	v20 =	vld [tilespmem:s14+$0xA440]  }
0x1ee: {  	[tilespmem:s14+$0xA040] =	vst v15;
	v15 =	vadd.f32 v21, v17;
	v17 =	vmul.f32 $2.262741660e+01, v36;
	v21 =	vld [tilespmem:s14+$0xA450]  }
0x1ef: {  	[tilespmem:s14+$0xA050] =	vst v16;
	v16 =	vadd.f32 v22, v18;
	v18 =	vmul.f32 $2.262741660e+01, v33;
	v22 =	vld [tilespmem:s14+$0xA460]  }
0x1f0: {  	[tilespmem:s14+$0xA060] =	vst v15;
	v15 =	vadd.f32 v23, v17;
	v17 =	vmul.f32 $2.262741660e+01, v34;
	v23 =	vld [tilespmem:s14+$0xA470]  }
0x1f1: {  	[tilespmem:s14+$0xA070] =	vst v16;
	v16 =	vadd.f32 v24, v18;
	v18 =	vmul.f32 $2.262741660e+01, v19;
	v19 =	vld [tilespmem:s14+$0xA800]  }
0x1f2: {  	[tilespmem:s14+$0xA400] =	vst v15;
	v15 =	vadd.f32 v25, v17;
	v17 =	vmul.f32 $2.262741660e+01, v20;
	v20 =	vld [tilespmem:s14+$0xA810]  }
0x1f3: {  	[tilespmem:s14+$0xA410] =	vst v16;
	v16 =	vadd.f32 v26, v18;
	v18 =	vmul.f32 $2.262741660e+01, v21;
	v21 =	vld [tilespmem:s14+$0xA820]  }
0x1f4: {  	[tilespmem:s14+$0xA420] =	vst v15;
	v15 =	vadd.f32 v27, v17;
	v17 =	vmul.f32 $2.262741660e+01, v22;
	v22 =	vld [tilespmem:s14+$0xA830]  }
0x1f5: {  	[tilespmem:s14+$0xA430] =	vst v16;
	v16 =	vadd.f32 v28, v18;
	v18 =	vmul.f32 $2.262741660e+01, v23;
	v23 =	vld [tilespmem:s14+$0xA840]  }
0x1f6: {  	[tilespmem:s14+$0xA440] =	vst v15;
	v15 =	vadd.f32 v29, v17;
	v17 =	vmul.f32 $2.262741660e+01, v19;
	v19 =	vld [tilespmem:s14+$0xA850]  }
0x1f7: {  	[tilespmem:s14+$0xA450] =	vst v16;
	v16 =	vadd.f32 v30, v18;
	v18 =	vmul.f32 $2.262741660e+01, v20;
	v20 =	vld [tilespmem:s14+$0xA860]  }
0x1f8: {  	[tilespmem:s14+$0xA460] =	vst v15;
	v15 =	vadd.f32 v31, v17;
	v17 =	vmul.f32 $2.262741660e+01, v21;
	v21 =	vld [tilespmem:s14+$0xA870]  }
0x1f9: {  	[tilespmem:s14+$0xA470] =	vst v16;
	v16 =	vadd.f32 v32, v18;
	v18 =	vmul.f32 $2.262741660e+01, v22;
	v22 =	vld [tilespmem:s14+$0xAC00]  }
.Ltmp3:
0x1fa: {  	[tilespmem:s14+$0xA800] =	vst v15;
	v15 =	vadd.f32 v14, v17;
	v17 =	vmul.f32 $2.262741660e+01, v23;
	v14 =	vld [tilespmem:s14+$0xAC10];
	(pc) =	sbr.rel @p1 .LBB2_5-.Ltmp3, $4  }
0x1fb: {  	[tilespmem:s14+$0xA810] =	vst v16;
	v16 =	vadd.f32 v13, v18;
	v18 =	vmul.f32 $2.262741660e+01, v19;
	v13 =	vld [tilespmem:s14+$0xAC20]  }
0x1fc: {  	[tilespmem:s14+$0xA820] =	vst v15;
	v19 =	vadd.f32 v12, v17;
	v20 =	vmul.f32 $2.262741660e+01, v20;
	v12 =	vld [tilespmem:s14+$0xAC30]  }
0x1fd: {  	[tilespmem:s14+$0xA830] =	vst v16;
	v15 =	vadd.f32 v11, v18;
	v17 =	vmul.f32 $2.262741660e+01, v21;
	v11 =	vld [tilespmem:s14+$0xAC40]  }
0x1fe: {  	s16 =	sadd.s32 $0x200, s16;
	[tilespmem:s14+$0xA840] =	vst v19;
	v18 =	vadd.f32 v10, v20;
	v16 =	vmul.f32 $2.262741660e+01, v22;
	v10 =	vld [tilespmem:s14+$0xAC50]  }
0x1ff: {  	v9 =	vadd.f32 v9, v17  }
0x200: {  	[tilespmem:s14+$0xA850] =	vst v15;
	v15 =	vld [tilespmem:s14+$0xAC60];
	v14 =	vmul.f32 $2.262741660e+01, v14  }
0x201: {  	v8 =	vadd.f32 v8, v16;
	v16 =	vld [tilespmem:s14+$0xAC70];
	[tilespmem:s14+$0xA870] =	vst v9;
	v9 =	vmul.f32 $2.262741660e+01, v13  }
0x202: {  	[tilespmem:s14+$0xA860] =	vst v18;
	v13 =	vld [tilespmem:s14+$0xC60];
	v7 =	vadd.f32 v7, v14;
	v12 =	vmul.f32 $2.262741660e+01, v12  }
0x203: {  	[tilespmem:s14+$0xAC00] =	vst v8;
	v8 =	vmul.f32 $2.262741660e+01, v11;
	v6 =	vadd.f32 v6, v9;
	v9 =	vld [tilespmem:s14+$0xC70]  }
0x204: {  	[tilespmem:s14+$0xAC10] =	vst v7;
	v5 =	vadd.f32 v5, v12;
	v7 =	vmul.f32 $2.262741660e+01, v10  }
0x205: {  	s9 =	sor.u32 s7, s17;
	v4 =	vadd.f32 v4, v8;
	[tilespmem:s14+$0xAC20] =	vst v6;
	v6 =	vmul.f32 $2.262741660e+01, v15  }
0x206: {  	s15 =	sshrl.u32 s26, $0x5;
	s9 =	smul.u32 $0x3200, s9;
	[tilespmem:s14+$0xAC30] =	vst v5;
	v3 =	vadd.f32 v3, v7;
	v5 =	vmul.f32 $2.262741660e+01, v16  }
0x207: {  	s15 =	smul.u32 $0xA00, s15;
	[tilespmem:s14+$0xAC40] =	vst v4;
	v4 =	vadd.f32 v13, v6  }
0x208: {  	[tilespmem:s14+$0xAC50] =	vst v3;
	v3 =	vadd.f32 v9, v5  }
0x209: {  	s9 =	sadd.s32 s15, s9;
	[tilespmem:s14+$0xAC60] =	vst v4  }
0x20a: {  	s26 =	simm.s32 $0xA000;
	s9 =	sadd.s32 s3, s9;
	[tilespmem:s14+$0xAC70] =	vst v3  }
0x20b: {  	[hbm4b:s9+s4] =	stream.linear.scatter [tilespmem:s26], [sflag:$0x7], $0x5000, $0x38;
	[tilespmem:$0x1E280] =	vst v63  }
0x20c: {  	s9 =	simm.s32 @!p0 $0xA  }
0x20d: {  	_ =	swait.ge @!p0 [sflag:s9], $0x5000  }
0x20e: {  	[sflag:s9] =	ssyncset.done @!p0 $0x0  }
0x20f: {  	[sflag:s9] =	ssyncadd.s32 @!p0 $0xFFFFB000  }
0x210: {  	_ =	swait.ge [sflag:s12], $0x28  }
0x211: {  	[sflag:s12] =	ssyncset.done $0x0  }
0x212: {  	[sflag:s12] =	ssyncadd.s32 $0xFFFFFFD8  }
0x213: {  	v3 =	vld [tilespmem:$0x1E200];
	_ =	sdelay $0x4  }
0x214: {  	v4 =	vshll.u32 v3, $0x2  }
0x215: {  	v3 =	vand.u32 $0x7, v3;
	v4 =	vand.u32 $0xFFFFFFE0, v4  }
0x216: {  	v3 =	vor.u32 v3, v4  }
0x217: {  	v4 =	vperm.xlane v3, v0;
	_ =	sdelay $0x1  }
0x218: {  	v4 =	vadd.s32 v1, v4;
	_ =	sdelay $0x1  }
0x219: {  	v3 =	vperm.xlane v3, v2;
	_ =	sdelay $0x1  }
0x21a: {  	v3 =	vadd.s32 v1, v3  }
0x21b: {  	[tilespmem:s24], [sflag:$0x5] =	stream.indirect_vreg.gather [hbm4b:s2+s4], $0x80, v4, vm0, $0xb8;
	[tilespmem:$0x1E280] =	vst v63  }
0x21c: {  	s30 =	simm.s32 $0x19800  }
0x21d: {  	[tilespmem:s30], [sflag:$0x5] =	stream.indirect_vreg.gather [hbm4b:s13+s4], $0x80, v4, vm0, $0xb8;
	[tilespmem:$0x1E280] =	vst v63  }
0x21e: {  	s14 =	simm.s32 $0x1A000  }
0x21f: {  	[tilespmem:s14], [sflag:$0x5] =	stream.indirect_vreg.gather [hbm4b:s2+s4], $0x80, v3, vm0, $0xb8;
	[tilespmem:$0x1E280] =	vst v63  }
0x220: {  	s15 =	simm.s32 $0x1A800  }
0x221: {  	[tilespmem:s15], [sflag:$0x5] =	stream.indirect_vreg.gather [hbm4b:s13+s4], $0x80, v3, vm0, $0xb8;
	[tilespmem:$0x1E280] =	vst v63  }
0x222: {  	v3 =	vld [tilespmem:$0x1E210];
	_ =	sdelay $0x4  }
0x223: {  	v4 =	vshll.u32 v3, $0x2  }
0x224: {  	v3 =	vand.u32 $0x7, v3;
	v4 =	vand.u32 $0xFFFFFFE0, v4  }
0x225: {  	v3 =	vor.u32 v3, v4  }
0x226: {  	v4 =	vperm.xlane v3, v0;
	_ =	sdelay $0x1  }
0x227: {  	v4 =	vadd.s32 v1, v4;
	_ =	sdelay $0x1  }
0x228: {  	v3 =	vperm.xlane v3, v2;
	_ =	sdelay $0x1  }
0x229: {  	s16 =	simm.s32 $0x1B000;
	v3 =	vadd.s32 v1, v3  }
0x22a: {  	[tilespmem:s16], [sflag:$0x5] =	stream.indirect_vreg.gather [hbm4b:s2+s4], $0x80, v4, vm0, $0xb8;
	[tilespmem:$0x1E280] =	vst v63  }
0x22b: {  	s17 =	simm.s32 $0x1B800  }
0x22c: {  	[tilespmem:s17], [sflag:$0x5] =	stream.indirect_vreg.gather [hbm4b:s13+s4], $0x80, v4, vm0, $0xb8;
	[tilespmem:$0x1E280] =	vst v63  }
0x22d: {  	s26 =	simm.s32 $0x1C000  }
0x22e: {  	[tilespmem:s26], [sflag:$0x5] =	stream.indirect_vreg.gather [hbm4b:s2+s4], $0x80, v3, vm0, $0xb8;
	[tilespmem:$0x1E280] =	vst v63  }
0x22f: {  	s30 =	simm.s32 $0x1C800  }
0x230: {  	[tilespmem:s30], [sflag:$0x5] =	stream.indirect_vreg.gather [hbm4b:s13+s4], $0x80, v3, vm0, $0xb8;
	[tilespmem:$0x1E280] =	vst v63  }
0x231: {  	v3 =	vld.msk [tilespmem:$0x1E220], $0xff;
	_ =	sdelay $0x4  }
0x232: {  	v4 =	vshll.u32 v3, $0x2  }
0x233: {  	v3 =	vand.u32 $0x7, v3;
	v4 =	vand.u32 $0xFFFFFFE0, v4  }
0x234: {  	v3 =	vor.u32 v3, v4  }
0x235: {  	v3 =	vperm.xlane v3, v0;
	_ =	sdelay $0x1  }
0x236: {  	p0 =	seq.s32 s21, $0x1F;
	v3 =	vadd.s32 v1, v3  }
0x237: {  	s26 =	sadd.s32 @!p0 $0x2, s28  }
0x238: {  	s9 =	rddreg [dreg:$0x9];
	s17 =	sand.u32 @!p0 $0x1F, s26  }
0x239: {  	s9 =	sadd.s32 @!p0 s28, s9;
	p1 =	sne.s32 @!p0 s17, $0x0  }
0x23a: {  	s9 =	smul.u32 @!p0 $0x5, s9;
	s14 =	simm.s32 $0x1D000;
	p2 =	por p1, p0  }
0x23b: {  	[tilespmem:s14], [sflag:$0x5] =	stream.indirect_vreg.gather [hbm4b:s2+s4], $0x80, v3, vm0, $0xb8;
	[tilespmem:$0x1E280] =	vst v63  }
0x23c: {  	s9 =	sadd.s32 @!p0 s5, s9;
	s15 =	simm.s32 $0x1D800;
	s14 =	sshrl.u32 @!p2 s26, $0x5  }
0x23d: {  	[tilespmem:s15], [sflag:$0x5] =	stream.indirect_vreg.gather [hbm4b:s13+s4], $0x80, v3, vm0, $0xb8;
	[tilespmem:$0x1E280] =	vst v63  }
0x23e: {  	s16 =	simm.s32 @!p0 $0x1E000;
	s14 =	smul.u32 @!p2 $0xA00, s14;
	s15 =	simm.s32 @!p0 $0x0  }
0x23f: {  	[tilespmem:s16], [sflag:$0xB] =	stream.linear.gather @!p0 [hbm4b:s9+s15], $0x28, $0x38;
	[tilespmem:$0x1E280] =	vst v63  }
0x240: {  	s9 =	sadd.s32 @!p2 s6, s14;
	s14 =	simm.s32 @!p2 $0x0  }
0x241: {  	[tilespmem:s14], [sflag:$0x10] =	stream.linear.gather @!p2 [hbm4b:s9+s14], $0x5000, $0x38;
	[tilespmem:$0x1E280] =	vst v63  }
0x242: {  	s9 =	simm.s32 @!p2 $0x10  }
0x243: {  	_ =	swait.ge @!p2 [sflag:s9], $0x5000  }
0x244: {  	[sflag:s9] =	ssyncset.done @!p2 $0x0  }
0x245: {  	[sflag:s9] =	ssyncadd.s32 @!p2 $0xFFFFB000  }
0x246: {  	s15 =	simm.s32 $0x0;
	_ =	swait.ge [sflag:s22], $0x5000  }
0x247: {  	s16 =	sand.u32 $0x7000, s15;
	s30 =	sand.u32 $0x380, s15;
	[sflag:s22] =	ssyncset.done $0x0  }
0x248: {  	s14 =	sor.u32 s30, s16;
	[sflag:s22] =	ssyncadd.s32 $0xFFFFB000  }
0x249: {  	v10 =	vld [tilespmem:s14+$0x0]  }
0x24a: {  	v11 =	vld [tilespmem:s14+$0x10]  }
0x24b: {  	v12 =	vld [tilespmem:s14+$0x20]  }
0x24c: {  	v13 =	vld [tilespmem:s14+$0x30]  }
0x24d: {  	v14 =	vld [tilespmem:s14+$0x40]  }
0x24e: {  	v15 =	vld [tilespmem:s14+$0x50]  }
0x24f: {  	v16 =	vld [tilespmem:s14+$0x60]  }
0x250: {  	v17 =	vld [tilespmem:s14+$0x70]  }
0x251: {  	v18 =	vld [tilespmem:s14+$0x400]  }
0x252: {  	v19 =	vld [tilespmem:s14+$0x410]  }
0x253: {  	v20 =	vld [tilespmem:s14+$0x420]  }
0x254: {  	v21 =	vld [tilespmem:s14+$0x430]  }
0x255: {  	v22 =	vld [tilespmem:s14+$0x440]  }
0x256: {  	v23 =	vld [tilespmem:s14+$0x450]  }
0x257: {  	v24 =	vld [tilespmem:s14+$0x460]  }
0x258: {  	v25 =	vld [tilespmem:s14+$0x470]  }
0x259: {  	v26 =	vld [tilespmem:s14+$0x800]  }
0x25a: {  	v27 =	vld [tilespmem:s14+$0x810]  }
0x25b: {  	v28 =	vld [tilespmem:s14+$0x820]  }
0x25c: {  	v29 =	vld [tilespmem:s14+$0x830]  }
0x25d: {  	v30 =	vld [tilespmem:s14+$0x840]  }
0x25e: {  	v31 =	vld [tilespmem:s14+$0x850]  }
0x25f: {  	v32 =	vld [tilespmem:s14+$0x860]  }
0x260: {  	v9 =	vld [tilespmem:s14+$0x870]  }
0x261: {  	v8 =	vld [tilespmem:s14+$0xC00]  }
0x262: {  	v7 =	vld [tilespmem:s14+$0xC10]  }
0x263: {  	v6 =	vld [tilespmem:s14+$0xC20]  }
0x264: {  	v5 =	vld [tilespmem:s14+$0xC30]  }
0x265: {  	v4 =	vld [tilespmem:s14+$0xC40]  }
0x266: {  	v3 =	vld [tilespmem:s14+$0xC50]  }
0x267: {  	v33 =	vld [tilespmem:s14+$0xF000]  }
0x268: {  	v34 =	vld [tilespmem:s14+$0xF010]  }
0x269: {  	v35 =	vld [tilespmem:s14+$0xF020]  }
0x26a: {  	v36 =	vld [tilespmem:s14+$0xF030]  }
0x26b: {  	v37 =	vld [tilespmem:s14+$0xF040]  }
0x26c: {  	v38 =	vld [tilespmem:s14+$0xF050];
	v33 =	vmul.f32 $2.262741660e+01, v33  }
0x26d: {  	v39 =	vld [tilespmem:s14+$0xF060];
	v34 =	vmul.f32 $2.262741660e+01, v34  }
0x26e: {  	v59 =	vld [tilespmem:s14+$0xF070];
	v58 =	vmul.f32 $2.262741660e+01, v35;
	v10 =	vadd.f32 v10, v33  }
0x26f: {  	v61 =	vld [tilespmem:s14+$0xF400];
	v60 =	vmul.f32 $2.262741660e+01, v36;
	v11 =	vadd.f32 v11, v34  }
0x270: {  	v62 =	vld [tilespmem:s14+$0xF410];
	[tilespmem:s14+$0xF000] =	vst v10;
	v10 =	vadd.f32 v12, v58;
	v12 =	vmul.f32 $2.262741660e+01, v37  }
0x271: {  	v63 =	vld [tilespmem:s14+$0xF420];
	[tilespmem:s14+$0xF010] =	vst v11;
	v11 =	vadd.f32 v13, v60;
	v13 =	vmul.f32 $2.262741660e+01, v38  }
0x272: {  	[tilespmem:s14+$0xF020] =	vst v10;
	v10 =	vadd.f32 v14, v12;
	v12 =	vmul.f32 $2.262741660e+01, v39;
	v14 =	vld [tilespmem:s14+$0xF430]  }
0x273: {  	[tilespmem:s14+$0xF030] =	vst v11;
	v11 =	vadd.f32 v15, v13;
	v13 =	vmul.f32 $2.262741660e+01, v59;
	v15 =	vld [tilespmem:s14+$0xF440]  }
0x274: {  	[tilespmem:s14+$0xF040] =	vst v10;
	v10 =	vadd.f32 v16, v12;
	v12 =	vmul.f32 $2.262741660e+01, v61;
	v16 =	vld [tilespmem:s14+$0xF450]  }
0x275: {  	[tilespmem:s14+$0xF050] =	vst v11;
	v11 =	vadd.f32 v17, v13;
	v13 =	vmul.f32 $2.262741660e+01, v62;
	v17 =	vld [tilespmem:s14+$0xF460]  }
0x276: {  	[tilespmem:s14+$0xF060] =	vst v10;
	v10 =	vadd.f32 v18, v12;
	v12 =	vmul.f32 $2.262741660e+01, v63;
	v18 =	vld [tilespmem:s14+$0xF470]  }
0x277: {  	[tilespmem:s14+$0xF070] =	vst v11;
	v11 =	vadd.f32 v19, v13;
	v13 =	vmul.f32 $2.262741660e+01, v14;
	v14 =	vld [tilespmem:s14+$0xF800]  }
0x278: {  	[tilespmem:s14+$0xF400] =	vst v10;
	v10 =	vadd.f32 v20, v12;
	v12 =	vmul.f32 $2.262741660e+01, v15;
	v15 =	vld [tilespmem:s14+$0xF810]  }
0x279: {  	[tilespmem:s14+$0xF410] =	vst v11;
	v11 =	vadd.f32 v21, v13;
	v13 =	vmul.f32 $2.262741660e+01, v16;
	v16 =	vld [tilespmem:s14+$0xF820]  }
0x27a: {  	[tilespmem:s14+$0xF420] =	vst v10;
	v10 =	vadd.f32 v22, v12;
	v12 =	vmul.f32 $2.262741660e+01, v17;
	v17 =	vld [tilespmem:s14+$0xF830]  }
0x27b: {  	[tilespmem:s14+$0xF430] =	vst v11;
	v11 =	vadd.f32 v23, v13;
	v13 =	vmul.f32 $2.262741660e+01, v18;
	v18 =	vld [tilespmem:s14+$0xF840]  }
0x27c: {  	v19 =	vld [tilespmem:s14+$0xF850];
	[tilespmem:s14+$0xF440] =	vst v10;
	v10 =	vadd.f32 v24, v12;
	v12 =	vmul.f32 $2.262741660e+01, v14  }
0x27d: {  	[tilespmem:s14+$0xF450] =	vst v11;
	v11 =	vadd.f32 v25, v13;
	v13 =	vmul.f32 $2.262741660e+01, v15;
	v15 =	vld [tilespmem:s14+$0xF860]  }
0x27e: {  	[tilespmem:s14+$0xF460] =	vst v10;
	v10 =	vadd.f32 v26, v12;
	v12 =	vmul.f32 $2.262741660e+01, v16;
	v16 =	vld [tilespmem:s14+$0xF870]  }
0x27f: {  	v20 =	vld [tilespmem:s14+$0xFC00];
	[tilespmem:s14+$0xF470] =	vst v11;
	v11 =	vadd.f32 v27, v13;
	v13 =	vmul.f32 $2.262741660e+01, v17  }
0x280: {  	v14 =	vld [tilespmem:s14+$0xFC10];
	[tilespmem:s14+$0xF800] =	vst v10;
	v10 =	vadd.f32 v28, v12;
	v12 =	vmul.f32 $2.262741660e+01, v18  }
0x281: {  	p1 =	por !p1, p0;
	v17 =	vmul.f32 $2.262741660e+01, v19;
	[tilespmem:s14+$0xF810] =	vst v11;
	v11 =	vadd.f32 v29, v13;
	v13 =	vld [tilespmem:s14+$0xFC20]  }
0x282: {  	s17 =	simm.s32 @p1 $0x0;
	[tilespmem:s14+$0xF820] =	vst v10;
	v10 =	vadd.f32 v30, v12;
	v18 =	vmul.f32 $2.262741660e+01, v15;
	v12 =	vld [tilespmem:s14+$0xFC30]  }
0x283: {  	s17 =	simm.s32 @p0 $0x1D;
	v15 =	vadd.f32 v31, v17;
	[tilespmem:s14+$0xF830] =	vst v11;
	v11 =	vld [tilespmem:s14+$0xFC40];
	v17 =	vmul.f32 $2.262741660e+01, v16  }
0x284: {  	s26 =	simm.s32 @p0 $0x9D;
	s16 =	simm.s32 $0x200;
	v16 =	vmul.f32 $2.262741660e+01, v20;
	[tilespmem:s14+$0xF840] =	vst v10;
	v18 =	vadd.f32 v32, v18;
	v10 =	vld [tilespmem:s14+$0xFC50]  }
.LBB2_7:
0x285: {  	p1 =	sne.s32 s16, $0x4E00;
	[tilespmem:s14+$0xF850] =	vst v15;
	v9 =	vadd.f32 v9, v17;
	v14 =	vmul.f32 $2.262741660e+01, v14;
	v15 =	vld [tilespmem:s14+$0xFC60]  }
0x286: {  	s15 =	sadd.s32 $0x80, s15;
	[tilespmem:s14+$0xF860] =	vst v18;
	v8 =	vadd.f32 v8, v16;
	v13 =	vmul.f32 $2.262741660e+01, v13;
	v16 =	vld [tilespmem:s14+$0xFC70]  }
0x287: {  	s9 =	sand.u32 $0x7000, s16;
	s30 =	sand.u32 $0x380, s15;
	[tilespmem:s14+$0xF870] =	vst v9;
	v7 =	vadd.f32 v7, v14;
	v9 =	vmul.f32 $2.262741660e+01, v12;
	v12 =	vld [tilespmem:s14+$0xC60]  }
0x288: {  	s9 =	sor.u32 s30, s9;
	[tilespmem:s14+$0xFC00] =	vst v8;
	v6 =	vadd.f32 v6, v13;
	v8 =	vmul.f32 $2.262741660e+01, v11;
	v11 =	vld [tilespmem:s14+$0xC70]  }
0x289: {  	v17 =	vld [tilespmem:s9+$0x0];
	[tilespmem:s14+$0xFC10] =	vst v7;
	v5 =	vadd.f32 v5, v9;
	v7 =	vmul.f32 $2.262741660e+01, v10  }
0x28a: {  	v18 =	vld [tilespmem:s9+$0x10];
	[tilespmem:s14+$0xFC20] =	vst v6;
	v4 =	vadd.f32 v4, v8;
	v6 =	vmul.f32 $2.262741660e+01, v15  }
0x28b: {  	v15 =	vld [tilespmem:s9+$0x20];
	[tilespmem:s14+$0xFC30] =	vst v5;
	v3 =	vadd.f32 v3, v7;
	v5 =	vmul.f32 $2.262741660e+01, v16  }
0x28c: {  	v16 =	vld [tilespmem:s9+$0x30];
	[tilespmem:s14+$0xFC40] =	vst v4;
	v4 =	vadd.f32 v12, v6  }
0x28d: {  	v19 =	vld [tilespmem:s9+$0x40];
	[tilespmem:s14+$0xFC50] =	vst v3;
	v3 =	vadd.f32 v11, v5  }
0x28e: {  	v20 =	vld [tilespmem:s9+$0x50];
	[tilespmem:s14+$0xFC60] =	vst v4  }
0x28f: {  	v21 =	vld [tilespmem:s9+$0x60];
	[tilespmem:s14+$0xFC70] =	vst v3;
	s14 =	smov.u32 s9  }
0x290: {  	v22 =	vld [tilespmem:s14+$0x70]  }
0x291: {  	v23 =	vld [tilespmem:s14+$0x400]  }
0x292: {  	v24 =	vld [tilespmem:s14+$0x410]  }
0x293: {  	v25 =	vld [tilespmem:s14+$0x420]  }
0x294: {  	v26 =	vld [tilespmem:s14+$0x430]  }
0x295: {  	v27 =	vld [tilespmem:s14+$0x440]  }
0x296: {  	v28 =	vld [tilespmem:s14+$0x450]  }
0x297: {  	v29 =	vld [tilespmem:s14+$0x460]  }
0x298: {  	v30 =	vld [tilespmem:s14+$0x470]  }
0x299: {  	v31 =	vld [tilespmem:s14+$0x800]  }
0x29a: {  	v32 =	vld [tilespmem:s14+$0x810]  }
0x29b: {  	v14 =	vld [tilespmem:s14+$0x820]  }
0x29c: {  	v13 =	vld [tilespmem:s14+$0x830]  }
0x29d: {  	v12 =	vld [tilespmem:s14+$0x840]  }
0x29e: {  	v11 =	vld [tilespmem:s14+$0x850]  }
0x29f: {  	v10 =	vld [tilespmem:s14+$0x860]  }
0x2a0: {  	v9 =	vld [tilespmem:s14+$0x870]  }
0x2a1: {  	v8 =	vld [tilespmem:s14+$0xC00]  }
0x2a2: {  	v7 =	vld [tilespmem:s14+$0xC10]  }
0x2a3: {  	v6 =	vld [tilespmem:s14+$0xC20]  }
0x2a4: {  	v5 =	vld [tilespmem:s14+$0xC30]  }
0x2a5: {  	v4 =	vld [tilespmem:s14+$0xC40]  }
0x2a6: {  	v3 =	vld [tilespmem:s14+$0xC50]  }
0x2a7: {  	v33 =	vld [tilespmem:s14+$0xF000]  }
0x2a8: {  	v34 =	vld [tilespmem:s14+$0xF010]  }
0x2a9: {  	v35 =	vld [tilespmem:s14+$0xF020]  }
0x2aa: {  	v36 =	vld [tilespmem:s14+$0xF030]  }
0x2ab: {  	v37 =	vld [tilespmem:s14+$0xF040]  }
0x2ac: {  	v33 =	vmul.f32 $2.262741660e+01, v33;
	v38 =	vld [tilespmem:s14+$0xF050]  }
0x2ad: {  	v34 =	vmul.f32 $2.262741660e+01, v34;
	v39 =	vld [tilespmem:s14+$0xF060]  }
0x2ae: {  	v17 =	vadd.f32 v17, v33;
	v33 =	vmul.f32 $2.262741660e+01, v35;
	v35 =	vld [tilespmem:s14+$0xF070]  }
0x2af: {  	v18 =	vadd.f32 v18, v34;
	v34 =	vmul.f32 $2.262741660e+01, v36;
	v36 =	vld [tilespmem:s14+$0xF400]  }
0x2b0: {  	[tilespmem:s14+$0xF000] =	vst v17;
	v15 =	vadd.f32 v15, v33;
	v17 =	vmul.f32 $2.262741660e+01, v37;
	v33 =	vld [tilespmem:s14+$0xF410]  }
0x2b1: {  	[tilespmem:s14+$0xF010] =	vst v18;
	v16 =	vadd.f32 v16, v34;
	v18 =	vmul.f32 $2.262741660e+01, v38;
	v34 =	vld [tilespmem:s14+$0xF420]  }
0x2b2: {  	[tilespmem:s14+$0xF020] =	vst v15;
	v15 =	vadd.f32 v19, v17;
	v17 =	vmul.f32 $2.262741660e+01, v39;
	v19 =	vld [tilespmem:s14+$0xF430]  }
0x2b3: {  	[tilespmem:s14+$0xF030] =	vst v16;
	v16 =	vadd.f32 v20, v18;
	v18 =	vmul.f32 $2.262741660e+01, v35;
	v20 =	vld [tilespmem:s14+$0xF440]  }
0x2b4: {  	[tilespmem:s14+$0xF040] =	vst v15;
	v15 =	vadd.f32 v21, v17;
	v17 =	vmul.f32 $2.262741660e+01, v36;
	v21 =	vld [tilespmem:s14+$0xF450]  }
0x2b5: {  	[tilespmem:s14+$0xF050] =	vst v16;
	v16 =	vadd.f32 v22, v18;
	v18 =	vmul.f32 $2.262741660e+01, v33;
	v22 =	vld [tilespmem:s14+$0xF460]  }
0x2b6: {  	[tilespmem:s14+$0xF060] =	vst v15;
	v15 =	vadd.f32 v23, v17;
	v17 =	vmul.f32 $2.262741660e+01, v34;
	v23 =	vld [tilespmem:s14+$0xF470]  }
0x2b7: {  	[tilespmem:s14+$0xF070] =	vst v16;
	v16 =	vadd.f32 v24, v18;
	v18 =	vmul.f32 $2.262741660e+01, v19;
	v19 =	vld [tilespmem:s14+$0xF800]  }
0x2b8: {  	[tilespmem:s14+$0xF400] =	vst v15;
	v15 =	vadd.f32 v25, v17;
	v17 =	vmul.f32 $2.262741660e+01, v20;
	v20 =	vld [tilespmem:s14+$0xF810]  }
0x2b9: {  	[tilespmem:s14+$0xF410] =	vst v16;
	v16 =	vadd.f32 v26, v18;
	v18 =	vmul.f32 $2.262741660e+01, v21;
	v21 =	vld [tilespmem:s14+$0xF820]  }
0x2ba: {  	[tilespmem:s14+$0xF420] =	vst v15;
	v15 =	vadd.f32 v27, v17;
	v17 =	vmul.f32 $2.262741660e+01, v22;
	v22 =	vld [tilespmem:s14+$0xF830]  }
0x2bb: {  	[tilespmem:s14+$0xF430] =	vst v16;
	v16 =	vadd.f32 v28, v18;
	v18 =	vmul.f32 $2.262741660e+01, v23;
	v23 =	vld [tilespmem:s14+$0xF840]  }
0x2bc: {  	[tilespmem:s14+$0xF440] =	vst v15;
	v15 =	vadd.f32 v29, v17;
	v17 =	vmul.f32 $2.262741660e+01, v19;
	v19 =	vld [tilespmem:s14+$0xF850]  }
0x2bd: {  	[tilespmem:s14+$0xF450] =	vst v16;
	v16 =	vadd.f32 v30, v18;
	v18 =	vmul.f32 $2.262741660e+01, v20;
	v20 =	vld [tilespmem:s14+$0xF860]  }
0x2be: {  	[tilespmem:s14+$0xF460] =	vst v15;
	v15 =	vadd.f32 v31, v17;
	v17 =	vmul.f32 $2.262741660e+01, v21;
	v21 =	vld [tilespmem:s14+$0xF870]  }
0x2bf: {  	[tilespmem:s14+$0xF470] =	vst v16;
	v16 =	vadd.f32 v32, v18;
	v18 =	vmul.f32 $2.262741660e+01, v22;
	v22 =	vld [tilespmem:s14+$0xFC00]  }
.Ltmp4:
0x2c0: {  	[tilespmem:s14+$0xF800] =	vst v15;
	v15 =	vadd.f32 v14, v17;
	v17 =	vmul.f32 $2.262741660e+01, v23;
	v14 =	vld [tilespmem:s14+$0xFC10];
	(pc) =	sbr.rel @p1 .LBB2_7-.Ltmp4, $4  }
0x2c1: {  	[tilespmem:s14+$0xF810] =	vst v16;
	v16 =	vadd.f32 v13, v18;
	v18 =	vmul.f32 $2.262741660e+01, v19;
	v13 =	vld [tilespmem:s14+$0xFC20]  }
0x2c2: {  	[tilespmem:s14+$0xF820] =	vst v15;
	v19 =	vadd.f32 v12, v17;
	v20 =	vmul.f32 $2.262741660e+01, v20;
	v12 =	vld [tilespmem:s14+$0xFC30]  }
0x2c3: {  	[tilespmem:s14+$0xF830] =	vst v16;
	v15 =	vadd.f32 v11, v18;
	v17 =	vmul.f32 $2.262741660e+01, v21;
	v11 =	vld [tilespmem:s14+$0xFC40]  }
0x2c4: {  	s16 =	sadd.s32 $0x200, s16;
	[tilespmem:s14+$0xF840] =	vst v19;
	v18 =	vadd.f32 v10, v20;
	v16 =	vmul.f32 $2.262741660e+01, v22;
	v10 =	vld [tilespmem:s14+$0xFC50]  }
0x2c5: {  	v9 =	vadd.f32 v9, v17  }
0x2c6: {  	[tilespmem:s14+$0xF850] =	vst v15;
	v15 =	vld [tilespmem:s14+$0xFC60];
	v14 =	vmul.f32 $2.262741660e+01, v14  }
0x2c7: {  	v8 =	vadd.f32 v8, v16;
	v16 =	vld [tilespmem:s14+$0xFC70];
	[tilespmem:s14+$0xF870] =	vst v9;
	v9 =	vmul.f32 $2.262741660e+01, v13  }
0x2c8: {  	[tilespmem:s14+$0xF860] =	vst v18;
	v13 =	vld [tilespmem:s14+$0xC60];
	v7 =	vadd.f32 v7, v14;
	v12 =	vmul.f32 $2.262741660e+01, v12  }
0x2c9: {  	[tilespmem:s14+$0xFC00] =	vst v8;
	v8 =	vmul.f32 $2.262741660e+01, v11;
	v6 =	vadd.f32 v6, v9;
	v9 =	vld [tilespmem:s14+$0xC70]  }
0x2ca: {  	[tilespmem:s14+$0xFC10] =	vst v7;
	v5 =	vadd.f32 v5, v12;
	v7 =	vmul.f32 $2.262741660e+01, v10  }
0x2cb: {  	s9 =	sor.u32 s7, s17;
	v4 =	vadd.f32 v4, v8;
	[tilespmem:s14+$0xFC20] =	vst v6;
	v6 =	vmul.f32 $2.262741660e+01, v15  }
0x2cc: {  	s15 =	sshrl.u32 s26, $0x5;
	s9 =	smul.u32 $0x3200, s9;
	[tilespmem:s14+$0xFC30] =	vst v5;
	v3 =	vadd.f32 v3, v7;
	v5 =	vmul.f32 $2.262741660e+01, v16  }
0x2cd: {  	s15 =	smul.u32 $0xA00, s15;
	[tilespmem:s14+$0xFC40] =	vst v4;
	v4 =	vadd.f32 v13, v6  }
0x2ce: {  	[tilespmem:s14+$0xFC50] =	vst v3;
	v3 =	vadd.f32 v9, v5  }
0x2cf: {  	s9 =	sadd.s32 s9, s15;
	[tilespmem:s14+$0xFC60] =	vst v4  }
0x2d0: {  	s30 =	simm.s32 $0xF000;
	s9 =	sadd.s32 s3, s9;
	[tilespmem:s14+$0xFC70] =	vst v3  }
0x2d1: {  	[hbm4b:s9+s4] =	stream.linear.scatter [tilespmem:s30], [sflag:$0x8], $0x5000, $0x38;
	[tilespmem:$0x1E280] =	vst v63  }
0x2d2: {  	_ =	swait.ge [sflag:s23], $0x5000  }
0x2d3: {  	[sflag:s23] =	ssyncset.done $0x0  }
0x2d4: {  	s9 =	simm.s32 @!p0 $0xB;
	[sflag:s23] =	ssyncadd.s32 $0xFFFFB000  }
0x2d5: {  	_ =	swait.ge @!p0 [sflag:s9], $0x28  }
0x2d6: {  	[sflag:s9] =	ssyncset.done @!p0 $0x0  }
0x2d7: {  	[sflag:s9] =	ssyncadd.s32 @!p0 $0xFFFFFFD8  }
0x2d8: {  	v3 =	vld @!p0 [tilespmem:$0x1E000];
	_ =	sdelay $0x4  }
0x2d9: {  	v4 =	vshll.u32 @!p0 v3, $0x2  }
0x2da: {  	v5 =	vlaneseq.u32 @!p0;
	v3 =	vand.u32 @!p0 $0x7, v3;
	v4 =	vand.u32 @!p0 $0xFFFFFFE0, v4  }
0x2db: {  	v6 =	vshrl.u32 @!p0 v5, $0x3;
	v3 =	vor.u32 @!p0 v3, v4;
	v4 =	vand.u32 @!p0 $0x7, v5  }
0x2dc: {  	v6 =	vmul.u32 @!p0 $0x8, v6;
	v7 =	vperm.xlane @!p0 v3, v4;
	_ =	sdelay $0x1  }
0x2dd: {  	v7 =	vadd.s32 @!p0 v6, v7  }
0x2de: {  	v5 =	vor.u32 @!p0 $0x8, v5  }
0x2df: {  	v3 =	vperm.xlane @!p0 v3, v5;
	_ =	sdelay $0x1  }
0x2e0: {  	vm1 =	vmmov @!p0 $0xffff;
	s14 =	simm.s32 @!p0 $0x5000;
	s9 =	simm.s32 @!p0 $0x0;
	v3 =	vadd.s32 @!p0 v6, v3  }
0x2e1: {  	[tilespmem:s14], [sflag:$0x1] =	stream.indirect_vreg.gather @!p0 [hbm4b:s2+s9], $0x80, v7, vm1, $0xb8;
	[tilespmem:$0x1E280] =	vst v63  }
0x2e2: {  	s14 =	simm.s32 @!p0 $0x5800  }
0x2e3: {  	[tilespmem:s14], [sflag:$0x1] =	stream.indirect_vreg.gather @!p0 [hbm4b:s13+s9], $0x80, v7, vm1, $0xb8;
	[tilespmem:$0x1E280] =	vst v63  }
0x2e4: {  	s14 =	simm.s32 @!p0 $0x6000  }
0x2e5: {  	[tilespmem:s14], [sflag:$0x1] =	stream.indirect_vreg.gather @!p0 [hbm4b:s2+s9], $0x80, v3, vm1, $0xb8;
	[tilespmem:$0x1E280] =	vst v63  }
0x2e6: {  	s14 =	simm.s32 @!p0 $0x6800  }
0x2e7: {  	[tilespmem:s14], [sflag:$0x1] =	stream.indirect_vreg.gather @!p0 [hbm4b:s13+s9], $0x80, v3, vm1, $0xb8;
	[tilespmem:$0x1E280] =	vst v63  }
0x2e8: {  	v3 =	vld @!p0 [tilespmem:$0x1E010];
	_ =	sdelay $0x4  }
0x2e9: {  	v7 =	vshll.u32 @!p0 v3, $0x2  }
0x2ea: {  	v3 =	vand.u32 @!p0 $0x7, v3;
	v7 =	vand.u32 @!p0 $0xFFFFFFE0, v7  }
0x2eb: {  	v3 =	vor.u32 @!p0 v3, v7  }
0x2ec: {  	v7 =	vperm.xlane @!p0 v3, v4;
	_ =	sdelay $0x1  }
0x2ed: {  	v7 =	vadd.s32 @!p0 v6, v7;
	_ =	sdelay $0x1  }
0x2ee: {  	v3 =	vperm.xlane @!p0 v3, v5;
	_ =	sdelay $0x1  }
0x2ef: {  	s14 =	simm.s32 @!p0 $0x7000;
	v3 =	vadd.s32 @!p0 v6, v3  }
0x2f0: {  	[tilespmem:s14], [sflag:$0x1] =	stream.indirect_vreg.gather @!p0 [hbm4b:s2+s9], $0x80, v7, vm1, $0xb8;
	[tilespmem:$0x1E280] =	vst v63  }
0x2f1: {  	s14 =	simm.s32 @!p0 $0x7800  }
0x2f2: {  	[tilespmem:s14], [sflag:$0x1] =	stream.indirect_vreg.gather @!p0 [hbm4b:s13+s9], $0x80, v7, vm1, $0xb8;
	[tilespmem:$0x1E280] =	vst v63  }
0x2f3: {  	s14 =	simm.s32 @!p0 $0x8000  }
0x2f4: {  	[tilespmem:s14], [sflag:$0x1] =	stream.indirect_vreg.gather @!p0 [hbm4b:s2+s9], $0x80, v3, vm1, $0xb8;
	[tilespmem:$0x1E280] =	vst v63  }
0x2f5: {  	s14 =	simm.s32 @!p0 $0x8800  }
0x2f6: {  	[tilespmem:s14], [sflag:$0x1] =	stream.indirect_vreg.gather @!p0 [hbm4b:s13+s9], $0x80, v3, vm1, $0xb8;
	[tilespmem:$0x1E280] =	vst v63  }
0x2f7: {  	v3 =	vld.msk @!p0 [tilespmem:$0x1E020], $0xff;
	_ =	sdelay $0x4  }
0x2f8: {  	v5 =	vshll.u32 @!p0 v3, $0x2  }
0x2f9: {  	v3 =	vand.u32 @!p0 $0x7, v3;
	v5 =	vand.u32 @!p0 $0xFFFFFFE0, v5  }
0x2fa: {  	v3 =	vor.u32 @!p0 v3, v5  }
0x2fb: {  	v3 =	vperm.xlane @!p0 v3, v4;
	_ =	sdelay $0x1  }
0x2fc: {  	v3 =	vadd.s32 @!p0 v6, v3;
	_ =	sdelay $0x3  }
0x2fd: {  	s14 =	simm.s32 @!p0 $0x9000  }
0x2fe: {  	[tilespmem:s14], [sflag:$0x1] =	stream.indirect_vreg.gather @!p0 [hbm4b:s2+s9], $0x80, v3, vm1, $0xb8;
	[tilespmem:$0x1E280] =	vst v63  }
0x2ff: {  	s14 =	simm.s32 @!p0 $0x9800  }
0x300: {  	[tilespmem:s14], [sflag:$0x1] =	stream.indirect_vreg.gather @!p0 [hbm4b:s13+s9], $0x80, v3, vm1, $0xb8;
	[tilespmem:$0x1E280] =	vst v63  }
0x301: {  	s14 =	rddreg [dreg:$0xa]  }
0x302: {  	s17 =	sand.u32 $0x1F, s25;
	s14 =	sadd.s32 @!p0 s28, s14  }
0x303: {  	p1 =	sne.s32 s17, $0x0;
	s14 =	smul.u32 @!p0 $0x5, s14  }
0x304: {  	s15 =	sshrl.u32 @!p1 s25, $0x5  }
0x305: {  	s16 =	simm.s32 @!p0 $0x1E080;
	s15 =	smul.u32 @!p1 $0xA00, s15;
	s14 =	sadd.s32 @!p0 s5, s14  }
0x306: {  	[tilespmem:s16], [sflag:$0xC] =	stream.linear.gather @!p0 [hbm4b:s14+s9], $0x28, $0x38;
	[tilespmem:$0x1E280] =	vst v63  }
0x307: {  	s9 =	sadd.s32 @!p1 s6, s15;
	s14 =	simm.s32 @!p1 $0x0  }
0x308: {  	[tilespmem:s14], [sflag:$0x10] =	stream.linear.gather @!p1 [hbm4b:s9+s14], $0x5000, $0x38;
	[tilespmem:$0x1E280] =	vst v63  }
0x309: {  	s9 =	simm.s32 @!p1 $0x10  }
0x30a: {  	_ =	swait.ge @!p1 [sflag:s9], $0x5000  }
0x30b: {  	[sflag:s9] =	ssyncset.done @!p1 $0x0  }
0x30c: {  	[sflag:s9] =	ssyncadd.s32 @!p1 $0xFFFFB000  }
0x30d: {  	s15 =	simm.s32 $0x0;
	_ =	swait.ge [sflag:s31], $0x5000  }
0x30e: {  	s16 =	sand.u32 $0x7000, s15;
	s26 =	sand.u32 $0x380, s15;
	[sflag:s31] =	ssyncset.done $0x0  }
0x30f: {  	s14 =	sor.u32 s26, s16;
	[sflag:s31] =	ssyncadd.s32 $0xFFFFB000  }
0x310: {  	v10 =	vld [tilespmem:s14+$0x0]  }
0x311: {  	v11 =	vld [tilespmem:s14+$0x10]  }
0x312: {  	v12 =	vld [tilespmem:s14+$0x20]  }
0x313: {  	v13 =	vld [tilespmem:s14+$0x30]  }
0x314: {  	v14 =	vld [tilespmem:s14+$0x40]  }
0x315: {  	v15 =	vld [tilespmem:s14+$0x50]  }
0x316: {  	v16 =	vld [tilespmem:s14+$0x60]  }
0x317: {  	v17 =	vld [tilespmem:s14+$0x70]  }
0x318: {  	v18 =	vld [tilespmem:s14+$0x400]  }
0x319: {  	v19 =	vld [tilespmem:s14+$0x410]  }
0x31a: {  	v20 =	vld [tilespmem:s14+$0x420]  }
0x31b: {  	v21 =	vld [tilespmem:s14+$0x430]  }
0x31c: {  	v22 =	vld [tilespmem:s14+$0x440]  }
0x31d: {  	v23 =	vld [tilespmem:s14+$0x450]  }
0x31e: {  	v24 =	vld [tilespmem:s14+$0x460]  }
0x31f: {  	v25 =	vld [tilespmem:s14+$0x470]  }
0x320: {  	v26 =	vld [tilespmem:s14+$0x800]  }
0x321: {  	v27 =	vld [tilespmem:s14+$0x810]  }
0x322: {  	v28 =	vld [tilespmem:s14+$0x820]  }
0x323: {  	v29 =	vld [tilespmem:s14+$0x830]  }
0x324: {  	v30 =	vld [tilespmem:s14+$0x840]  }
0x325: {  	v31 =	vld [tilespmem:s14+$0x850]  }
0x326: {  	v32 =	vld [tilespmem:s14+$0x860]  }
0x327: {  	v9 =	vld [tilespmem:s14+$0x870]  }
0x328: {  	v8 =	vld [tilespmem:s14+$0xC00]  }
0x329: {  	v7 =	vld [tilespmem:s14+$0xC10]  }
0x32a: {  	v6 =	vld [tilespmem:s14+$0xC20]  }
0x32b: {  	v5 =	vld [tilespmem:s14+$0xC30]  }
0x32c: {  	v4 =	vld [tilespmem:s14+$0xC40]  }
0x32d: {  	v3 =	vld [tilespmem:s14+$0xC50]  }
0x32e: {  	v33 =	vld [tilespmem:s14+$0x14000]  }
0x32f: {  	v34 =	vld [tilespmem:s14+$0x14010]  }
0x330: {  	v35 =	vld [tilespmem:s14+$0x14020]  }
0x331: {  	v36 =	vld [tilespmem:s14+$0x14030]  }
0x332: {  	v37 =	vld [tilespmem:s14+$0x14040]  }
0x333: {  	v38 =	vld [tilespmem:s14+$0x14050];
	v33 =	vmul.f32 $2.262741660e+01, v33  }
0x334: {  	v39 =	vld [tilespmem:s14+$0x14060];
	v34 =	vmul.f32 $2.262741660e+01, v34  }
0x335: {  	v59 =	vld [tilespmem:s14+$0x14070];
	v58 =	vmul.f32 $2.262741660e+01, v35;
	v10 =	vadd.f32 v10, v33  }
0x336: {  	v61 =	vld [tilespmem:s14+$0x14400];
	v60 =	vmul.f32 $2.262741660e+01, v36;
	v11 =	vadd.f32 v11, v34  }
0x337: {  	v62 =	vld [tilespmem:s14+$0x14410];
	[tilespmem:s14+$0x14000] =	vst v10;
	v10 =	vadd.f32 v12, v58;
	v12 =	vmul.f32 $2.262741660e+01, v37  }
0x338: {  	v63 =	vld [tilespmem:s14+$0x14420];
	[tilespmem:s14+$0x14010] =	vst v11;
	v11 =	vadd.f32 v13, v60;
	v13 =	vmul.f32 $2.262741660e+01, v38  }
0x339: {  	[tilespmem:s14+$0x14020] =	vst v10;
	v10 =	vadd.f32 v14, v12;
	v12 =	vmul.f32 $2.262741660e+01, v39;
	v14 =	vld [tilespmem:s14+$0x14430]  }
0x33a: {  	[tilespmem:s14+$0x14030] =	vst v11;
	v11 =	vadd.f32 v15, v13;
	v13 =	vmul.f32 $2.262741660e+01, v59;
	v15 =	vld [tilespmem:s14+$0x14440]  }
0x33b: {  	[tilespmem:s14+$0x14040] =	vst v10;
	v10 =	vadd.f32 v16, v12;
	v12 =	vmul.f32 $2.262741660e+01, v61;
	v16 =	vld [tilespmem:s14+$0x14450]  }
0x33c: {  	[tilespmem:s14+$0x14050] =	vst v11;
	v11 =	vadd.f32 v17, v13;
	v13 =	vmul.f32 $2.262741660e+01, v62;
	v17 =	vld [tilespmem:s14+$0x14460]  }
0x33d: {  	[tilespmem:s14+$0x14060] =	vst v10;
	v10 =	vadd.f32 v18, v12;
	v12 =	vmul.f32 $2.262741660e+01, v63;
	v18 =	vld [tilespmem:s14+$0x14470]  }
0x33e: {  	[tilespmem:s14+$0x14070] =	vst v11;
	v11 =	vadd.f32 v19, v13;
	v13 =	vmul.f32 $2.262741660e+01, v14;
	v14 =	vld [tilespmem:s14+$0x14800]  }
0x33f: {  	[tilespmem:s14+$0x14400] =	vst v10;
	v10 =	vadd.f32 v20, v12;
	v12 =	vmul.f32 $2.262741660e+01, v15;
	v15 =	vld [tilespmem:s14+$0x14810]  }
0x340: {  	[tilespmem:s14+$0x14410] =	vst v11;
	v11 =	vadd.f32 v21, v13;
	v13 =	vmul.f32 $2.262741660e+01, v16;
	v16 =	vld [tilespmem:s14+$0x14820]  }
0x341: {  	[tilespmem:s14+$0x14420] =	vst v10;
	v10 =	vadd.f32 v22, v12;
	v12 =	vmul.f32 $2.262741660e+01, v17;
	v17 =	vld [tilespmem:s14+$0x14830]  }
0x342: {  	[tilespmem:s14+$0x14430] =	vst v11;
	v11 =	vadd.f32 v23, v13;
	v13 =	vmul.f32 $2.262741660e+01, v18;
	v18 =	vld [tilespmem:s14+$0x14840]  }
0x343: {  	v19 =	vld [tilespmem:s14+$0x14850];
	[tilespmem:s14+$0x14440] =	vst v10;
	v10 =	vadd.f32 v24, v12;
	v12 =	vmul.f32 $2.262741660e+01, v14  }
0x344: {  	[tilespmem:s14+$0x14450] =	vst v11;
	v11 =	vadd.f32 v25, v13;
	v13 =	vmul.f32 $2.262741660e+01, v15;
	v15 =	vld [tilespmem:s14+$0x14860]  }
0x345: {  	[tilespmem:s14+$0x14460] =	vst v10;
	v10 =	vadd.f32 v26, v12;
	v12 =	vmul.f32 $2.262741660e+01, v16;
	v16 =	vld [tilespmem:s14+$0x14870]  }
0x346: {  	v20 =	vld [tilespmem:s14+$0x14C00];
	[tilespmem:s14+$0x14470] =	vst v11;
	v11 =	vadd.f32 v27, v13;
	v13 =	vmul.f32 $2.262741660e+01, v17  }
0x347: {  	v14 =	vld [tilespmem:s14+$0x14C10];
	[tilespmem:s14+$0x14800] =	vst v10;
	v10 =	vadd.f32 v28, v12;
	v12 =	vmul.f32 $2.262741660e+01, v18  }
0x348: {  	v17 =	vmul.f32 $2.262741660e+01, v19;
	[tilespmem:s14+$0x14810] =	vst v11;
	v11 =	vadd.f32 v29, v13;
	v13 =	vld [tilespmem:s14+$0x14C20]  }
0x349: {  	[tilespmem:s14+$0x14820] =	vst v10;
	v10 =	vadd.f32 v30, v12;
	v18 =	vmul.f32 $2.262741660e+01, v15;
	v12 =	vld [tilespmem:s14+$0x14C30]  }
0x34a: {  	v15 =	vadd.f32 v31, v17;
	[tilespmem:s14+$0x14830] =	vst v11;
	v11 =	vld [tilespmem:s14+$0x14C40];
	v17 =	vmul.f32 $2.262741660e+01, v16  }
0x34b: {  	s16 =	simm.s32 $0x200;
	v16 =	vmul.f32 $2.262741660e+01, v20;
	[tilespmem:s14+$0x14840] =	vst v10;
	v18 =	vadd.f32 v32, v18;
	v10 =	vld [tilespmem:s14+$0x14C50]  }
.LBB2_9:
0x34c: {  	p1 =	sne.s32 s16, $0x4E00;
	[tilespmem:s14+$0x14850] =	vst v15;
	v9 =	vadd.f32 v9, v17;
	v14 =	vmul.f32 $2.262741660e+01, v14;
	v15 =	vld [tilespmem:s14+$0x14C60]  }
0x34d: {  	s15 =	sadd.s32 $0x80, s15;
	[tilespmem:s14+$0x14860] =	vst v18;
	v8 =	vadd.f32 v8, v16;
	v13 =	vmul.f32 $2.262741660e+01, v13;
	v16 =	vld [tilespmem:s14+$0x14C70]  }
0x34e: {  	s9 =	sand.u32 $0x7000, s16;
	s26 =	sand.u32 $0x380, s15;
	[tilespmem:s14+$0x14870] =	vst v9;
	v7 =	vadd.f32 v7, v14;
	v9 =	vmul.f32 $2.262741660e+01, v12;
	v12 =	vld [tilespmem:s14+$0xC60]  }
0x34f: {  	s9 =	sor.u32 s26, s9;
	[tilespmem:s14+$0x14C00] =	vst v8;
	v6 =	vadd.f32 v6, v13;
	v8 =	vmul.f32 $2.262741660e+01, v11;
	v11 =	vld [tilespmem:s14+$0xC70]  }
0x350: {  	v17 =	vld [tilespmem:s9+$0x0];
	[tilespmem:s14+$0x14C10] =	vst v7;
	v5 =	vadd.f32 v5, v9;
	v7 =	vmul.f32 $2.262741660e+01, v10  }
0x351: {  	v18 =	vld [tilespmem:s9+$0x10];
	[tilespmem:s14+$0x14C20] =	vst v6;
	v4 =	vadd.f32 v4, v8;
	v6 =	vmul.f32 $2.262741660e+01, v15  }
0x352: {  	v15 =	vld [tilespmem:s9+$0x20];
	[tilespmem:s14+$0x14C30] =	vst v5;
	v3 =	vadd.f32 v3, v7;
	v5 =	vmul.f32 $2.262741660e+01, v16  }
0x353: {  	v16 =	vld [tilespmem:s9+$0x30];
	[tilespmem:s14+$0x14C40] =	vst v4;
	v4 =	vadd.f32 v12, v6  }
0x354: {  	v19 =	vld [tilespmem:s9+$0x40];
	[tilespmem:s14+$0x14C50] =	vst v3;
	v3 =	vadd.f32 v11, v5  }
0x355: {  	v20 =	vld [tilespmem:s9+$0x50];
	[tilespmem:s14+$0x14C60] =	vst v4  }
0x356: {  	v21 =	vld [tilespmem:s9+$0x60];
	[tilespmem:s14+$0x14C70] =	vst v3;
	s14 =	smov.u32 s9  }
0x357: {  	v22 =	vld [tilespmem:s14+$0x70]  }
0x358: {  	v23 =	vld [tilespmem:s14+$0x400]  }
0x359: {  	v24 =	vld [tilespmem:s14+$0x410]  }
0x35a: {  	v25 =	vld [tilespmem:s14+$0x420]  }
0x35b: {  	v26 =	vld [tilespmem:s14+$0x430]  }
0x35c: {  	v27 =	vld [tilespmem:s14+$0x440]  }
0x35d: {  	v28 =	vld [tilespmem:s14+$0x450]  }
0x35e: {  	v29 =	vld [tilespmem:s14+$0x460]  }
0x35f: {  	v30 =	vld [tilespmem:s14+$0x470]  }
0x360: {  	v31 =	vld [tilespmem:s14+$0x800]  }
0x361: {  	v32 =	vld [tilespmem:s14+$0x810]  }
0x362: {  	v14 =	vld [tilespmem:s14+$0x820]  }
0x363: {  	v13 =	vld [tilespmem:s14+$0x830]  }
0x364: {  	v12 =	vld [tilespmem:s14+$0x840]  }
0x365: {  	v11 =	vld [tilespmem:s14+$0x850]  }
0x366: {  	v10 =	vld [tilespmem:s14+$0x860]  }
0x367: {  	v9 =	vld [tilespmem:s14+$0x870]  }
0x368: {  	v8 =	vld [tilespmem:s14+$0xC00]  }
0x369: {  	v7 =	vld [tilespmem:s14+$0xC10]  }
0x36a: {  	v6 =	vld [tilespmem:s14+$0xC20]  }
0x36b: {  	v5 =	vld [tilespmem:s14+$0xC30]  }
0x36c: {  	v4 =	vld [tilespmem:s14+$0xC40]  }
0x36d: {  	v3 =	vld [tilespmem:s14+$0xC50]  }
0x36e: {  	v33 =	vld [tilespmem:s14+$0x14000]  }
0x36f: {  	v34 =	vld [tilespmem:s14+$0x14010]  }
0x370: {  	v35 =	vld [tilespmem:s14+$0x14020]  }
0x371: {  	v36 =	vld [tilespmem:s14+$0x14030]  }
0x372: {  	v37 =	vld [tilespmem:s14+$0x14040]  }
0x373: {  	v33 =	vmul.f32 $2.262741660e+01, v33;
	v38 =	vld [tilespmem:s14+$0x14050]  }
0x374: {  	v34 =	vmul.f32 $2.262741660e+01, v34;
	v39 =	vld [tilespmem:s14+$0x14060]  }
0x375: {  	v17 =	vadd.f32 v17, v33;
	v33 =	vmul.f32 $2.262741660e+01, v35;
	v35 =	vld [tilespmem:s14+$0x14070]  }
0x376: {  	v18 =	vadd.f32 v18, v34;
	v34 =	vmul.f32 $2.262741660e+01, v36;
	v36 =	vld [tilespmem:s14+$0x14400]  }
0x377: {  	[tilespmem:s14+$0x14000] =	vst v17;
	v15 =	vadd.f32 v15, v33;
	v17 =	vmul.f32 $2.262741660e+01, v37;
	v33 =	vld [tilespmem:s14+$0x14410]  }
0x378: {  	[tilespmem:s14+$0x14010] =	vst v18;
	v16 =	vadd.f32 v16, v34;
	v18 =	vmul.f32 $2.262741660e+01, v38;
	v34 =	vld [tilespmem:s14+$0x14420]  }
0x379: {  	[tilespmem:s14+$0x14020] =	vst v15;
	v15 =	vadd.f32 v19, v17;
	v17 =	vmul.f32 $2.262741660e+01, v39;
	v19 =	vld [tilespmem:s14+$0x14430]  }
0x37a: {  	[tilespmem:s14+$0x14030] =	vst v16;
	v16 =	vadd.f32 v20, v18;
	v18 =	vmul.f32 $2.262741660e+01, v35;
	v20 =	vld [tilespmem:s14+$0x14440]  }
0x37b: {  	[tilespmem:s14+$0x14040] =	vst v15;
	v15 =	vadd.f32 v21, v17;
	v17 =	vmul.f32 $2.262741660e+01, v36;
	v21 =	vld [tilespmem:s14+$0x14450]  }
0x37c: {  	[tilespmem:s14+$0x14050] =	vst v16;
	v16 =	vadd.f32 v22, v18;
	v18 =	vmul.f32 $2.262741660e+01, v33;
	v22 =	vld [tilespmem:s14+$0x14460]  }
0x37d: {  	[tilespmem:s14+$0x14060] =	vst v15;
	v15 =	vadd.f32 v23, v17;
	v17 =	vmul.f32 $2.262741660e+01, v34;
	v23 =	vld [tilespmem:s14+$0x14470]  }
0x37e: {  	[tilespmem:s14+$0x14070] =	vst v16;
	v16 =	vadd.f32 v24, v18;
	v18 =	vmul.f32 $2.262741660e+01, v19;
	v19 =	vld [tilespmem:s14+$0x14800]  }
0x37f: {  	[tilespmem:s14+$0x14400] =	vst v15;
	v15 =	vadd.f32 v25, v17;
	v17 =	vmul.f32 $2.262741660e+01, v20;
	v20 =	vld [tilespmem:s14+$0x14810]  }
0x380: {  	[tilespmem:s14+$0x14410] =	vst v16;
	v16 =	vadd.f32 v26, v18;
	v18 =	vmul.f32 $2.262741660e+01, v21;
	v21 =	vld [tilespmem:s14+$0x14820]  }
0x381: {  	[tilespmem:s14+$0x14420] =	vst v15;
	v15 =	vadd.f32 v27, v17;
	v17 =	vmul.f32 $2.262741660e+01, v22;
	v22 =	vld [tilespmem:s14+$0x14830]  }
0x382: {  	[tilespmem:s14+$0x14430] =	vst v16;
	v16 =	vadd.f32 v28, v18;
	v18 =	vmul.f32 $2.262741660e+01, v23;
	v23 =	vld [tilespmem:s14+$0x14840]  }
0x383: {  	[tilespmem:s14+$0x14440] =	vst v15;
	v15 =	vadd.f32 v29, v17;
	v17 =	vmul.f32 $2.262741660e+01, v19;
	v19 =	vld [tilespmem:s14+$0x14850]  }
0x384: {  	[tilespmem:s14+$0x14450] =	vst v16;
	v16 =	vadd.f32 v30, v18;
	v18 =	vmul.f32 $2.262741660e+01, v20;
	v20 =	vld [tilespmem:s14+$0x14860]  }
0x385: {  	[tilespmem:s14+$0x14460] =	vst v15;
	v15 =	vadd.f32 v31, v17;
	v17 =	vmul.f32 $2.262741660e+01, v21;
	v21 =	vld [tilespmem:s14+$0x14870]  }
0x386: {  	[tilespmem:s14+$0x14470] =	vst v16;
	v16 =	vadd.f32 v32, v18;
	v18 =	vmul.f32 $2.262741660e+01, v22;
	v22 =	vld [tilespmem:s14+$0x14C00]  }
.Ltmp5:
0x387: {  	[tilespmem:s14+$0x14800] =	vst v15;
	v15 =	vadd.f32 v14, v17;
	v17 =	vmul.f32 $2.262741660e+01, v23;
	v14 =	vld [tilespmem:s14+$0x14C10];
	(pc) =	sbr.rel @p1 .LBB2_9-.Ltmp5, $4  }
0x388: {  	[tilespmem:s14+$0x14810] =	vst v16;
	v16 =	vadd.f32 v13, v18;
	v18 =	vmul.f32 $2.262741660e+01, v19;
	v13 =	vld [tilespmem:s14+$0x14C20]  }
0x389: {  	[tilespmem:s14+$0x14820] =	vst v15;
	v19 =	vadd.f32 v12, v17;
	v20 =	vmul.f32 $2.262741660e+01, v20;
	v12 =	vld [tilespmem:s14+$0x14C30]  }
0x38a: {  	[tilespmem:s14+$0x14830] =	vst v16;
	v15 =	vadd.f32 v11, v18;
	v17 =	vmul.f32 $2.262741660e+01, v21;
	v11 =	vld [tilespmem:s14+$0x14C40]  }
0x38b: {  	s16 =	sadd.s32 $0x200, s16;
	[tilespmem:s14+$0x14840] =	vst v19;
	v18 =	vadd.f32 v10, v20;
	v16 =	vmul.f32 $2.262741660e+01, v22;
	v10 =	vld [tilespmem:s14+$0x14C50]  }
0x38c: {  	v9 =	vadd.f32 v9, v17  }
0x38d: {  	[tilespmem:s14+$0x14850] =	vst v15;
	v15 =	vld [tilespmem:s14+$0x14C60];
	v14 =	vmul.f32 $2.262741660e+01, v14  }
0x38e: {  	v8 =	vadd.f32 v8, v16;
	v16 =	vld [tilespmem:s14+$0x14C70];
	[tilespmem:s14+$0x14870] =	vst v9;
	v9 =	vmul.f32 $2.262741660e+01, v13  }
0x38f: {  	[tilespmem:s14+$0x14860] =	vst v18;
	v13 =	vld [tilespmem:s14+$0xC60];
	v7 =	vadd.f32 v7, v14;
	v12 =	vmul.f32 $2.262741660e+01, v12  }
0x390: {  	[tilespmem:s14+$0x14C00] =	vst v8;
	v8 =	vmul.f32 $2.262741660e+01, v11;
	v6 =	vadd.f32 v6, v9;
	v9 =	vld [tilespmem:s14+$0xC70]  }
0x391: {  	[tilespmem:s14+$0x14C10] =	vst v7;
	v5 =	vadd.f32 v5, v12;
	v7 =	vmul.f32 $2.262741660e+01, v10  }
0x392: {  	s9 =	sor.u32 s7, s17;
	v4 =	vadd.f32 v4, v8;
	[tilespmem:s14+$0x14C20] =	vst v6;
	v6 =	vmul.f32 $2.262741660e+01, v15  }
0x393: {  	s15 =	sshrl.u32 s25, $0x5;
	s9 =	smul.u32 $0x3200, s9;
	[tilespmem:s14+$0x14C30] =	vst v5;
	v3 =	vadd.f32 v3, v7;
	v5 =	vmul.f32 $2.262741660e+01, v16  }
0x394: {  	s15 =	smul.u32 $0xA00, s15;
	[tilespmem:s14+$0x14C40] =	vst v4;
	v4 =	vadd.f32 v13, v6  }
0x395: {  	[tilespmem:s14+$0x14C50] =	vst v3;
	v3 =	vadd.f32 v9, v5  }
0x396: {  	s9 =	sadd.s32 s15, s9;
	[tilespmem:s14+$0x14C60] =	vst v4  }
0x397: {  	s9 =	sadd.s32 s3, s9;
	[tilespmem:s14+$0x14C70] =	vst v3  }
0x398: {  	[hbm4b:s9+s4] =	stream.linear.scatter [tilespmem:s19], [sflag:$0x9], $0x5000, $0x38;
	[tilespmem:$0x1E280] =	vst v63  }
0x399: {  	_ =	swait.ge [sflag:s0], $0x5000  }
0x39a: {  	[sflag:s0] =	ssyncset.done $0x0  }
0x39b: {  	s9 =	simm.s32 @!p0 $0xC;
	[sflag:s0] =	ssyncadd.s32 $0xFFFFB000  }
0x39c: {  	_ =	swait.ge @!p0 [sflag:s9], $0x28  }
0x39d: {  	[sflag:s9] =	ssyncset.done @!p0 $0x0  }
0x39e: {  	[sflag:s9] =	ssyncadd.s32 @!p0 $0xFFFFFFD8  }
0x39f: {  	v3 =	vld @!p0 [tilespmem:$0x1E080];
	_ =	sdelay $0x4  }
0x3a0: {  	v4 =	vshll.u32 @!p0 v3, $0x2  }
0x3a1: {  	v5 =	vlaneseq.u32 @!p0;
	v3 =	vand.u32 @!p0 $0x7, v3;
	v4 =	vand.u32 @!p0 $0xFFFFFFE0, v4  }
0x3a2: {  	v6 =	vshrl.u32 @!p0 v5, $0x3;
	v3 =	vor.u32 @!p0 v3, v4;
	v4 =	vand.u32 @!p0 $0x7, v5  }
0x3a3: {  	v6 =	vmul.u32 @!p0 $0x8, v6;
	v7 =	vperm.xlane @!p0 v3, v4;
	_ =	sdelay $0x1  }
0x3a4: {  	v7 =	vadd.s32 @!p0 v6, v7  }
0x3a5: {  	v5 =	vor.u32 @!p0 $0x8, v5  }
0x3a6: {  	v3 =	vperm.xlane @!p0 v3, v5;
	_ =	sdelay $0x1  }
0x3a7: {  	s14 =	simm.s32 @!p0 $0xA000;
	s9 =	simm.s32 @!p0 $0x0;
	v3 =	vadd.s32 @!p0 v6, v3  }
0x3a8: {  	[tilespmem:s14], [sflag:$0x2] =	stream.indirect_vreg.gather @!p0 [hbm4b:s2+s9], $0x80, v7, vm1, $0xb8;
	[tilespmem:$0x1E280] =	vst v63  }
0x3a9: {  	s14 =	simm.s32 @!p0 $0xA800  }
0x3aa: {  	[tilespmem:s14], [sflag:$0x2] =	stream.indirect_vreg.gather @!p0 [hbm4b:s13+s9], $0x80, v7, vm1, $0xb8;
	[tilespmem:$0x1E280] =	vst v63  }
0x3ab: {  	s14 =	simm.s32 @!p0 $0xB000  }
0x3ac: {  	[tilespmem:s14], [sflag:$0x2] =	stream.indirect_vreg.gather @!p0 [hbm4b:s2+s9], $0x80, v3, vm1, $0xb8;
	[tilespmem:$0x1E280] =	vst v63  }
0x3ad: {  	s14 =	simm.s32 @!p0 $0xB800  }
0x3ae: {  	[tilespmem:s14], [sflag:$0x2] =	stream.indirect_vreg.gather @!p0 [hbm4b:s13+s9], $0x80, v3, vm1, $0xb8;
	[tilespmem:$0x1E280] =	vst v63  }
0x3af: {  	v3 =	vld @!p0 [tilespmem:$0x1E090];
	_ =	sdelay $0x4  }
0x3b0: {  	v7 =	vshll.u32 @!p0 v3, $0x2  }
0x3b1: {  	v3 =	vand.u32 @!p0 $0x7, v3;
	v7 =	vand.u32 @!p0 $0xFFFFFFE0, v7  }
0x3b2: {  	v3 =	vor.u32 @!p0 v3, v7  }
0x3b3: {  	v7 =	vperm.xlane @!p0 v3, v4;
	_ =	sdelay $0x1  }
0x3b4: {  	v7 =	vadd.s32 @!p0 v6, v7;
	_ =	sdelay $0x1  }
0x3b5: {  	v3 =	vperm.xlane @!p0 v3, v5;
	_ =	sdelay $0x1  }
0x3b6: {  	s14 =	simm.s32 @!p0 $0xC000;
	v3 =	vadd.s32 @!p0 v6, v3  }
0x3b7: {  	[tilespmem:s14], [sflag:$0x2] =	stream.indirect_vreg.gather @!p0 [hbm4b:s2+s9], $0x80, v7, vm1, $0xb8;
	[tilespmem:$0x1E280] =	vst v63  }
0x3b8: {  	s14 =	simm.s32 @!p0 $0xC800  }
0x3b9: {  	[tilespmem:s14], [sflag:$0x2] =	stream.indirect_vreg.gather @!p0 [hbm4b:s13+s9], $0x80, v7, vm1, $0xb8;
	[tilespmem:$0x1E280] =	vst v63  }
0x3ba: {  	s14 =	simm.s32 @!p0 $0xD000  }
0x3bb: {  	[tilespmem:s14], [sflag:$0x2] =	stream.indirect_vreg.gather @!p0 [hbm4b:s2+s9], $0x80, v3, vm1, $0xb8;
	[tilespmem:$0x1E280] =	vst v63  }
0x3bc: {  	s14 =	simm.s32 @!p0 $0xD800  }
0x3bd: {  	[tilespmem:s14], [sflag:$0x2] =	stream.indirect_vreg.gather @!p0 [hbm4b:s13+s9], $0x80, v3, vm1, $0xb8;
	[tilespmem:$0x1E280] =	vst v63  }
0x3be: {  	v3 =	vld.msk @!p0 [tilespmem:$0x1E0A0], $0xff;
	_ =	sdelay $0x4  }
0x3bf: {  	v5 =	vshll.u32 @!p0 v3, $0x2  }
0x3c0: {  	v3 =	vand.u32 @!p0 $0x7, v3;
	v5 =	vand.u32 @!p0 $0xFFFFFFE0, v5  }
0x3c1: {  	v3 =	vor.u32 @!p0 v3, v5  }
0x3c2: {  	v3 =	vperm.xlane @!p0 v3, v4;
	_ =	sdelay $0x1  }
0x3c3: {  	v3 =	vadd.s32 @!p0 v6, v3;
	_ =	sdelay $0x3  }
0x3c4: {  	s14 =	simm.s32 @!p0 $0xE000  }
0x3c5: {  	[tilespmem:s14], [sflag:$0x2] =	stream.indirect_vreg.gather @!p0 [hbm4b:s2+s9], $0x80, v3, vm1, $0xb8;
	[tilespmem:$0x1E280] =	vst v63  }
0x3c6: {  	s14 =	simm.s32 @!p0 $0xE800  }
0x3c7: {  	[tilespmem:s14], [sflag:$0x2] =	stream.indirect_vreg.gather @!p0 [hbm4b:s13+s9], $0x80, v3, vm1, $0xb8;
	[tilespmem:$0x1E280] =	vst v63  }
0x3c8: {  	s14 =	rddreg [dreg:$0xb]  }
0x3c9: {  	s17 =	sand.u32 $0x1F, s10;
	s14 =	sadd.s32 @!p0 s28, s14  }
0x3ca: {  	p1 =	sne.s32 s17, $0x0;
	s14 =	smul.u32 @!p0 $0x5, s14  }
0x3cb: {  	s15 =	sshrl.u32 @!p1 s10, $0x5  }
0x3cc: {  	s16 =	simm.s32 @!p0 $0x1E100;
	s15 =	smul.u32 @!p1 $0xA00, s15;
	s14 =	sadd.s32 @!p0 s5, s14  }
0x3cd: {  	[tilespmem:s16], [sflag:$0xD] =	stream.linear.gather @!p0 [hbm4b:s14+s9], $0x28, $0x38;
	[tilespmem:$0x1E280] =	vst v63  }
0x3ce: {  	s9 =	sadd.s32 @!p1 s6, s15;
	s14 =	simm.s32 @!p1 $0x0  }
0x3cf: {  	[tilespmem:s14], [sflag:$0x10] =	stream.linear.gather @!p1 [hbm4b:s9+s14], $0x5000, $0x38;
	[tilespmem:$0x1E280] =	vst v63  }
0x3d0: {  	s9 =	simm.s32 @!p1 $0x10  }
0x3d1: {  	_ =	swait.ge @!p1 [sflag:s9], $0x5000  }
0x3d2: {  	[sflag:s9] =	ssyncset.done @!p1 $0x0  }
0x3d3: {  	[sflag:s9] =	ssyncadd.s32 @!p1 $0xFFFFB000  }
0x3d4: {  	s15 =	simm.s32 $0x0;
	_ =	swait.ge [sflag:s1], $0x5000  }
0x3d5: {  	s25 =	sand.u32 $0x7000, s15;
	s26 =	sand.u32 $0x380, s15;
	[sflag:s1] =	ssyncset.done $0x0  }
0x3d6: {  	s14 =	sor.u32 s26, s25;
	[sflag:s1] =	ssyncadd.s32 $0xFFFFB000  }
0x3d7: {  	v10 =	vld [tilespmem:s14+$0x0]  }
0x3d8: {  	v11 =	vld [tilespmem:s14+$0x10]  }
0x3d9: {  	v12 =	vld [tilespmem:s14+$0x20]  }
0x3da: {  	v13 =	vld [tilespmem:s14+$0x30]  }
0x3db: {  	v14 =	vld [tilespmem:s14+$0x40]  }
0x3dc: {  	v15 =	vld [tilespmem:s14+$0x50]  }
0x3dd: {  	v16 =	vld [tilespmem:s14+$0x60]  }
0x3de: {  	v17 =	vld [tilespmem:s14+$0x70]  }
0x3df: {  	v18 =	vld [tilespmem:s14+$0x400]  }
0x3e0: {  	v19 =	vld [tilespmem:s14+$0x410]  }
0x3e1: {  	v20 =	vld [tilespmem:s14+$0x420]  }
0x3e2: {  	v21 =	vld [tilespmem:s14+$0x430]  }
0x3e3: {  	v22 =	vld [tilespmem:s14+$0x440]  }
0x3e4: {  	v23 =	vld [tilespmem:s14+$0x450]  }
0x3e5: {  	v24 =	vld [tilespmem:s14+$0x460]  }
0x3e6: {  	v25 =	vld [tilespmem:s14+$0x470]  }
0x3e7: {  	v26 =	vld [tilespmem:s14+$0x800]  }
0x3e8: {  	v27 =	vld [tilespmem:s14+$0x810]  }
0x3e9: {  	v28 =	vld [tilespmem:s14+$0x820]  }
0x3ea: {  	v29 =	vld [tilespmem:s14+$0x830]  }
0x3eb: {  	v30 =	vld [tilespmem:s14+$0x840]  }
0x3ec: {  	v31 =	vld [tilespmem:s14+$0x850]  }
0x3ed: {  	v32 =	vld [tilespmem:s14+$0x860]  }
0x3ee: {  	v9 =	vld [tilespmem:s14+$0x870]  }
0x3ef: {  	v8 =	vld [tilespmem:s14+$0xC00]  }
0x3f0: {  	v7 =	vld [tilespmem:s14+$0xC10]  }
0x3f1: {  	v6 =	vld [tilespmem:s14+$0xC20]  }
0x3f2: {  	v5 =	vld [tilespmem:s14+$0xC30]  }
0x3f3: {  	v4 =	vld [tilespmem:s14+$0xC40]  }
0x3f4: {  	v3 =	vld [tilespmem:s14+$0xC50]  }
0x3f5: {  	v33 =	vld [tilespmem:s14+$0x19000]  }
0x3f6: {  	v34 =	vld [tilespmem:s14+$0x19010]  }
0x3f7: {  	v35 =	vld [tilespmem:s14+$0x19020]  }
0x3f8: {  	v36 =	vld [tilespmem:s14+$0x19030]  }
0x3f9: {  	v37 =	vld [tilespmem:s14+$0x19040]  }
0x3fa: {  	v38 =	vld [tilespmem:s14+$0x19050];
	v33 =	vmul.f32 $2.262741660e+01, v33  }
0x3fb: {  	v39 =	vld [tilespmem:s14+$0x19060];
	v34 =	vmul.f32 $2.262741660e+01, v34  }
0x3fc: {  	v59 =	vld [tilespmem:s14+$0x19070];
	v58 =	vmul.f32 $2.262741660e+01, v35;
	v10 =	vadd.f32 v10, v33  }
0x3fd: {  	v61 =	vld [tilespmem:s14+$0x19400];
	v60 =	vmul.f32 $2.262741660e+01, v36;
	v11 =	vadd.f32 v11, v34  }
0x3fe: {  	v62 =	vld [tilespmem:s14+$0x19410];
	[tilespmem:s14+$0x19000] =	vst v10;
	v10 =	vadd.f32 v12, v58;
	v12 =	vmul.f32 $2.262741660e+01, v37  }
0x3ff: {  	v63 =	vld [tilespmem:s14+$0x19420];
	[tilespmem:s14+$0x19010] =	vst v11;
	v11 =	vadd.f32 v13, v60;
	v13 =	vmul.f32 $2.262741660e+01, v38  }
0x400: {  	[tilespmem:s14+$0x19020] =	vst v10;
	v10 =	vadd.f32 v14, v12;
	v12 =	vmul.f32 $2.262741660e+01, v39;
	v14 =	vld [tilespmem:s14+$0x19430]  }
0x401: {  	[tilespmem:s14+$0x19030] =	vst v11;
	v11 =	vadd.f32 v15, v13;
	v13 =	vmul.f32 $2.262741660e+01, v59;
	v15 =	vld [tilespmem:s14+$0x19440]  }
0x402: {  	[tilespmem:s14+$0x19040] =	vst v10;
	v10 =	vadd.f32 v16, v12;
	v12 =	vmul.f32 $2.262741660e+01, v61;
	v16 =	vld [tilespmem:s14+$0x19450]  }
0x403: {  	[tilespmem:s14+$0x19050] =	vst v11;
	v11 =	vadd.f32 v17, v13;
	v13 =	vmul.f32 $2.262741660e+01, v62;
	v17 =	vld [tilespmem:s14+$0x19460]  }
0x404: {  	[tilespmem:s14+$0x19060] =	vst v10;
	v10 =	vadd.f32 v18, v12;
	v12 =	vmul.f32 $2.262741660e+01, v63;
	v18 =	vld [tilespmem:s14+$0x19470]  }
0x405: {  	[tilespmem:s14+$0x19070] =	vst v11;
	v11 =	vadd.f32 v19, v13;
	v13 =	vmul.f32 $2.262741660e+01, v14;
	v14 =	vld [tilespmem:s14+$0x19800]  }
0x406: {  	[tilespmem:s14+$0x19400] =	vst v10;
	v10 =	vadd.f32 v20, v12;
	v12 =	vmul.f32 $2.262741660e+01, v15;
	v15 =	vld [tilespmem:s14+$0x19810]  }
0x407: {  	[tilespmem:s14+$0x19410] =	vst v11;
	v11 =	vadd.f32 v21, v13;
	v13 =	vmul.f32 $2.262741660e+01, v16;
	v16 =	vld [tilespmem:s14+$0x19820]  }
0x408: {  	[tilespmem:s14+$0x19420] =	vst v10;
	v10 =	vadd.f32 v22, v12;
	v12 =	vmul.f32 $2.262741660e+01, v17;
	v17 =	vld [tilespmem:s14+$0x19830]  }
0x409: {  	[tilespmem:s14+$0x19430] =	vst v11;
	v11 =	vadd.f32 v23, v13;
	v13 =	vmul.f32 $2.262741660e+01, v18;
	v18 =	vld [tilespmem:s14+$0x19840]  }
0x40a: {  	v19 =	vld [tilespmem:s14+$0x19850];
	[tilespmem:s14+$0x19440] =	vst v10;
	v10 =	vadd.f32 v24, v12;
	v12 =	vmul.f32 $2.262741660e+01, v14  }
0x40b: {  	[tilespmem:s14+$0x19450] =	vst v11;
	v11 =	vadd.f32 v25, v13;
	v13 =	vmul.f32 $2.262741660e+01, v15;
	v15 =	vld [tilespmem:s14+$0x19860]  }
0x40c: {  	[tilespmem:s14+$0x19460] =	vst v10;
	v10 =	vadd.f32 v26, v12;
	v12 =	vmul.f32 $2.262741660e+01, v16;
	v16 =	vld [tilespmem:s14+$0x19870]  }
0x40d: {  	v20 =	vld [tilespmem:s14+$0x19C00];
	[tilespmem:s14+$0x19470] =	vst v11;
	v11 =	vadd.f32 v27, v13;
	v13 =	vmul.f32 $2.262741660e+01, v17  }
0x40e: {  	v14 =	vld [tilespmem:s14+$0x19C10];
	[tilespmem:s14+$0x19800] =	vst v10;
	v10 =	vadd.f32 v28, v12;
	v12 =	vmul.f32 $2.262741660e+01, v18  }
0x40f: {  	v17 =	vmul.f32 $2.262741660e+01, v19;
	[tilespmem:s14+$0x19810] =	vst v11;
	v11 =	vadd.f32 v29, v13;
	v13 =	vld [tilespmem:s14+$0x19C20]  }
0x410: {  	[tilespmem:s14+$0x19820] =	vst v10;
	v10 =	vadd.f32 v30, v12;
	v18 =	vmul.f32 $2.262741660e+01, v15;
	v12 =	vld [tilespmem:s14+$0x19C30]  }
0x411: {  	v15 =	vadd.f32 v31, v17;
	[tilespmem:s14+$0x19830] =	vst v11;
	v11 =	vld [tilespmem:s14+$0x19C40];
	v17 =	vmul.f32 $2.262741660e+01, v16  }
0x412: {  	s16 =	simm.s32 $0x200;
	v16 =	vmul.f32 $2.262741660e+01, v20;
	[tilespmem:s14+$0x19840] =	vst v10;
	v18 =	vadd.f32 v32, v18;
	v10 =	vld [tilespmem:s14+$0x19C50]  }
.LBB2_11:
0x413: {  	p1 =	sne.s32 s16, $0x4E00;
	[tilespmem:s14+$0x19850] =	vst v15;
	v9 =	vadd.f32 v9, v17;
	v14 =	vmul.f32 $2.262741660e+01, v14;
	v15 =	vld [tilespmem:s14+$0x19C60]  }
0x414: {  	s15 =	sadd.s32 $0x80, s15;
	[tilespmem:s14+$0x19860] =	vst v18;
	v8 =	vadd.f32 v8, v16;
	v13 =	vmul.f32 $2.262741660e+01, v13;
	v16 =	vld [tilespmem:s14+$0x19C70]  }
0x415: {  	s9 =	sand.u32 $0x7000, s16;
	s25 =	sand.u32 $0x380, s15;
	[tilespmem:s14+$0x19870] =	vst v9;
	v7 =	vadd.f32 v7, v14;
	v9 =	vmul.f32 $2.262741660e+01, v12;
	v12 =	vld [tilespmem:s14+$0xC60]  }
0x416: {  	s9 =	sor.u32 s25, s9;
	[tilespmem:s14+$0x19C00] =	vst v8;
	v6 =	vadd.f32 v6, v13;
	v8 =	vmul.f32 $2.262741660e+01, v11;
	v11 =	vld [tilespmem:s14+$0xC70]  }
0x417: {  	v17 =	vld [tilespmem:s9+$0x0];
	[tilespmem:s14+$0x19C10] =	vst v7;
	v5 =	vadd.f32 v5, v9;
	v7 =	vmul.f32 $2.262741660e+01, v10  }
0x418: {  	v18 =	vld [tilespmem:s9+$0x10];
	[tilespmem:s14+$0x19C20] =	vst v6;
	v4 =	vadd.f32 v4, v8;
	v6 =	vmul.f32 $2.262741660e+01, v15  }
0x419: {  	v15 =	vld [tilespmem:s9+$0x20];
	[tilespmem:s14+$0x19C30] =	vst v5;
	v3 =	vadd.f32 v3, v7;
	v5 =	vmul.f32 $2.262741660e+01, v16  }
0x41a: {  	v16 =	vld [tilespmem:s9+$0x30];
	[tilespmem:s14+$0x19C40] =	vst v4;
	v4 =	vadd.f32 v12, v6  }
0x41b: {  	v19 =	vld [tilespmem:s9+$0x40];
	[tilespmem:s14+$0x19C50] =	vst v3;
	v3 =	vadd.f32 v11, v5  }
0x41c: {  	v20 =	vld [tilespmem:s9+$0x50];
	[tilespmem:s14+$0x19C60] =	vst v4  }
0x41d: {  	v21 =	vld [tilespmem:s9+$0x60];
	[tilespmem:s14+$0x19C70] =	vst v3;
	s14 =	smov.u32 s9  }
0x41e: {  	v22 =	vld [tilespmem:s14+$0x70]  }
0x41f: {  	v23 =	vld [tilespmem:s14+$0x400]  }
0x420: {  	v24 =	vld [tilespmem:s14+$0x410]  }
0x421: {  	v25 =	vld [tilespmem:s14+$0x420]  }
0x422: {  	v26 =	vld [tilespmem:s14+$0x430]  }
0x423: {  	v27 =	vld [tilespmem:s14+$0x440]  }
0x424: {  	v28 =	vld [tilespmem:s14+$0x450]  }
0x425: {  	v29 =	vld [tilespmem:s14+$0x460]  }
0x426: {  	v30 =	vld [tilespmem:s14+$0x470]  }
0x427: {  	v31 =	vld [tilespmem:s14+$0x800]  }
0x428: {  	v32 =	vld [tilespmem:s14+$0x810]  }
0x429: {  	v14 =	vld [tilespmem:s14+$0x820]  }
0x42a: {  	v13 =	vld [tilespmem:s14+$0x830]  }
0x42b: {  	v12 =	vld [tilespmem:s14+$0x840]  }
0x42c: {  	v11 =	vld [tilespmem:s14+$0x850]  }
0x42d: {  	v10 =	vld [tilespmem:s14+$0x860]  }
0x42e: {  	v9 =	vld [tilespmem:s14+$0x870]  }
0x42f: {  	v8 =	vld [tilespmem:s14+$0xC00]  }
0x430: {  	v7 =	vld [tilespmem:s14+$0xC10]  }
0x431: {  	v6 =	vld [tilespmem:s14+$0xC20]  }
0x432: {  	v5 =	vld [tilespmem:s14+$0xC30]  }
0x433: {  	v4 =	vld [tilespmem:s14+$0xC40]  }
0x434: {  	v3 =	vld [tilespmem:s14+$0xC50]  }
0x435: {  	v33 =	vld [tilespmem:s14+$0x19000]  }
0x436: {  	v34 =	vld [tilespmem:s14+$0x19010]  }
0x437: {  	v35 =	vld [tilespmem:s14+$0x19020]  }
0x438: {  	v36 =	vld [tilespmem:s14+$0x19030]  }
0x439: {  	v37 =	vld [tilespmem:s14+$0x19040]  }
0x43a: {  	v33 =	vmul.f32 $2.262741660e+01, v33;
	v38 =	vld [tilespmem:s14+$0x19050]  }
0x43b: {  	v34 =	vmul.f32 $2.262741660e+01, v34;
	v39 =	vld [tilespmem:s14+$0x19060]  }
0x43c: {  	v17 =	vadd.f32 v17, v33;
	v33 =	vmul.f32 $2.262741660e+01, v35;
	v35 =	vld [tilespmem:s14+$0x19070]  }
0x43d: {  	v18 =	vadd.f32 v18, v34;
	v34 =	vmul.f32 $2.262741660e+01, v36;
	v36 =	vld [tilespmem:s14+$0x19400]  }
0x43e: {  	[tilespmem:s14+$0x19000] =	vst v17;
	v15 =	vadd.f32 v15, v33;
	v17 =	vmul.f32 $2.262741660e+01, v37;
	v33 =	vld [tilespmem:s14+$0x19410]  }
0x43f: {  	[tilespmem:s14+$0x19010] =	vst v18;
	v16 =	vadd.f32 v16, v34;
	v18 =	vmul.f32 $2.262741660e+01, v38;
	v34 =	vld [tilespmem:s14+$0x19420]  }
0x440: {  	[tilespmem:s14+$0x19020] =	vst v15;
	v15 =	vadd.f32 v19, v17;
	v17 =	vmul.f32 $2.262741660e+01, v39;
	v19 =	vld [tilespmem:s14+$0x19430]  }
0x441: {  	[tilespmem:s14+$0x19030] =	vst v16;
	v16 =	vadd.f32 v20, v18;
	v18 =	vmul.f32 $2.262741660e+01, v35;
	v20 =	vld [tilespmem:s14+$0x19440]  }
0x442: {  	[tilespmem:s14+$0x19040] =	vst v15;
	v15 =	vadd.f32 v21, v17;
	v17 =	vmul.f32 $2.262741660e+01, v36;
	v21 =	vld [tilespmem:s14+$0x19450]  }
0x443: {  	[tilespmem:s14+$0x19050] =	vst v16;
	v16 =	vadd.f32 v22, v18;
	v18 =	vmul.f32 $2.262741660e+01, v33;
	v22 =	vld [tilespmem:s14+$0x19460]  }
0x444: {  	[tilespmem:s14+$0x19060] =	vst v15;
	v15 =	vadd.f32 v23, v17;
	v17 =	vmul.f32 $2.262741660e+01, v34;
	v23 =	vld [tilespmem:s14+$0x19470]  }
0x445: {  	[tilespmem:s14+$0x19070] =	vst v16;
	v16 =	vadd.f32 v24, v18;
	v18 =	vmul.f32 $2.262741660e+01, v19;
	v19 =	vld [tilespmem:s14+$0x19800]  }
0x446: {  	[tilespmem:s14+$0x19400] =	vst v15;
	v15 =	vadd.f32 v25, v17;
	v17 =	vmul.f32 $2.262741660e+01, v20;
	v20 =	vld [tilespmem:s14+$0x19810]  }
0x447: {  	[tilespmem:s14+$0x19410] =	vst v16;
	v16 =	vadd.f32 v26, v18;
	v18 =	vmul.f32 $2.262741660e+01, v21;
	v21 =	vld [tilespmem:s14+$0x19820]  }
0x448: {  	[tilespmem:s14+$0x19420] =	vst v15;
	v15 =	vadd.f32 v27, v17;
	v17 =	vmul.f32 $2.262741660e+01, v22;
	v22 =	vld [tilespmem:s14+$0x19830]  }
0x449: {  	[tilespmem:s14+$0x19430] =	vst v16;
	v16 =	vadd.f32 v28, v18;
	v18 =	vmul.f32 $2.262741660e+01, v23;
	v23 =	vld [tilespmem:s14+$0x19840]  }
0x44a: {  	[tilespmem:s14+$0x19440] =	vst v15;
	v15 =	vadd.f32 v29, v17;
	v17 =	vmul.f32 $2.262741660e+01, v19;
	v19 =	vld [tilespmem:s14+$0x19850]  }
0x44b: {  	[tilespmem:s14+$0x19450] =	vst v16;
	v16 =	vadd.f32 v30, v18;
	v18 =	vmul.f32 $2.262741660e+01, v20;
	v20 =	vld [tilespmem:s14+$0x19860]  }
0x44c: {  	[tilespmem:s14+$0x19460] =	vst v15;
	v15 =	vadd.f32 v31, v17;
	v17 =	vmul.f32 $2.262741660e+01, v21;
	v21 =	vld [tilespmem:s14+$0x19870]  }
0x44d: {  	[tilespmem:s14+$0x19470] =	vst v16;
	v16 =	vadd.f32 v32, v18;
	v18 =	vmul.f32 $2.262741660e+01, v22;
	v22 =	vld [tilespmem:s14+$0x19C00]  }
.Ltmp6:
0x44e: {  	[tilespmem:s14+$0x19800] =	vst v15;
	v15 =	vadd.f32 v14, v17;
	v17 =	vmul.f32 $2.262741660e+01, v23;
	v14 =	vld [tilespmem:s14+$0x19C10];
	(pc) =	sbr.rel @p1 .LBB2_11-.Ltmp6, $4  }
0x44f: {  	[tilespmem:s14+$0x19810] =	vst v16;
	v16 =	vadd.f32 v13, v18;
	v18 =	vmul.f32 $2.262741660e+01, v19;
	v13 =	vld [tilespmem:s14+$0x19C20]  }
0x450: {  	[tilespmem:s14+$0x19820] =	vst v15;
	v19 =	vadd.f32 v12, v17;
	v20 =	vmul.f32 $2.262741660e+01, v20;
	v12 =	vld [tilespmem:s14+$0x19C30]  }
0x451: {  	[tilespmem:s14+$0x19830] =	vst v16;
	v15 =	vadd.f32 v11, v18;
	v17 =	vmul.f32 $2.262741660e+01, v21;
	v11 =	vld [tilespmem:s14+$0x19C40]  }
0x452: {  	s16 =	sadd.s32 $0x200, s16;
	[tilespmem:s14+$0x19840] =	vst v19;
	v18 =	vadd.f32 v10, v20;
	v16 =	vmul.f32 $2.262741660e+01, v22;
	v10 =	vld [tilespmem:s14+$0x19C50]  }
0x453: {  	[tilespmem:s14+$0x19850] =	vst v15;
	v9 =	vadd.f32 v9, v17;
	v54 =	vld [tilespmem:s14+$0x19C60];
	v14 =	vmul.f32 $2.262741660e+01, v14  }
0x454: {  	v55 =	vld [tilespmem:s14+$0x19C70];
	[tilespmem:s14+$0x19860] =	vst v18;
	v8 =	vadd.f32 v8, v16;
	v56 =	vmul.f32 $2.262741660e+01, v13  }
0x455: {  	v57 =	vld [tilespmem:s14+$0xC60];
	[tilespmem:s14+$0x19870] =	vst v9;
	v7 =	vadd.f32 v7, v14;
	v12 =	vmul.f32 $2.262741660e+01, v12  }
0x456: {  	v59 =	vld [tilespmem:s14+$0xC70];
	[tilespmem:s14+$0x19C00] =	vst v8;
	v6 =	vadd.f32 v6, v56;
	v58 =	vmul.f32 $2.262741660e+01, v11  }
0x457: {  	[tilespmem:s14+$0x19C10] =	vst v7;
	v5 =	vadd.f32 v5, v12;
	v60 =	vmul.f32 $2.262741660e+01, v10  }
0x458: {  	s9 =	sor.u32 s7, s17;
	[tilespmem:s14+$0x19C20] =	vst v6;
	v4 =	vadd.f32 v4, v58;
	v61 =	vmul.f32 $2.262741660e+01, v54  }
0x459: {  	s10 =	sshrl.u32 s10, $0x5;
	s9 =	smul.u32 $0x3200, s9;
	v62 =	vmul.f32 $2.262741660e+01, v55;
	[tilespmem:s14+$0x19C30] =	vst v5;
	v3 =	vadd.f32 v3, v60  }
0x45a: {  	s10 =	smul.u32 $0xA00, s10;
	[tilespmem:s14+$0x19C40] =	vst v4;
	v63 =	vadd.f32 v57, v61  }
0x45b: {  	[tilespmem:s14+$0x19C50] =	vst v3;
	v3 =	vadd.f32 v59, v62  }
0x45c: {  	s9 =	sadd.s32 s10, s9;
	[tilespmem:s14+$0x19C60] =	vst v63  }
.Ltmp7:
0x45d: {  	s9 =	sadd.s32 s3, s9;
	[tilespmem:s14+$0x19C70] =	vst v3;
	(pc) =	sbr.rel @p0 .LBB2_14-.Ltmp7, $4  }
0x45e: {  	[hbm4b:s9+s4] =	stream.linear.scatter [tilespmem:s24], [sflag:$0xA], $0x5000, $0x38;
	[tilespmem:$0x1E280] =	vst v63  }
0x45f: {  	_ =	swait.ge [sflag:s20], $0x5000  }
0x460: {  	[sflag:s20] =	ssyncset.done $0x0  }
0x461: {  	[sflag:s20] =	ssyncadd.s32 $0xFFFFB000  }
0x462: {  	_ =	swait.ge [sflag:s29], $0x28  }
0x463: {  	[sflag:s29] =	ssyncset.done $0x0  }
0x464: {  	[sflag:s29] =	ssyncadd.s32 $0xFFFFFFD8  }
0x465: {  	v3 =	vld [tilespmem:$0x1E100];
	_ =	sdelay $0x4  }
0x466: {  	v4 =	vshll.u32 v3, $0x2  }
0x467: {  	v3 =	vand.u32 $0x7, v3;
	v4 =	vand.u32 $0xFFFFFFE0, v4  }
0x468: {  	v3 =	vor.u32 v3, v4  }
0x469: {  	v4 =	vperm.xlane v3, v0;
	_ =	sdelay $0x1  }
0x46a: {  	v4 =	vadd.s32 v1, v4;
	_ =	sdelay $0x1  }
0x46b: {  	v3 =	vperm.xlane v3, v2;
	_ =	sdelay $0x1  }
0x46c: {  	v3 =	vadd.s32 v1, v3  }
0x46d: {  	[tilespmem:s30], [sflag:$0x3] =	stream.indirect_vreg.gather [hbm4b:s2+s4], $0x80, v4, vm0, $0xb8;
	[tilespmem:$0x1E280] =	vst v63  }
0x46e: {  	s9 =	simm.s32 $0xF800  }
0x46f: {  	[tilespmem:s9], [sflag:$0x3] =	stream.indirect_vreg.gather [hbm4b:s13+s4], $0x80, v4, vm0, $0xb8;
	[tilespmem:$0x1E280] =	vst v63  }
0x470: {  	s30 =	simm.s32 $0x10000  }
0x471: {  	[tilespmem:s30], [sflag:$0x3] =	stream.indirect_vreg.gather [hbm4b:s2+s4], $0x80, v3, vm0, $0xb8;
	[tilespmem:$0x1E280] =	vst v63  }
0x472: {  	s10 =	simm.s32 $0x10800  }
0x473: {  	[tilespmem:s10], [sflag:$0x3] =	stream.indirect_vreg.gather [hbm4b:s13+s4], $0x80, v3, vm0, $0xb8;
	[tilespmem:$0x1E280] =	vst v63  }
0x474: {  	v3 =	vld [tilespmem:$0x1E110];
	_ =	sdelay $0x4  }
0x475: {  	v62 =	vshll.u32 v3, $0x2  }
0x476: {  	v3 =	vand.u32 $0x7, v3;
	v4 =	vand.u32 $0xFFFFFFE0, v62  }
0x477: {  	v3 =	vor.u32 v3, v4  }
0x478: {  	v4 =	vperm.xlane v3, v0;
	_ =	sdelay $0x1  }
0x479: {  	v4 =	vadd.s32 v1, v4;
	_ =	sdelay $0x1  }
0x47a: {  	v3 =	vperm.xlane v3, v2;
	_ =	sdelay $0x1  }
0x47b: {  	s14 =	simm.s32 $0x11000;
	v3 =	vadd.s32 v1, v3  }
0x47c: {  	[tilespmem:s14], [sflag:$0x3] =	stream.indirect_vreg.gather [hbm4b:s2+s4], $0x80, v4, vm0, $0xb8;
	[tilespmem:$0x1E280] =	vst v63  }
0x47d: {  	s15 =	simm.s32 $0x11800  }
0x47e: {  	[tilespmem:s15], [sflag:$0x3] =	stream.indirect_vreg.gather [hbm4b:s13+s4], $0x80, v4, vm0, $0xb8;
	[tilespmem:$0x1E280] =	vst v63  }
0x47f: {  	s16 =	simm.s32 $0x12000  }
0x480: {  	[tilespmem:s16], [sflag:$0x3] =	stream.indirect_vreg.gather [hbm4b:s2+s4], $0x80, v3, vm0, $0xb8;
	[tilespmem:$0x1E280] =	vst v63  }
0x481: {  	s17 =	simm.s32 $0x12800  }
0x482: {  	[tilespmem:s17], [sflag:$0x3] =	stream.indirect_vreg.gather [hbm4b:s13+s4], $0x80, v3, vm0, $0xb8;
	[tilespmem:$0x1E280] =	vst v63  }
0x483: {  	v3 =	vld.msk [tilespmem:$0x1E120], $0xff;
	_ =	sdelay $0x4  }
0x484: {  	v63 =	vshll.u32 v3, $0x2  }
0x485: {  	v3 =	vand.u32 $0x7, v3;
	v4 =	vand.u32 $0xFFFFFFE0, v63  }
0x486: {  	v3 =	vor.u32 v3, v4  }
0x487: {  	v3 =	vperm.xlane v3, v0;
	_ =	sdelay $0x1  }
0x488: {  	v3 =	vadd.s32 v1, v3;
	_ =	sdelay $0x3  }
0x489: {  	s25 =	simm.s32 $0x13000;
	s26 =	rddreg [dreg:$0xc]  }
0x48a: {  	[tilespmem:s25], [sflag:$0x3] =	stream.indirect_vreg.gather [hbm4b:s2+s4], $0x80, v3, vm0, $0xb8;
	[tilespmem:$0x1E280] =	vst v63  }
.Ltmp8:
0x48b: {  	s9 =	sadd.s32 s28, s26;
	(pc) =	sbr.rel .LBB2_2-.Ltmp8, $4  }
0x48c: {  	s9 =	smul.u32 $0x5, s9;
	s10 =	simm.s32 $0x13800  }
0x48d: {  	[tilespmem:s10], [sflag:$0x3] =	stream.indirect_vreg.gather [hbm4b:s13+s4], $0x80, v3, vm0, $0xb8;
	[tilespmem:$0x1E280] =	vst v63  }
0x48e: {  	s21 =	sadd.s32 $0x1, s21;
	s30 =	simm.s32 $0x1E180;
	s9 =	sadd.s32 s5, s9  }
0x48f: {  	[tilespmem:s30], [sflag:$0xE] =	stream.linear.gather [hbm4b:s9+s4], $0x28, $0x38;
	[tilespmem:$0x1E280] =	vst v63  }
.LBB2_15:
0x490: {  	_ =	sfence.sel $0x180000  }
0x491: {  	[bflag:$0x0] =	sbarrier.arrive $0xFFFF  }
0x492: {  	_ =	strace $0x90000047  }
0x493: {  	s0 =	stileid.u32;
	[bflag:$0x2] =	sbarrier.arrive $0xFFFF  }
0x494: {  	p0 =	sne.s32 s0, $0x0;
	s0 =	rddreg [dreg:$0x3]  }
0x495: {  	s0 =	sadd.s32 @!p0 $0x100000, s0  }
0x496: {  	[sflag:s0] =	ssyncadd.tile.s32 @!p0 $0x1;
	_ =	shalt  }
.Lfunc_end2:
_tile_overlayer_lowered:
.L_overlay_start_2:
0x497: {  	(tag) =	ssettag $0x2  }
0x498: {  	s0 =	rddreg [dreg:$0x0];
	s2 =	stileid.u32  }
0x499: {  	s1 =	rddreg [dreg:$0x1];
	p0 =	sne.s32 s2, $0x0  }
0x49a: {  	s3 =	rddreg [dreg:$0x2];
	[bflag:$0x3] =	sbarrier.arrive $0xFFFF;
	s2 =	simm.s32 @!p0 $0x1C10  }
0x49b: {  	[timem:s3], [sflag:s2] =	dma.local @!p0 [hbm:s0], s1  }
0x49c: {  	s0 =	simm.s32 @!p0 $0x10  }
0x49d: {  	_ =	swait.ge @!p0 [sflag:s0], s1  }
0x49e: {  	s1 =	ssub.s32 @!p0 $0x0, s1;
	[sflag:s0] =	ssyncset.done @!p0 $0x0  }
0x49f: {  	[sflag:s0] =	ssyncadd.s32 @!p0 s1  }
0x4a0: {  	[bflag:$0x3] =	sbarrier.arrive $0xFFFF  }
0x4a1: {  	_ =	shalt  }

</sc_bundles>
